<compile_context>
chip_gen: v7x
topology: tpu7x:2x2x1
jax: 0.10.2.dev20260603
libtpu: 0.0.44.dev20260713+nightly
codegen_flags: <defaults>
</compile_context>

<pallas_src>
import jax
import jax.numpy as jnp
from jax import lax
from jax.experimental import pallas as pl
from jax.experimental.pallas import tpu as pltpu
from jax.experimental.pallas import tpu_sc as plsc

NUM_CLASS = 100000
CTX_DIM = 512
TOK_LEN = 77
MAX_LENGTH = 77
N_PREFIX = 4
N_DYN = MAX_LENGTH - N_PREFIX
WIN = 80
BATCH = 1024
NUM_WORKERS = 32
PER_W = BATCH // NUM_WORKERS
ROWS_PER_STEP = 64


def _tc_token_gather(labels, class_tokens):

    def body(labels_ref, *refs):
        out_ref = refs[-1]
        sub = lax.broadcasted_iota(jnp.int32, (8, TOK_LEN), 0)
        for j in range(ROWS_PER_STEP):
            lab = labels_ref[pl.program_id(0) * ROWS_PER_STEP + j]
            r = lab % 8
            row = jnp.sum(jnp.where(sub == r, refs[j][...], 0),
                          axis=0, keepdims=True)
            out_ref[pl.ds(j, 1), :] = row

    def in_map(j):
        return lambda i, lr: (lr[ROWS_PER_STEP * i + j] // 8, 0)

    tokens = pl.pallas_call(
        body,
        grid_spec=pltpu.PrefetchScalarGridSpec(
            num_scalar_prefetch=1,
            grid=(BATCH // ROWS_PER_STEP,),
            in_specs=[pl.BlockSpec((8, TOK_LEN), in_map(j))
                      for j in range(ROWS_PER_STEP)],
            out_specs=pl.BlockSpec((ROWS_PER_STEP, TOK_LEN),
                                   lambda i, lr: (i, 0)),
        ),
        out_shape=jax.ShapeDtypeStruct((BATCH, TOK_LEN), jnp.int32),
    )(labels, *([class_tokens] * ROWS_PER_STEP))
    return tokens.reshape(-1)


def _sc_body(tok1d_hbm, table_hbm, prefix_hbm, out_hbm,
             tokf_v, bufg0, bufg1, pbuf, gsem0, gsem1, ssem):
    wid = lax.axis_index("s") * 2 + lax.axis_index("c")
    base = wid * PER_W

    pltpu.sync_copy(tok1d_hbm.at[pl.ds(base * TOK_LEN, PER_W * TOK_LEN)],
                    tokf_v)
    pltpu.sync_copy(prefix_hbm.at[0], pbuf)

    bufs = (bufg0, bufg1)
    gsems = (gsem0, gsem1)

    def gather(i, b):
        start = TOK_LEN * i
        a = pl.multiple_of((start >> 3) << 3, 8)
        dd = start - a
        idx = tokf_v.at[pl.ds(a, WIN)]
        h = pltpu.async_copy(table_hbm.at[idx], bufs[b], gsems[b])
        return h, dd

    def store(i, b, dd):
        pltpu.sync_copy(pbuf, out_hbm.at[base + i, pl.ds(0, N_PREFIX)])
        return pltpu.async_copy(bufs[b].at[pl.ds(dd, N_DYN)],
                                out_hbm.at[base + i, pl.ds(N_PREFIX, N_DYN)],
                                ssem)

    def body(p, carry):
        i0 = 2 * p
        h0, dd0 = gather(i0, 0)
        h1, dd1 = gather(i0 + 1, 1)
        h0.wait()
        s0 = store(i0, 0, dd0)
        h1.wait()
        s1 = store(i0 + 1, 1, dd1)
        s0.wait()
        s1.wait()
        return carry

    lax.fori_loop(0, PER_W // 2, body, 0)


def kernel(labels, token_embedding_table, token_prefix, token_suffix,
           class_tokens):
    del token_suffix
    tok1d = _tc_token_gather(labels, class_tokens)

    mesh = plsc.VectorSubcoreMesh(core_axis_name="c", subcore_axis_name="s")
    kfn = pl.kernel(
        _sc_body,
        mesh=mesh,
        compiler_params=pltpu.CompilerParams(use_tc_tiling_on_sc=False),
        out_type=jax.ShapeDtypeStruct((BATCH, MAX_LENGTH, CTX_DIM),
                                      jnp.float32),
        scratch_types=[
            pltpu.VMEM((PER_W * TOK_LEN,), jnp.int32),
            pltpu.VMEM((WIN, CTX_DIM), jnp.float32),
            pltpu.VMEM((WIN, CTX_DIM), jnp.float32),
            pltpu.VMEM((N_PREFIX, CTX_DIM), jnp.float32),
            pltpu.SemaphoreType.DMA,
            pltpu.SemaphoreType.DMA,
            pltpu.SemaphoreType.DMA,
        ],
    )
    return kfn(tok1d, token_embedding_table, token_prefix)

# --- scband reference (transcript-rebuilt; emitter-appended) ---
"""Pipeline reference for scband-prompt-learner-71193377898984 (READ-ONLY COPY).

The authoritative reference and input builder live on the scoring server;
editing this copy changes nothing except your own understanding.
"""

import jax, jax.numpy as jnp
import numpy as np

NUM_CLASS = 100000
VOCAB = 49408
CTX_DIM = 512
TOK_LEN = 77
N_CTX = 3
N_CLS_CTX = 6
BATCH = 1024
MAX_LENGTH = 77


def setup_inputs(seed: int = 0) -> dict:
    key = jax.random.key(seed)
    k1, k2, k3, k4, k5 = jax.random.split(key, 5)
    # forward arg
    labels = jax.random.randint(k1, (BATCH,), 0, NUM_CLASS, dtype=jnp.int32)
    # learned / frozen parameters and buffers
    # CLIP-style token embedding table (frozen in the original, computed under no_grad)
    token_embedding_table = jax.random.normal(k2, (VOCAB, CTX_DIM), dtype=jnp.float32) * 0.02
    # Precomputed per-class tokenized dynamic context strings
    # (stands in for clip.tokenize(f"{color} X {type} X {camera_id} X") per vehicle id;
    #  each tokenization yields a length-77 padded token sequence)
    class_tokens = jax.random.randint(k3, (NUM_CLASS, TOK_LEN), 0, VOCAB, dtype=jnp.int32)
    # Buffers sliced from the embedded template prompt:
    # token_prefix = embedding[:, :n_ctx+1, :]        -> [1, 4, 512]
    # token_suffix = embedding[:, 8:11, :]            -> [1, 3, 512]
    token_prefix = jax.random.normal(k4, (1, N_CTX + 1, CTX_DIM), dtype=jnp.float32) * 0.02
    token_suffix = jax.random.normal(k5, (1, N_CTX - 1 + 2, CTX_DIM), dtype=jnp.float32) * 0.02
    return {
        "labels": labels,
        "token_embedding_table": token_embedding_table,
        "token_prefix": token_prefix,
        "token_suffix": token_suffix,
        "class_tokens": class_tokens,
    }


def reference(labels, token_embedding_table, token_prefix, token_suffix, class_tokens):
    labels = jnp.clip(labels, 0, NUM_CLASS - 1)
    batch_size = labels.shape[0]
    # per-label dynamic context: gather tokenized context then embedding lookup
    tokens = jnp.take(class_tokens, labels, axis=0)                 # [B, 77]
    dynamic_contexts = jnp.take(token_embedding_table, tokens, axis=0)  # [B, 77, 512]
    prefix = jnp.broadcast_to(token_prefix, (batch_size,) + token_prefix.shape[1:])
    suffix = jnp.broadcast_to(token_suffix, (batch_size,) + token_suffix.shape[1:])
    prompts = jnp.concatenate([prefix, dynamic_contexts, suffix], axis=1)  # [B, 84, 512]
    # trim to max_length=77 (original trims when prompts.size(1) > 77)
    if prompts.shape[1] > MAX_LENGTH:
        prompts = prompts[:, :MAX_LENGTH, :]
    pad_length = MAX_LENGTH - prompts.shape[1]
    if pad_length > 0:
        padding = jnp.zeros((batch_size, pad_length, prompts.shape[2]), dtype=prompts.dtype)
        prompts = jnp.concatenate([prompts, padding], axis=1)
    return prompts


if False:  # reference __main__ guard neutralized (emitter)
    out = reference(**setup_inputs())
    print(out.shape, out.dtype)

if __name__ == "__main__":
    import jax
    _d = setup_inputs()
    print(jax.jit(kernel)(*tuple(_d.values())))

</pallas_src>

<mosaic_0001>
#map = affine_map<(d0, d1) -> (0)>
#map1 = affine_map<(d0, d1) -> (0, 0)>
#map2 = affine_map<(d0, d1) -> (0, 0, 0)>
module attributes {stable_mosaic.version = 14 : i64} {
  func.func @_sc_body(%arg0: i32, %arg1: i32, %arg2: memref<78848xi32, #tpu.memory_space<hbm>>, %arg3: memref<49408x512xf32, #tpu.memory_space<hbm>>, %arg4: memref<1x4x512xf32, #tpu.memory_space<hbm>>, %arg5: memref<1024x77x512xf32, #tpu.memory_space<hbm>>, %arg6: memref<2464xi32, #tpu.memory_space<vmem>>, %arg7: memref<80x512xf32, #tpu.memory_space<vmem>>, %arg8: memref<80x512xf32, #tpu.memory_space<vmem>>, %arg9: memref<4x512xf32, #tpu.memory_space<vmem>>, %arg10: memref<!tpu.dma_semaphore, #tpu.memory_space<semaphore_mem>>, %arg11: memref<!tpu.dma_semaphore, #tpu.memory_space<semaphore_mem>>, %arg12: memref<!tpu.dma_semaphore, #tpu.memory_space<semaphore_mem>>) attributes {dimension_semantics = [#tpu.dimension_semantics<core_parallel>, #tpu.dimension_semantics<subcore_parallel>], iteration_bounds = array<i64: 2, 16>, scalar_prefetch = 0 : i64, scratch_operands = 7 : i64, tpu.core_type = #tpu.core_type<sc_vector_subcore>, window_params = [{transform_indices = #map}, {transform_indices = #map1}, {transform_indices = #map2}, {transform_indices = #map2}]} {
    %mul3A = arith.constant 2 : i32
    %mul3A_0 = arith.muli %arg1, %mul3A : i32
    %add3A = arith.addi %mul3A_0, %arg0 : i32
    %mul3A_1 = arith.constant 32 : i32
    %mul3A_2 = arith.muli %add3A, %mul3A_1 : i32
    %mul3A_3 = arith.constant 77 : i32
    %mul3A_4 = arith.muli %mul3A_2, %mul3A_3 : i32
    "tpu.region"() ({
      %run_scoped3A_10 = tpu.sem_alloc : memref<!tpu.dma_semaphore, #tpu.memory_space<semaphore_mem>>
      %dma_start3A = tpu.memref_slice %arg2[%mul3A_4] : memref<78848xi32, #tpu.memory_space<hbm>> -> memref<2464xi32, #tpu.memory_space<hbm>>
      %dma_start3A_11 = tpu.memref_slice %arg2[%mul3A_4] : memref<78848xi32, #tpu.memory_space<hbm>> -> memref<2464xi32, #tpu.memory_space<hbm>>
      tpu.enqueue_dma source(%dma_start3A_11 : memref<2464xi32, #tpu.memory_space<hbm>>) target(%arg6 : memref<2464xi32, #tpu.memory_space<vmem>>) target_semaphore(%run_scoped3A_10 : memref<!tpu.dma_semaphore, #tpu.memory_space<semaphore_mem>>)
      %dma_wait3A = tpu.memref_slice %arg2[%mul3A_4] : memref<78848xi32, #tpu.memory_space<hbm>> -> memref<2464xi32, #tpu.memory_space<hbm>>
      %dma_wait3A_12 = tpu.memref_slice %arg2[%mul3A_4] : memref<78848xi32, #tpu.memory_space<hbm>> -> memref<2464xi32, #tpu.memory_space<hbm>>
      tpu.wait_dma2 semaphore(%run_scoped3A_10 : memref<!tpu.dma_semaphore, #tpu.memory_space<semaphore_mem>>) src(%dma_wait3A_12 : memref<2464xi32, #tpu.memory_space<hbm>>) dst(%arg6 : memref<2464xi32, #tpu.memory_space<vmem>>)
      tpu.yield
    }) : () -> ()
    %run_scoped3A = arith.constant 0 : i32
    "tpu.region"() ({
      %run_scoped3A_10 = tpu.sem_alloc : memref<!tpu.dma_semaphore, #tpu.memory_space<semaphore_mem>>
      %dma_start3A = arith.constant 0 : i32
      %dma_start3A_11 = arith.constant 0 : i32
      %dma_start3A_12 = tpu.memref_slice %arg4[%run_scoped3A, %dma_start3A, %dma_start3A_11] : memref<1x4x512xf32, #tpu.memory_space<hbm>> -> memref<1x4x512xf32, #tpu.memory_space<hbm>>
      %dma_start3A_13 = tpu.memref_squeeze %dma_start3A_12 : memref<1x4x512xf32, #tpu.memory_space<hbm>> -> memref<4x512xf32, #tpu.memory_space<hbm>>
      %dma_start3A_14 = arith.constant 0 : i32
      %dma_start3A_15 = arith.constant 0 : i32
      %dma_start3A_16 = tpu.memref_slice %arg4[%run_scoped3A, %dma_start3A_14, %dma_start3A_15] : memref<1x4x512xf32, #tpu.memory_space<hbm>> -> memref<1x4x512xf32, #tpu.memory_space<hbm>>
      %dma_start3A_17 = tpu.memref_squeeze %dma_start3A_16 : memref<1x4x512xf32, #tpu.memory_space<hbm>> -> memref<4x512xf32, #tpu.memory_space<hbm>>
      tpu.enqueue_dma source(%dma_start3A_17 : memref<4x512xf32, #tpu.memory_space<hbm>>) target(%arg9 : memref<4x512xf32, #tpu.memory_space<vmem>>) target_semaphore(%run_scoped3A_10 : memref<!tpu.dma_semaphore, #tpu.memory_space<semaphore_mem>>)
      %dma_wait3A = arith.constant 0 : i32
      %dma_wait3A_18 = arith.constant 0 : i32
      %dma_wait3A_19 = tpu.memref_slice %arg4[%run_scoped3A, %dma_wait3A, %dma_wait3A_18] : memref<1x4x512xf32, #tpu.memory_space<hbm>> -> memref<1x4x512xf32, #tpu.memory_space<hbm>>
      %dma_wait3A_20 = tpu.memref_squeeze %dma_wait3A_19 : memref<1x4x512xf32, #tpu.memory_space<hbm>> -> memref<4x512xf32, #tpu.memory_space<hbm>>
      %dma_wait3A_21 = arith.constant 0 : i32
      %dma_wait3A_22 = arith.constant 0 : i32
      %dma_wait3A_23 = tpu.memref_slice %arg4[%run_scoped3A, %dma_wait3A_21, %dma_wait3A_22] : memref<1x4x512xf32, #tpu.memory_space<hbm>> -> memref<1x4x512xf32, #tpu.memory_space<hbm>>
      %dma_wait3A_24 = tpu.memref_squeeze %dma_wait3A_23 : memref<1x4x512xf32, #tpu.memory_space<hbm>> -> memref<4x512xf32, #tpu.memory_space<hbm>>
      tpu.wait_dma2 semaphore(%run_scoped3A_10 : memref<!tpu.dma_semaphore, #tpu.memory_space<semaphore_mem>>) src(%dma_wait3A_24 : memref<4x512xf32, #tpu.memory_space<hbm>>) dst(%arg9 : memref<4x512xf32, #tpu.memory_space<vmem>>)
      tpu.yield
    }) : () -> ()
    %scan3A = arith.constant 0 : i32
    %scan3A_5 = arith.constant 0 : i32
    %scan3A_6 = arith.constant 16 : i32
    %scan3A_7 = arith.addi %scan3A_5, %scan3A_6 : i32
    %scan3A_8 = arith.constant 1 : i32
    scf.for %scan3A_10 = %scan3A_5 to %scan3A_7 step %scan3A_8  : i32 {
      %mul3A_11 = arith.constant 2 : i32
      %mul3A_12 = arith.muli %mul3A_11, %scan3A_10 : i32
      %mul3A_13 = arith.constant 77 : i32
      %mul3A_14 = arith.muli %mul3A_13, %mul3A_12 : i32
      %shift_right_arithmetic3A = arith.constant 3 : i32
      %shift_right_arithmetic3A_15 = arith.shrsi %mul3A_14, %shift_right_arithmetic3A : i32
      %shift_left3A = arith.constant 3 : i32
      %shift_left3A_16 = arith.shli %shift_right_arithmetic3A_15, %shift_left3A : i32
      %multiple_of3A = tpu.assume_multiple %shift_left3A_16, 8 : i32
      %sub3A = arith.subi %mul3A_14, %multiple_of3A : i32
      %dma_start3A = tpu.memref_slice %arg6[%multiple_of3A] : memref<2464xi32, #tpu.memory_space<vmem>> -> memref<80xi32, #tpu.memory_space<vmem>>
      %dma_start3A_17 = arith.constant 0 : i32
      %dma_start3A_18 = arith.constant 0 : i32
      %dma_start3A_19 = tpu.memref_slice %arg3[%dma_start3A_17, %dma_start3A_18] : memref<49408x512xf32, #tpu.memory_space<hbm>> -> memref<49408x512xf32, #tpu.memory_space<hbm>>
      tpu.enqueue_indirect_dma source(%dma_start3A_19 : memref<49408x512xf32, #tpu.memory_space<hbm>>) target(%arg7 : memref<80x512xf32, #tpu.memory_space<vmem>>) offsets(%dma_start3A : memref<80xi32, #tpu.memory_space<vmem>>) semaphore(%arg10 : memref<!tpu.dma_semaphore, #tpu.memory_space<semaphore_mem>>)
      %add3A_20 = arith.constant 1 : i32
      %add3A_21 = arith.addi %mul3A_12, %add3A_20 : i32
      %mul3A_22 = arith.constant 77 : i32
      %mul3A_23 = arith.muli %mul3A_22, %add3A_21 : i32
      %shift_right_arithmetic3A_24 = arith.constant 3 : i32
      %shift_right_arithmetic3A_25 = arith.shrsi %mul3A_23, %shift_right_arithmetic3A_24 : i32
      %shift_left3A_26 = arith.constant 3 : i32
      %shift_left3A_27 = arith.shli %shift_right_arithmetic3A_25, %shift_left3A_26 : i32
      %multiple_of3A_28 = tpu.assume_multiple %shift_left3A_27, 8 : i32
      %sub3A_29 = arith.subi %mul3A_23, %multiple_of3A_28 : i32
      %dma_start3A_30 = tpu.memref_slice %arg6[%multiple_of3A_28] : memref<2464xi32, #tpu.memory_space<vmem>> -> memref<80xi32, #tpu.memory_space<vmem>>
      %dma_start3A_31 = arith.constant 0 : i32
      %dma_start3A_32 = arith.constant 0 : i32
      %dma_start3A_33 = tpu.memref_slice %arg3[%dma_start3A_31, %dma_start3A_32] : memref<49408x512xf32, #tpu.memory_space<hbm>> -> memref<49408x512xf32, #tpu.memory_space<hbm>>
      tpu.enqueue_indirect_dma source(%dma_start3A_33 : memref<49408x512xf32, #tpu.memory_space<hbm>>) target(%arg8 : memref<80x512xf32, #tpu.memory_space<vmem>>) offsets(%dma_start3A_30 : memref<80xi32, #tpu.memory_space<vmem>>) semaphore(%arg11 : memref<!tpu.dma_semaphore, #tpu.memory_space<semaphore_mem>>)
      %dma_wait3A = tpu.memref_slice %arg6[%multiple_of3A] : memref<2464xi32, #tpu.memory_space<vmem>> -> memref<80xi32, #tpu.memory_space<vmem>>
      %dma_wait3A_34 = arith.constant 0 : i32
      %dma_wait3A_35 = arith.constant 0 : i32
      %dma_wait3A_36 = tpu.memref_slice %arg3[%dma_wait3A_34, %dma_wait3A_35] : memref<49408x512xf32, #tpu.memory_space<hbm>> -> memref<49408x512xf32, #tpu.memory_space<hbm>>
      tpu.wait_indirect_dma semaphore(%arg10 : memref<!tpu.dma_semaphore, #tpu.memory_space<semaphore_mem>>) src(%dma_wait3A_36 : memref<49408x512xf32, #tpu.memory_space<hbm>>) dst(%arg7 : memref<80x512xf32, #tpu.memory_space<vmem>>)
      %add3A_37 = arith.addi %mul3A_2, %mul3A_12 : i32
      "tpu.region"() ({
        %run_scoped3A_95 = tpu.sem_alloc : memref<!tpu.dma_semaphore, #tpu.memory_space<semaphore_mem>>
        %dma_start3A_96 = arith.constant 0 : i32
        %dma_start3A_97 = arith.constant 0 : i32
        %dma_start3A_98 = tpu.memref_slice %arg5[%add3A_37, %dma_start3A_96, %dma_start3A_97] : memref<1024x77x512xf32, #tpu.memory_space<hbm>> -> memref<1x4x512xf32, #tpu.memory_space<hbm>>
        %dma_start3A_99 = tpu.memref_squeeze %dma_start3A_98 : memref<1x4x512xf32, #tpu.memory_space<hbm>> -> memref<4x512xf32, #tpu.memory_space<hbm>>
        %dma_start3A_100 = arith.constant 0 : i32
        %dma_start3A_101 = arith.constant 0 : i32
        %dma_start3A_102 = tpu.memref_slice %arg5[%add3A_37, %dma_start3A_100, %dma_start3A_101] : memref<1024x77x512xf32, #tpu.memory_space<hbm>> -> memref<1x4x512xf32, #tpu.memory_space<hbm>>
        %dma_start3A_103 = tpu.memref_squeeze %dma_start3A_102 : memref<1x4x512xf32, #tpu.memory_space<hbm>> -> memref<4x512xf32, #tpu.memory_space<hbm>>
        tpu.enqueue_dma source(%arg9 : memref<4x512xf32, #tpu.memory_space<vmem>>) target(%dma_start3A_103 : memref<4x512xf32, #tpu.memory_space<hbm>>) target_semaphore(%run_scoped3A_95 : memref<!tpu.dma_semaphore, #tpu.memory_space<semaphore_mem>>)
        %dma_wait3A_104 = arith.constant 0 : i32
        %dma_wait3A_105 = arith.constant 0 : i32
        %dma_wait3A_106 = tpu.memref_slice %arg5[%add3A_37, %dma_wait3A_104, %dma_wait3A_105] : memref<1024x77x512xf32, #tpu.memory_space<hbm>> -> memref<1x4x512xf32, #tpu.memory_space<hbm>>
        %dma_wait3A_107 = tpu.memref_squeeze %dma_wait3A_106 : memref<1x4x512xf32, #tpu.memory_space<hbm>> -> memref<4x512xf32, #tpu.memory_space<hbm>>
        %dma_wait3A_108 = arith.constant 0 : i32
        %dma_wait3A_109 = arith.constant 0 : i32
        %dma_wait3A_110 = tpu.memref_slice %arg5[%add3A_37, %dma_wait3A_108, %dma_wait3A_109] : memref<1024x77x512xf32, #tpu.memory_space<hbm>> -> memref<1x4x512xf32, #tpu.memory_space<hbm>>
        %dma_wait3A_111 = tpu.memref_squeeze %dma_wait3A_110 : memref<1x4x512xf32, #tpu.memory_space<hbm>> -> memref<4x512xf32, #tpu.memory_space<hbm>>
        tpu.wait_dma2 semaphore(%run_scoped3A_95 : memref<!tpu.dma_semaphore, #tpu.memory_space<semaphore_mem>>) src(%arg9 : memref<4x512xf32, #tpu.memory_space<vmem>>) dst(%dma_wait3A_111 : memref<4x512xf32, #tpu.memory_space<hbm>>)
        tpu.yield
      }) : () -> ()
      %add3A_38 = arith.addi %mul3A_2, %mul3A_12 : i32
      %dma_start3A_39 = arith.constant 0 : i32
      %dma_start3A_40 = tpu.memref_slice %arg7[%sub3A, %dma_start3A_39] : memref<80x512xf32, #tpu.memory_space<vmem>> -> memref<73x512xf32, #tpu.memory_space<vmem>>
      %dma_start3A_41 = arith.constant 4 : i32
      %dma_start3A_42 = arith.constant 0 : i32
      %dma_start3A_43 = tpu.memref_slice %arg5[%add3A_38, %dma_start3A_41, %dma_start3A_42] : memref<1024x77x512xf32, #tpu.memory_space<hbm>> -> memref<1x73x512xf32, #tpu.memory_space<hbm>>
      %dma_start3A_44 = tpu.memref_squeeze %dma_start3A_43 : memref<1x73x512xf32, #tpu.memory_space<hbm>> -> memref<73x512xf32, #tpu.memory_space<hbm>>
      %dma_start3A_45 = arith.constant 4 : i32
      %dma_start3A_46 = arith.constant 0 : i32
      %dma_start3A_47 = tpu.memref_slice %arg5[%add3A_38, %dma_start3A_45, %dma_start3A_46] : memref<1024x77x512xf32, #tpu.memory_space<hbm>> -> memref<1x73x512xf32, #tpu.memory_space<hbm>>
      %dma_start3A_48 = tpu.memref_squeeze %dma_start3A_47 : memref<1x73x512xf32, #tpu.memory_space<hbm>> -> memref<73x512xf32, #tpu.memory_space<hbm>>
      %dma_start3A_49 = arith.constant 0 : i32
      %dma_start3A_50 = tpu.memref_slice %arg7[%sub3A, %dma_start3A_49] : memref<80x512xf32, #tpu.memory_space<vmem>> -> memref<73x512xf32, #tpu.memory_space<vmem>>
      tpu.enqueue_dma source(%dma_start3A_50 : memref<73x512xf32, #tpu.memory_space<vmem>>) target(%dma_start3A_48 : memref<73x512xf32, #tpu.memory_space<hbm>>) target_semaphore(%arg12 : memref<!tpu.dma_semaphore, #tpu.memory_space<semaphore_mem>>)
      %dma_wait3A_51 = tpu.memref_slice %arg6[%multiple_of3A_28] : memref<2464xi32, #tpu.memory_space<vmem>> -> memref<80xi32, #tpu.memory_space<vmem>>
      %dma_wait3A_52 = arith.constant 0 : i32
      %dma_wait3A_53 = arith.constant 0 : i32
      %dma_wait3A_54 = tpu.memref_slice %arg3[%dma_wait3A_52, %dma_wait3A_53] : memref<49408x512xf32, #tpu.memory_space<hbm>> -> memref<49408x512xf32, #tpu.memory_space<hbm>>
      tpu.wait_indirect_dma semaphore(%arg11 : memref<!tpu.dma_semaphore, #tpu.memory_space<semaphore_mem>>) src(%dma_wait3A_54 : memref<49408x512xf32, #tpu.memory_space<hbm>>) dst(%arg8 : memref<80x512xf32, #tpu.memory_space<vmem>>)
      %add3A_55 = arith.constant 1 : i32
      %add3A_56 = arith.addi %mul3A_12, %add3A_55 : i32
      %add3A_57 = arith.addi %mul3A_2, %add3A_56 : i32
      "tpu.region"() ({
        %run_scoped3A_95 = tpu.sem_alloc : memref<!tpu.dma_semaphore, #tpu.memory_space<semaphore_mem>>
        %dma_start3A_96 = arith.constant 0 : i32
        %dma_start3A_97 = arith.constant 0 : i32
        %dma_start3A_98 = tpu.memref_slice %arg5[%add3A_57, %dma_start3A_96, %dma_start3A_97] : memref<1024x77x512xf32, #tpu.memory_space<hbm>> -> memref<1x4x512xf32, #tpu.memory_space<hbm>>
        %dma_start3A_99 = tpu.memref_squeeze %dma_start3A_98 : memref<1x4x512xf32, #tpu.memory_space<hbm>> -> memref<4x512xf32, #tpu.memory_space<hbm>>
        %dma_start3A_100 = arith.constant 0 : i32
        %dma_start3A_101 = arith.constant 0 : i32
        %dma_start3A_102 = tpu.memref_slice %arg5[%add3A_57, %dma_start3A_100, %dma_start3A_101] : memref<1024x77x512xf32, #tpu.memory_space<hbm>> -> memref<1x4x512xf32, #tpu.memory_space<hbm>>
        %dma_start3A_103 = tpu.memref_squeeze %dma_start3A_102 : memref<1x4x512xf32, #tpu.memory_space<hbm>> -> memref<4x512xf32, #tpu.memory_space<hbm>>
        tpu.enqueue_dma source(%arg9 : memref<4x512xf32, #tpu.memory_space<vmem>>) target(%dma_start3A_103 : memref<4x512xf32, #tpu.memory_space<hbm>>) target_semaphore(%run_scoped3A_95 : memref<!tpu.dma_semaphore, #tpu.memory_space<semaphore_mem>>)
        %dma_wait3A_104 = arith.constant 0 : i32
        %dma_wait3A_105 = arith.constant 0 : i32
        %dma_wait3A_106 = tpu.memref_slice %arg5[%add3A_57, %dma_wait3A_104, %dma_wait3A_105] : memref<1024x77x512xf32, #tpu.memory_space<hbm>> -> memref<1x4x512xf32, #tpu.memory_space<hbm>>
        %dma_wait3A_107 = tpu.memref_squeeze %dma_wait3A_106 : memref<1x4x512xf32, #tpu.memory_space<hbm>> -> memref<4x512xf32, #tpu.memory_space<hbm>>
        %dma_wait3A_108 = arith.constant 0 : i32
        %dma_wait3A_109 = arith.constant 0 : i32
        %dma_wait3A_110 = tpu.memref_slice %arg5[%add3A_57, %dma_wait3A_108, %dma_wait3A_109] : memref<1024x77x512xf32, #tpu.memory_space<hbm>> -> memref<1x4x512xf32, #tpu.memory_space<hbm>>
        %dma_wait3A_111 = tpu.memref_squeeze %dma_wait3A_110 : memref<1x4x512xf32, #tpu.memory_space<hbm>> -> memref<4x512xf32, #tpu.memory_space<hbm>>
        tpu.wait_dma2 semaphore(%run_scoped3A_95 : memref<!tpu.dma_semaphore, #tpu.memory_space<semaphore_mem>>) src(%arg9 : memref<4x512xf32, #tpu.memory_space<vmem>>) dst(%dma_wait3A_111 : memref<4x512xf32, #tpu.memory_space<hbm>>)
        tpu.yield
      }) : () -> ()
      %add3A_58 = arith.addi %mul3A_2, %add3A_56 : i32
      %dma_start3A_59 = arith.constant 0 : i32
      %dma_start3A_60 = tpu.memref_slice %arg8[%sub3A_29, %dma_start3A_59] : memref<80x512xf32, #tpu.memory_space<vmem>> -> memref<73x512xf32, #tpu.memory_space<vmem>>
      %dma_start3A_61 = arith.constant 4 : i32
      %dma_start3A_62 = arith.constant 0 : i32
      %dma_start3A_63 = tpu.memref_slice %arg5[%add3A_58, %dma_start3A_61, %dma_start3A_62] : memref<1024x77x512xf32, #tpu.memory_space<hbm>> -> memref<1x73x512xf32, #tpu.memory_space<hbm>>
      %dma_start3A_64 = tpu.memref_squeeze %dma_start3A_63 : memref<1x73x512xf32, #tpu.memory_space<hbm>> -> memref<73x512xf32, #tpu.memory_space<hbm>>
      %dma_start3A_65 = arith.constant 4 : i32
      %dma_start3A_66 = arith.constant 0 : i32
      %dma_start3A_67 = tpu.memref_slice %arg5[%add3A_58, %dma_start3A_65, %dma_start3A_66] : memref<1024x77x512xf32, #tpu.memory_space<hbm>> -> memref<1x73x512xf32, #tpu.memory_space<hbm>>
      %dma_start3A_68 = tpu.memref_squeeze %dma_start3A_67 : memref<1x73x512xf32, #tpu.memory_space<hbm>> -> memref<73x512xf32, #tpu.memory_space<hbm>>
      %dma_start3A_69 = arith.constant 0 : i32
      %dma_start3A_70 = tpu.memref_slice %arg8[%sub3A_29, %dma_start3A_69] : memref<80x512xf32, #tpu.memory_space<vmem>> -> memref<73x512xf32, #tpu.memory_space<vmem>>
      tpu.enqueue_dma source(%dma_start3A_70 : memref<73x512xf32, #tpu.memory_space<vmem>>) target(%dma_start3A_68 : memref<73x512xf32, #tpu.memory_space<hbm>>) target_semaphore(%arg12 : memref<!tpu.dma_semaphore, #tpu.memory_space<semaphore_mem>>)
      %dma_wait3A_71 = arith.constant 0 : i32
      %dma_wait3A_72 = tpu.memref_slice %arg7[%sub3A, %dma_wait3A_71] : memref<80x512xf32, #tpu.memory_space<vmem>> -> memref<73x512xf32, #tpu.memory_space<vmem>>
      %dma_wait3A_73 = arith.constant 4 : i32
      %dma_wait3A_74 = arith.constant 0 : i32
      %dma_wait3A_75 = tpu.memref_slice %arg5[%add3A_38, %dma_wait3A_73, %dma_wait3A_74] : memref<1024x77x512xf32, #tpu.memory_space<hbm>> -> memref<1x73x512xf32, #tpu.memory_space<hbm>>
      %dma_wait3A_76 = tpu.memref_squeeze %dma_wait3A_75 : memref<1x73x512xf32, #tpu.memory_space<hbm>> -> memref<73x512xf32, #tpu.memory_space<hbm>>
      %dma_wait3A_77 = arith.constant 4 : i32
      %dma_wait3A_78 = arith.constant 0 : i32
      %dma_wait3A_79 = tpu.memref_slice %arg5[%add3A_38, %dma_wait3A_77, %dma_wait3A_78] : memref<1024x77x512xf32, #tpu.memory_space<hbm>> -> memref<1x73x512xf32, #tpu.memory_space<hbm>>
      %dma_wait3A_80 = tpu.memref_squeeze %dma_wait3A_79 : memref<1x73x512xf32, #tpu.memory_space<hbm>> -> memref<73x512xf32, #tpu.memory_space<hbm>>
      %dma_wait3A_81 = arith.constant 0 : i32
      %dma_wait3A_82 = tpu.memref_slice %arg7[%sub3A, %dma_wait3A_81] : memref<80x512xf32, #tpu.memory_space<vmem>> -> memref<73x512xf32, #tpu.memory_space<vmem>>
      tpu.wait_dma2 semaphore(%arg12 : memref<!tpu.dma_semaphore, #tpu.memory_space<semaphore_mem>>) src(%dma_wait3A_82 : memref<73x512xf32, #tpu.memory_space<vmem>>) dst(%dma_wait3A_80 : memref<73x512xf32, #tpu.memory_space<hbm>>)
      %dma_wait3A_83 = arith.constant 0 : i32
      %dma_wait3A_84 = tpu.memref_slice %arg8[%sub3A_29, %dma_wait3A_83] : memref<80x512xf32, #tpu.memory_space<vmem>> -> memref<73x512xf32, #tpu.memory_space<vmem>>
      %dma_wait3A_85 = arith.constant 4 : i32
      %dma_wait3A_86 = arith.constant 0 : i32
      %dma_wait3A_87 = tpu.memref_slice %arg5[%add3A_58, %dma_wait3A_85, %dma_wait3A_86] : memref<1024x77x512xf32, #tpu.memory_space<hbm>> -> memref<1x73x512xf32, #tpu.memory_space<hbm>>
      %dma_wait3A_88 = tpu.memref_squeeze %dma_wait3A_87 : memref<1x73x512xf32, #tpu.memory_space<hbm>> -> memref<73x512xf32, #tpu.memory_space<hbm>>
      %dma_wait3A_89 = arith.constant 4 : i32
      %dma_wait3A_90 = arith.constant 0 : i32
      %dma_wait3A_91 = tpu.memref_slice %arg5[%add3A_58, %dma_wait3A_89, %dma_wait3A_90] : memref<1024x77x512xf32, #tpu.memory_space<hbm>> -> memref<1x73x512xf32, #tpu.memory_space<hbm>>
      %dma_wait3A_92 = tpu.memref_squeeze %dma_wait3A_91 : memref<1x73x512xf32, #tpu.memory_space<hbm>> -> memref<73x512xf32, #tpu.memory_space<hbm>>
      %dma_wait3A_93 = arith.constant 0 : i32
      %dma_wait3A_94 = tpu.memref_slice %arg8[%sub3A_29, %dma_wait3A_93] : memref<80x512xf32, #tpu.memory_space<vmem>> -> memref<73x512xf32, #tpu.memory_space<vmem>>
      tpu.wait_dma2 semaphore(%arg12 : memref<!tpu.dma_semaphore, #tpu.memory_space<semaphore_mem>>) src(%dma_wait3A_94 : memref<73x512xf32, #tpu.memory_space<vmem>>) dst(%dma_wait3A_92 : memref<73x512xf32, #tpu.memory_space<hbm>>)
    }
    %scan3A_9 = arith.constant 16 : i32
    return
  }
}

module attributes {stable_mosaic.version = 14 : i64} {
  func.func @body(%arg0: i32, %arg1: memref<1024xi32, #tpu.memory_space<smem>>, %arg2: memref<8x77xi32, #tpu.memory_space<vmem>>, %arg3: memref<8x77xi32, #tpu.memory_space<vmem>>, %arg4: memref<8x77xi32, #tpu.memory_space<vmem>>, %arg5: memref<8x77xi32, #tpu.memory_space<vmem>>, %arg6: memref<8x77xi32, #tpu.memory_space<vmem>>, %arg7: memref<8x77xi32, #tpu.memory_space<vmem>>, %arg8: memref<8x77xi32, #tpu.memory_space<vmem>>, %arg9: memref<8x77xi32, #tpu.memory_space<vmem>>, %arg10: memref<8x77xi32, #tpu.memory_space<vmem>>, %arg11: memref<8x77xi32, #tpu.memory_space<vmem>>, %arg12: memref<8x77xi32, #tpu.memory_space<vmem>>, %arg13: memref<8x77xi32, #tpu.memory_space<vmem>>, %arg14: memref<8x77xi32, #tpu.memory_space<vmem>>, %arg15: memref<8x77xi32, #tpu.memory_space<vmem>>, %arg16: memref<8x77xi32, #tpu.memory_space<vmem>>, %arg17: memref<8x77xi32, #tpu.memory_space<vmem>>, %arg18: memref<8x77xi32, #tpu.memory_space<vmem>>, %arg19: memref<8x77xi32, #tpu.memory_space<vmem>>, %arg20: memref<8x77xi32, #tpu.memory_space<vmem>>, %arg21: memref<8x77xi32, #tpu.memory_space<vmem>>, %arg22: memref<8x77xi32, #tpu.memory_space<vmem>>, %arg23: memref<8x77xi32, #tpu.memory_space<vmem>>, %arg24: memref<8x77xi32, #tpu.memory_space<vmem>>, %arg25: memref<8x77xi32, #tpu.memory_space<vmem>>, %arg26: memref<8x77xi32, #tpu.memory_space<vmem>>, %arg27: memref<8x77xi32, #tpu.memory_space<vmem>>, %arg28: memref<8x77xi32, #tpu.memory_space<vmem>>, %arg29: memref<8x77xi32, #tpu.memory_space<vmem>>, %arg30: memref<8x77xi32, #tpu.memory_space<vmem>>, %arg31: memref<8x77xi32, #tpu.memory_space<vmem>>, %arg32: memref<8x77xi32, #tpu.memory_space<vmem>>, %arg33: memref<8x77xi32, #tpu.memory_space<vmem>>, %arg34: memref<8x77xi32, #tpu.memory_space<vmem>>, %arg35: memref<8x77xi32, #tpu.memory_space<vmem>>, %arg36: memref<8x77xi32, #tpu.memory_space<vmem>>, %arg37: memref<8x77xi32, #tpu.memory_space<vmem>>, %arg38: memref<8x77xi32, #tpu.memory_space<vmem>>, %arg39: memref<8x77xi32, #tpu.memory_space<vmem>>, %arg40: memref<8x77xi32, #tpu.memory_space<vmem>>, %arg41: memref<8x77xi32, #tpu.memory_space<vmem>>, %arg42: memref<8x77xi32, #tpu.memory_space<vmem>>, %arg43: memref<8x77xi32, #tpu.memory_space<vmem>>, %arg44: memref<8x77xi32, #tpu.memory_space<vmem>>, %arg45: memref<8x77xi32, #tpu.memory_space<vmem>>, %arg46: memref<8x77xi32, #tpu.memory_space<vmem>>, %arg47: memref<8x77xi32, #tpu.memory_space<vmem>>, %arg48: memref<8x77xi32, #tpu.memory_space<vmem>>, %arg49: memref<8x77xi32, #tpu.memory_space<vmem>>, %arg50: memref<8x77xi32, #tpu.memory_space<vmem>>, %arg51: memref<8x77xi32, #tpu.memory_space<vmem>>, %arg52: memref<8x77xi32, #tpu.memory_space<vmem>>, %arg53: memref<8x77xi32, #tpu.memory_space<vmem>>, %arg54: memref<8x77xi32, #tpu.memory_space<vmem>>, %arg55: memref<8x77xi32, #tpu.memory_space<vmem>>, %arg56: memref<8x77xi32, #tpu.memory_space<vmem>>, %arg57: memref<8x77xi32, #tpu.memory_space<vmem>>, %arg58: memref<8x77xi32, #tpu.memory_space<vmem>>, %arg59: memref<8x77xi32, #tpu.memory_space<vmem>>, %arg60: memref<8x77xi32, #tpu.memory_space<vmem>>, %arg61: memref<8x77xi32, #tpu.memory_space<vmem>>, %arg62: memref<8x77xi32, #tpu.memory_space<vmem>>, %arg63: memref<8x77xi32, #tpu.memory_space<vmem>>, %arg64: memref<8x77xi32, #tpu.memory_space<vmem>>, %arg65: memref<8x77xi32, #tpu.memory_space<vmem>>, %arg66: memref<64x77xi32, #tpu.memory_space<vmem>>) attributes {dimension_semantics = [#tpu.dimension_semantics<arbitrary>], iteration_bounds = array<i64: 16>, scalar_prefetch = 1 : i64, scratch_operands = 0 : i64, tpu.core_type = #tpu.core_type<tc>, window_params = [{transform_indices = @transform_0, window_bounds = array<i64: 8, 77>}, {transform_indices = @transform_1, window_bounds = array<i64: 8, 77>}, {transform_indices = @transform_2, window_bounds = array<i64: 8, 77>}, {transform_indices = @transform_3, window_bounds = array<i64: 8, 77>}, {transform_indices = @transform_4, window_bounds = array<i64: 8, 77>}, {transform_indices = @transform_5, window_bounds = array<i64: 8, 77>}, {transform_indices = @transform_6, window_bounds = array<i64: 8, 77>}, {transform_indices = @transform_7, window_bounds = array<i64: 8, 77>}, {transform_indices = @transform_8, window_bounds = array<i64: 8, 77>}, {transform_indices = @transform_9, window_bounds = array<i64: 8, 77>}, {transform_indices = @transform_10, window_bounds = array<i64: 8, 77>}, {transform_indices = @transform_11, window_bounds = array<i64: 8, 77>}, {transform_indices = @transform_12, window_bounds = array<i64: 8, 77>}, {transform_indices = @transform_13, window_bounds = array<i64: 8, 77>}, {transform_indices = @transform_14, window_bounds = array<i64: 8, 77>}, {transform_indices = @transform_15, window_bounds = array<i64: 8, 77>}, {transform_indices = @transform_16, window_bounds = array<i64: 8, 77>}, {transform_indices = @transform_17, window_bounds = array<i64: 8, 77>}, {transform_indices = @transform_18, window_bounds = array<i64: 8, 77>}, {transform_indices = @transform_19, window_bounds = array<i64: 8, 77>}, {transform_indices = @transform_20, window_bounds = array<i64: 8, 77>}, {transform_indices = @transform_21, window_bounds = array<i64: 8, 77>}, {transform_indices = @transform_22, window_bounds = array<i64: 8, 77>}, {transform_indices = @transform_23, window_bounds = array<i64: 8, 77>}, {transform_indices = @transform_24, window_bounds = array<i64: 8, 77>}, {transform_indices = @transform_25, window_bounds = array<i64: 8, 77>}, {transform_indices = @transform_26, window_bounds = array<i64: 8, 77>}, {transform_indices = @transform_27, window_bounds = array<i64: 8, 77>}, {transform_indices = @transform_28, window_bounds = array<i64: 8, 77>}, {transform_indices = @transform_29, window_bounds = array<i64: 8, 77>}, {transform_indices = @transform_30, window_bounds = array<i64: 8, 77>}, {transform_indices = @transform_31, window_bounds = array<i64: 8, 77>}, {transform_indices = @transform_32, window_bounds = array<i64: 8, 77>}, {transform_indices = @transform_33, window_bounds = array<i64: 8, 77>}, {transform_indices = @transform_34, window_bounds = array<i64: 8, 77>}, {transform_indices = @transform_35, window_bounds = array<i64: 8, 77>}, {transform_indices = @transform_36, window_bounds = array<i64: 8, 77>}, {transform_indices = @transform_37, window_bounds = array<i64: 8, 77>}, {transform_indices = @transform_38, window_bounds = array<i64: 8, 77>}, {transform_indices = @transform_39, window_bounds = array<i64: 8, 77>}, {transform_indices = @transform_40, window_bounds = array<i64: 8, 77>}, {transform_indices = @transform_41, window_bounds = array<i64: 8, 77>}, {transform_indices = @transform_42, window_bounds = array<i64: 8, 77>}, {transform_indices = @transform_43, window_bounds = array<i64: 8, 77>}, {transform_indices = @transform_44, window_bounds = array<i64: 8, 77>}, {transform_indices = @transform_45, window_bounds = array<i64: 8, 77>}, {transform_indices = @transform_46, window_bounds = array<i64: 8, 77>}, {transform_indices = @transform_47, window_bounds = array<i64: 8, 77>}, {transform_indices = @transform_48, window_bounds = array<i64: 8, 77>}, {transform_indices = @transform_49, window_bounds = array<i64: 8, 77>}, {transform_indices = @transform_50, window_bounds = array<i64: 8, 77>}, {transform_indices = @transform_51, window_bounds = array<i64: 8, 77>}, {transform_indices = @transform_52, window_bounds = array<i64: 8, 77>}, {transform_indices = @transform_53, window_bounds = array<i64: 8, 77>}, {transform_indices = @transform_54, window_bounds = array<i64: 8, 77>}, {transform_indices = @transform_55, window_bounds = array<i64: 8, 77>}, {transform_indices = @transform_56, window_bounds = array<i64: 8, 77>}, {transform_indices = @transform_57, window_bounds = array<i64: 8, 77>}, {transform_indices = @transform_58, window_bounds = array<i64: 8, 77>}, {transform_indices = @transform_59, window_bounds = array<i64: 8, 77>}, {transform_indices = @transform_60, window_bounds = array<i64: 8, 77>}, {transform_indices = @transform_61, window_bounds = array<i64: 8, 77>}, {transform_indices = @transform_62, window_bounds = array<i64: 8, 77>}, {transform_indices = @transform_63, window_bounds = array<i64: 8, 77>}, {transform_indices = @transform_64, window_bounds = array<i64: 64, 77>}]} {
    %iota3A = tpu.iota {dimensions = array<i32: 0>} : vector<8x77xi32>
    %mul3A = arith.constant 64 : i32
    %mul3A_0 = arith.muli %arg0, %mul3A : i32
    %add3A = arith.constant 0 : i32
    %add3A_1 = arith.addi %mul3A_0, %add3A : i32
    %get3A = arith.index_cast %add3A_1 : i32 to index
    %get3A_2 = memref.load %arg1[%get3A] : memref<1024xi32, #tpu.memory_space<smem>>
    %jit3A = arith.constant 8 : i32
    %eq3A = arith.constant 0 : i32
    %eq3A_3 = arith.cmpi eq, %jit3A, %eq3A : i32
    %jit3A_4 = arith.constant 1 : i32
    %select_n3A = arith.select %eq3A_3, %jit3A_4, %jit3A : i32
    %rem3A = arith.remsi %get3A_2, %select_n3A : i32
    %ne3A = arith.constant 0 : i32
    %ne3A_5 = arith.cmpi ne, %rem3A, %ne3A : i32
    %lt3A = arith.constant 0 : i32
    %lt3A_6 = arith.cmpi slt, %rem3A, %lt3A : i32
    %lt3A_7 = arith.constant 0 : i32
    %lt3A_8 = arith.cmpi slt, %select_n3A, %lt3A_7 : i32
    %ne3A_9 = arith.xori %lt3A_6, %lt3A_8 : i1
    %and3A = arith.andi %ne3A_9, %ne3A_5 : i1
    %add3A_10 = arith.addi %rem3A, %select_n3A : i32
    %select_n3A_11 = arith.select %and3A, %add3A_10, %rem3A : i32
    %eq3A_12 = vector.broadcast %select_n3A_11 : i32 to vector<8x77xi32>
    %eq3A_13 = arith.cmpi eq, %iota3A, %eq3A_12 : vector<8x77xi32>
    %get3A_14 = arith.constant 0 : index
    %get3A_15 = arith.constant 0 : index
    %get3A_16 = vector.load %arg2[%get3A_14, %get3A_15] : memref<8x77xi32, #tpu.memory_space<vmem>>, vector<8x77xi32>
    %jit3A_17 = arith.constant 0 : i32
    %broadcast_in_dim3A = vector.broadcast %jit3A_17 : i32 to vector<8x77xi32>
    %select_n3A_18 = arith.select %eq3A_13, %get3A_16, %broadcast_in_dim3A : vector<8x77xi1>, vector<8x77xi32>
    %reduce_sum3A = arith.constant dense<0> : vector<77xi32>
    %reduce_sum3A_19 = vector.multi_reduction <add>, %select_n3A_18, %reduce_sum3A [0] : vector<8x77xi32> to vector<77xi32>
    %broadcast_in_dim3A_20 = vector.shape_cast %reduce_sum3A_19 : vector<77xi32> to vector<1x77xi32>
    %swap3A = arith.constant 0 : index
    %swap3A_21 = arith.constant 0 : index
    %swap3A_22 = vector.load %arg66[%swap3A, %swap3A_21] : memref<64x77xi32, #tpu.memory_space<vmem>>, vector<1x77xi32>
    tpu.vector_store %arg66[%swap3A, %swap3A_21], %broadcast_in_dim3A_20 {strides = array<i32>} : memref<64x77xi32, #tpu.memory_space<vmem>>, vector<1x77xi32>,
    %mul3A_23 = arith.constant 64 : i32
    %mul3A_24 = arith.muli %arg0, %mul3A_23 : i32
    %add3A_25 = arith.constant 1 : i32
    %add3A_26 = arith.addi %mul3A_24, %add3A_25 : i32
    %get3A_27 = arith.index_cast %add3A_26 : i32 to index
    %get3A_28 = memref.load %arg1[%get3A_27] : memref<1024xi32, #tpu.memory_space<smem>>
    %jit3A_29 = arith.constant 8 : i32
    %eq3A_30 = arith.constant 0 : i32
    %eq3A_31 = arith.cmpi eq, %jit3A_29, %eq3A_30 : i32
    %jit3A_32 = arith.constant 1 : i32
    %select_n3A_33 = arith.select %eq3A_31, %jit3A_32, %jit3A_29 : i32
    %rem3A_34 = arith.remsi %get3A_28, %select_n3A_33 : i32
    %ne3A_35 = arith.constant 0 : i32
    %ne3A_36 = arith.cmpi ne, %rem3A_34, %ne3A_35 : i32
    %lt3A_37 = arith.constant 0 : i32
    %lt3A_38 = arith.cmpi slt, %rem3A_34, %lt3A_37 : i32
    %lt3A_39 = arith.constant 0 : i32
    %lt3A_40 = arith.cmpi slt, %select_n3A_33, %lt3A_39 : i32
    %ne3A_41 = arith.xori %lt3A_38, %lt3A_40 : i1
    %and3A_42 = arith.andi %ne3A_41, %ne3A_36 : i1
    %add3A_43 = arith.addi %rem3A_34, %select_n3A_33 : i32
    %select_n3A_44 = arith.select %and3A_42, %add3A_43, %rem3A_34 : i32
    %eq3A_45 = vector.broadcast %select_n3A_44 : i32 to vector<8x77xi32>
    %eq3A_46 = arith.cmpi eq, %iota3A, %eq3A_45 : vector<8x77xi32>
    %get3A_47 = arith.constant 0 : index
    %get3A_48 = arith.constant 0 : index
    %get3A_49 = vector.load %arg3[%get3A_47, %get3A_48] : memref<8x77xi32, #tpu.memory_space<vmem>>, vector<8x77xi32>
    %jit3A_50 = arith.constant 0 : i32
    %broadcast_in_dim3A_51 = vector.broadcast %jit3A_50 : i32 to vector<8x77xi32>
    %select_n3A_52 = arith.select %eq3A_46, %get3A_49, %broadcast_in_dim3A_51 : vector<8x77xi1>, vector<8x77xi32>
    %reduce_sum3A_53 = arith.constant dense<0> : vector<77xi32>
    %reduce_sum3A_54 = vector.multi_reduction <add>, %select_n3A_52, %reduce_sum3A_53 [0] : vector<8x77xi32> to vector<77xi32>
    %broadcast_in_dim3A_55 = vector.shape_cast %reduce_sum3A_54 : vector<77xi32> to vector<1x77xi32>
    %swap3A_56 = arith.constant 1 : index
    %swap3A_57 = arith.constant 0 : index
    %swap3A_58 = vector.load %arg66[%swap3A_56, %swap3A_57] : memref<64x77xi32, #tpu.memory_space<vmem>>, vector<1x77xi32>
    tpu.vector_store %arg66[%swap3A_56, %swap3A_57], %broadcast_in_dim3A_55 {strides = array<i32>} : memref<64x77xi32, #tpu.memory_space<vmem>>, vector<1x77xi32>,
    %mul3A_59 = arith.constant 64 : i32
    %mul3A_60 = arith.muli %arg0, %mul3A_59 : i32
    %add3A_61 = arith.constant 2 : i32
    %add3A_62 = arith.addi %mul3A_60, %add3A_61 : i32
    %get3A_63 = arith.index_cast %add3A_62 : i32 to index
    %get3A_64 = memref.load %arg1[%get3A_63] : memref<1024xi32, #tpu.memory_space<smem>>
    %jit3A_65 = arith.constant 8 : i32
    %eq3A_66 = arith.constant 0 : i32
    %eq3A_67 = arith.cmpi eq, %jit3A_65, %eq3A_66 : i32
    %jit3A_68 = arith.constant 1 : i32
    %select_n3A_69 = arith.select %eq3A_67, %jit3A_68, %jit3A_65 : i32
    %rem3A_70 = arith.remsi %get3A_64, %select_n3A_69 : i32
    %ne3A_71 = arith.constant 0 : i32
    %ne3A_72 = arith.cmpi ne, %rem3A_70, %ne3A_71 : i32
    %lt3A_73 = arith.constant 0 : i32
    %lt3A_74 = arith.cmpi slt, %rem3A_70, %lt3A_73 : i32
    %lt3A_75 = arith.constant 0 : i32
    %lt3A_76 = arith.cmpi slt, %select_n3A_69, %lt3A_75 : i32
    %ne3A_77 = arith.xori %lt3A_74, %lt3A_76 : i1
    %and3A_78 = arith.andi %ne3A_77, %ne3A_72 : i1
    %add3A_79 = arith.addi %rem3A_70, %select_n3A_69 : i32
    %select_n3A_80 = arith.select %and3A_78, %add3A_79, %rem3A_70 : i32
    %eq3A_81 = vector.broadcast %select_n3A_80 : i32 to vector<8x77xi32>
    %eq3A_82 = arith.cmpi eq, %iota3A, %eq3A_81 : vector<8x77xi32>
    %get3A_83 = arith.constant 0 : index
    %get3A_84 = arith.constant 0 : index
    %get3A_85 = vector.load %arg4[%get3A_83, %get3A_84] : memref<8x77xi32, #tpu.memory_space<vmem>>, vector<8x77xi32>
    %jit3A_86 = arith.constant 0 : i32
    %broadcast_in_dim3A_87 = vector.broadcast %jit3A_86 : i32 to vector<8x77xi32>
    %select_n3A_88 = arith.select %eq3A_82, %get3A_85, %broadcast_in_dim3A_87 : vector<8x77xi1>, vector<8x77xi32>
    %reduce_sum3A_89 = arith.constant dense<0> : vector<77xi32>
    %reduce_sum3A_90 = vector.multi_reduction <add>, %select_n3A_88, %reduce_sum3A_89 [0] : vector<8x77xi32> to vector<77xi32>
    %broadcast_in_dim3A_91 = vector.shape_cast %reduce_sum3A_90 : vector<77xi32> to vector<1x77xi32>
    %swap3A_92 = arith.constant 2 : index
    %swap3A_93 = arith.constant 0 : index
    %swap3A_94 = vector.load %arg66[%swap3A_92, %swap3A_93] : memref<64x77xi32, #tpu.memory_space<vmem>>, vector<1x77xi32>
    tpu.vector_store %arg66[%swap3A_92, %swap3A_93], %broadcast_in_dim3A_91 {strides = array<i32>} : memref<64x77xi32, #tpu.memory_space<vmem>>, vector<1x77xi32>,
    %mul3A_95 = arith.constant 64 : i32
    %mul3A_96 = arith.muli %arg0, %mul3A_95 : i32
    %add3A_97 = arith.constant 3 : i32
    %add3A_98 = arith.addi %mul3A_96, %add3A_97 : i32
    %get3A_99 = arith.index_cast %add3A_98 : i32 to index
    %get3A_100 = memref.load %arg1[%get3A_99] : memref<1024xi32, #tpu.memory_space<smem>>
    %jit3A_101 = arith.constant 8 : i32
    %eq3A_102 = arith.constant 0 : i32
    %eq3A_103 = arith.cmpi eq, %jit3A_101, %eq3A_102 : i32
    %jit3A_104 = arith.constant 1 : i32
    %select_n3A_105 = arith.select %eq3A_103, %jit3A_104, %jit3A_101 : i32
    %rem3A_106 = arith.remsi %get3A_100, %select_n3A_105 : i32
    %ne3A_107 = arith.constant 0 : i32
    %ne3A_108 = arith.cmpi ne, %rem3A_106, %ne3A_107 : i32
    %lt3A_109 = arith.constant 0 : i32
    %lt3A_110 = arith.cmpi slt, %rem3A_106, %lt3A_109 : i32
    %lt3A_111 = arith.constant 0 : i32
    %lt3A_112 = arith.cmpi slt, %select_n3A_105, %lt3A_111 : i32
    %ne3A_113 = arith.xori %lt3A_110, %lt3A_112 : i1
    %and3A_114 = arith.andi %ne3A_113, %ne3A_108 : i1
    %add3A_115 = arith.addi %rem3A_106, %select_n3A_105 : i32
    %select_n3A_116 = arith.select %and3A_114, %add3A_115, %rem3A_106 : i32
    %eq3A_117 = vector.broadcast %select_n3A_116 : i32 to vector<8x77xi32>
    %eq3A_118 = arith.cmpi eq, %iota3A, %eq3A_117 : vector<8x77xi32>
    %get3A_119 = arith.constant 0 : index
    %get3A_120 = arith.constant 0 : index
    %get3A_121 = vector.load %arg5[%get3A_119, %get3A_120] : memref<8x77xi32, #tpu.memory_space<vmem>>, vector<8x77xi32>
    %jit3A_122 = arith.constant 0 : i32
    %broadcast_in_dim3A_123 = vector.broadcast %jit3A_122 : i32 to vector<8x77xi32>
    %select_n3A_124 = arith.select %eq3A_118, %get3A_121, %broadcast_in_dim3A_123 : vector<8x77xi1>, vector<8x77xi32>
    %reduce_sum3A_125 = arith.constant dense<0> : vector<77xi32>
    %reduce_sum3A_126 = vector.multi_reduction <add>, %select_n3A_124, %reduce_sum3A_125 [0] : vector<8x77xi32> to vector<77xi32>
    %broadcast_in_dim3A_127 = vector.shape_cast %reduce_sum3A_126 : vector<77xi32> to vector<1x77xi32>
    %swap3A_128 = arith.constant 3 : index
    %swap3A_129 = arith.constant 0 : index
    %swap3A_130 = vector.load %arg66[%swap3A_128, %swap3A_129] : memref<64x77xi32, #tpu.memory_space<vmem>>, vector<1x77xi32>
    tpu.vector_store %arg66[%swap3A_128, %swap3A_129], %broadcast_in_dim3A_127 {strides = array<i32>} : memref<64x77xi32, #tpu.memory_space<vmem>>, vector<1x77xi32>,
    %mul3A_131 = arith.constant 64 : i32
    %mul3A_132 = arith.muli %arg0, %mul3A_131 : i32
    %add3A_133 = arith.constant 4 : i32
    %add3A_134 = arith.addi %mul3A_132, %add3A_133 : i32
    %get3A_135 = arith.index_cast %add3A_134 : i32 to index
    %get3A_136 = memref.load %arg1[%get3A_135] : memref<1024xi32, #tpu.memory_space<smem>>
    %jit3A_137 = arith.constant 8 : i32
    %eq3A_138 = arith.constant 0 : i32
    %eq3A_139 = arith.cmpi eq, %jit3A_137, %eq3A_138 : i32
    %jit3A_140 = arith.constant 1 : i32
    %select_n3A_141 = arith.select %eq3A_139, %jit3A_140, %jit3A_137 : i32
    %rem3A_142 = arith.remsi %get3A_136, %select_n3A_141 : i32
    %ne3A_143 = arith.constant 0 : i32
    %ne3A_144 = arith.cmpi ne, %rem3A_142, %ne3A_143 : i32
    %lt3A_145 = arith.constant 0 : i32
    %lt3A_146 = arith.cmpi slt, %rem3A_142, %lt3A_145 : i32
    %lt3A_147 = arith.constant 0 : i32
    %lt3A_148 = arith.cmpi slt, %select_n3A_141, %lt3A_147 : i32
    %ne3A_149 = arith.xori %lt3A_146, %lt3A_148 : i1
    %and3A_150 = arith.andi %ne3A_149, %ne3A_144 : i1
    %add3A_151 = arith.addi %rem3A_142, %select_n3A_141 : i32
    %select_n3A_152 = arith.select %and3A_150, %add3A_151, %rem3A_142 : i32
    %eq3A_153 = vector.broadcast %select_n3A_152 : i32 to vector<8x77xi32>
    %eq3A_154 = arith.cmpi eq, %iota3A, %eq3A_153 : vector<8x77xi32>
    %get3A_155 = arith.constant 0 : index
    %get3A_156 = arith.constant 0 : index
    %get3A_157 = vector.load %arg6[%get3A_155, %get3A_156] : memref<8x77xi32, #tpu.memory_space<vmem>>, vector<8x77xi32>
    %jit3A_158 = arith.constant 0 : i32
    %broadcast_in_dim3A_159 = vector.broadcast %jit3A_158 : i32 to vector<8x77xi32>
    %select_n3A_160 = arith.select %eq3A_154, %get3A_157, %broadcast_in_dim3A_159 : vector<8x77xi1>, vector<8x77xi32>
    %reduce_sum3A_161 = arith.constant dense<0> : vector<77xi32>
    %reduce_sum3A_162 = vector.multi_reduction <add>, %select_n3A_160, %reduce_sum3A_161 [0] : vector<8x77xi32> to vector<77xi32>
    %broadcast_in_dim3A_163 = vector.shape_cast %reduce_sum3A_162 : vector<77xi32> to vector<1x77xi32>
    %swap3A_164 = arith.constant 4 : index
    %swap3A_165 = arith.constant 0 : index
    %swap3A_166 = vector.load %arg66[%swap3A_164, %swap3A_165] : memref<64x77xi32, #tpu.memory_space<vmem>>, vector<1x77xi32>
    tpu.vector_store %arg66[%swap3A_164, %swap3A_165], %broadcast_in_dim3A_163 {strides = array<i32>} : memref<64x77xi32, #tpu.memory_space<vmem>>, vector<1x77xi32>,
    %mul3A_167 = arith.constant 64 : i32
    %mul3A_168 = arith.muli %arg0, %mul3A_167 : i32
    %add3A_169 = arith.constant 5 : i32
    %add3A_170 = arith.addi %mul3A_168, %add3A_169 : i32
    %get3A_171 = arith.index_cast %add3A_170 : i32 to index
    %get3A_172 = memref.load %arg1[%get3A_171] : memref<1024xi32, #tpu.memory_space<smem>>
    %jit3A_173 = arith.constant 8 : i32
    %eq3A_174 = arith.constant 0 : i32
    %eq3A_175 = arith.cmpi eq, %jit3A_173, %eq3A_174 : i32
    %jit3A_176 = arith.constant 1 : i32
    %select_n3A_177 = arith.select %eq3A_175, %jit3A_176, %jit3A_173 : i32
    %rem3A_178 = arith.remsi %get3A_172, %select_n3A_177 : i32
    %ne3A_179 = arith.constant 0 : i32
    %ne3A_180 = arith.cmpi ne, %rem3A_178, %ne3A_179 : i32
    %lt3A_181 = arith.constant 0 : i32
    %lt3A_182 = arith.cmpi slt, %rem3A_178, %lt3A_181 : i32
    %lt3A_183 = arith.constant 0 : i32
    %lt3A_184 = arith.cmpi slt, %select_n3A_177, %lt3A_183 : i32
    %ne3A_185 = arith.xori %lt3A_182, %lt3A_184 : i1
    %and3A_186 = arith.andi %ne3A_185, %ne3A_180 : i1
    %add3A_187 = arith.addi %rem3A_178, %select_n3A_177 : i32
    %select_n3A_188 = arith.select %and3A_186, %add3A_187, %rem3A_178 : i32
    %eq3A_189 = vector.broadcast %select_n3A_188 : i32 to vector<8x77xi32>
    %eq3A_190 = arith.cmpi eq, %iota3A, %eq3A_189 : vector<8x77xi32>
    %get3A_191 = arith.constant 0 : index
    %get3A_192 = arith.constant 0 : index
    %get3A_193 = vector.load %arg7[%get3A_191, %get3A_192] : memref<8x77xi32, #tpu.memory_space<vmem>>, vector<8x77xi32>
    %jit3A_194 = arith.constant 0 : i32
    %broadcast_in_dim3A_195 = vector.broadcast %jit3A_194 : i32 to vector<8x77xi32>
    %select_n3A_196 = arith.select %eq3A_190, %get3A_193, %broadcast_in_dim3A_195 : vector<8x77xi1>, vector<8x77xi32>
    %reduce_sum3A_197 = arith.constant dense<0> : vector<77xi32>
    %reduce_sum3A_198 = vector.multi_reduction <add>, %select_n3A_196, %reduce_sum3A_197 [0] : vector<8x77xi32> to vector<77xi32>
    %broadcast_in_dim3A_199 = vector.shape_cast %reduce_sum3A_198 : vector<77xi32> to vector<1x77xi32>
    %swap3A_200 = arith.constant 5 : index
    %swap3A_201 = arith.constant 0 : index
    %swap3A_202 = vector.load %arg66[%swap3A_200, %swap3A_201] : memref<64x77xi32, #tpu.memory_space<vmem>>, vector<1x77xi32>
    tpu.vector_store %arg66[%swap3A_200, %swap3A_201], %broadcast_in_dim3A_199 {strides = array<i32>} : memref<64x77xi32, #tpu.memory_space<vmem>>, vector<1x77xi32>,
    %mul3A_203 = arith.constant 64 : i32
    %mul3A_204 = arith.muli %arg0, %mul3A_203 : i32
    %add3A_205 = arith.constant 6 : i32
    %add3A_206 = arith.addi %mul3A_204, %add3A_205 : i32
    %get3A_207 = arith.index_cast %add3A_206 : i32 to index
    %get3A_208 = memref.load %arg1[%get3A_207] : memref<1024xi32, #tpu.memory_space<smem>>
    %jit3A_209 = arith.constant 8 : i32
    %eq3A_210 = arith.constant 0 : i32
    %eq3A_211 = arith.cmpi eq, %jit3A_209, %eq3A_210 : i32
    %jit3A_212 = arith.constant 1 : i32
    %select_n3A_213 = arith.select %eq3A_211, %jit3A_212, %jit3A_209 : i32
    %rem3A_214 = arith.remsi %get3A_208, %select_n3A_213 : i32
    %ne3A_215 = arith.constant 0 : i32
    %ne3A_216 = arith.cmpi ne, %rem3A_214, %ne3A_215 : i32
    %lt3A_217 = arith.constant 0 : i32
    %lt3A_218 = arith.cmpi slt, %rem3A_214, %lt3A_217 : i32
    %lt3A_219 = arith.constant 0 : i32
    %lt3A_220 = arith.cmpi slt, %select_n3A_213, %lt3A_219 : i32
    %ne3A_221 = arith.xori %lt3A_218, %lt3A_220 : i1
    %and3A_222 = arith.andi %ne3A_221, %ne3A_216 : i1
    %add3A_223 = arith.addi %rem3A_214, %select_n3A_213 : i32
    %select_n3A_224 = arith.select %and3A_222, %add3A_223, %rem3A_214 : i32
    %eq3A_225 = vector.broadcast %select_n3A_224 : i32 to vector<8x77xi32>
    %eq3A_226 = arith.cmpi eq, %iota3A, %eq3A_225 : vector<8x77xi32>
    %get3A_227 = arith.constant 0 : index
    %get3A_228 = arith.constant 0 : index
    %get3A_229 = vector.load %arg8[%get3A_227, %get3A_228] : memref<8x77xi32, #tpu.memory_space<vmem>>, vector<8x77xi32>
    %jit3A_230 = arith.constant 0 : i32
    %broadcast_in_dim3A_231 = vector.broadcast %jit3A_230 : i32 to vector<8x77xi32>
    %select_n3A_232 = arith.select %eq3A_226, %get3A_229, %broadcast_in_dim3A_231 : vector<8x77xi1>, vector<8x77xi32>
    %reduce_sum3A_233 = arith.constant dense<0> : vector<77xi32>
    %reduce_sum3A_234 = vector.multi_reduction <add>, %select_n3A_232, %reduce_sum3A_233 [0] : vector<8x77xi32> to vector<77xi32>
    %broadcast_in_dim3A_235 = vector.shape_cast %reduce_sum3A_234 : vector<77xi32> to vector<1x77xi32>
    %swap3A_236 = arith.constant 6 : index
    %swap3A_237 = arith.constant 0 : index
    %swap3A_238 = vector.load %arg66[%swap3A_236, %swap3A_237] : memref<64x77xi32, #tpu.memory_space<vmem>>, vector<1x77xi32>
    tpu.vector_store %arg66[%swap3A_236, %swap3A_237], %broadcast_in_dim3A_235 {strides = array<i32>} : memref<64x77xi32, #tpu.memory_space<vmem>>, vector<1x77xi32>,
    %mul3A_239 = arith.constant 64 : i32
    %mul3A_240 = arith.muli %arg0, %mul3A_239 : i32
    %add3A_241 = arith.constant 7 : i32
    %add3A_242 = arith.addi %mul3A_240, %add3A_241 : i32
    %get3A_243 = arith.index_cast %add3A_242 : i32 to index
    %get3A_244 = memref.load %arg1[%get3A_243] : memref<1024xi32, #tpu.memory_space<smem>>
    %jit3A_245 = arith.constant 8 : i32
    %eq3A_246 = arith.constant 0 : i32
    %eq3A_247 = arith.cmpi eq, %jit3A_245, %eq3A_246 : i32
    %jit3A_248 = arith.constant 1 : i32
    %select_n3A_249 = arith.select %eq3A_247, %jit3A_248, %jit3A_245 : i32
    %rem3A_250 = arith.remsi %get3A_244, %select_n3A_249 : i32
    %ne3A_251 = arith.constant 0 : i32
    %ne3A_252 = arith.cmpi ne, %rem3A_250, %ne3A_251 : i32
    %lt3A_253 = arith.constant 0 : i32
    %lt3A_254 = arith.cmpi slt, %rem3A_250, %lt3A_253 : i32
    %lt3A_255 = arith.constant 0 : i32
    %lt3A_256 = arith.cmpi slt, %select_n3A_249, %lt3A_255 : i32
    %ne3A_257 = arith.xori %lt3A_254, %lt3A_256 : i1
    %and3A_258 = arith.andi %ne3A_257, %ne3A_252 : i1
    %add3A_259 = arith.addi %rem3A_250, %select_n3A_249 : i32
    %select_n3A_260 = arith.select %and3A_258, %add3A_259, %rem3A_250 : i32
    %eq3A_261 = vector.broadcast %select_n3A_260 : i32 to vector<8x77xi32>
    %eq3A_262 = arith.cmpi eq, %iota3A, %eq3A_261 : vector<8x77xi32>
    %get3A_263 = arith.constant 0 : index
    %get3A_264 = arith.constant 0 : index
    %get3A_265 = vector.load %arg9[%get3A_263, %get3A_264] : memref<8x77xi32, #tpu.memory_space<vmem>>, vector<8x77xi32>
    %jit3A_266 = arith.constant 0 : i32
    %broadcast_in_dim3A_267 = vector.broadcast %jit3A_266 : i32 to vector<8x77xi32>
    %select_n3A_268 = arith.select %eq3A_262, %get3A_265, %broadcast_in_dim3A_267 : vector<8x77xi1>, vector<8x77xi32>
    %reduce_sum3A_269 = arith.constant dense<0> : vector<77xi32>
    %reduce_sum3A_270 = vector.multi_reduction <add>, %select_n3A_268, %reduce_sum3A_269 [0] : vector<8x77xi32> to vector<77xi32>
    %broadcast_in_dim3A_271 = vector.shape_cast %reduce_sum3A_270 : vector<77xi32> to vector<1x77xi32>
    %swap3A_272 = arith.constant 7 : index
    %swap3A_273 = arith.constant 0 : index
    %swap3A_274 = vector.load %arg66[%swap3A_272, %swap3A_273] : memref<64x77xi32, #tpu.memory_space<vmem>>, vector<1x77xi32>
    tpu.vector_store %arg66[%swap3A_272, %swap3A_273], %broadcast_in_dim3A_271 {strides = array<i32>} : memref<64x77xi32, #tpu.memory_space<vmem>>, vector<1x77xi32>,
    %mul3A_275 = arith.constant 64 : i32
    %mul3A_276 = arith.muli %arg0, %mul3A_275 : i32
    %add3A_277 = arith.constant 8 : i32
    %add3A_278 = arith.addi %mul3A_276, %add3A_277 : i32
    %get3A_279 = arith.index_cast %add3A_278 : i32 to index
    %get3A_280 = memref.load %arg1[%get3A_279] : memref<1024xi32, #tpu.memory_space<smem>>
    %jit3A_281 = arith.constant 8 : i32
    %eq3A_282 = arith.constant 0 : i32
    %eq3A_283 = arith.cmpi eq, %jit3A_281, %eq3A_282 : i32
    %jit3A_284 = arith.constant 1 : i32
    %select_n3A_285 = arith.select %eq3A_283, %jit3A_284, %jit3A_281 : i32
    %rem3A_286 = arith.remsi %get3A_280, %select_n3A_285 : i32
    %ne3A_287 = arith.constant 0 : i32
    %ne3A_288 = arith.cmpi ne, %rem3A_286, %ne3A_287 : i32
    %lt3A_289 = arith.constant 0 : i32
    %lt3A_290 = arith.cmpi slt, %rem3A_286, %lt3A_289 : i32
    %lt3A_291 = arith.constant 0 : i32
    %lt3A_292 = arith.cmpi slt, %select_n3A_285, %lt3A_291 : i32
    %ne3A_293 = arith.xori %lt3A_290, %lt3A_292 : i1
    %and3A_294 = arith.andi %ne3A_293, %ne3A_288 : i1
    %add3A_295 = arith.addi %rem3A_286, %select_n3A_285 : i32
    %select_n3A_296 = arith.select %and3A_294, %add3A_295, %rem3A_286 : i32
    %eq3A_297 = vector.broadcast %select_n3A_296 : i32 to vector<8x77xi32>
    %eq3A_298 = arith.cmpi eq, %iota3A, %eq3A_297 : vector<8x77xi32>
    %get3A_299 = arith.constant 0 : index
    %get3A_300 = arith.constant 0 : index
    %get3A_301 = vector.load %arg10[%get3A_299, %get3A_300] : memref<8x77xi32, #tpu.memory_space<vmem>>, vector<8x77xi32>
    %jit3A_302 = arith.constant 0 : i32
    %broadcast_in_dim3A_303 = vector.broadcast %jit3A_302 : i32 to vector<8x77xi32>
    %select_n3A_304 = arith.select %eq3A_298, %get3A_301, %broadcast_in_dim3A_303 : vector<8x77xi1>, vector<8x77xi32>
    %reduce_sum3A_305 = arith.constant dense<0> : vector<77xi32>
    %reduce_sum3A_306 = vector.multi_reduction <add>, %select_n3A_304, %reduce_sum3A_305 [0] : vector<8x77xi32> to vector<77xi32>
    %broadcast_in_dim3A_307 = vector.shape_cast %reduce_sum3A_306 : vector<77xi32> to vector<1x77xi32>
    %swap3A_308 = arith.constant 8 : index
    %swap3A_309 = arith.constant 0 : index
    %swap3A_310 = vector.load %arg66[%swap3A_308, %swap3A_309] : memref<64x77xi32, #tpu.memory_space<vmem>>, vector<1x77xi32>
    tpu.vector_store %arg66[%swap3A_308, %swap3A_309], %broadcast_in_dim3A_307 {strides = array<i32>} : memref<64x77xi32, #tpu.memory_space<vmem>>, vector<1x77xi32>,
    %mul3A_311 = arith.constant 64 : i32
    %mul3A_312 = arith.muli %arg0, %mul3A_311 : i32
    %add3A_313 = arith.constant 9 : i32
    %add3A_314 = arith.addi %mul3A_312, %add3A_313 : i32
    %get3A_315 = arith.index_cast %add3A_314 : i32 to index
    %get3A_316 = memref.load %arg1[%get3A_315] : memref<1024xi32, #tpu.memory_space<smem>>
    %jit3A_317 = arith.constant 8 : i32
    %eq3A_318 = arith.constant 0 : i32
    %eq3A_319 = arith.cmpi eq, %jit3A_317, %eq3A_318 : i32
    %jit3A_320 = arith.constant 1 : i32
    %select_n3A_321 = arith.select %eq3A_319, %jit3A_320, %jit3A_317 : i32
    %rem3A_322 = arith.remsi %get3A_316, %select_n3A_321 : i32
    %ne3A_323 = arith.constant 0 : i32
    %ne3A_324 = arith.cmpi ne, %rem3A_322, %ne3A_323 : i32
    %lt3A_325 = arith.constant 0 : i32
    %lt3A_326 = arith.cmpi slt, %rem3A_322, %lt3A_325 : i32
    %lt3A_327 = arith.constant 0 : i32
    %lt3A_328 = arith.cmpi slt, %select_n3A_321, %lt3A_327 : i32
    %ne3A_329 = arith.xori %lt3A_326, %lt3A_328 : i1
    %and3A_330 = arith.andi %ne3A_329, %ne3A_324 : i1
    %add3A_331 = arith.addi %rem3A_322, %select_n3A_321 : i32
    %select_n3A_332 = arith.select %and3A_330, %add3A_331, %rem3A_322 : i32
    %eq3A_333 = vector.broadcast %select_n3A_332 : i32 to vector<8x77xi32>
    %eq3A_334 = arith.cmpi eq, %iota3A, %eq3A_333 : vector<8x77xi32>
    %get3A_335 = arith.constant 0 : index
    %get3A_336 = arith.constant 0 : index
    %get3A_337 = vector.load %arg11[%get3A_335, %get3A_336] : memref<8x77xi32, #tpu.memory_space<vmem>>, vector<8x77xi32>
    %jit3A_338 = arith.constant 0 : i32
    %broadcast_in_dim3A_339 = vector.broadcast %jit3A_338 : i32 to vector<8x77xi32>
    %select_n3A_340 = arith.select %eq3A_334, %get3A_337, %broadcast_in_dim3A_339 : vector<8x77xi1>, vector<8x77xi32>
    %reduce_sum3A_341 = arith.constant dense<0> : vector<77xi32>
    %reduce_sum3A_342 = vector.multi_reduction <add>, %select_n3A_340, %reduce_sum3A_341 [0] : vector<8x77xi32> to vector<77xi32>
    %broadcast_in_dim3A_343 = vector.shape_cast %reduce_sum3A_342 : vector<77xi32> to vector<1x77xi32>
    %swap3A_344 = arith.constant 9 : index
    %swap3A_345 = arith.constant 0 : index
    %swap3A_346 = vector.load %arg66[%swap3A_344, %swap3A_345] : memref<64x77xi32, #tpu.memory_space<vmem>>, vector<1x77xi32>
    tpu.vector_store %arg66[%swap3A_344, %swap3A_345], %broadcast_in_dim3A_343 {strides = array<i32>} : memref<64x77xi32, #tpu.memory_space<vmem>>, vector<1x77xi32>,
    %mul3A_347 = arith.constant 64 : i32
    %mul3A_348 = arith.muli %arg0, %mul3A_347 : i32
    %add3A_349 = arith.constant 10 : i32
    %add3A_350 = arith.addi %mul3A_348, %add3A_349 : i32
    %get3A_351 = arith.index_cast %add3A_350 : i32 to index
    %get3A_352 = memref.load %arg1[%get3A_351] : memref<1024xi32, #tpu.memory_space<smem>>
    %jit3A_353 = arith.constant 8 : i32
    %eq3A_354 = arith.constant 0 : i32
    %eq3A_355 = arith.cmpi eq, %jit3A_353, %eq3A_354 : i32
    %jit3A_356 = arith.constant 1 : i32
    %select_n3A_357 = arith.select %eq3A_355, %jit3A_356, %jit3A_353 : i32
    %rem3A_358 = arith.remsi %get3A_352, %select_n3A_357 : i32
    %ne3A_359 = arith.constant 0 : i32
    %ne3A_360 = arith.cmpi ne, %rem3A_358, %ne3A_359 : i32
    %lt3A_361 = arith.constant 0 : i32
    %lt3A_362 = arith.cmpi slt, %rem3A_358, %lt3A_361 : i32
    %lt3A_363 = arith.constant 0 : i32
    %lt3A_364 = arith.cmpi slt, %select_n3A_357, %lt3A_363 : i32
    %ne3A_365 = arith.xori %lt3A_362, %lt3A_364 : i1
    %and3A_366 = arith.andi %ne3A_365, %ne3A_360 : i1
    %add3A_367 = arith.addi %rem3A_358, %select_n3A_357 : i32
    %select_n3A_368 = arith.select %and3A_366, %add3A_367, %rem3A_358 : i32
    %eq3A_369 = vector.broadcast %select_n3A_368 : i32 to vector<8x77xi32>
    %eq3A_370 = arith.cmpi eq, %iota3A, %eq3A_369 : vector<8x77xi32>
    %get3A_371 = arith.constant 0 : index
    %get3A_372 = arith.constant 0 : index
    %get3A_373 = vector.load %arg12[%get3A_371, %get3A_372] : memref<8x77xi32, #tpu.memory_space<vmem>>, vector<8x77xi32>
    %jit3A_374 = arith.constant 0 : i32
    %broadcast_in_dim3A_375 = vector.broadcast %jit3A_374 : i32 to vector<8x77xi32>
    %select_n3A_376 = arith.select %eq3A_370, %get3A_373, %broadcast_in_dim3A_375 : vector<8x77xi1>, vector<8x77xi32>
    %reduce_sum3A_377 = arith.constant dense<0> : vector<77xi32>
    %reduce_sum3A_378 = vector.multi_reduction <add>, %select_n3A_376, %reduce_sum3A_377 [0] : vector<8x77xi32> to vector<77xi32>
    %broadcast_in_dim3A_379 = vector.shape_cast %reduce_sum3A_378 : vector<77xi32> to vector<1x77xi32>
    %swap3A_380 = arith.constant 10 : index
    %swap3A_381 = arith.constant 0 : index
    %swap3A_382 = vector.load %arg66[%swap3A_380, %swap3A_381] : memref<64x77xi32, #tpu.memory_space<vmem>>, vector<1x77xi32>
    tpu.vector_store %arg66[%swap3A_380, %swap3A_381], %broadcast_in_dim3A_379 {strides = array<i32>} : memref<64x77xi32, #tpu.memory_space<vmem>>, vector<1x77xi32>,
    %mul3A_383 = arith.constant 64 : i32
    %mul3A_384 = arith.muli %arg0, %mul3A_383 : i32
    %add3A_385 = arith.constant 11 : i32
    %add3A_386 = arith.addi %mul3A_384, %add3A_385 : i32
    %get3A_387 = arith.index_cast %add3A_386 : i32 to index
    %get3A_388 = memref.load %arg1[%get3A_387] : memref<1024xi32, #tpu.memory_space<smem>>
    %jit3A_389 = arith.constant 8 : i32
    %eq3A_390 = arith.constant 0 : i32
    %eq3A_391 = arith.cmpi eq, %jit3A_389, %eq3A_390 : i32
    %jit3A_392 = arith.constant 1 : i32
    %select_n3A_393 = arith.select %eq3A_391, %jit3A_392, %jit3A_389 : i32
    %rem3A_394 = arith.remsi %get3A_388, %select_n3A_393 : i32
    %ne3A_395 = arith.constant 0 : i32
    %ne3A_396 = arith.cmpi ne, %rem3A_394, %ne3A_395 : i32
    %lt3A_397 = arith.constant 0 : i32
    %lt3A_398 = arith.cmpi slt, %rem3A_394, %lt3A_397 : i32
    %lt3A_399 = arith.constant 0 : i32
    %lt3A_400 = arith.cmpi slt, %select_n3A_393, %lt3A_399 : i32
    %ne3A_401 = arith.xori %lt3A_398, %lt3A_400 : i1
    %and3A_402 = arith.andi %ne3A_401, %ne3A_396 : i1
    %add3A_403 = arith.addi %rem3A_394, %select_n3A_393 : i32
    %select_n3A_404 = arith.select %and3A_402, %add3A_403, %rem3A_394 : i32
    %eq3A_405 = vector.broadcast %select_n3A_404 : i32 to vector<8x77xi32>
    %eq3A_406 = arith.cmpi eq, %iota3A, %eq3A_405 : vector<8x77xi32>
    %get3A_407 = arith.constant 0 : index
    %get3A_408 = arith.constant 0 : index
    %get3A_409 = vector.load %arg13[%get3A_407, %get3A_408] : memref<8x77xi32, #tpu.memory_space<vmem>>, vector<8x77xi32>
    %jit3A_410 = arith.constant 0 : i32
    %broadcast_in_dim3A_411 = vector.broadcast %jit3A_410 : i32 to vector<8x77xi32>
    %select_n3A_412 = arith.select %eq3A_406, %get3A_409, %broadcast_in_dim3A_411 : vector<8x77xi1>, vector<8x77xi32>
    %reduce_sum3A_413 = arith.constant dense<0> : vector<77xi32>
    %reduce_sum3A_414 = vector.multi_reduction <add>, %select_n3A_412, %reduce_sum3A_413 [0] : vector<8x77xi32> to vector<77xi32>
    %broadcast_in_dim3A_415 = vector.shape_cast %reduce_sum3A_414 : vector<77xi32> to vector<1x77xi32>
    %swap3A_416 = arith.constant 11 : index
    %swap3A_417 = arith.constant 0 : index
    %swap3A_418 = vector.load %arg66[%swap3A_416, %swap3A_417] : memref<64x77xi32, #tpu.memory_space<vmem>>, vector<1x77xi32>
    tpu.vector_store %arg66[%swap3A_416, %swap3A_417], %broadcast_in_dim3A_415 {strides = array<i32>} : memref<64x77xi32, #tpu.memory_space<vmem>>, vector<1x77xi32>,
    %mul3A_419 = arith.constant 64 : i32
    %mul3A_420 = arith.muli %arg0, %mul3A_419 : i32
    %add3A_421 = arith.constant 12 : i32
    %add3A_422 = arith.addi %mul3A_420, %add3A_421 : i32
    %get3A_423 = arith.index_cast %add3A_422 : i32 to index
    %get3A_424 = memref.load %arg1[%get3A_423] : memref<1024xi32, #tpu.memory_space<smem>>
    %jit3A_425 = arith.constant 8 : i32
    %eq3A_426 = arith.constant 0 : i32
    %eq3A_427 = arith.cmpi eq, %jit3A_425, %eq3A_426 : i32
    %jit3A_428 = arith.constant 1 : i32
    %select_n3A_429 = arith.select %eq3A_427, %jit3A_428, %jit3A_425 : i32
    %rem3A_430 = arith.remsi %get3A_424, %select_n3A_429 : i32
    %ne3A_431 = arith.constant 0 : i32
    %ne3A_432 = arith.cmpi ne, %rem3A_430, %ne3A_431 : i32
    %lt3A_433 = arith.constant 0 : i32
    %lt3A_434 = arith.cmpi slt, %rem3A_430, %lt3A_433 : i32
    %lt3A_435 = arith.constant 0 : i32
    %lt3A_436 = arith.cmpi slt, %select_n3A_429, %lt3A_435 : i32
    %ne3A_437 = arith.xori %lt3A_434, %lt3A_436 : i1
    %and3A_438 = arith.andi %ne3A_437, %ne3A_432 : i1
    %add3A_439 = arith.addi %rem3A_430, %select_n3A_429 : i32
    %select_n3A_440 = arith.select %and3A_438, %add3A_439, %rem3A_430 : i32
    %eq3A_441 = vector.broadcast %select_n3A_440 : i32 to vector<8x77xi32>
    %eq3A_442 = arith.cmpi eq, %iota3A, %eq3A_441 : vector<8x77xi32>
    %get3A_443 = arith.constant 0 : index
    %get3A_444 = arith.constant 0 : index
    %get3A_445 = vector.load %arg14[%get3A_443, %get3A_444] : memref<8x77xi32, #tpu.memory_space<vmem>>, vector<8x77xi32>
    %jit3A_446 = arith.constant 0 : i32
    %broadcast_in_dim3A_447 = vector.broadcast %jit3A_446 : i32 to vector<8x77xi32>
    %select_n3A_448 = arith.select %eq3A_442, %get3A_445, %broadcast_in_dim3A_447 : vector<8x77xi1>, vector<8x77xi32>
    %reduce_sum3A_449 = arith.constant dense<0> : vector<77xi32>
    %reduce_sum3A_450 = vector.multi_reduction <add>, %select_n3A_448, %reduce_sum3A_449 [0] : vector<8x77xi32> to vector<77xi32>
    %broadcast_in_dim3A_451 = vector.shape_cast %reduce_sum3A_450 : vector<77xi32> to vector<1x77xi32>
    %swap3A_452 = arith.constant 12 : index
    %swap3A_453 = arith.constant 0 : index
    %swap3A_454 = vector.load %arg66[%swap3A_452, %swap3A_453] : memref<64x77xi32, #tpu.memory_space<vmem>>, vector<1x77xi32>
    tpu.vector_store %arg66[%swap3A_452, %swap3A_453], %broadcast_in_dim3A_451 {strides = array<i32>} : memref<64x77xi32, #tpu.memory_space<vmem>>, vector<1x77xi32>,
    %mul3A_455 = arith.constant 64 : i32
    %mul3A_456 = arith.muli %arg0, %mul3A_455 : i32
    %add3A_457 = arith.constant 13 : i32
    %add3A_458 = arith.addi %mul3A_456, %add3A_457 : i32
    %get3A_459 = arith.index_cast %add3A_458 : i32 to index
    %get3A_460 = memref.load %arg1[%get3A_459] : memref<1024xi32, #tpu.memory_space<smem>>
    %jit3A_461 = arith.constant 8 : i32
    %eq3A_462 = arith.constant 0 : i32
    %eq3A_463 = arith.cmpi eq, %jit3A_461, %eq3A_462 : i32
    %jit3A_464 = arith.constant 1 : i32
    %select_n3A_465 = arith.select %eq3A_463, %jit3A_464, %jit3A_461 : i32
    %rem3A_466 = arith.remsi %get3A_460, %select_n3A_465 : i32
    %ne3A_467 = arith.constant 0 : i32
    %ne3A_468 = arith.cmpi ne, %rem3A_466, %ne3A_467 : i32
    %lt3A_469 = arith.constant 0 : i32
    %lt3A_470 = arith.cmpi slt, %rem3A_466, %lt3A_469 : i32
    %lt3A_471 = arith.constant 0 : i32
    %lt3A_472 = arith.cmpi slt, %select_n3A_465, %lt3A_471 : i32
    %ne3A_473 = arith.xori %lt3A_470, %lt3A_472 : i1
    %and3A_474 = arith.andi %ne3A_473, %ne3A_468 : i1
    %add3A_475 = arith.addi %rem3A_466, %select_n3A_465 : i32
    %select_n3A_476 = arith.select %and3A_474, %add3A_475, %rem3A_466 : i32
    %eq3A_477 = vector.broadcast %select_n3A_476 : i32 to vector<8x77xi32>
    %eq3A_478 = arith.cmpi eq, %iota3A, %eq3A_477 : vector<8x77xi32>
    %get3A_479 = arith.constant 0 : index
    %get3A_480 = arith.constant 0 : index
    %get3A_481 = vector.load %arg15[%get3A_479, %get3A_480] : memref<8x77xi32, #tpu.memory_space<vmem>>, vector<8x77xi32>
    %jit3A_482 = arith.constant 0 : i32
    %broadcast_in_dim3A_483 = vector.broadcast %jit3A_482 : i32 to vector<8x77xi32>
    %select_n3A_484 = arith.select %eq3A_478, %get3A_481, %broadcast_in_dim3A_483 : vector<8x77xi1>, vector<8x77xi32>
    %reduce_sum3A_485 = arith.constant dense<0> : vector<77xi32>
    %reduce_sum3A_486 = vector.multi_reduction <add>, %select_n3A_484, %reduce_sum3A_485 [0] : vector<8x77xi32> to vector<77xi32>
    %broadcast_in_dim3A_487 = vector.shape_cast %reduce_sum3A_486 : vector<77xi32> to vector<1x77xi32>
    %swap3A_488 = arith.constant 13 : index
    %swap3A_489 = arith.constant 0 : index
    %swap3A_490 = vector.load %arg66[%swap3A_488, %swap3A_489] : memref<64x77xi32, #tpu.memory_space<vmem>>, vector<1x77xi32>
    tpu.vector_store %arg66[%swap3A_488, %swap3A_489], %broadcast_in_dim3A_487 {strides = array<i32>} : memref<64x77xi32, #tpu.memory_space<vmem>>, vector<1x77xi32>,
    %mul3A_491 = arith.constant 64 : i32
    %mul3A_492 = arith.muli %arg0, %mul3A_491 : i32
    %add3A_493 = arith.constant 14 : i32
    %add3A_494 = arith.addi %mul3A_492, %add3A_493 : i32
    %get3A_495 = arith.index_cast %add3A_494 : i32 to index
    %get3A_496 = memref.load %arg1[%get3A_495] : memref<1024xi32, #tpu.memory_space<smem>>
    %jit3A_497 = arith.constant 8 : i32
    %eq3A_498 = arith.constant 0 : i32
    %eq3A_499 = arith.cmpi eq, %jit3A_497, %eq3A_498 : i32
    %jit3A_500 = arith.constant 1 : i32
    %select_n3A_501 = arith.select %eq3A_499, %jit3A_500, %jit3A_497 : i32
    %rem3A_502 = arith.remsi %get3A_496, %select_n3A_501 : i32
    %ne3A_503 = arith.constant 0 : i32
    %ne3A_504 = arith.cmpi ne, %rem3A_502, %ne3A_503 : i32
    %lt3A_505 = arith.constant 0 : i32
    %lt3A_506 = arith.cmpi slt, %rem3A_502, %lt3A_505 : i32
    %lt3A_507 = arith.constant 0 : i32
    %lt3A_508 = arith.cmpi slt, %select_n3A_501, %lt3A_507 : i32
    %ne3A_509 = arith.xori %lt3A_506, %lt3A_508 : i1
    %and3A_510 = arith.andi %ne3A_509, %ne3A_504 : i1
    %add3A_511 = arith.addi %rem3A_502, %select_n3A_501 : i32
    %select_n3A_512 = arith.select %and3A_510, %add3A_511, %rem3A_502 : i32
    %eq3A_513 = vector.broadcast %select_n3A_512 : i32 to vector<8x77xi32>
    %eq3A_514 = arith.cmpi eq, %iota3A, %eq3A_513 : vector<8x77xi32>
    %get3A_515 = arith.constant 0 : index
    %get3A_516 = arith.constant 0 : index
    %get3A_517 = vector.load %arg16[%get3A_515, %get3A_516] : memref<8x77xi32, #tpu.memory_space<vmem>>, vector<8x77xi32>
    %jit3A_518 = arith.constant 0 : i32
    %broadcast_in_dim3A_519 = vector.broadcast %jit3A_518 : i32 to vector<8x77xi32>
    %select_n3A_520 = arith.select %eq3A_514, %get3A_517, %broadcast_in_dim3A_519 : vector<8x77xi1>, vector<8x77xi32>
    %reduce_sum3A_521 = arith.constant dense<0> : vector<77xi32>
    %reduce_sum3A_522 = vector.multi_reduction <add>, %select_n3A_520, %reduce_sum3A_521 [0] : vector<8x77xi32> to vector<77xi32>
    %broadcast_in_dim3A_523 = vector.shape_cast %reduce_sum3A_522 : vector<77xi32> to vector<1x77xi32>
    %swap3A_524 = arith.constant 14 : index
    %swap3A_525 = arith.constant 0 : index
    %swap3A_526 = vector.load %arg66[%swap3A_524, %swap3A_525] : memref<64x77xi32, #tpu.memory_space<vmem>>, vector<1x77xi32>
    tpu.vector_store %arg66[%swap3A_524, %swap3A_525], %broadcast_in_dim3A_523 {strides = array<i32>} : memref<64x77xi32, #tpu.memory_space<vmem>>, vector<1x77xi32>,
    %mul3A_527 = arith.constant 64 : i32
    %mul3A_528 = arith.muli %arg0, %mul3A_527 : i32
    %add3A_529 = arith.constant 15 : i32
    %add3A_530 = arith.addi %mul3A_528, %add3A_529 : i32
    %get3A_531 = arith.index_cast %add3A_530 : i32 to index
    %get3A_532 = memref.load %arg1[%get3A_531] : memref<1024xi32, #tpu.memory_space<smem>>
    %jit3A_533 = arith.constant 8 : i32
    %eq3A_534 = arith.constant 0 : i32
    %eq3A_535 = arith.cmpi eq, %jit3A_533, %eq3A_534 : i32
    %jit3A_536 = arith.constant 1 : i32
    %select_n3A_537 = arith.select %eq3A_535, %jit3A_536, %jit3A_533 : i32
    %rem3A_538 = arith.remsi %get3A_532, %select_n3A_537 : i32
    %ne3A_539 = arith.constant 0 : i32
    %ne3A_540 = arith.cmpi ne, %rem3A_538, %ne3A_539 : i32
    %lt3A_541 = arith.constant 0 : i32
    %lt3A_542 = arith.cmpi slt, %rem3A_538, %lt3A_541 : i32
    %lt3A_543 = arith.constant 0 : i32
    %lt3A_544 = arith.cmpi slt, %select_n3A_537, %lt3A_543 : i32
    %ne3A_545 = arith.xori %lt3A_542, %lt3A_544 : i1
    %and3A_546 = arith.andi %ne3A_545, %ne3A_540 : i1
    %add3A_547 = arith.addi %rem3A_538, %select_n3A_537 : i32
    %select_n3A_548 = arith.select %and3A_546, %add3A_547, %rem3A_538 : i32
    %eq3A_549 = vector.broadcast %select_n3A_548 : i32 to vector<8x77xi32>
    %eq3A_550 = arith.cmpi eq, %iota3A, %eq3A_549 : vector<8x77xi32>
    %get3A_551 = arith.constant 0 : index
    %get3A_552 = arith.constant 0 : index
    %get3A_553 = vector.load %arg17[%get3A_551, %get3A_552] : memref<8x77xi32, #tpu.memory_space<vmem>>, vector<8x77xi32>
    %jit3A_554 = arith.constant 0 : i32
    %broadcast_in_dim3A_555 = vector.broadcast %jit3A_554 : i32 to vector<8x77xi32>
    %select_n3A_556 = arith.select %eq3A_550, %get3A_553, %broadcast_in_dim3A_555 : vector<8x77xi1>, vector<8x77xi32>
    %reduce_sum3A_557 = arith.constant dense<0> : vector<77xi32>
    %reduce_sum3A_558 = vector.multi_reduction <add>, %select_n3A_556, %reduce_sum3A_557 [0] : vector<8x77xi32> to vector<77xi32>
    %broadcast_in_dim3A_559 = vector.shape_cast %reduce_sum3A_558 : vector<77xi32> to vector<1x77xi32>
    %swap3A_560 = arith.constant 15 : index
    %swap3A_561 = arith.constant 0 : index
    %swap3A_562 = vector.load %arg66[%swap3A_560, %swap3A_561] : memref<64x77xi32, #tpu.memory_space<vmem>>, vector<1x77xi32>
    tpu.vector_store %arg66[%swap3A_560, %swap3A_561], %broadcast_in_dim3A_559 {strides = array<i32>} : memref<64x77xi32, #tpu.memory_space<vmem>>, vector<1x77xi32>,
    %mul3A_563 = arith.constant 64 : i32
    %mul3A_564 = arith.muli %arg0, %mul3A_563 : i32
    %add3A_565 = arith.constant 16 : i32
    %add3A_566 = arith.addi %mul3A_564, %add3A_565 : i32
    %get3A_567 = arith.index_cast %add3A_566 : i32 to index
    %get3A_568 = memref.load %arg1[%get3A_567] : memref<1024xi32, #tpu.memory_space<smem>>
    %jit3A_569 = arith.constant 8 : i32
    %eq3A_570 = arith.constant 0 : i32
    %eq3A_571 = arith.cmpi eq, %jit3A_569, %eq3A_570 : i32
    %jit3A_572 = arith.constant 1 : i32
    %select_n3A_573 = arith.select %eq3A_571, %jit3A_572, %jit3A_569 : i32
    %rem3A_574 = arith.remsi %get3A_568, %select_n3A_573 : i32
    %ne3A_575 = arith.constant 0 : i32
    %ne3A_576 = arith.cmpi ne, %rem3A_574, %ne3A_575 : i32
    %lt3A_577 = arith.constant 0 : i32
    %lt3A_578 = arith.cmpi slt, %rem3A_574, %lt3A_577 : i32
    %lt3A_579 = arith.constant 0 : i32
    %lt3A_580 = arith.cmpi slt, %select_n3A_573, %lt3A_579 : i32
    %ne3A_581 = arith.xori %lt3A_578, %lt3A_580 : i1
    %and3A_582 = arith.andi %ne3A_581, %ne3A_576 : i1
    %add3A_583 = arith.addi %rem3A_574, %select_n3A_573 : i32
    %select_n3A_584 = arith.select %and3A_582, %add3A_583, %rem3A_574 : i32
    %eq3A_585 = vector.broadcast %select_n3A_584 : i32 to vector<8x77xi32>
    %eq3A_586 = arith.cmpi eq, %iota3A, %eq3A_585 : vector<8x77xi32>
    %get3A_587 = arith.constant 0 : index
    %get3A_588 = arith.constant 0 : index
    %get3A_589 = vector.load %arg18[%get3A_587, %get3A_588] : memref<8x77xi32, #tpu.memory_space<vmem>>, vector<8x77xi32>
    %jit3A_590 = arith.constant 0 : i32
    %broadcast_in_dim3A_591 = vector.broadcast %jit3A_590 : i32 to vector<8x77xi32>
    %select_n3A_592 = arith.select %eq3A_586, %get3A_589, %broadcast_in_dim3A_591 : vector<8x77xi1>, vector<8x77xi32>
    %reduce_sum3A_593 = arith.constant dense<0> : vector<77xi32>
    %reduce_sum3A_594 = vector.multi_reduction <add>, %select_n3A_592, %reduce_sum3A_593 [0] : vector<8x77xi32> to vector<77xi32>
    %broadcast_in_dim3A_595 = vector.shape_cast %reduce_sum3A_594 : vector<77xi32> to vector<1x77xi32>
    %swap3A_596 = arith.constant 16 : index
    %swap3A_597 = arith.constant 0 : index
    %swap3A_598 = vector.load %arg66[%swap3A_596, %swap3A_597] : memref<64x77xi32, #tpu.memory_space<vmem>>, vector<1x77xi32>
    tpu.vector_store %arg66[%swap3A_596, %swap3A_597], %broadcast_in_dim3A_595 {strides = array<i32>} : memref<64x77xi32, #tpu.memory_space<vmem>>, vector<1x77xi32>,
    %mul3A_599 = arith.constant 64 : i32
    %mul3A_600 = arith.muli %arg0, %mul3A_599 : i32
    %add3A_601 = arith.constant 17 : i32
    %add3A_602 = arith.addi %mul3A_600, %add3A_601 : i32
    %get3A_603 = arith.index_cast %add3A_602 : i32 to index
    %get3A_604 = memref.load %arg1[%get3A_603] : memref<1024xi32, #tpu.memory_space<smem>>
    %jit3A_605 = arith.constant 8 : i32
    %eq3A_606 = arith.constant 0 : i32
    %eq3A_607 = arith.cmpi eq, %jit3A_605, %eq3A_606 : i32
    %jit3A_608 = arith.constant 1 : i32
    %select_n3A_609 = arith.select %eq3A_607, %jit3A_608, %jit3A_605 : i32
    %rem3A_610 = arith.remsi %get3A_604, %select_n3A_609 : i32
    %ne3A_611 = arith.constant 0 : i32
    %ne3A_612 = arith.cmpi ne, %rem3A_610, %ne3A_611 : i32
    %lt3A_613 = arith.constant 0 : i32
    %lt3A_614 = arith.cmpi slt, %rem3A_610, %lt3A_613 : i32
    %lt3A_615 = arith.constant 0 : i32
    %lt3A_616 = arith.cmpi slt, %select_n3A_609, %lt3A_615 : i32
    %ne3A_617 = arith.xori %lt3A_614, %lt3A_616 : i1
    %and3A_618 = arith.andi %ne3A_617, %ne3A_612 : i1
    %add3A_619 = arith.addi %rem3A_610, %select_n3A_609 : i32
    %select_n3A_620 = arith.select %and3A_618, %add3A_619, %rem3A_610 : i32
    %eq3A_621 = vector.broadcast %select_n3A_620 : i32 to vector<8x77xi32>
    %eq3A_622 = arith.cmpi eq, %iota3A, %eq3A_621 : vector<8x77xi32>
    %get3A_623 = arith.constant 0 : index
    %get3A_624 = arith.constant 0 : index
    %get3A_625 = vector.load %arg19[%get3A_623, %get3A_624] : memref<8x77xi32, #tpu.memory_space<vmem>>, vector<8x77xi32>
    %jit3A_626 = arith.constant 0 : i32
    %broadcast_in_dim3A_627 = vector.broadcast %jit3A_626 : i32 to vector<8x77xi32>
    %select_n3A_628 = arith.select %eq3A_622, %get3A_625, %broadcast_in_dim3A_627 : vector<8x77xi1>, vector<8x77xi32>
    %reduce_sum3A_629 = arith.constant dense<0> : vector<77xi32>
    %reduce_sum3A_630 = vector.multi_reduction <add>, %select_n3A_628, %reduce_sum3A_629 [0] : vector<8x77xi32> to vector<77xi32>
    %broadcast_in_dim3A_631 = vector.shape_cast %reduce_sum3A_630 : vector<77xi32> to vector<1x77xi32>
    %swap3A_632 = arith.constant 17 : index
    %swap3A_633 = arith.constant 0 : index
    %swap3A_634 = vector.load %arg66[%swap3A_632, %swap3A_633] : memref<64x77xi32, #tpu.memory_space<vmem>>, vector<1x77xi32>
    tpu.vector_store %arg66[%swap3A_632, %swap3A_633], %broadcast_in_dim3A_631 {strides = array<i32>} : memref<64x77xi32, #tpu.memory_space<vmem>>, vector<1x77xi32>,
    %mul3A_635 = arith.constant 64 : i32
    %mul3A_636 = arith.muli %arg0, %mul3A_635 : i32
    %add3A_637 = arith.constant 18 : i32
    %add3A_638 = arith.addi %mul3A_636, %add3A_637 : i32
    %get3A_639 = arith.index_cast %add3A_638 : i32 to index
    %get3A_640 = memref.load %arg1[%get3A_639] : memref<1024xi32, #tpu.memory_space<smem>>
    %jit3A_641 = arith.constant 8 : i32
    %eq3A_642 = arith.constant 0 : i32
    %eq3A_643 = arith.cmpi eq, %jit3A_641, %eq3A_642 : i32
    %jit3A_644 = arith.constant 1 : i32
    %select_n3A_645 = arith.select %eq3A_643, %jit3A_644, %jit3A_641 : i32
    %rem3A_646 = arith.remsi %get3A_640, %select_n3A_645 : i32
    %ne3A_647 = arith.constant 0 : i32
    %ne3A_648 = arith.cmpi ne, %rem3A_646, %ne3A_647 : i32
    %lt3A_649 = arith.constant 0 : i32
    %lt3A_650 = arith.cmpi slt, %rem3A_646, %lt3A_649 : i32
    %lt3A_651 = arith.constant 0 : i32
    %lt3A_652 = arith.cmpi slt, %select_n3A_645, %lt3A_651 : i32
    %ne3A_653 = arith.xori %lt3A_650, %lt3A_652 : i1
    %and3A_654 = arith.andi %ne3A_653, %ne3A_648 : i1
    %add3A_655 = arith.addi %rem3A_646, %select_n3A_645 : i32
    %select_n3A_656 = arith.select %and3A_654, %add3A_655, %rem3A_646 : i32
    %eq3A_657 = vector.broadcast %select_n3A_656 : i32 to vector<8x77xi32>
    %eq3A_658 = arith.cmpi eq, %iota3A, %eq3A_657 : vector<8x77xi32>
    %get3A_659 = arith.constant 0 : index
    %get3A_660 = arith.constant 0 : index
    %get3A_661 = vector.load %arg20[%get3A_659, %get3A_660] : memref<8x77xi32, #tpu.memory_space<vmem>>, vector<8x77xi32>
    %jit3A_662 = arith.constant 0 : i32
    %broadcast_in_dim3A_663 = vector.broadcast %jit3A_662 : i32 to vector<8x77xi32>
    %select_n3A_664 = arith.select %eq3A_658, %get3A_661, %broadcast_in_dim3A_663 : vector<8x77xi1>, vector<8x77xi32>
    %reduce_sum3A_665 = arith.constant dense<0> : vector<77xi32>
    %reduce_sum3A_666 = vector.multi_reduction <add>, %select_n3A_664, %reduce_sum3A_665 [0] : vector<8x77xi32> to vector<77xi32>
    %broadcast_in_dim3A_667 = vector.shape_cast %reduce_sum3A_666 : vector<77xi32> to vector<1x77xi32>
    %swap3A_668 = arith.constant 18 : index
    %swap3A_669 = arith.constant 0 : index
    %swap3A_670 = vector.load %arg66[%swap3A_668, %swap3A_669] : memref<64x77xi32, #tpu.memory_space<vmem>>, vector<1x77xi32>
    tpu.vector_store %arg66[%swap3A_668, %swap3A_669], %broadcast_in_dim3A_667 {strides = array<i32>} : memref<64x77xi32, #tpu.memory_space<vmem>>, vector<1x77xi32>,
    %mul3A_671 = arith.constant 64 : i32
    %mul3A_672 = arith.muli %arg0, %mul3A_671 : i32
    %add3A_673 = arith.constant 19 : i32
    %add3A_674 = arith.addi %mul3A_672, %add3A_673 : i32
    %get3A_675 = arith.index_cast %add3A_674 : i32 to index
    %get3A_676 = memref.load %arg1[%get3A_675] : memref<1024xi32, #tpu.memory_space<smem>>
    %jit3A_677 = arith.constant 8 : i32
    %eq3A_678 = arith.constant 0 : i32
    %eq3A_679 = arith.cmpi eq, %jit3A_677, %eq3A_678 : i32
    %jit3A_680 = arith.constant 1 : i32
    %select_n3A_681 = arith.select %eq3A_679, %jit3A_680, %jit3A_677 : i32
    %rem3A_682 = arith.remsi %get3A_676, %select_n3A_681 : i32
    %ne3A_683 = arith.constant 0 : i32
    %ne3A_684 = arith.cmpi ne, %rem3A_682, %ne3A_683 : i32
    %lt3A_685 = arith.constant 0 : i32
    %lt3A_686 = arith.cmpi slt, %rem3A_682, %lt3A_685 : i32
    %lt3A_687 = arith.constant 0 : i32
    %lt3A_688 = arith.cmpi slt, %select_n3A_681, %lt3A_687 : i32
    %ne3A_689 = arith.xori %lt3A_686, %lt3A_688 : i1
    %and3A_690 = arith.andi %ne3A_689, %ne3A_684 : i1
    %add3A_691 = arith.addi %rem3A_682, %select_n3A_681 : i32
    %select_n3A_692 = arith.select %and3A_690, %add3A_691, %rem3A_682 : i32
    %eq3A_693 = vector.broadcast %select_n3A_692 : i32 to vector<8x77xi32>
    %eq3A_694 = arith.cmpi eq, %iota3A, %eq3A_693 : vector<8x77xi32>
    %get3A_695 = arith.constant 0 : index
    %get3A_696 = arith.constant 0 : index
    %get3A_697 = vector.load %arg21[%get3A_695, %get3A_696] : memref<8x77xi32, #tpu.memory_space<vmem>>, vector<8x77xi32>
    %jit3A_698 = arith.constant 0 : i32
    %broadcast_in_dim3A_699 = vector.broadcast %jit3A_698 : i32 to vector<8x77xi32>
    %select_n3A_700 = arith.select %eq3A_694, %get3A_697, %broadcast_in_dim3A_699 : vector<8x77xi1>, vector<8x77xi32>
    %reduce_sum3A_701 = arith.constant dense<0> : vector<77xi32>
    %reduce_sum3A_702 = vector.multi_reduction <add>, %select_n3A_700, %reduce_sum3A_701 [0] : vector<8x77xi32> to vector<77xi32>
    %broadcast_in_dim3A_703 = vector.shape_cast %reduce_sum3A_702 : vector<77xi32> to vector<1x77xi32>
    %swap3A_704 = arith.constant 19 : index
    %swap3A_705 = arith.constant 0 : index
    %swap3A_706 = vector.load %arg66[%swap3A_704, %swap3A_705] : memref<64x77xi32, #tpu.memory_space<vmem>>, vector<1x77xi32>
    tpu.vector_store %arg66[%swap3A_704, %swap3A_705], %broadcast_in_dim3A_703 {strides = array<i32>} : memref<64x77xi32, #tpu.memory_space<vmem>>, vector<1x77xi32>,
    %mul3A_707 = arith.constant 64 : i32
    %mul3A_708 = arith.muli %arg0, %mul3A_707 : i32
    %add3A_709 = arith.constant 20 : i32
    %add3A_710 = arith.addi %mul3A_708, %add3A_709 : i32
    %get3A_711 = arith.index_cast %add3A_710 : i32 to index
    %get3A_712 = memref.load %arg1[%get3A_711] : memref<1024xi32, #tpu.memory_space<smem>>
    %jit3A_713 = arith.constant 8 : i32
    %eq3A_714 = arith.constant 0 : i32
    %eq3A_715 = arith.cmpi eq, %jit3A_713, %eq3A_714 : i32
    %jit3A_716 = arith.constant 1 : i32
    %select_n3A_717 = arith.select %eq3A_715, %jit3A_716, %jit3A_713 : i32
    %rem3A_718 = arith.remsi %get3A_712, %select_n3A_717 : i32
    %ne3A_719 = arith.constant 0 : i32
    %ne3A_720 = arith.cmpi ne, %rem3A_718, %ne3A_719 : i32
    %lt3A_721 = arith.constant 0 : i32
    %lt3A_722 = arith.cmpi slt, %rem3A_718, %lt3A_721 : i32
    %lt3A_723 = arith.constant 0 : i32
    %lt3A_724 = arith.cmpi slt, %select_n3A_717, %lt3A_723 : i32
    %ne3A_725 = arith.xori %lt3A_722, %lt3A_724 : i1
    %and3A_726 = arith.andi %ne3A_725, %ne3A_720 : i1
    %add3A_727 = arith.addi %rem3A_718, %select_n3A_717 : i32
    %select_n3A_728 = arith.select %and3A_726, %add3A_727, %rem3A_718 : i32
    %eq3A_729 = vector.broadcast %select_n3A_728 : i32 to vector<8x77xi32>
    %eq3A_730 = arith.cmpi eq, %iota3A, %eq3A_729 : vector<8x77xi32>
    %get3A_731 = arith.constant 0 : index
    %get3A_732 = arith.constant 0 : index
    %get3A_733 = vector.load %arg22[%get3A_731, %get3A_732] : memref<8x77xi32, #tpu.memory_space<vmem>>, vector<8x77xi32>
    %jit3A_734 = arith.constant 0 : i32
    %broadcast_in_dim3A_735 = vector.broadcast %jit3A_734 : i32 to vector<8x77xi32>
    %select_n3A_736 = arith.select %eq3A_730, %get3A_733, %broadcast_in_dim3A_735 : vector<8x77xi1>, vector<8x77xi32>
    %reduce_sum3A_737 = arith.constant dense<0> : vector<77xi32>
    %reduce_sum3A_738 = vector.multi_reduction <add>, %select_n3A_736, %reduce_sum3A_737 [0] : vector<8x77xi32> to vector<77xi32>
    %broadcast_in_dim3A_739 = vector.shape_cast %reduce_sum3A_738 : vector<77xi32> to vector<1x77xi32>
    %swap3A_740 = arith.constant 20 : index
    %swap3A_741 = arith.constant 0 : index
    %swap3A_742 = vector.load %arg66[%swap3A_740, %swap3A_741] : memref<64x77xi32, #tpu.memory_space<vmem>>, vector<1x77xi32>
    tpu.vector_store %arg66[%swap3A_740, %swap3A_741], %broadcast_in_dim3A_739 {strides = array<i32>} : memref<64x77xi32, #tpu.memory_space<vmem>>, vector<1x77xi32>,
    %mul3A_743 = arith.constant 64 : i32
    %mul3A_744 = arith.muli %arg0, %mul3A_743 : i32
    %add3A_745 = arith.constant 21 : i32
    %add3A_746 = arith.addi %mul3A_744, %add3A_745 : i32
    %get3A_747 = arith.index_cast %add3A_746 : i32 to index
    %get3A_748 = memref.load %arg1[%get3A_747] : memref<1024xi32, #tpu.memory_space<smem>>
    %jit3A_749 = arith.constant 8 : i32
    %eq3A_750 = arith.constant 0 : i32
    %eq3A_751 = arith.cmpi eq, %jit3A_749, %eq3A_750 : i32
    %jit3A_752 = arith.constant 1 : i32
    %select_n3A_753 = arith.select %eq3A_751, %jit3A_752, %jit3A_749 : i32
    %rem3A_754 = arith.remsi %get3A_748, %select_n3A_753 : i32
    %ne3A_755 = arith.constant 0 : i32
    %ne3A_756 = arith.cmpi ne, %rem3A_754, %ne3A_755 : i32
    %lt3A_757 = arith.constant 0 : i32
    %lt3A_758 = arith.cmpi slt, %rem3A_754, %lt3A_757 : i32
    %lt3A_759 = arith.constant 0 : i32
    %lt3A_760 = arith.cmpi slt, %select_n3A_753, %lt3A_759 : i32
    %ne3A_761 = arith.xori %lt3A_758, %lt3A_760 : i1
    %and3A_762 = arith.andi %ne3A_761, %ne3A_756 : i1
    %add3A_763 = arith.addi %rem3A_754, %select_n3A_753 : i32
    %select_n3A_764 = arith.select %and3A_762, %add3A_763, %rem3A_754 : i32
    %eq3A_765 = vector.broadcast %select_n3A_764 : i32 to vector<8x77xi32>
    %eq3A_766 = arith.cmpi eq, %iota3A, %eq3A_765 : vector<8x77xi32>
    %get3A_767 = arith.constant 0 : index
    %get3A_768 = arith.constant 0 : index
    %get3A_769 = vector.load %arg23[%get3A_767, %get3A_768] : memref<8x77xi32, #tpu.memory_space<vmem>>, vector<8x77xi32>
    %jit3A_770 = arith.constant 0 : i32
    %broadcast_in_dim3A_771 = vector.broadcast %jit3A_770 : i32 to vector<8x77xi32>
    %select_n3A_772 = arith.select %eq3A_766, %get3A_769, %broadcast_in_dim3A_771 : vector<8x77xi1>, vector<8x77xi32>
    %reduce_sum3A_773 = arith.constant dense<0> : vector<77xi32>
    %reduce_sum3A_774 = vector.multi_reduction <add>, %select_n3A_772, %reduce_sum3A_773 [0] : vector<8x77xi32> to vector<77xi32>
    %broadcast_in_dim3A_775 = vector.shape_cast %reduce_sum3A_774 : vector<77xi32> to vector<1x77xi32>
    %swap3A_776 = arith.constant 21 : index
    %swap3A_777 = arith.constant 0 : index
    %swap3A_778 = vector.load %arg66[%swap3A_776, %swap3A_777] : memref<64x77xi32, #tpu.memory_space<vmem>>, vector<1x77xi32>
    tpu.vector_store %arg66[%swap3A_776, %swap3A_777], %broadcast_in_dim3A_775 {strides = array<i32>} : memref<64x77xi32, #tpu.memory_space<vmem>>, vector<1x77xi32>,
    %mul3A_779 = arith.constant 64 : i32
    %mul3A_780 = arith.muli %arg0, %mul3A_779 : i32
    %add3A_781 = arith.constant 22 : i32
    %add3A_782 = arith.addi %mul3A_780, %add3A_781 : i32
    %get3A_783 = arith.index_cast %add3A_782 : i32 to index
    %get3A_784 = memref.load %arg1[%get3A_783] : memref<1024xi32, #tpu.memory_space<smem>>
    %jit3A_785 = arith.constant 8 : i32
    %eq3A_786 = arith.constant 0 : i32
    %eq3A_787 = arith.cmpi eq, %jit3A_785, %eq3A_786 : i32
    %jit3A_788 = arith.constant 1 : i32
    %select_n3A_789 = arith.select %eq3A_787, %jit3A_788, %jit3A_785 : i32
    %rem3A_790 = arith.remsi %get3A_784, %select_n3A_789 : i32
    %ne3A_791 = arith.constant 0 : i32
    %ne3A_792 = arith.cmpi ne, %rem3A_790, %ne3A_791 : i32
    %lt3A_793 = arith.constant 0 : i32
    %lt3A_794 = arith.cmpi slt, %rem3A_790, %lt3A_793 : i32
    %lt3A_795 = arith.constant 0 : i32
    %lt3A_796 = arith.cmpi slt, %select_n3A_789, %lt3A_795 : i32
    %ne3A_797 = arith.xori %lt3A_794, %lt3A_796 : i1
    %and3A_798 = arith.andi %ne3A_797, %ne3A_792 : i1
    %add3A_799 = arith.addi %rem3A_790, %select_n3A_789 : i32
    %select_n3A_800 = arith.select %and3A_798, %add3A_799, %rem3A_790 : i32
    %eq3A_801 = vector.broadcast %select_n3A_800 : i32 to vector<8x77xi32>
    %eq3A_802 = arith.cmpi eq, %iota3A, %eq3A_801 : vector<8x77xi32>
    %get3A_803 = arith.constant 0 : index
    %get3A_804 = arith.constant 0 : index
    %get3A_805 = vector.load %arg24[%get3A_803, %get3A_804] : memref<8x77xi32, #tpu.memory_space<vmem>>, vector<8x77xi32>
    %jit3A_806 = arith.constant 0 : i32
    %broadcast_in_dim3A_807 = vector.broadcast %jit3A_806 : i32 to vector<8x77xi32>
    %select_n3A_808 = arith.select %eq3A_802, %get3A_805, %broadcast_in_dim3A_807 : vector<8x77xi1>, vector<8x77xi32>
    %reduce_sum3A_809 = arith.constant dense<0> : vector<77xi32>
    %reduce_sum3A_810 = vector.multi_reduction <add>, %select_n3A_808, %reduce_sum3A_809 [0] : vector<8x77xi32> to vector<77xi32>
    %broadcast_in_dim3A_811 = vector.shape_cast %reduce_sum3A_810 : vector<77xi32> to vector<1x77xi32>
    %swap3A_812 = arith.constant 22 : index
    %swap3A_813 = arith.constant 0 : index
    %swap3A_814 = vector.load %arg66[%swap3A_812, %swap3A_813] : memref<64x77xi32, #tpu.memory_space<vmem>>, vector<1x77xi32>
    tpu.vector_store %arg66[%swap3A_812, %swap3A_813], %broadcast_in_dim3A_811 {strides = array<i32>} : memref<64x77xi32, #tpu.memory_space<vmem>>, vector<1x77xi32>,
    %mul3A_815 = arith.constant 64 : i32
    %mul3A_816 = arith.muli %arg0, %mul3A_815 : i32
    %add3A_817 = arith.constant 23 : i32
    %add3A_818 = arith.addi %mul3A_816, %add3A_817 : i32
    %get3A_819 = arith.index_cast %add3A_818 : i32 to index
    %get3A_820 = memref.load %arg1[%get3A_819] : memref<1024xi32, #tpu.memory_space<smem>>
    %jit3A_821 = arith.constant 8 : i32
    %eq3A_822 = arith.constant 0 : i32
    %eq3A_823 = arith.cmpi eq, %jit3A_821, %eq3A_822 : i32
    %jit3A_824 = arith.constant 1 : i32
    %select_n3A_825 = arith.select %eq3A_823, %jit3A_824, %jit3A_821 : i32
    %rem3A_826 = arith.remsi %get3A_820, %select_n3A_825 : i32
    %ne3A_827 = arith.constant 0 : i32
    %ne3A_828 = arith.cmpi ne, %rem3A_826, %ne3A_827 : i32
    %lt3A_829 = arith.constant 0 : i32
    %lt3A_830 = arith.cmpi slt, %rem3A_826, %lt3A_829 : i32
    %lt3A_831 = arith.constant 0 : i32
    %lt3A_832 = arith.cmpi slt, %select_n3A_825, %lt3A_831 : i32
    %ne3A_833 = arith.xori %lt3A_830, %lt3A_832 : i1
    %and3A_834 = arith.andi %ne3A_833, %ne3A_828 : i1
    %add3A_835 = arith.addi %rem3A_826, %select_n3A_825 : i32
    %select_n3A_836 = arith.select %and3A_834, %add3A_835, %rem3A_826 : i32
    %eq3A_837 = vector.broadcast %select_n3A_836 : i32 to vector<8x77xi32>
    %eq3A_838 = arith.cmpi eq, %iota3A, %eq3A_837 : vector<8x77xi32>
    %get3A_839 = arith.constant 0 : index
    %get3A_840 = arith.constant 0 : index
    %get3A_841 = vector.load %arg25[%get3A_839, %get3A_840] : memref<8x77xi32, #tpu.memory_space<vmem>>, vector<8x77xi32>
    %jit3A_842 = arith.constant 0 : i32
    %broadcast_in_dim3A_843 = vector.broadcast %jit3A_842 : i32 to vector<8x77xi32>
    %select_n3A_844 = arith.select %eq3A_838, %get3A_841, %broadcast_in_dim3A_843 : vector<8x77xi1>, vector<8x77xi32>
    %reduce_sum3A_845 = arith.constant dense<0> : vector<77xi32>
    %reduce_sum3A_846 = vector.multi_reduction <add>, %select_n3A_844, %reduce_sum3A_845 [0] : vector<8x77xi32> to vector<77xi32>
    %broadcast_in_dim3A_847 = vector.shape_cast %reduce_sum3A_846 : vector<77xi32> to vector<1x77xi32>
    %swap3A_848 = arith.constant 23 : index
    %swap3A_849 = arith.constant 0 : index
    %swap3A_850 = vector.load %arg66[%swap3A_848, %swap3A_849] : memref<64x77xi32, #tpu.memory_space<vmem>>, vector<1x77xi32>
    tpu.vector_store %arg66[%swap3A_848, %swap3A_849], %broadcast_in_dim3A_847 {strides = array<i32>} : memref<64x77xi32, #tpu.memory_space<vmem>>, vector<1x77xi32>,
    %mul3A_851 = arith.constant 64 : i32
    %mul3A_852 = arith.muli %arg0, %mul3A_851 : i32
    %add3A_853 = arith.constant 24 : i32
    %add3A_854 = arith.addi %mul3A_852, %add3A_853 : i32
    %get3A_855 = arith.index_cast %add3A_854 : i32 to index
    %get3A_856 = memref.load %arg1[%get3A_855] : memref<1024xi32, #tpu.memory_space<smem>>
    %jit3A_857 = arith.constant 8 : i32
    %eq3A_858 = arith.constant 0 : i32
    %eq3A_859 = arith.cmpi eq, %jit3A_857, %eq3A_858 : i32
    %jit3A_860 = arith.constant 1 : i32
    %select_n3A_861 = arith.select %eq3A_859, %jit3A_860, %jit3A_857 : i32
    %rem3A_862 = arith.remsi %get3A_856, %select_n3A_861 : i32
    %ne3A_863 = arith.constant 0 : i32
    %ne3A_864 = arith.cmpi ne, %rem3A_862, %ne3A_863 : i32
    %lt3A_865 = arith.constant 0 : i32
    %lt3A_866 = arith.cmpi slt, %rem3A_862, %lt3A_865 : i32
    %lt3A_867 = arith.constant 0 : i32
    %lt3A_868 = arith.cmpi slt, %select_n3A_861, %lt3A_867 : i32
    %ne3A_869 = arith.xori %lt3A_866, %lt3A_868 : i1
    %and3A_870 = arith.andi %ne3A_869, %ne3A_864 : i1
    %add3A_871 = arith.addi %rem3A_862, %select_n3A_861 : i32
    %select_n3A_872 = arith.select %and3A_870, %add3A_871, %rem3A_862 : i32
    %eq3A_873 = vector.broadcast %select_n3A_872 : i32 to vector<8x77xi32>
    %eq3A_874 = arith.cmpi eq, %iota3A, %eq3A_873 : vector<8x77xi32>
    %get3A_875 = arith.constant 0 : index
    %get3A_876 = arith.constant 0 : index
    %get3A_877 = vector.load %arg26[%get3A_875, %get3A_876] : memref<8x77xi32, #tpu.memory_space<vmem>>, vector<8x77xi32>
    %jit3A_878 = arith.constant 0 : i32
    %broadcast_in_dim3A_879 = vector.broadcast %jit3A_878 : i32 to vector<8x77xi32>
    %select_n3A_880 = arith.select %eq3A_874, %get3A_877, %broadcast_in_dim3A_879 : vector<8x77xi1>, vector<8x77xi32>
    %reduce_sum3A_881 = arith.constant dense<0> : vector<77xi32>
    %reduce_sum3A_882 = vector.multi_reduction <add>, %select_n3A_880, %reduce_sum3A_881 [0] : vector<8x77xi32> to vector<77xi32>
    %broadcast_in_dim3A_883 = vector.shape_cast %reduce_sum3A_882 : vector<77xi32> to vector<1x77xi32>
    %swap3A_884 = arith.constant 24 : index
    %swap3A_885 = arith.constant 0 : index
    %swap3A_886 = vector.load %arg66[%swap3A_884, %swap3A_885] : memref<64x77xi32, #tpu.memory_space<vmem>>, vector<1x77xi32>
    tpu.vector_store %arg66[%swap3A_884, %swap3A_885], %broadcast_in_dim3A_883 {strides = array<i32>} : memref<64x77xi32, #tpu.memory_space<vmem>>, vector<1x77xi32>,
    %mul3A_887 = arith.constant 64 : i32
    %mul3A_888 = arith.muli %arg0, %mul3A_887 : i32
    %add3A_889 = arith.constant 25 : i32
    %add3A_890 = arith.addi %mul3A_888, %add3A_889 : i32
    %get3A_891 = arith.index_cast %add3A_890 : i32 to index
    %get3A_892 = memref.load %arg1[%get3A_891] : memref<1024xi32, #tpu.memory_space<smem>>
    %jit3A_893 = arith.constant 8 : i32
    %eq3A_894 = arith.constant 0 : i32
    %eq3A_895 = arith.cmpi eq, %jit3A_893, %eq3A_894 : i32
    %jit3A_896 = arith.constant 1 : i32
    %select_n3A_897 = arith.select %eq3A_895, %jit3A_896, %jit3A_893 : i32
    %rem3A_898 = arith.remsi %get3A_892, %select_n3A_897 : i32
    %ne3A_899 = arith.constant 0 : i32
    %ne3A_900 = arith.cmpi ne, %rem3A_898, %ne3A_899 : i32
    %lt3A_901 = arith.constant 0 : i32
    %lt3A_902 = arith.cmpi slt, %rem3A_898, %lt3A_901 : i32
    %lt3A_903 = arith.constant 0 : i32
    %lt3A_904 = arith.cmpi slt, %select_n3A_897, %lt3A_903 : i32
    %ne3A_905 = arith.xori %lt3A_902, %lt3A_904 : i1
    %and3A_906 = arith.andi %ne3A_905, %ne3A_900 : i1
    %add3A_907 = arith.addi %rem3A_898, %select_n3A_897 : i32
    %select_n3A_908 = arith.select %and3A_906, %add3A_907, %rem3A_898 : i32
    %eq3A_909 = vector.broadcast %select_n3A_908 : i32 to vector<8x77xi32>
    %eq3A_910 = arith.cmpi eq, %iota3A, %eq3A_909 : vector<8x77xi32>
    %get3A_911 = arith.constant 0 : index
    %get3A_912 = arith.constant 0 : index
    %get3A_913 = vector.load %arg27[%get3A_911, %get3A_912] : memref<8x77xi32, #tpu.memory_space<vmem>>, vector<8x77xi32>
    %jit3A_914 = arith.constant 0 : i32
    %broadcast_in_dim3A_915 = vector.broadcast %jit3A_914 : i32 to vector<8x77xi32>
    %select_n3A_916 = arith.select %eq3A_910, %get3A_913, %broadcast_in_dim3A_915 : vector<8x77xi1>, vector<8x77xi32>
    %reduce_sum3A_917 = arith.constant dense<0> : vector<77xi32>
    %reduce_sum3A_918 = vector.multi_reduction <add>, %select_n3A_916, %reduce_sum3A_917 [0] : vector<8x77xi32> to vector<77xi32>
    %broadcast_in_dim3A_919 = vector.shape_cast %reduce_sum3A_918 : vector<77xi32> to vector<1x77xi32>
    %swap3A_920 = arith.constant 25 : index
    %swap3A_921 = arith.constant 0 : index
    %swap3A_922 = vector.load %arg66[%swap3A_920, %swap3A_921] : memref<64x77xi32, #tpu.memory_space<vmem>>, vector<1x77xi32>
    tpu.vector_store %arg66[%swap3A_920, %swap3A_921], %broadcast_in_dim3A_919 {strides = array<i32>} : memref<64x77xi32, #tpu.memory_space<vmem>>, vector<1x77xi32>,
    %mul3A_923 = arith.constant 64 : i32
    %mul3A_924 = arith.muli %arg0, %mul3A_923 : i32
    %add3A_925 = arith.constant 26 : i32
    %add3A_926 = arith.addi %mul3A_924, %add3A_925 : i32
    %get3A_927 = arith.index_cast %add3A_926 : i32 to index
    %get3A_928 = memref.load %arg1[%get3A_927] : memref<1024xi32, #tpu.memory_space<smem>>
    %jit3A_929 = arith.constant 8 : i32
    %eq3A_930 = arith.constant 0 : i32
    %eq3A_931 = arith.cmpi eq, %jit3A_929, %eq3A_930 : i32
    %jit3A_932 = arith.constant 1 : i32
    %select_n3A_933 = arith.select %eq3A_931, %jit3A_932, %jit3A_929 : i32
    %rem3A_934 = arith.remsi %get3A_928, %select_n3A_933 : i32
    %ne3A_935 = arith.constant 0 : i32
    %ne3A_936 = arith.cmpi ne, %rem3A_934, %ne3A_935 : i32
    %lt3A_937 = arith.constant 0 : i32
    %lt3A_938 = arith.cmpi slt, %rem3A_934, %lt3A_937 : i32
    %lt3A_939 = arith.constant 0 : i32
    %lt3A_940 = arith.cmpi slt, %select_n3A_933, %lt3A_939 : i32
    %ne3A_941 = arith.xori %lt3A_938, %lt3A_940 : i1
    %and3A_942 = arith.andi %ne3A_941, %ne3A_936 : i1
    %add3A_943 = arith.addi %rem3A_934, %select_n3A_933 : i32
    %select_n3A_944 = arith.select %and3A_942, %add3A_943, %rem3A_934 : i32
    %eq3A_945 = vector.broadcast %select_n3A_944 : i32 to vector<8x77xi32>
    %eq3A_946 = arith.cmpi eq, %iota3A, %eq3A_945 : vector<8x77xi32>
    %get3A_947 = arith.constant 0 : index
    %get3A_948 = arith.constant 0 : index
    %get3A_949 = vector.load %arg28[%get3A_947, %get3A_948] : memref<8x77xi32, #tpu.memory_space<vmem>>, vector<8x77xi32>
    %jit3A_950 = arith.constant 0 : i32
    %broadcast_in_dim3A_951 = vector.broadcast %jit3A_950 : i32 to vector<8x77xi32>
    %select_n3A_952 = arith.select %eq3A_946, %get3A_949, %broadcast_in_dim3A_951 : vector<8x77xi1>, vector<8x77xi32>
    %reduce_sum3A_953 = arith.constant dense<0> : vector<77xi32>
    %reduce_sum3A_954 = vector.multi_reduction <add>, %select_n3A_952, %reduce_sum3A_953 [0] : vector<8x77xi32> to vector<77xi32>
    %broadcast_in_dim3A_955 = vector.shape_cast %reduce_sum3A_954 : vector<77xi32> to vector<1x77xi32>
    %swap3A_956 = arith.constant 26 : index
    %swap3A_957 = arith.constant 0 : index
    %swap3A_958 = vector.load %arg66[%swap3A_956, %swap3A_957] : memref<64x77xi32, #tpu.memory_space<vmem>>, vector<1x77xi32>
    tpu.vector_store %arg66[%swap3A_956, %swap3A_957], %broadcast_in_dim3A_955 {strides = array<i32>} : memref<64x77xi32, #tpu.memory_space<vmem>>, vector<1x77xi32>,
    %mul3A_959 = arith.constant 64 : i32
    %mul3A_960 = arith.muli %arg0, %mul3A_959 : i32
    %add3A_961 = arith.constant 27 : i32
    %add3A_962 = arith.addi %mul3A_960, %add3A_961 : i32
    %get3A_963 = arith.index_cast %add3A_962 : i32 to index
    %get3A_964 = memref.load %arg1[%get3A_963] : memref<1024xi32, #tpu.memory_space<smem>>
    %jit3A_965 = arith.constant 8 : i32
    %eq3A_966 = arith.constant 0 : i32
    %eq3A_967 = arith.cmpi eq, %jit3A_965, %eq3A_966 : i32
    %jit3A_968 = arith.constant 1 : i32
    %select_n3A_969 = arith.select %eq3A_967, %jit3A_968, %jit3A_965 : i32
    %rem3A_970 = arith.remsi %get3A_964, %select_n3A_969 : i32
    %ne3A_971 = arith.constant 0 : i32
    %ne3A_972 = arith.cmpi ne, %rem3A_970, %ne3A_971 : i32
    %lt3A_973 = arith.constant 0 : i32
    %lt3A_974 = arith.cmpi slt, %rem3A_970, %lt3A_973 : i32
    %lt3A_975 = arith.constant 0 : i32
    %lt3A_976 = arith.cmpi slt, %select_n3A_969, %lt3A_975 : i32
    %ne3A_977 = arith.xori %lt3A_974, %lt3A_976 : i1
    %and3A_978 = arith.andi %ne3A_977, %ne3A_972 : i1
    %add3A_979 = arith.addi %rem3A_970, %select_n3A_969 : i32
    %select_n3A_980 = arith.select %and3A_978, %add3A_979, %rem3A_970 : i32
    %eq3A_981 = vector.broadcast %select_n3A_980 : i32 to vector<8x77xi32>
    %eq3A_982 = arith.cmpi eq, %iota3A, %eq3A_981 : vector<8x77xi32>
    %get3A_983 = arith.constant 0 : index
    %get3A_984 = arith.constant 0 : index
    %get3A_985 = vector.load %arg29[%get3A_983, %get3A_984] : memref<8x77xi32, #tpu.memory_space<vmem>>, vector<8x77xi32>
    %jit3A_986 = arith.constant 0 : i32
    %broadcast_in_dim3A_987 = vector.broadcast %jit3A_986 : i32 to vector<8x77xi32>
    %select_n3A_988 = arith.select %eq3A_982, %get3A_985, %broadcast_in_dim3A_987 : vector<8x77xi1>, vector<8x77xi32>
    %reduce_sum3A_989 = arith.constant dense<0> : vector<77xi32>
    %reduce_sum3A_990 = vector.multi_reduction <add>, %select_n3A_988, %reduce_sum3A_989 [0] : vector<8x77xi32> to vector<77xi32>
    %broadcast_in_dim3A_991 = vector.shape_cast %reduce_sum3A_990 : vector<77xi32> to vector<1x77xi32>
    %swap3A_992 = arith.constant 27 : index
    %swap3A_993 = arith.constant 0 : index
    %swap3A_994 = vector.load %arg66[%swap3A_992, %swap3A_993] : memref<64x77xi32, #tpu.memory_space<vmem>>, vector<1x77xi32>
    tpu.vector_store %arg66[%swap3A_992, %swap3A_993], %broadcast_in_dim3A_991 {strides = array<i32>} : memref<64x77xi32, #tpu.memory_space<vmem>>, vector<1x77xi32>,
    %mul3A_995 = arith.constant 64 : i32
    %mul3A_996 = arith.muli %arg0, %mul3A_995 : i32
    %add3A_997 = arith.constant 28 : i32
    %add3A_998 = arith.addi %mul3A_996, %add3A_997 : i32
    %get3A_999 = arith.index_cast %add3A_998 : i32 to index
    %get3A_1000 = memref.load %arg1[%get3A_999] : memref<1024xi32, #tpu.memory_space<smem>>
    %jit3A_1001 = arith.constant 8 : i32
    %eq3A_1002 = arith.constant 0 : i32
    %eq3A_1003 = arith.cmpi eq, %jit3A_1001, %eq3A_1002 : i32
    %jit3A_1004 = arith.constant 1 : i32
    %select_n3A_1005 = arith.select %eq3A_1003, %jit3A_1004, %jit3A_1001 : i32
    %rem3A_1006 = arith.remsi %get3A_1000, %select_n3A_1005 : i32
    %ne3A_1007 = arith.constant 0 : i32
    %ne3A_1008 = arith.cmpi ne, %rem3A_1006, %ne3A_1007 : i32
    %lt3A_1009 = arith.constant 0 : i32
    %lt3A_1010 = arith.cmpi slt, %rem3A_1006, %lt3A_1009 : i32
    %lt3A_1011 = arith.constant 0 : i32
    %lt3A_1012 = arith.cmpi slt, %select_n3A_1005, %lt3A_1011 : i32
    %ne3A_1013 = arith.xori %lt3A_1010, %lt3A_1012 : i1
    %and3A_1014 = arith.andi %ne3A_1013, %ne3A_1008 : i1
    %add3A_1015 = arith.addi %rem3A_1006, %select_n3A_1005 : i32
    %select_n3A_1016 = arith.select %and3A_1014, %add3A_1015, %rem3A_1006 : i32
    %eq3A_1017 = vector.broadcast %select_n3A_1016 : i32 to vector<8x77xi32>
    %eq3A_1018 = arith.cmpi eq, %iota3A, %eq3A_1017 : vector<8x77xi32>
    %get3A_1019 = arith.constant 0 : index
    %get3A_1020 = arith.constant 0 : index
    %get3A_1021 = vector.load %arg30[%get3A_1019, %get3A_1020] : memref<8x77xi32, #tpu.memory_space<vmem>>, vector<8x77xi32>
    %jit3A_1022 = arith.constant 0 : i32
    %broadcast_in_dim3A_1023 = vector.broadcast %jit3A_1022 : i32 to vector<8x77xi32>
    %select_n3A_1024 = arith.select %eq3A_1018, %get3A_1021, %broadcast_in_dim3A_1023 : vector<8x77xi1>, vector<8x77xi32>
    %reduce_sum3A_1025 = arith.constant dense<0> : vector<77xi32>
    %reduce_sum3A_1026 = vector.multi_reduction <add>, %select_n3A_1024, %reduce_sum3A_1025 [0] : vector<8x77xi32> to vector<77xi32>
    %broadcast_in_dim3A_1027 = vector.shape_cast %reduce_sum3A_1026 : vector<77xi32> to vector<1x77xi32>
    %swap3A_1028 = arith.constant 28 : index
    %swap3A_1029 = arith.constant 0 : index
    %swap3A_1030 = vector.load %arg66[%swap3A_1028, %swap3A_1029] : memref<64x77xi32, #tpu.memory_space<vmem>>, vector<1x77xi32>
    tpu.vector_store %arg66[%swap3A_1028, %swap3A_1029], %broadcast_in_dim3A_1027 {strides = array<i32>} : memref<64x77xi32, #tpu.memory_space<vmem>>, vector<1x77xi32>,
    %mul3A_1031 = arith.constant 64 : i32
    %mul3A_1032 = arith.muli %arg0, %mul3A_1031 : i32
    %add3A_1033 = arith.constant 29 : i32
    %add3A_1034 = arith.addi %mul3A_1032, %add3A_1033 : i32
    %get3A_1035 = arith.index_cast %add3A_1034 : i32 to index
    %get3A_1036 = memref.load %arg1[%get3A_1035] : memref<1024xi32, #tpu.memory_space<smem>>
    %jit3A_1037 = arith.constant 8 : i32
    %eq3A_1038 = arith.constant 0 : i32
    %eq3A_1039 = arith.cmpi eq, %jit3A_1037, %eq3A_1038 : i32
    %jit3A_1040 = arith.constant 1 : i32
    %select_n3A_1041 = arith.select %eq3A_1039, %jit3A_1040, %jit3A_1037 : i32
    %rem3A_1042 = arith.remsi %get3A_1036, %select_n3A_1041 : i32
    %ne3A_1043 = arith.constant 0 : i32
    %ne3A_1044 = arith.cmpi ne, %rem3A_1042, %ne3A_1043 : i32
    %lt3A_1045 = arith.constant 0 : i32
    %lt3A_1046 = arith.cmpi slt, %rem3A_1042, %lt3A_1045 : i32
    %lt3A_1047 = arith.constant 0 : i32
    %lt3A_1048 = arith.cmpi slt, %select_n3A_1041, %lt3A_1047 : i32
    %ne3A_1049 = arith.xori %lt3A_1046, %lt3A_1048 : i1
    %and3A_1050 = arith.andi %ne3A_1049, %ne3A_1044 : i1
    %add3A_1051 = arith.addi %rem3A_1042, %select_n3A_1041 : i32
    %select_n3A_1052 = arith.select %and3A_1050, %add3A_1051, %rem3A_1042 : i32
    %eq3A_1053 = vector.broadcast %select_n3A_1052 : i32 to vector<8x77xi32>
    %eq3A_1054 = arith.cmpi eq, %iota3A, %eq3A_1053 : vector<8x77xi32>
    %get3A_1055 = arith.constant 0 : index
    %get3A_1056 = arith.constant 0 : index
    %get3A_1057 = vector.load %arg31[%get3A_1055, %get3A_1056] : memref<8x77xi32, #tpu.memory_space<vmem>>, vector<8x77xi32>
    %jit3A_1058 = arith.constant 0 : i32
    %broadcast_in_dim3A_1059 = vector.broadcast %jit3A_1058 : i32 to vector<8x77xi32>
    %select_n3A_1060 = arith.select %eq3A_1054, %get3A_1057, %broadcast_in_dim3A_1059 : vector<8x77xi1>, vector<8x77xi32>
    %reduce_sum3A_1061 = arith.constant dense<0> : vector<77xi32>
    %reduce_sum3A_1062 = vector.multi_reduction <add>, %select_n3A_1060, %reduce_sum3A_1061 [0] : vector<8x77xi32> to vector<77xi32>
    %broadcast_in_dim3A_1063 = vector.shape_cast %reduce_sum3A_1062 : vector<77xi32> to vector<1x77xi32>
    %swap3A_1064 = arith.constant 29 : index
    %swap3A_1065 = arith.constant 0 : index
    %swap3A_1066 = vector.load %arg66[%swap3A_1064, %swap3A_1065] : memref<64x77xi32, #tpu.memory_space<vmem>>, vector<1x77xi32>
    tpu.vector_store %arg66[%swap3A_1064, %swap3A_1065], %broadcast_in_dim3A_1063 {strides = array<i32>} : memref<64x77xi32, #tpu.memory_space<vmem>>, vector<1x77xi32>,
    %mul3A_1067 = arith.constant 64 : i32
    %mul3A_1068 = arith.muli %arg0, %mul3A_1067 : i32
    %add3A_1069 = arith.constant 30 : i32
    %add3A_1070 = arith.addi %mul3A_1068, %add3A_1069 : i32
    %get3A_1071 = arith.index_cast %add3A_1070 : i32 to index
    %get3A_1072 = memref.load %arg1[%get3A_1071] : memref<1024xi32, #tpu.memory_space<smem>>
    %jit3A_1073 = arith.constant 8 : i32
    %eq3A_1074 = arith.constant 0 : i32
    %eq3A_1075 = arith.cmpi eq, %jit3A_1073, %eq3A_1074 : i32
    %jit3A_1076 = arith.constant 1 : i32
    %select_n3A_1077 = arith.select %eq3A_1075, %jit3A_1076, %jit3A_1073 : i32
    %rem3A_1078 = arith.remsi %get3A_1072, %select_n3A_1077 : i32
    %ne3A_1079 = arith.constant 0 : i32
    %ne3A_1080 = arith.cmpi ne, %rem3A_1078, %ne3A_1079 : i32
    %lt3A_1081 = arith.constant 0 : i32
    %lt3A_1082 = arith.cmpi slt, %rem3A_1078, %lt3A_1081 : i32
    %lt3A_1083 = arith.constant 0 : i32
    %lt3A_1084 = arith.cmpi slt, %select_n3A_1077, %lt3A_1083 : i32
    %ne3A_1085 = arith.xori %lt3A_1082, %lt3A_1084 : i1
    %and3A_1086 = arith.andi %ne3A_1085, %ne3A_1080 : i1
    %add3A_1087 = arith.addi %rem3A_1078, %select_n3A_1077 : i32
    %select_n3A_1088 = arith.select %and3A_1086, %add3A_1087, %rem3A_1078 : i32
    %eq3A_1089 = vector.broadcast %select_n3A_1088 : i32 to vector<8x77xi32>
    %eq3A_1090 = arith.cmpi eq, %iota3A, %eq3A_1089 : vector<8x77xi32>
    %get3A_1091 = arith.constant 0 : index
    %get3A_1092 = arith.constant 0 : index
    %get3A_1093 = vector.load %arg32[%get3A_1091, %get3A_1092] : memref<8x77xi32, #tpu.memory_space<vmem>>, vector<8x77xi32>
    %jit3A_1094 = arith.constant 0 : i32
    %broadcast_in_dim3A_1095 = vector.broadcast %jit3A_1094 : i32 to vector<8x77xi32>
    %select_n3A_1096 = arith.select %eq3A_1090, %get3A_1093, %broadcast_in_dim3A_1095 : vector<8x77xi1>, vector<8x77xi32>
    %reduce_sum3A_1097 = arith.constant dense<0> : vector<77xi32>
    %reduce_sum3A_1098 = vector.multi_reduction <add>, %select_n3A_1096, %reduce_sum3A_1097 [0] : vector<8x77xi32> to vector<77xi32>
    %broadcast_in_dim3A_1099 = vector.shape_cast %reduce_sum3A_1098 : vector<77xi32> to vector<1x77xi32>
    %swap3A_1100 = arith.constant 30 : index
    %swap3A_1101 = arith.constant 0 : index
    %swap3A_1102 = vector.load %arg66[%swap3A_1100, %swap3A_1101] : memref<64x77xi32, #tpu.memory_space<vmem>>, vector<1x77xi32>
    tpu.vector_store %arg66[%swap3A_1100, %swap3A_1101], %broadcast_in_dim3A_1099 {strides = array<i32>} : memref<64x77xi32, #tpu.memory_space<vmem>>, vector<1x77xi32>,
    %mul3A_1103 = arith.constant 64 : i32
    %mul3A_1104 = arith.muli %arg0, %mul3A_1103 : i32
    %add3A_1105 = arith.constant 31 : i32
    %add3A_1106 = arith.addi %mul3A_1104, %add3A_1105 : i32
    %get3A_1107 = arith.index_cast %add3A_1106 : i32 to index
    %get3A_1108 = memref.load %arg1[%get3A_1107] : memref<1024xi32, #tpu.memory_space<smem>>
    %jit3A_1109 = arith.constant 8 : i32
    %eq3A_1110 = arith.constant 0 : i32
    %eq3A_1111 = arith.cmpi eq, %jit3A_1109, %eq3A_1110 : i32
    %jit3A_1112 = arith.constant 1 : i32
    %select_n3A_1113 = arith.select %eq3A_1111, %jit3A_1112, %jit3A_1109 : i32
    %rem3A_1114 = arith.remsi %get3A_1108, %select_n3A_1113 : i32
    %ne3A_1115 = arith.constant 0 : i32
    %ne3A_1116 = arith.cmpi ne, %rem3A_1114, %ne3A_1115 : i32
    %lt3A_1117 = arith.constant 0 : i32
    %lt3A_1118 = arith.cmpi slt, %rem3A_1114, %lt3A_1117 : i32
    %lt3A_1119 = arith.constant 0 : i32
    %lt3A_1120 = arith.cmpi slt, %select_n3A_1113, %lt3A_1119 : i32
    %ne3A_1121 = arith.xori %lt3A_1118, %lt3A_1120 : i1
    %and3A_1122 = arith.andi %ne3A_1121, %ne3A_1116 : i1
    %add3A_1123 = arith.addi %rem3A_1114, %select_n3A_1113 : i32
    %select_n3A_1124 = arith.select %and3A_1122, %add3A_1123, %rem3A_1114 : i32
    %eq3A_1125 = vector.broadcast %select_n3A_1124 : i32 to vector<8x77xi32>
    %eq3A_1126 = arith.cmpi eq, %iota3A, %eq3A_1125 : vector<8x77xi32>
    %get3A_1127 = arith.constant 0 : index
    %get3A_1128 = arith.constant 0 : index
    %get3A_1129 = vector.load %arg33[%get3A_1127, %get3A_1128] : memref<8x77xi32, #tpu.memory_space<vmem>>, vector<8x77xi32>
    %jit3A_1130 = arith.constant 0 : i32
    %broadcast_in_dim3A_1131 = vector.broadcast %jit3A_1130 : i32 to vector<8x77xi32>
    %select_n3A_1132 = arith.select %eq3A_1126, %get3A_1129, %broadcast_in_dim3A_1131 : vector<8x77xi1>, vector<8x77xi32>
    %reduce_sum3A_1133 = arith.constant dense<0> : vector<77xi32>
    %reduce_sum3A_1134 = vector.multi_reduction <add>, %select_n3A_1132, %reduce_sum3A_1133 [0] : vector<8x77xi32> to vector<77xi32>
    %broadcast_in_dim3A_1135 = vector.shape_cast %reduce_sum3A_1134 : vector<77xi32> to vector<1x77xi32>
    %swap3A_1136 = arith.constant 31 : index
    %swap3A_1137 = arith.constant 0 : index
    %swap3A_1138 = vector.load %arg66[%swap3A_1136, %swap3A_1137] : memref<64x77xi32, #tpu.memory_space<vmem>>, vector<1x77xi32>
    tpu.vector_store %arg66[%swap3A_1136, %swap3A_1137], %broadcast_in_dim3A_1135 {strides = array<i32>} : memref<64x77xi32, #tpu.memory_space<vmem>>, vector<1x77xi32>,
    %mul3A_1139 = arith.constant 64 : i32
    %mul3A_1140 = arith.muli %arg0, %mul3A_1139 : i32
    %add3A_1141 = arith.constant 32 : i32
    %add3A_1142 = arith.addi %mul3A_1140, %add3A_1141 : i32
    %get3A_1143 = arith.index_cast %add3A_1142 : i32 to index
    %get3A_1144 = memref.load %arg1[%get3A_1143] : memref<1024xi32, #tpu.memory_space<smem>>
    %jit3A_1145 = arith.constant 8 : i32
    %eq3A_1146 = arith.constant 0 : i32
    %eq3A_1147 = arith.cmpi eq, %jit3A_1145, %eq3A_1146 : i32
    %jit3A_1148 = arith.constant 1 : i32
    %select_n3A_1149 = arith.select %eq3A_1147, %jit3A_1148, %jit3A_1145 : i32
    %rem3A_1150 = arith.remsi %get3A_1144, %select_n3A_1149 : i32
    %ne3A_1151 = arith.constant 0 : i32
    %ne3A_1152 = arith.cmpi ne, %rem3A_1150, %ne3A_1151 : i32
    %lt3A_1153 = arith.constant 0 : i32
    %lt3A_1154 = arith.cmpi slt, %rem3A_1150, %lt3A_1153 : i32
    %lt3A_1155 = arith.constant 0 : i32
    %lt3A_1156 = arith.cmpi slt, %select_n3A_1149, %lt3A_1155 : i32
    %ne3A_1157 = arith.xori %lt3A_1154, %lt3A_1156 : i1
    %and3A_1158 = arith.andi %ne3A_1157, %ne3A_1152 : i1
    %add3A_1159 = arith.addi %rem3A_1150, %select_n3A_1149 : i32
    %select_n3A_1160 = arith.select %and3A_1158, %add3A_1159, %rem3A_1150 : i32
    %eq3A_1161 = vector.broadcast %select_n3A_1160 : i32 to vector<8x77xi32>
    %eq3A_1162 = arith.cmpi eq, %iota3A, %eq3A_1161 : vector<8x77xi32>
    %get3A_1163 = arith.constant 0 : index
    %get3A_1164 = arith.constant 0 : index
    %get3A_1165 = vector.load %arg34[%get3A_1163, %get3A_1164] : memref<8x77xi32, #tpu.memory_space<vmem>>, vector<8x77xi32>
    %jit3A_1166 = arith.constant 0 : i32
    %broadcast_in_dim3A_1167 = vector.broadcast %jit3A_1166 : i32 to vector<8x77xi32>
    %select_n3A_1168 = arith.select %eq3A_1162, %get3A_1165, %broadcast_in_dim3A_1167 : vector<8x77xi1>, vector<8x77xi32>
    %reduce_sum3A_1169 = arith.constant dense<0> : vector<77xi32>
    %reduce_sum3A_1170 = vector.multi_reduction <add>, %select_n3A_1168, %reduce_sum3A_1169 [0] : vector<8x77xi32> to vector<77xi32>
    %broadcast_in_dim3A_1171 = vector.shape_cast %reduce_sum3A_1170 : vector<77xi32> to vector<1x77xi32>
    %swap3A_1172 = arith.constant 32 : index
    %swap3A_1173 = arith.constant 0 : index
    %swap3A_1174 = vector.load %arg66[%swap3A_1172, %swap3A_1173] : memref<64x77xi32, #tpu.memory_space<vmem>>, vector<1x77xi32>
    tpu.vector_store %arg66[%swap3A_1172, %swap3A_1173], %broadcast_in_dim3A_1171 {strides = array<i32>} : memref<64x77xi32, #tpu.memory_space<vmem>>, vector<1x77xi32>,
    %mul3A_1175 = arith.constant 64 : i32
    %mul3A_1176 = arith.muli %arg0, %mul3A_1175 : i32
    %add3A_1177 = arith.constant 33 : i32
    %add3A_1178 = arith.addi %mul3A_1176, %add3A_1177 : i32
    %get3A_1179 = arith.index_cast %add3A_1178 : i32 to index
    %get3A_1180 = memref.load %arg1[%get3A_1179] : memref<1024xi32, #tpu.memory_space<smem>>
    %jit3A_1181 = arith.constant 8 : i32
    %eq3A_1182 = arith.constant 0 : i32
    %eq3A_1183 = arith.cmpi eq, %jit3A_1181, %eq3A_1182 : i32
    %jit3A_1184 = arith.constant 1 : i32
    %select_n3A_1185 = arith.select %eq3A_1183, %jit3A_1184, %jit3A_1181 : i32
    %rem3A_1186 = arith.remsi %get3A_1180, %select_n3A_1185 : i32
    %ne3A_1187 = arith.constant 0 : i32
    %ne3A_1188 = arith.cmpi ne, %rem3A_1186, %ne3A_1187 : i32
    %lt3A_1189 = arith.constant 0 : i32
    %lt3A_1190 = arith.cmpi slt, %rem3A_1186, %lt3A_1189 : i32
    %lt3A_1191 = arith.constant 0 : i32
    %lt3A_1192 = arith.cmpi slt, %select_n3A_1185, %lt3A_1191 : i32
    %ne3A_1193 = arith.xori %lt3A_1190, %lt3A_1192 : i1
    %and3A_1194 = arith.andi %ne3A_1193, %ne3A_1188 : i1
    %add3A_1195 = arith.addi %rem3A_1186, %select_n3A_1185 : i32
    %select_n3A_1196 = arith.select %and3A_1194, %add3A_1195, %rem3A_1186 : i32
    %eq3A_1197 = vector.broadcast %select_n3A_1196 : i32 to vector<8x77xi32>
    %eq3A_1198 = arith.cmpi eq, %iota3A, %eq3A_1197 : vector<8x77xi32>
    %get3A_1199 = arith.constant 0 : index
    %get3A_1200 = arith.constant 0 : index
    %get3A_1201 = vector.load %arg35[%get3A_1199, %get3A_1200] : memref<8x77xi32, #tpu.memory_space<vmem>>, vector<8x77xi32>
    %jit3A_1202 = arith.constant 0 : i32
    %broadcast_in_dim3A_1203 = vector.broadcast %jit3A_1202 : i32 to vector<8x77xi32>
    %select_n3A_1204 = arith.select %eq3A_1198, %get3A_1201, %broadcast_in_dim3A_1203 : vector<8x77xi1>, vector<8x77xi32>
    %reduce_sum3A_1205 = arith.constant dense<0> : vector<77xi32>
    %reduce_sum3A_1206 = vector.multi_reduction <add>, %select_n3A_1204, %reduce_sum3A_1205 [0] : vector<8x77xi32> to vector<77xi32>
    %broadcast_in_dim3A_1207 = vector.shape_cast %reduce_sum3A_1206 : vector<77xi32> to vector<1x77xi32>
    %swap3A_1208 = arith.constant 33 : index
    %swap3A_1209 = arith.constant 0 : index
    %swap3A_1210 = vector.load %arg66[%swap3A_1208, %swap3A_1209] : memref<64x77xi32, #tpu.memory_space<vmem>>, vector<1x77xi32>
    tpu.vector_store %arg66[%swap3A_1208, %swap3A_1209], %broadcast_in_dim3A_1207 {strides = array<i32>} : memref<64x77xi32, #tpu.memory_space<vmem>>, vector<1x77xi32>,
    %mul3A_1211 = arith.constant 64 : i32
    %mul3A_1212 = arith.muli %arg0, %mul3A_1211 : i32
    %add3A_1213 = arith.constant 34 : i32
    %add3A_1214 = arith.addi %mul3A_1212, %add3A_1213 : i32
    %get3A_1215 = arith.index_cast %add3A_1214 : i32 to index
    %get3A_1216 = memref.load %arg1[%get3A_1215] : memref<1024xi32, #tpu.memory_space<smem>>
    %jit3A_1217 = arith.constant 8 : i32
    %eq3A_1218 = arith.constant 0 : i32
    %eq3A_1219 = arith.cmpi eq, %jit3A_1217, %eq3A_1218 : i32
    %jit3A_1220 = arith.constant 1 : i32
    %select_n3A_1221 = arith.select %eq3A_1219, %jit3A_1220, %jit3A_1217 : i32
    %rem3A_1222 = arith.remsi %get3A_1216, %select_n3A_1221 : i32
    %ne3A_1223 = arith.constant 0 : i32
    %ne3A_1224 = arith.cmpi ne, %rem3A_1222, %ne3A_1223 : i32
    %lt3A_1225 = arith.constant 0 : i32
    %lt3A_1226 = arith.cmpi slt, %rem3A_1222, %lt3A_1225 : i32
    %lt3A_1227 = arith.constant 0 : i32
    %lt3A_1228 = arith.cmpi slt, %select_n3A_1221, %lt3A_1227 : i32
    %ne3A_1229 = arith.xori %lt3A_1226, %lt3A_1228 : i1
    %and3A_1230 = arith.andi %ne3A_1229, %ne3A_1224 : i1
    %add3A_1231 = arith.addi %rem3A_1222, %select_n3A_1221 : i32
    %select_n3A_1232 = arith.select %and3A_1230, %add3A_1231, %rem3A_1222 : i32
    %eq3A_1233 = vector.broadcast %select_n3A_1232 : i32 to vector<8x77xi32>
    %eq3A_1234 = arith.cmpi eq, %iota3A, %eq3A_1233 : vector<8x77xi32>
    %get3A_1235 = arith.constant 0 : index
    %get3A_1236 = arith.constant 0 : index
    %get3A_1237 = vector.load %arg36[%get3A_1235, %get3A_1236] : memref<8x77xi32, #tpu.memory_space<vmem>>, vector<8x77xi32>
    %jit3A_1238 = arith.constant 0 : i32
    %broadcast_in_dim3A_1239 = vector.broadcast %jit3A_1238 : i32 to vector<8x77xi32>
    %select_n3A_1240 = arith.select %eq3A_1234, %get3A_1237, %broadcast_in_dim3A_1239 : vector<8x77xi1>, vector<8x77xi32>
    %reduce_sum3A_1241 = arith.constant dense<0> : vector<77xi32>
    %reduce_sum3A_1242 = vector.multi_reduction <add>, %select_n3A_1240, %reduce_sum3A_1241 [0] : vector<8x77xi32> to vector<77xi32>
    %broadcast_in_dim3A_1243 = vector.shape_cast %reduce_sum3A_1242 : vector<77xi32> to vector<1x77xi32>
    %swap3A_1244 = arith.constant 34 : index
    %swap3A_1245 = arith.constant 0 : index
    %swap3A_1246 = vector.load %arg66[%swap3A_1244, %swap3A_1245] : memref<64x77xi32, #tpu.memory_space<vmem>>, vector<1x77xi32>
    tpu.vector_store %arg66[%swap3A_1244, %swap3A_1245], %broadcast_in_dim3A_1243 {strides = array<i32>} : memref<64x77xi32, #tpu.memory_space<vmem>>, vector<1x77xi32>,
    %mul3A_1247 = arith.constant 64 : i32
    %mul3A_1248 = arith.muli %arg0, %mul3A_1247 : i32
    %add3A_1249 = arith.constant 35 : i32
    %add3A_1250 = arith.addi %mul3A_1248, %add3A_1249 : i32
    %get3A_1251 = arith.index_cast %add3A_1250 : i32 to index
    %get3A_1252 = memref.load %arg1[%get3A_1251] : memref<1024xi32, #tpu.memory_space<smem>>
    %jit3A_1253 = arith.constant 8 : i32
    %eq3A_1254 = arith.constant 0 : i32
    %eq3A_1255 = arith.cmpi eq, %jit3A_1253, %eq3A_1254 : i32
    %jit3A_1256 = arith.constant 1 : i32
    %select_n3A_1257 = arith.select %eq3A_1255, %jit3A_1256, %jit3A_1253 : i32
    %rem3A_1258 = arith.remsi %get3A_1252, %select_n3A_1257 : i32
    %ne3A_1259 = arith.constant 0 : i32
    %ne3A_1260 = arith.cmpi ne, %rem3A_1258, %ne3A_1259 : i32
    %lt3A_1261 = arith.constant 0 : i32
    %lt3A_1262 = arith.cmpi slt, %rem3A_1258, %lt3A_1261 : i32
    %lt3A_1263 = arith.constant 0 : i32
    %lt3A_1264 = arith.cmpi slt, %select_n3A_1257, %lt3A_1263 : i32
    %ne3A_1265 = arith.xori %lt3A_1262, %lt3A_1264 : i1
    %and3A_1266 = arith.andi %ne3A_1265, %ne3A_1260 : i1
    %add3A_1267 = arith.addi %rem3A_1258, %select_n3A_1257 : i32
    %select_n3A_1268 = arith.select %and3A_1266, %add3A_1267, %rem3A_1258 : i32
    %eq3A_1269 = vector.broadcast %select_n3A_1268 : i32 to vector<8x77xi32>
    %eq3A_1270 = arith.cmpi eq, %iota3A, %eq3A_1269 : vector<8x77xi32>
    %get3A_1271 = arith.constant 0 : index
    %get3A_1272 = arith.constant 0 : index
    %get3A_1273 = vector.load %arg37[%get3A_1271, %get3A_1272] : memref<8x77xi32, #tpu.memory_space<vmem>>, vector<8x77xi32>
    %jit3A_1274 = arith.constant 0 : i32
    %broadcast_in_dim3A_1275 = vector.broadcast %jit3A_1274 : i32 to vector<8x77xi32>
    %select_n3A_1276 = arith.select %eq3A_1270, %get3A_1273, %broadcast_in_dim3A_1275 : vector<8x77xi1>, vector<8x77xi32>
    %reduce_sum3A_1277 = arith.constant dense<0> : vector<77xi32>
    %reduce_sum3A_1278 = vector.multi_reduction <add>, %select_n3A_1276, %reduce_sum3A_1277 [0] : vector<8x77xi32> to vector<77xi32>
    %broadcast_in_dim3A_1279 = vector.shape_cast %reduce_sum3A_1278 : vector<77xi32> to vector<1x77xi32>
    %swap3A_1280 = arith.constant 35 : index
    %swap3A_1281 = arith.constant 0 : index
    %swap3A_1282 = vector.load %arg66[%swap3A_1280, %swap3A_1281] : memref<64x77xi32, #tpu.memory_space<vmem>>, vector<1x77xi32>
    tpu.vector_store %arg66[%swap3A_1280, %swap3A_1281], %broadcast_in_dim3A_1279 {strides = array<i32>} : memref<64x77xi32, #tpu.memory_space<vmem>>, vector<1x77xi32>,
    %mul3A_1283 = arith.constant 64 : i32
    %mul3A_1284 = arith.muli %arg0, %mul3A_1283 : i32
    %add3A_1285 = arith.constant 36 : i32
    %add3A_1286 = arith.addi %mul3A_1284, %add3A_1285 : i32
    %get3A_1287 = arith.index_cast %add3A_1286 : i32 to index
    %get3A_1288 = memref.load %arg1[%get3A_1287] : memref<1024xi32, #tpu.memory_space<smem>>
    %jit3A_1289 = arith.constant 8 : i32
    %eq3A_1290 = arith.constant 0 : i32
    %eq3A_1291 = arith.cmpi eq, %jit3A_1289, %eq3A_1290 : i32
    %jit3A_1292 = arith.constant 1 : i32
    %select_n3A_1293 = arith.select %eq3A_1291, %jit3A_1292, %jit3A_1289 : i32
    %rem3A_1294 = arith.remsi %get3A_1288, %select_n3A_1293 : i32
    %ne3A_1295 = arith.constant 0 : i32
    %ne3A_1296 = arith.cmpi ne, %rem3A_1294, %ne3A_1295 : i32
    %lt3A_1297 = arith.constant 0 : i32
    %lt3A_1298 = arith.cmpi slt, %rem3A_1294, %lt3A_1297 : i32
    %lt3A_1299 = arith.constant 0 : i32
    %lt3A_1300 = arith.cmpi slt, %select_n3A_1293, %lt3A_1299 : i32
    %ne3A_1301 = arith.xori %lt3A_1298, %lt3A_1300 : i1
    %and3A_1302 = arith.andi %ne3A_1301, %ne3A_1296 : i1
    %add3A_1303 = arith.addi %rem3A_1294, %select_n3A_1293 : i32
    %select_n3A_1304 = arith.select %and3A_1302, %add3A_1303, %rem3A_1294 : i32
    %eq3A_1305 = vector.broadcast %select_n3A_1304 : i32 to vector<8x77xi32>
    %eq3A_1306 = arith.cmpi eq, %iota3A, %eq3A_1305 : vector<8x77xi32>
    %get3A_1307 = arith.constant 0 : index
    %get3A_1308 = arith.constant 0 : index
    %get3A_1309 = vector.load %arg38[%get3A_1307, %get3A_1308] : memref<8x77xi32, #tpu.memory_space<vmem>>, vector<8x77xi32>
    %jit3A_1310 = arith.constant 0 : i32
    %broadcast_in_dim3A_1311 = vector.broadcast %jit3A_1310 : i32 to vector<8x77xi32>
    %select_n3A_1312 = arith.select %eq3A_1306, %get3A_1309, %broadcast_in_dim3A_1311 : vector<8x77xi1>, vector<8x77xi32>
    %reduce_sum3A_1313 = arith.constant dense<0> : vector<77xi32>
    %reduce_sum3A_1314 = vector.multi_reduction <add>, %select_n3A_1312, %reduce_sum3A_1313 [0] : vector<8x77xi32> to vector<77xi32>
    %broadcast_in_dim3A_1315 = vector.shape_cast %reduce_sum3A_1314 : vector<77xi32> to vector<1x77xi32>
    %swap3A_1316 = arith.constant 36 : index
    %swap3A_1317 = arith.constant 0 : index
    %swap3A_1318 = vector.load %arg66[%swap3A_1316, %swap3A_1317] : memref<64x77xi32, #tpu.memory_space<vmem>>, vector<1x77xi32>
    tpu.vector_store %arg66[%swap3A_1316, %swap3A_1317], %broadcast_in_dim3A_1315 {strides = array<i32>} : memref<64x77xi32, #tpu.memory_space<vmem>>, vector<1x77xi32>,
    %mul3A_1319 = arith.constant 64 : i32
    %mul3A_1320 = arith.muli %arg0, %mul3A_1319 : i32
    %add3A_1321 = arith.constant 37 : i32
    %add3A_1322 = arith.addi %mul3A_1320, %add3A_1321 : i32
    %get3A_1323 = arith.index_cast %add3A_1322 : i32 to index
    %get3A_1324 = memref.load %arg1[%get3A_1323] : memref<1024xi32, #tpu.memory_space<smem>>
    %jit3A_1325 = arith.constant 8 : i32
    %eq3A_1326 = arith.constant 0 : i32
    %eq3A_1327 = arith.cmpi eq, %jit3A_1325, %eq3A_1326 : i32
    %jit3A_1328 = arith.constant 1 : i32
    %select_n3A_1329 = arith.select %eq3A_1327, %jit3A_1328, %jit3A_1325 : i32
    %rem3A_1330 = arith.remsi %get3A_1324, %select_n3A_1329 : i32
    %ne3A_1331 = arith.constant 0 : i32
    %ne3A_1332 = arith.cmpi ne, %rem3A_1330, %ne3A_1331 : i32
    %lt3A_1333 = arith.constant 0 : i32
    %lt3A_1334 = arith.cmpi slt, %rem3A_1330, %lt3A_1333 : i32
    %lt3A_1335 = arith.constant 0 : i32
    %lt3A_1336 = arith.cmpi slt, %select_n3A_1329, %lt3A_1335 : i32
    %ne3A_1337 = arith.xori %lt3A_1334, %lt3A_1336 : i1
    %and3A_1338 = arith.andi %ne3A_1337, %ne3A_1332 : i1
    %add3A_1339 = arith.addi %rem3A_1330, %select_n3A_1329 : i32
    %select_n3A_1340 = arith.select %and3A_1338, %add3A_1339, %rem3A_1330 : i32
    %eq3A_1341 = vector.broadcast %select_n3A_1340 : i32 to vector<8x77xi32>
    %eq3A_1342 = arith.cmpi eq, %iota3A, %eq3A_1341 : vector<8x77xi32>
    %get3A_1343 = arith.constant 0 : index
    %get3A_1344 = arith.constant 0 : index
    %get3A_1345 = vector.load %arg39[%get3A_1343, %get3A_1344] : memref<8x77xi32, #tpu.memory_space<vmem>>, vector<8x77xi32>
    %jit3A_1346 = arith.constant 0 : i32
    %broadcast_in_dim3A_1347 = vector.broadcast %jit3A_1346 : i32 to vector<8x77xi32>
    %select_n3A_1348 = arith.select %eq3A_1342, %get3A_1345, %broadcast_in_dim3A_1347 : vector<8x77xi1>, vector<8x77xi32>
    %reduce_sum3A_1349 = arith.constant dense<0> : vector<77xi32>
    %reduce_sum3A_1350 = vector.multi_reduction <add>, %select_n3A_1348, %reduce_sum3A_1349 [0] : vector<8x77xi32> to vector<77xi32>
    %broadcast_in_dim3A_1351 = vector.shape_cast %reduce_sum3A_1350 : vector<77xi32> to vector<1x77xi32>
    %swap3A_1352 = arith.constant 37 : index
    %swap3A_1353 = arith.constant 0 : index
    %swap3A_1354 = vector.load %arg66[%swap3A_1352, %swap3A_1353] : memref<64x77xi32, #tpu.memory_space<vmem>>, vector<1x77xi32>
    tpu.vector_store %arg66[%swap3A_1352, %swap3A_1353], %broadcast_in_dim3A_1351 {strides = array<i32>} : memref<64x77xi32, #tpu.memory_space<vmem>>, vector<1x77xi32>,
    %mul3A_1355 = arith.constant 64 : i32
    %mul3A_1356 = arith.muli %arg0, %mul3A_1355 : i32
    %add3A_1357 = arith.constant 38 : i32
    %add3A_1358 = arith.addi %mul3A_1356, %add3A_1357 : i32
    %get3A_1359 = arith.index_cast %add3A_1358 : i32 to index
    %get3A_1360 = memref.load %arg1[%get3A_1359] : memref<1024xi32, #tpu.memory_space<smem>>
    %jit3A_1361 = arith.constant 8 : i32
    %eq3A_1362 = arith.constant 0 : i32
    %eq3A_1363 = arith.cmpi eq, %jit3A_1361, %eq3A_1362 : i32
    %jit3A_1364 = arith.constant 1 : i32
    %select_n3A_1365 = arith.select %eq3A_1363, %jit3A_1364, %jit3A_1361 : i32
    %rem3A_1366 = arith.remsi %get3A_1360, %select_n3A_1365 : i32
    %ne3A_1367 = arith.constant 0 : i32
    %ne3A_1368 = arith.cmpi ne, %rem3A_1366, %ne3A_1367 : i32
    %lt3A_1369 = arith.constant 0 : i32
    %lt3A_1370 = arith.cmpi slt, %rem3A_1366, %lt3A_1369 : i32
    %lt3A_1371 = arith.constant 0 : i32
    %lt3A_1372 = arith.cmpi slt, %select_n3A_1365, %lt3A_1371 : i32
    %ne3A_1373 = arith.xori %lt3A_1370, %lt3A_1372 : i1
    %and3A_1374 = arith.andi %ne3A_1373, %ne3A_1368 : i1
    %add3A_1375 = arith.addi %rem3A_1366, %select_n3A_1365 : i32
    %select_n3A_1376 = arith.select %and3A_1374, %add3A_1375, %rem3A_1366 : i32
    %eq3A_1377 = vector.broadcast %select_n3A_1376 : i32 to vector<8x77xi32>
    %eq3A_1378 = arith.cmpi eq, %iota3A, %eq3A_1377 : vector<8x77xi32>
    %get3A_1379 = arith.constant 0 : index
    %get3A_1380 = arith.constant 0 : index
    %get3A_1381 = vector.load %arg40[%get3A_1379, %get3A_1380] : memref<8x77xi32, #tpu.memory_space<vmem>>, vector<8x77xi32>
    %jit3A_1382 = arith.constant 0 : i32
    %broadcast_in_dim3A_1383 = vector.broadcast %jit3A_1382 : i32 to vector<8x77xi32>
    %select_n3A_1384 = arith.select %eq3A_1378, %get3A_1381, %broadcast_in_dim3A_1383 : vector<8x77xi1>, vector<8x77xi32>
    %reduce_sum3A_1385 = arith.constant dense<0> : vector<77xi32>
    %reduce_sum3A_1386 = vector.multi_reduction <add>, %select_n3A_1384, %reduce_sum3A_1385 [0] : vector<8x77xi32> to vector<77xi32>
    %broadcast_in_dim3A_1387 = vector.shape_cast %reduce_sum3A_1386 : vector<77xi32> to vector<1x77xi32>
    %swap3A_1388 = arith.constant 38 : index
    %swap3A_1389 = arith.constant 0 : index
    %swap3A_1390 = vector.load %arg66[%swap3A_1388, %swap3A_1389] : memref<64x77xi32, #tpu.memory_space<vmem>>, vector<1x77xi32>
    tpu.vector_store %arg66[%swap3A_1388, %swap3A_1389], %broadcast_in_dim3A_1387 {strides = array<i32>} : memref<64x77xi32, #tpu.memory_space<vmem>>, vector<1x77xi32>,
    %mul3A_1391 = arith.constant 64 : i32
    %mul3A_1392 = arith.muli %arg0, %mul3A_1391 : i32
    %add3A_1393 = arith.constant 39 : i32
    %add3A_1394 = arith.addi %mul3A_1392, %add3A_1393 : i32
    %get3A_1395 = arith.index_cast %add3A_1394 : i32 to index
    %get3A_1396 = memref.load %arg1[%get3A_1395] : memref<1024xi32, #tpu.memory_space<smem>>
    %jit3A_1397 = arith.constant 8 : i32
    %eq3A_1398 = arith.constant 0 : i32
    %eq3A_1399 = arith.cmpi eq, %jit3A_1397, %eq3A_1398 : i32
    %jit3A_1400 = arith.constant 1 : i32
    %select_n3A_1401 = arith.select %eq3A_1399, %jit3A_1400, %jit3A_1397 : i32
    %rem3A_1402 = arith.remsi %get3A_1396, %select_n3A_1401 : i32
    %ne3A_1403 = arith.constant 0 : i32
    %ne3A_1404 = arith.cmpi ne, %rem3A_1402, %ne3A_1403 : i32
    %lt3A_1405 = arith.constant 0 : i32
    %lt3A_1406 = arith.cmpi slt, %rem3A_1402, %lt3A_1405 : i32
    %lt3A_1407 = arith.constant 0 : i32
    %lt3A_1408 = arith.cmpi slt, %select_n3A_1401, %lt3A_1407 : i32
    %ne3A_1409 = arith.xori %lt3A_1406, %lt3A_1408 : i1
    %and3A_1410 = arith.andi %ne3A_1409, %ne3A_1404 : i1
    %add3A_1411 = arith.addi %rem3A_1402, %select_n3A_1401 : i32
    %select_n3A_1412 = arith.select %and3A_1410, %add3A_1411, %rem3A_1402 : i32
    %eq3A_1413 = vector.broadcast %select_n3A_1412 : i32 to vector<8x77xi32>
    %eq3A_1414 = arith.cmpi eq, %iota3A, %eq3A_1413 : vector<8x77xi32>
    %get3A_1415 = arith.constant 0 : index
    %get3A_1416 = arith.constant 0 : index
    %get3A_1417 = vector.load %arg41[%get3A_1415, %get3A_1416] : memref<8x77xi32, #tpu.memory_space<vmem>>, vector<8x77xi32>
    %jit3A_1418 = arith.constant 0 : i32
    %broadcast_in_dim3A_1419 = vector.broadcast %jit3A_1418 : i32 to vector<8x77xi32>
    %select_n3A_1420 = arith.select %eq3A_1414, %get3A_1417, %broadcast_in_dim3A_1419 : vector<8x77xi1>, vector<8x77xi32>
    %reduce_sum3A_1421 = arith.constant dense<0> : vector<77xi32>
    %reduce_sum3A_1422 = vector.multi_reduction <add>, %select_n3A_1420, %reduce_sum3A_1421 [0] : vector<8x77xi32> to vector<77xi32>
    %broadcast_in_dim3A_1423 = vector.shape_cast %reduce_sum3A_1422 : vector<77xi32> to vector<1x77xi32>
    %swap3A_1424 = arith.constant 39 : index
    %swap3A_1425 = arith.constant 0 : index
    %swap3A_1426 = vector.load %arg66[%swap3A_1424, %swap3A_1425] : memref<64x77xi32, #tpu.memory_space<vmem>>, vector<1x77xi32>
    tpu.vector_store %arg66[%swap3A_1424, %swap3A_1425], %broadcast_in_dim3A_1423 {strides = array<i32>} : memref<64x77xi32, #tpu.memory_space<vmem>>, vector<1x77xi32>,
    %mul3A_1427 = arith.constant 64 : i32
    %mul3A_1428 = arith.muli %arg0, %mul3A_1427 : i32
    %add3A_1429 = arith.constant 40 : i32
    %add3A_1430 = arith.addi %mul3A_1428, %add3A_1429 : i32
    %get3A_1431 = arith.index_cast %add3A_1430 : i32 to index
    %get3A_1432 = memref.load %arg1[%get3A_1431] : memref<1024xi32, #tpu.memory_space<smem>>
    %jit3A_1433 = arith.constant 8 : i32
    %eq3A_1434 = arith.constant 0 : i32
    %eq3A_1435 = arith.cmpi eq, %jit3A_1433, %eq3A_1434 : i32
    %jit3A_1436 = arith.constant 1 : i32
    %select_n3A_1437 = arith.select %eq3A_1435, %jit3A_1436, %jit3A_1433 : i32
    %rem3A_1438 = arith.remsi %get3A_1432, %select_n3A_1437 : i32
    %ne3A_1439 = arith.constant 0 : i32
    %ne3A_1440 = arith.cmpi ne, %rem3A_1438, %ne3A_1439 : i32
    %lt3A_1441 = arith.constant 0 : i32
    %lt3A_1442 = arith.cmpi slt, %rem3A_1438, %lt3A_1441 : i32
    %lt3A_1443 = arith.constant 0 : i32
    %lt3A_1444 = arith.cmpi slt, %select_n3A_1437, %lt3A_1443 : i32
    %ne3A_1445 = arith.xori %lt3A_1442, %lt3A_1444 : i1
    %and3A_1446 = arith.andi %ne3A_1445, %ne3A_1440 : i1
    %add3A_1447 = arith.addi %rem3A_1438, %select_n3A_1437 : i32
    %select_n3A_1448 = arith.select %and3A_1446, %add3A_1447, %rem3A_1438 : i32
    %eq3A_1449 = vector.broadcast %select_n3A_1448 : i32 to vector<8x77xi32>
    %eq3A_1450 = arith.cmpi eq, %iota3A, %eq3A_1449 : vector<8x77xi32>
    %get3A_1451 = arith.constant 0 : index
    %get3A_1452 = arith.constant 0 : index
    %get3A_1453 = vector.load %arg42[%get3A_1451, %get3A_1452] : memref<8x77xi32, #tpu.memory_space<vmem>>, vector<8x77xi32>
    %jit3A_1454 = arith.constant 0 : i32
    %broadcast_in_dim3A_1455 = vector.broadcast %jit3A_1454 : i32 to vector<8x77xi32>
    %select_n3A_1456 = arith.select %eq3A_1450, %get3A_1453, %broadcast_in_dim3A_1455 : vector<8x77xi1>, vector<8x77xi32>
    %reduce_sum3A_1457 = arith.constant dense<0> : vector<77xi32>
    %reduce_sum3A_1458 = vector.multi_reduction <add>, %select_n3A_1456, %reduce_sum3A_1457 [0] : vector<8x77xi32> to vector<77xi32>
    %broadcast_in_dim3A_1459 = vector.shape_cast %reduce_sum3A_1458 : vector<77xi32> to vector<1x77xi32>
    %swap3A_1460 = arith.constant 40 : index
    %swap3A_1461 = arith.constant 0 : index
    %swap3A_1462 = vector.load %arg66[%swap3A_1460, %swap3A_1461] : memref<64x77xi32, #tpu.memory_space<vmem>>, vector<1x77xi32>
    tpu.vector_store %arg66[%swap3A_1460, %swap3A_1461], %broadcast_in_dim3A_1459 {strides = array<i32>} : memref<64x77xi32, #tpu.memory_space<vmem>>, vector<1x77xi32>,
    %mul3A_1463 = arith.constant 64 : i32
    %mul3A_1464 = arith.muli %arg0, %mul3A_1463 : i32
    %add3A_1465 = arith.constant 41 : i32
    %add3A_1466 = arith.addi %mul3A_1464, %add3A_1465 : i32
    %get3A_1467 = arith.index_cast %add3A_1466 : i32 to index
    %get3A_1468 = memref.load %arg1[%get3A_1467] : memref<1024xi32, #tpu.memory_space<smem>>
    %jit3A_1469 = arith.constant 8 : i32
    %eq3A_1470 = arith.constant 0 : i32
    %eq3A_1471 = arith.cmpi eq, %jit3A_1469, %eq3A_1470 : i32
    %jit3A_1472 = arith.constant 1 : i32
    %select_n3A_1473 = arith.select %eq3A_1471, %jit3A_1472, %jit3A_1469 : i32
    %rem3A_1474 = arith.remsi %get3A_1468, %select_n3A_1473 : i32
    %ne3A_1475 = arith.constant 0 : i32
    %ne3A_1476 = arith.cmpi ne, %rem3A_1474, %ne3A_1475 : i32
    %lt3A_1477 = arith.constant 0 : i32
    %lt3A_1478 = arith.cmpi slt, %rem3A_1474, %lt3A_1477 : i32
    %lt3A_1479 = arith.constant 0 : i32
    %lt3A_1480 = arith.cmpi slt, %select_n3A_1473, %lt3A_1479 : i32
    %ne3A_1481 = arith.xori %lt3A_1478, %lt3A_1480 : i1
    %and3A_1482 = arith.andi %ne3A_1481, %ne3A_1476 : i1
    %add3A_1483 = arith.addi %rem3A_1474, %select_n3A_1473 : i32
    %select_n3A_1484 = arith.select %and3A_1482, %add3A_1483, %rem3A_1474 : i32
    %eq3A_1485 = vector.broadcast %select_n3A_1484 : i32 to vector<8x77xi32>
    %eq3A_1486 = arith.cmpi eq, %iota3A, %eq3A_1485 : vector<8x77xi32>
    %get3A_1487 = arith.constant 0 : index
    %get3A_1488 = arith.constant 0 : index
    %get3A_1489 = vector.load %arg43[%get3A_1487, %get3A_1488] : memref<8x77xi32, #tpu.memory_space<vmem>>, vector<8x77xi32>
    %jit3A_1490 = arith.constant 0 : i32
    %broadcast_in_dim3A_1491 = vector.broadcast %jit3A_1490 : i32 to vector<8x77xi32>
    %select_n3A_1492 = arith.select %eq3A_1486, %get3A_1489, %broadcast_in_dim3A_1491 : vector<8x77xi1>, vector<8x77xi32>
    %reduce_sum3A_1493 = arith.constant dense<0> : vector<77xi32>
    %reduce_sum3A_1494 = vector.multi_reduction <add>, %select_n3A_1492, %reduce_sum3A_1493 [0] : vector<8x77xi32> to vector<77xi32>
    %broadcast_in_dim3A_1495 = vector.shape_cast %reduce_sum3A_1494 : vector<77xi32> to vector<1x77xi32>
    %swap3A_1496 = arith.constant 41 : index
    %swap3A_1497 = arith.constant 0 : index
    %swap3A_1498 = vector.load %arg66[%swap3A_1496, %swap3A_1497] : memref<64x77xi32, #tpu.memory_space<vmem>>, vector<1x77xi32>
    tpu.vector_store %arg66[%swap3A_1496, %swap3A_1497], %broadcast_in_dim3A_1495 {strides = array<i32>} : memref<64x77xi32, #tpu.memory_space<vmem>>, vector<1x77xi32>,
    %mul3A_1499 = arith.constant 64 : i32
    %mul3A_1500 = arith.muli %arg0, %mul3A_1499 : i32
    %add3A_1501 = arith.constant 42 : i32
    %add3A_1502 = arith.addi %mul3A_1500, %add3A_1501 : i32
    %get3A_1503 = arith.index_cast %add3A_1502 : i32 to index
    %get3A_1504 = memref.load %arg1[%get3A_1503] : memref<1024xi32, #tpu.memory_space<smem>>
    %jit3A_1505 = arith.constant 8 : i32
    %eq3A_1506 = arith.constant 0 : i32
    %eq3A_1507 = arith.cmpi eq, %jit3A_1505, %eq3A_1506 : i32
    %jit3A_1508 = arith.constant 1 : i32
    %select_n3A_1509 = arith.select %eq3A_1507, %jit3A_1508, %jit3A_1505 : i32
    %rem3A_1510 = arith.remsi %get3A_1504, %select_n3A_1509 : i32
    %ne3A_1511 = arith.constant 0 : i32
    %ne3A_1512 = arith.cmpi ne, %rem3A_1510, %ne3A_1511 : i32
    %lt3A_1513 = arith.constant 0 : i32
    %lt3A_1514 = arith.cmpi slt, %rem3A_1510, %lt3A_1513 : i32
    %lt3A_1515 = arith.constant 0 : i32
    %lt3A_1516 = arith.cmpi slt, %select_n3A_1509, %lt3A_1515 : i32
    %ne3A_1517 = arith.xori %lt3A_1514, %lt3A_1516 : i1
    %and3A_1518 = arith.andi %ne3A_1517, %ne3A_1512 : i1
    %add3A_1519 = arith.addi %rem3A_1510, %select_n3A_1509 : i32
    %select_n3A_1520 = arith.select %and3A_1518, %add3A_1519, %rem3A_1510 : i32
    %eq3A_1521 = vector.broadcast %select_n3A_1520 : i32 to vector<8x77xi32>
    %eq3A_1522 = arith.cmpi eq, %iota3A, %eq3A_1521 : vector<8x77xi32>
    %get3A_1523 = arith.constant 0 : index
    %get3A_1524 = arith.constant 0 : index
    %get3A_1525 = vector.load %arg44[%get3A_1523, %get3A_1524] : memref<8x77xi32, #tpu.memory_space<vmem>>, vector<8x77xi32>
    %jit3A_1526 = arith.constant 0 : i32
    %broadcast_in_dim3A_1527 = vector.broadcast %jit3A_1526 : i32 to vector<8x77xi32>
    %select_n3A_1528 = arith.select %eq3A_1522, %get3A_1525, %broadcast_in_dim3A_1527 : vector<8x77xi1>, vector<8x77xi32>
    %reduce_sum3A_1529 = arith.constant dense<0> : vector<77xi32>
    %reduce_sum3A_1530 = vector.multi_reduction <add>, %select_n3A_1528, %reduce_sum3A_1529 [0] : vector<8x77xi32> to vector<77xi32>
    %broadcast_in_dim3A_1531 = vector.shape_cast %reduce_sum3A_1530 : vector<77xi32> to vector<1x77xi32>
    %swap3A_1532 = arith.constant 42 : index
    %swap3A_1533 = arith.constant 0 : index
    %swap3A_1534 = vector.load %arg66[%swap3A_1532, %swap3A_1533] : memref<64x77xi32, #tpu.memory_space<vmem>>, vector<1x77xi32>
    tpu.vector_store %arg66[%swap3A_1532, %swap3A_1533], %broadcast_in_dim3A_1531 {strides = array<i32>} : memref<64x77xi32, #tpu.memory_space<vmem>>, vector<1x77xi32>,
    %mul3A_1535 = arith.constant 64 : i32
    %mul3A_1536 = arith.muli %arg0, %mul3A_1535 : i32
    %add3A_1537 = arith.constant 43 : i32
    %add3A_1538 = arith.addi %mul3A_1536, %add3A_1537 : i32
    %get3A_1539 = arith.index_cast %add3A_1538 : i32 to index
    %get3A_1540 = memref.load %arg1[%get3A_1539] : memref<1024xi32, #tpu.memory_space<smem>>
    %jit3A_1541 = arith.constant 8 : i32
    %eq3A_1542 = arith.constant 0 : i32
    %eq3A_1543 = arith.cmpi eq, %jit3A_1541, %eq3A_1542 : i32
    %jit3A_1544 = arith.constant 1 : i32
    %select_n3A_1545 = arith.select %eq3A_1543, %jit3A_1544, %jit3A_1541 : i32
    %rem3A_1546 = arith.remsi %get3A_1540, %select_n3A_1545 : i32
    %ne3A_1547 = arith.constant 0 : i32
    %ne3A_1548 = arith.cmpi ne, %rem3A_1546, %ne3A_1547 : i32
    %lt3A_1549 = arith.constant 0 : i32
    %lt3A_1550 = arith.cmpi slt, %rem3A_1546, %lt3A_1549 : i32
    %lt3A_1551 = arith.constant 0 : i32
    %lt3A_1552 = arith.cmpi slt, %select_n3A_1545, %lt3A_1551 : i32
    %ne3A_1553 = arith.xori %lt3A_1550, %lt3A_1552 : i1
    %and3A_1554 = arith.andi %ne3A_1553, %ne3A_1548 : i1
    %add3A_1555 = arith.addi %rem3A_1546, %select_n3A_1545 : i32
    %select_n3A_1556 = arith.select %and3A_1554, %add3A_1555, %rem3A_1546 : i32
    %eq3A_1557 = vector.broadcast %select_n3A_1556 : i32 to vector<8x77xi32>
    %eq3A_1558 = arith.cmpi eq, %iota3A, %eq3A_1557 : vector<8x77xi32>
    %get3A_1559 = arith.constant 0 : index
    %get3A_1560 = arith.constant 0 : index
    %get3A_1561 = vector.load %arg45[%get3A_1559, %get3A_1560] : memref<8x77xi32, #tpu.memory_space<vmem>>, vector<8x77xi32>
    %jit3A_1562 = arith.constant 0 : i32
    %broadcast_in_dim3A_1563 = vector.broadcast %jit3A_1562 : i32 to vector<8x77xi32>
    %select_n3A_1564 = arith.select %eq3A_1558, %get3A_1561, %broadcast_in_dim3A_1563 : vector<8x77xi1>, vector<8x77xi32>
    %reduce_sum3A_1565 = arith.constant dense<0> : vector<77xi32>
    %reduce_sum3A_1566 = vector.multi_reduction <add>, %select_n3A_1564, %reduce_sum3A_1565 [0] : vector<8x77xi32> to vector<77xi32>
    %broadcast_in_dim3A_1567 = vector.shape_cast %reduce_sum3A_1566 : vector<77xi32> to vector<1x77xi32>
    %swap3A_1568 = arith.constant 43 : index
    %swap3A_1569 = arith.constant 0 : index
    %swap3A_1570 = vector.load %arg66[%swap3A_1568, %swap3A_1569] : memref<64x77xi32, #tpu.memory_space<vmem>>, vector<1x77xi32>
    tpu.vector_store %arg66[%swap3A_1568, %swap3A_1569], %broadcast_in_dim3A_1567 {strides = array<i32>} : memref<64x77xi32, #tpu.memory_space<vmem>>, vector<1x77xi32>,
    %mul3A_1571 = arith.constant 64 : i32
    %mul3A_1572 = arith.muli %arg0, %mul3A_1571 : i32
    %add3A_1573 = arith.constant 44 : i32
    %add3A_1574 = arith.addi %mul3A_1572, %add3A_1573 : i32
    %get3A_1575 = arith.index_cast %add3A_1574 : i32 to index
    %get3A_1576 = memref.load %arg1[%get3A_1575] : memref<1024xi32, #tpu.memory_space<smem>>
    %jit3A_1577 = arith.constant 8 : i32
    %eq3A_1578 = arith.constant 0 : i32
    %eq3A_1579 = arith.cmpi eq, %jit3A_1577, %eq3A_1578 : i32
    %jit3A_1580 = arith.constant 1 : i32
    %select_n3A_1581 = arith.select %eq3A_1579, %jit3A_1580, %jit3A_1577 : i32
    %rem3A_1582 = arith.remsi %get3A_1576, %select_n3A_1581 : i32
    %ne3A_1583 = arith.constant 0 : i32
    %ne3A_1584 = arith.cmpi ne, %rem3A_1582, %ne3A_1583 : i32
    %lt3A_1585 = arith.constant 0 : i32
    %lt3A_1586 = arith.cmpi slt, %rem3A_1582, %lt3A_1585 : i32
    %lt3A_1587 = arith.constant 0 : i32
    %lt3A_1588 = arith.cmpi slt, %select_n3A_1581, %lt3A_1587 : i32
    %ne3A_1589 = arith.xori %lt3A_1586, %lt3A_1588 : i1
    %and3A_1590 = arith.andi %ne3A_1589, %ne3A_1584 : i1
    %add3A_1591 = arith.addi %rem3A_1582, %select_n3A_1581 : i32
    %select_n3A_1592 = arith.select %and3A_1590, %add3A_1591, %rem3A_1582 : i32
    %eq3A_1593 = vector.broadcast %select_n3A_1592 : i32 to vector<8x77xi32>
    %eq3A_1594 = arith.cmpi eq, %iota3A, %eq3A_1593 : vector<8x77xi32>
    %get3A_1595 = arith.constant 0 : index
    %get3A_1596 = arith.constant 0 : index
    %get3A_1597 = vector.load %arg46[%get3A_1595, %get3A_1596] : memref<8x77xi32, #tpu.memory_space<vmem>>, vector<8x77xi32>
    %jit3A_1598 = arith.constant 0 : i32
    %broadcast_in_dim3A_1599 = vector.broadcast %jit3A_1598 : i32 to vector<8x77xi32>
    %select_n3A_1600 = arith.select %eq3A_1594, %get3A_1597, %broadcast_in_dim3A_1599 : vector<8x77xi1>, vector<8x77xi32>
    %reduce_sum3A_1601 = arith.constant dense<0> : vector<77xi32>
    %reduce_sum3A_1602 = vector.multi_reduction <add>, %select_n3A_1600, %reduce_sum3A_1601 [0] : vector<8x77xi32> to vector<77xi32>
    %broadcast_in_dim3A_1603 = vector.shape_cast %reduce_sum3A_1602 : vector<77xi32> to vector<1x77xi32>
    %swap3A_1604 = arith.constant 44 : index
    %swap3A_1605 = arith.constant 0 : index
    %swap3A_1606 = vector.load %arg66[%swap3A_1604, %swap3A_1605] : memref<64x77xi32, #tpu.memory_space<vmem>>, vector<1x77xi32>
    tpu.vector_store %arg66[%swap3A_1604, %swap3A_1605], %broadcast_in_dim3A_1603 {strides = array<i32>} : memref<64x77xi32, #tpu.memory_space<vmem>>, vector<1x77xi32>,
    %mul3A_1607 = arith.constant 64 : i32
    %mul3A_1608 = arith.muli %arg0, %mul3A_1607 : i32
    %add3A_1609 = arith.constant 45 : i32
    %add3A_1610 = arith.addi %mul3A_1608, %add3A_1609 : i32
    %get3A_1611 = arith.index_cast %add3A_1610 : i32 to index
    %get3A_1612 = memref.load %arg1[%get3A_1611] : memref<1024xi32, #tpu.memory_space<smem>>
    %jit3A_1613 = arith.constant 8 : i32
    %eq3A_1614 = arith.constant 0 : i32
    %eq3A_1615 = arith.cmpi eq, %jit3A_1613, %eq3A_1614 : i32
    %jit3A_1616 = arith.constant 1 : i32
    %select_n3A_1617 = arith.select %eq3A_1615, %jit3A_1616, %jit3A_1613 : i32
    %rem3A_1618 = arith.remsi %get3A_1612, %select_n3A_1617 : i32
    %ne3A_1619 = arith.constant 0 : i32
    %ne3A_1620 = arith.cmpi ne, %rem3A_1618, %ne3A_1619 : i32
    %lt3A_1621 = arith.constant 0 : i32
    %lt3A_1622 = arith.cmpi slt, %rem3A_1618, %lt3A_1621 : i32
    %lt3A_1623 = arith.constant 0 : i32
    %lt3A_1624 = arith.cmpi slt, %select_n3A_1617, %lt3A_1623 : i32
    %ne3A_1625 = arith.xori %lt3A_1622, %lt3A_1624 : i1
    %and3A_1626 = arith.andi %ne3A_1625, %ne3A_1620 : i1
    %add3A_1627 = arith.addi %rem3A_1618, %select_n3A_1617 : i32
    %select_n3A_1628 = arith.select %and3A_1626, %add3A_1627, %rem3A_1618 : i32
    %eq3A_1629 = vector.broadcast %select_n3A_1628 : i32 to vector<8x77xi32>
    %eq3A_1630 = arith.cmpi eq, %iota3A, %eq3A_1629 : vector<8x77xi32>
    %get3A_1631 = arith.constant 0 : index
    %get3A_1632 = arith.constant 0 : index
    %get3A_1633 = vector.load %arg47[%get3A_1631, %get3A_1632] : memref<8x77xi32, #tpu.memory_space<vmem>>, vector<8x77xi32>
    %jit3A_1634 = arith.constant 0 : i32
    %broadcast_in_dim3A_1635 = vector.broadcast %jit3A_1634 : i32 to vector<8x77xi32>
    %select_n3A_1636 = arith.select %eq3A_1630, %get3A_1633, %broadcast_in_dim3A_1635 : vector<8x77xi1>, vector<8x77xi32>
    %reduce_sum3A_1637 = arith.constant dense<0> : vector<77xi32>
    %reduce_sum3A_1638 = vector.multi_reduction <add>, %select_n3A_1636, %reduce_sum3A_1637 [0] : vector<8x77xi32> to vector<77xi32>
    %broadcast_in_dim3A_1639 = vector.shape_cast %reduce_sum3A_1638 : vector<77xi32> to vector<1x77xi32>
    %swap3A_1640 = arith.constant 45 : index
    %swap3A_1641 = arith.constant 0 : index
    %swap3A_1642 = vector.load %arg66[%swap3A_1640, %swap3A_1641] : memref<64x77xi32, #tpu.memory_space<vmem>>, vector<1x77xi32>
    tpu.vector_store %arg66[%swap3A_1640, %swap3A_1641], %broadcast_in_dim3A_1639 {strides = array<i32>} : memref<64x77xi32, #tpu.memory_space<vmem>>, vector<1x77xi32>,
    %mul3A_1643 = arith.constant 64 : i32
    %mul3A_1644 = arith.muli %arg0, %mul3A_1643 : i32
    %add3A_1645 = arith.constant 46 : i32
    %add3A_1646 = arith.addi %mul3A_1644, %add3A_1645 : i32
    %get3A_1647 = arith.index_cast %add3A_1646 : i32 to index
    %get3A_1648 = memref.load %arg1[%get3A_1647] : memref<1024xi32, #tpu.memory_space<smem>>
    %jit3A_1649 = arith.constant 8 : i32
    %eq3A_1650 = arith.constant 0 : i32
    %eq3A_1651 = arith.cmpi eq, %jit3A_1649, %eq3A_1650 : i32
    %jit3A_1652 = arith.constant 1 : i32
    %select_n3A_1653 = arith.select %eq3A_1651, %jit3A_1652, %jit3A_1649 : i32
    %rem3A_1654 = arith.remsi %get3A_1648, %select_n3A_1653 : i32
    %ne3A_1655 = arith.constant 0 : i32
    %ne3A_1656 = arith.cmpi ne, %rem3A_1654, %ne3A_1655 : i32
    %lt3A_1657 = arith.constant 0 : i32
    %lt3A_1658 = arith.cmpi slt, %rem3A_1654, %lt3A_1657 : i32
    %lt3A_1659 = arith.constant 0 : i32
    %lt3A_1660 = arith.cmpi slt, %select_n3A_1653, %lt3A_1659 : i32
    %ne3A_1661 = arith.xori %lt3A_1658, %lt3A_1660 : i1
    %and3A_1662 = arith.andi %ne3A_1661, %ne3A_1656 : i1
    %add3A_1663 = arith.addi %rem3A_1654, %select_n3A_1653 : i32
    %select_n3A_1664 = arith.select %and3A_1662, %add3A_1663, %rem3A_1654 : i32
    %eq3A_1665 = vector.broadcast %select_n3A_1664 : i32 to vector<8x77xi32>
    %eq3A_1666 = arith.cmpi eq, %iota3A, %eq3A_1665 : vector<8x77xi32>
    %get3A_1667 = arith.constant 0 : index
    %get3A_1668 = arith.constant 0 : index
    %get3A_1669 = vector.load %arg48[%get3A_1667, %get3A_1668] : memref<8x77xi32, #tpu.memory_space<vmem>>, vector<8x77xi32>
    %jit3A_1670 = arith.constant 0 : i32
    %broadcast_in_dim3A_1671 = vector.broadcast %jit3A_1670 : i32 to vector<8x77xi32>
    %select_n3A_1672 = arith.select %eq3A_1666, %get3A_1669, %broadcast_in_dim3A_1671 : vector<8x77xi1>, vector<8x77xi32>
    %reduce_sum3A_1673 = arith.constant dense<0> : vector<77xi32>
    %reduce_sum3A_1674 = vector.multi_reduction <add>, %select_n3A_1672, %reduce_sum3A_1673 [0] : vector<8x77xi32> to vector<77xi32>
    %broadcast_in_dim3A_1675 = vector.shape_cast %reduce_sum3A_1674 : vector<77xi32> to vector<1x77xi32>
    %swap3A_1676 = arith.constant 46 : index
    %swap3A_1677 = arith.constant 0 : index
    %swap3A_1678 = vector.load %arg66[%swap3A_1676, %swap3A_1677] : memref<64x77xi32, #tpu.memory_space<vmem>>, vector<1x77xi32>
    tpu.vector_store %arg66[%swap3A_1676, %swap3A_1677], %broadcast_in_dim3A_1675 {strides = array<i32>} : memref<64x77xi32, #tpu.memory_space<vmem>>, vector<1x77xi32>,
    %mul3A_1679 = arith.constant 64 : i32
    %mul3A_1680 = arith.muli %arg0, %mul3A_1679 : i32
    %add3A_1681 = arith.constant 47 : i32
    %add3A_1682 = arith.addi %mul3A_1680, %add3A_1681 : i32
    %get3A_1683 = arith.index_cast %add3A_1682 : i32 to index
    %get3A_1684 = memref.load %arg1[%get3A_1683] : memref<1024xi32, #tpu.memory_space<smem>>
    %jit3A_1685 = arith.constant 8 : i32
    %eq3A_1686 = arith.constant 0 : i32
    %eq3A_1687 = arith.cmpi eq, %jit3A_1685, %eq3A_1686 : i32
    %jit3A_1688 = arith.constant 1 : i32
    %select_n3A_1689 = arith.select %eq3A_1687, %jit3A_1688, %jit3A_1685 : i32
    %rem3A_1690 = arith.remsi %get3A_1684, %select_n3A_1689 : i32
    %ne3A_1691 = arith.constant 0 : i32
    %ne3A_1692 = arith.cmpi ne, %rem3A_1690, %ne3A_1691 : i32
    %lt3A_1693 = arith.constant 0 : i32
    %lt3A_1694 = arith.cmpi slt, %rem3A_1690, %lt3A_1693 : i32
    %lt3A_1695 = arith.constant 0 : i32
    %lt3A_1696 = arith.cmpi slt, %select_n3A_1689, %lt3A_1695 : i32
    %ne3A_1697 = arith.xori %lt3A_1694, %lt3A_1696 : i1
    %and3A_1698 = arith.andi %ne3A_1697, %ne3A_1692 : i1
    %add3A_1699 = arith.addi %rem3A_1690, %select_n3A_1689 : i32
    %select_n3A_1700 = arith.select %and3A_1698, %add3A_1699, %rem3A_1690 : i32
    %eq3A_1701 = vector.broadcast %select_n3A_1700 : i32 to vector<8x77xi32>
    %eq3A_1702 = arith.cmpi eq, %iota3A, %eq3A_1701 : vector<8x77xi32>
    %get3A_1703 = arith.constant 0 : index
    %get3A_1704 = arith.constant 0 : index
    %get3A_1705 = vector.load %arg49[%get3A_1703, %get3A_1704] : memref<8x77xi32, #tpu.memory_space<vmem>>, vector<8x77xi32>
    %jit3A_1706 = arith.constant 0 : i32
    %broadcast_in_dim3A_1707 = vector.broadcast %jit3A_1706 : i32 to vector<8x77xi32>
    %select_n3A_1708 = arith.select %eq3A_1702, %get3A_1705, %broadcast_in_dim3A_1707 : vector<8x77xi1>, vector<8x77xi32>
    %reduce_sum3A_1709 = arith.constant dense<0> : vector<77xi32>
    %reduce_sum3A_1710 = vector.multi_reduction <add>, %select_n3A_1708, %reduce_sum3A_1709 [0] : vector<8x77xi32> to vector<77xi32>
    %broadcast_in_dim3A_1711 = vector.shape_cast %reduce_sum3A_1710 : vector<77xi32> to vector<1x77xi32>
    %swap3A_1712 = arith.constant 47 : index
    %swap3A_1713 = arith.constant 0 : index
    %swap3A_1714 = vector.load %arg66[%swap3A_1712, %swap3A_1713] : memref<64x77xi32, #tpu.memory_space<vmem>>, vector<1x77xi32>
    tpu.vector_store %arg66[%swap3A_1712, %swap3A_1713], %broadcast_in_dim3A_1711 {strides = array<i32>} : memref<64x77xi32, #tpu.memory_space<vmem>>, vector<1x77xi32>,
    %mul3A_1715 = arith.constant 64 : i32
    %mul3A_1716 = arith.muli %arg0, %mul3A_1715 : i32
    %add3A_1717 = arith.constant 48 : i32
    %add3A_1718 = arith.addi %mul3A_1716, %add3A_1717 : i32
    %get3A_1719 = arith.index_cast %add3A_1718 : i32 to index
    %get3A_1720 = memref.load %arg1[%get3A_1719] : memref<1024xi32, #tpu.memory_space<smem>>
    %jit3A_1721 = arith.constant 8 : i32
    %eq3A_1722 = arith.constant 0 : i32
    %eq3A_1723 = arith.cmpi eq, %jit3A_1721, %eq3A_1722 : i32
    %jit3A_1724 = arith.constant 1 : i32
    %select_n3A_1725 = arith.select %eq3A_1723, %jit3A_1724, %jit3A_1721 : i32
    %rem3A_1726 = arith.remsi %get3A_1720, %select_n3A_1725 : i32
    %ne3A_1727 = arith.constant 0 : i32
    %ne3A_1728 = arith.cmpi ne, %rem3A_1726, %ne3A_1727 : i32
    %lt3A_1729 = arith.constant 0 : i32
    %lt3A_1730 = arith.cmpi slt, %rem3A_1726, %lt3A_1729 : i32
    %lt3A_1731 = arith.constant 0 : i32
    %lt3A_1732 = arith.cmpi slt, %select_n3A_1725, %lt3A_1731 : i32
    %ne3A_1733 = arith.xori %lt3A_1730, %lt3A_1732 : i1
    %and3A_1734 = arith.andi %ne3A_1733, %ne3A_1728 : i1
    %add3A_1735 = arith.addi %rem3A_1726, %select_n3A_1725 : i32
    %select_n3A_1736 = arith.select %and3A_1734, %add3A_1735, %rem3A_1726 : i32
    %eq3A_1737 = vector.broadcast %select_n3A_1736 : i32 to vector<8x77xi32>
    %eq3A_1738 = arith.cmpi eq, %iota3A, %eq3A_1737 : vector<8x77xi32>
    %get3A_1739 = arith.constant 0 : index
    %get3A_1740 = arith.constant 0 : index
    %get3A_1741 = vector.load %arg50[%get3A_1739, %get3A_1740] : memref<8x77xi32, #tpu.memory_space<vmem>>, vector<8x77xi32>
    %jit3A_1742 = arith.constant 0 : i32
    %broadcast_in_dim3A_1743 = vector.broadcast %jit3A_1742 : i32 to vector<8x77xi32>
    %select_n3A_1744 = arith.select %eq3A_1738, %get3A_1741, %broadcast_in_dim3A_1743 : vector<8x77xi1>, vector<8x77xi32>
    %reduce_sum3A_1745 = arith.constant dense<0> : vector<77xi32>
    %reduce_sum3A_1746 = vector.multi_reduction <add>, %select_n3A_1744, %reduce_sum3A_1745 [0] : vector<8x77xi32> to vector<77xi32>
    %broadcast_in_dim3A_1747 = vector.shape_cast %reduce_sum3A_1746 : vector<77xi32> to vector<1x77xi32>
    %swap3A_1748 = arith.constant 48 : index
    %swap3A_1749 = arith.constant 0 : index
    %swap3A_1750 = vector.load %arg66[%swap3A_1748, %swap3A_1749] : memref<64x77xi32, #tpu.memory_space<vmem>>, vector<1x77xi32>
    tpu.vector_store %arg66[%swap3A_1748, %swap3A_1749], %broadcast_in_dim3A_1747 {strides = array<i32>} : memref<64x77xi32, #tpu.memory_space<vmem>>, vector<1x77xi32>,
    %mul3A_1751 = arith.constant 64 : i32
    %mul3A_1752 = arith.muli %arg0, %mul3A_1751 : i32
    %add3A_1753 = arith.constant 49 : i32
    %add3A_1754 = arith.addi %mul3A_1752, %add3A_1753 : i32
    %get3A_1755 = arith.index_cast %add3A_1754 : i32 to index
    %get3A_1756 = memref.load %arg1[%get3A_1755] : memref<1024xi32, #tpu.memory_space<smem>>
    %jit3A_1757 = arith.constant 8 : i32
    %eq3A_1758 = arith.constant 0 : i32
    %eq3A_1759 = arith.cmpi eq, %jit3A_1757, %eq3A_1758 : i32
    %jit3A_1760 = arith.constant 1 : i32
    %select_n3A_1761 = arith.select %eq3A_1759, %jit3A_1760, %jit3A_1757 : i32
    %rem3A_1762 = arith.remsi %get3A_1756, %select_n3A_1761 : i32
    %ne3A_1763 = arith.constant 0 : i32
    %ne3A_1764 = arith.cmpi ne, %rem3A_1762, %ne3A_1763 : i32
    %lt3A_1765 = arith.constant 0 : i32
    %lt3A_1766 = arith.cmpi slt, %rem3A_1762, %lt3A_1765 : i32
    %lt3A_1767 = arith.constant 0 : i32
    %lt3A_1768 = arith.cmpi slt, %select_n3A_1761, %lt3A_1767 : i32
    %ne3A_1769 = arith.xori %lt3A_1766, %lt3A_1768 : i1
    %and3A_1770 = arith.andi %ne3A_1769, %ne3A_1764 : i1
    %add3A_1771 = arith.addi %rem3A_1762, %select_n3A_1761 : i32
    %select_n3A_1772 = arith.select %and3A_1770, %add3A_1771, %rem3A_1762 : i32
    %eq3A_1773 = vector.broadcast %select_n3A_1772 : i32 to vector<8x77xi32>
    %eq3A_1774 = arith.cmpi eq, %iota3A, %eq3A_1773 : vector<8x77xi32>
    %get3A_1775 = arith.constant 0 : index
    %get3A_1776 = arith.constant 0 : index
    %get3A_1777 = vector.load %arg51[%get3A_1775, %get3A_1776] : memref<8x77xi32, #tpu.memory_space<vmem>>, vector<8x77xi32>
    %jit3A_1778 = arith.constant 0 : i32
    %broadcast_in_dim3A_1779 = vector.broadcast %jit3A_1778 : i32 to vector<8x77xi32>
    %select_n3A_1780 = arith.select %eq3A_1774, %get3A_1777, %broadcast_in_dim3A_1779 : vector<8x77xi1>, vector<8x77xi32>
    %reduce_sum3A_1781 = arith.constant dense<0> : vector<77xi32>
    %reduce_sum3A_1782 = vector.multi_reduction <add>, %select_n3A_1780, %reduce_sum3A_1781 [0] : vector<8x77xi32> to vector<77xi32>
    %broadcast_in_dim3A_1783 = vector.shape_cast %reduce_sum3A_1782 : vector<77xi32> to vector<1x77xi32>
    %swap3A_1784 = arith.constant 49 : index
    %swap3A_1785 = arith.constant 0 : index
    %swap3A_1786 = vector.load %arg66[%swap3A_1784, %swap3A_1785] : memref<64x77xi32, #tpu.memory_space<vmem>>, vector<1x77xi32>
    tpu.vector_store %arg66[%swap3A_1784, %swap3A_1785], %broadcast_in_dim3A_1783 {strides = array<i32>} : memref<64x77xi32, #tpu.memory_space<vmem>>, vector<1x77xi32>,
    %mul3A_1787 = arith.constant 64 : i32
    %mul3A_1788 = arith.muli %arg0, %mul3A_1787 : i32
    %add3A_1789 = arith.constant 50 : i32
    %add3A_1790 = arith.addi %mul3A_1788, %add3A_1789 : i32
    %get3A_1791 = arith.index_cast %add3A_1790 : i32 to index
    %get3A_1792 = memref.load %arg1[%get3A_1791] : memref<1024xi32, #tpu.memory_space<smem>>
    %jit3A_1793 = arith.constant 8 : i32
    %eq3A_1794 = arith.constant 0 : i32
    %eq3A_1795 = arith.cmpi eq, %jit3A_1793, %eq3A_1794 : i32
    %jit3A_1796 = arith.constant 1 : i32
    %select_n3A_1797 = arith.select %eq3A_1795, %jit3A_1796, %jit3A_1793 : i32
    %rem3A_1798 = arith.remsi %get3A_1792, %select_n3A_1797 : i32
    %ne3A_1799 = arith.constant 0 : i32
    %ne3A_1800 = arith.cmpi ne, %rem3A_1798, %ne3A_1799 : i32
    %lt3A_1801 = arith.constant 0 : i32
    %lt3A_1802 = arith.cmpi slt, %rem3A_1798, %lt3A_1801 : i32
    %lt3A_1803 = arith.constant 0 : i32
    %lt3A_1804 = arith.cmpi slt, %select_n3A_1797, %lt3A_1803 : i32
    %ne3A_1805 = arith.xori %lt3A_1802, %lt3A_1804 : i1
    %and3A_1806 = arith.andi %ne3A_1805, %ne3A_1800 : i1
    %add3A_1807 = arith.addi %rem3A_1798, %select_n3A_1797 : i32
    %select_n3A_1808 = arith.select %and3A_1806, %add3A_1807, %rem3A_1798 : i32
    %eq3A_1809 = vector.broadcast %select_n3A_1808 : i32 to vector<8x77xi32>
    %eq3A_1810 = arith.cmpi eq, %iota3A, %eq3A_1809 : vector<8x77xi32>
    %get3A_1811 = arith.constant 0 : index
    %get3A_1812 = arith.constant 0 : index
    %get3A_1813 = vector.load %arg52[%get3A_1811, %get3A_1812] : memref<8x77xi32, #tpu.memory_space<vmem>>, vector<8x77xi32>
    %jit3A_1814 = arith.constant 0 : i32
    %broadcast_in_dim3A_1815 = vector.broadcast %jit3A_1814 : i32 to vector<8x77xi32>
    %select_n3A_1816 = arith.select %eq3A_1810, %get3A_1813, %broadcast_in_dim3A_1815 : vector<8x77xi1>, vector<8x77xi32>
    %reduce_sum3A_1817 = arith.constant dense<0> : vector<77xi32>
    %reduce_sum3A_1818 = vector.multi_reduction <add>, %select_n3A_1816, %reduce_sum3A_1817 [0] : vector<8x77xi32> to vector<77xi32>
    %broadcast_in_dim3A_1819 = vector.shape_cast %reduce_sum3A_1818 : vector<77xi32> to vector<1x77xi32>
    %swap3A_1820 = arith.constant 50 : index
    %swap3A_1821 = arith.constant 0 : index
    %swap3A_1822 = vector.load %arg66[%swap3A_1820, %swap3A_1821] : memref<64x77xi32, #tpu.memory_space<vmem>>, vector<1x77xi32>
    tpu.vector_store %arg66[%swap3A_1820, %swap3A_1821], %broadcast_in_dim3A_1819 {strides = array<i32>} : memref<64x77xi32, #tpu.memory_space<vmem>>, vector<1x77xi32>,
    %mul3A_1823 = arith.constant 64 : i32
    %mul3A_1824 = arith.muli %arg0, %mul3A_1823 : i32
    %add3A_1825 = arith.constant 51 : i32
    %add3A_1826 = arith.addi %mul3A_1824, %add3A_1825 : i32
    %get3A_1827 = arith.index_cast %add3A_1826 : i32 to index
    %get3A_1828 = memref.load %arg1[%get3A_1827] : memref<1024xi32, #tpu.memory_space<smem>>
    %jit3A_1829 = arith.constant 8 : i32
    %eq3A_1830 = arith.constant 0 : i32
    %eq3A_1831 = arith.cmpi eq, %jit3A_1829, %eq3A_1830 : i32
    %jit3A_1832 = arith.constant 1 : i32
    %select_n3A_1833 = arith.select %eq3A_1831, %jit3A_1832, %jit3A_1829 : i32
    %rem3A_1834 = arith.remsi %get3A_1828, %select_n3A_1833 : i32
    %ne3A_1835 = arith.constant 0 : i32
    %ne3A_1836 = arith.cmpi ne, %rem3A_1834, %ne3A_1835 : i32
    %lt3A_1837 = arith.constant 0 : i32
    %lt3A_1838 = arith.cmpi slt, %rem3A_1834, %lt3A_1837 : i32
    %lt3A_1839 = arith.constant 0 : i32
    %lt3A_1840 = arith.cmpi slt, %select_n3A_1833, %lt3A_1839 : i32
    %ne3A_1841 = arith.xori %lt3A_1838, %lt3A_1840 : i1
    %and3A_1842 = arith.andi %ne3A_1841, %ne3A_1836 : i1
    %add3A_1843 = arith.addi %rem3A_1834, %select_n3A_1833 : i32
    %select_n3A_1844 = arith.select %and3A_1842, %add3A_1843, %rem3A_1834 : i32
    %eq3A_1845 = vector.broadcast %select_n3A_1844 : i32 to vector<8x77xi32>
    %eq3A_1846 = arith.cmpi eq, %iota3A, %eq3A_1845 : vector<8x77xi32>
    %get3A_1847 = arith.constant 0 : index
    %get3A_1848 = arith.constant 0 : index
    %get3A_1849 = vector.load %arg53[%get3A_1847, %get3A_1848] : memref<8x77xi32, #tpu.memory_space<vmem>>, vector<8x77xi32>
    %jit3A_1850 = arith.constant 0 : i32
    %broadcast_in_dim3A_1851 = vector.broadcast %jit3A_1850 : i32 to vector<8x77xi32>
    %select_n3A_1852 = arith.select %eq3A_1846, %get3A_1849, %broadcast_in_dim3A_1851 : vector<8x77xi1>, vector<8x77xi32>
    %reduce_sum3A_1853 = arith.constant dense<0> : vector<77xi32>
    %reduce_sum3A_1854 = vector.multi_reduction <add>, %select_n3A_1852, %reduce_sum3A_1853 [0] : vector<8x77xi32> to vector<77xi32>
    %broadcast_in_dim3A_1855 = vector.shape_cast %reduce_sum3A_1854 : vector<77xi32> to vector<1x77xi32>
    %swap3A_1856 = arith.constant 51 : index
    %swap3A_1857 = arith.constant 0 : index
    %swap3A_1858 = vector.load %arg66[%swap3A_1856, %swap3A_1857] : memref<64x77xi32, #tpu.memory_space<vmem>>, vector<1x77xi32>
    tpu.vector_store %arg66[%swap3A_1856, %swap3A_1857], %broadcast_in_dim3A_1855 {strides = array<i32>} : memref<64x77xi32, #tpu.memory_space<vmem>>, vector<1x77xi32>,
    %mul3A_1859 = arith.constant 64 : i32
    %mul3A_1860 = arith.muli %arg0, %mul3A_1859 : i32
    %add3A_1861 = arith.constant 52 : i32
    %add3A_1862 = arith.addi %mul3A_1860, %add3A_1861 : i32
    %get3A_1863 = arith.index_cast %add3A_1862 : i32 to index
    %get3A_1864 = memref.load %arg1[%get3A_1863] : memref<1024xi32, #tpu.memory_space<smem>>
    %jit3A_1865 = arith.constant 8 : i32
    %eq3A_1866 = arith.constant 0 : i32
    %eq3A_1867 = arith.cmpi eq, %jit3A_1865, %eq3A_1866 : i32
    %jit3A_1868 = arith.constant 1 : i32
    %select_n3A_1869 = arith.select %eq3A_1867, %jit3A_1868, %jit3A_1865 : i32
    %rem3A_1870 = arith.remsi %get3A_1864, %select_n3A_1869 : i32
    %ne3A_1871 = arith.constant 0 : i32
    %ne3A_1872 = arith.cmpi ne, %rem3A_1870, %ne3A_1871 : i32
    %lt3A_1873 = arith.constant 0 : i32
    %lt3A_1874 = arith.cmpi slt, %rem3A_1870, %lt3A_1873 : i32
    %lt3A_1875 = arith.constant 0 : i32
    %lt3A_1876 = arith.cmpi slt, %select_n3A_1869, %lt3A_1875 : i32
    %ne3A_1877 = arith.xori %lt3A_1874, %lt3A_1876 : i1
    %and3A_1878 = arith.andi %ne3A_1877, %ne3A_1872 : i1
    %add3A_1879 = arith.addi %rem3A_1870, %select_n3A_1869 : i32
    %select_n3A_1880 = arith.select %and3A_1878, %add3A_1879, %rem3A_1870 : i32
    %eq3A_1881 = vector.broadcast %select_n3A_1880 : i32 to vector<8x77xi32>
    %eq3A_1882 = arith.cmpi eq, %iota3A, %eq3A_1881 : vector<8x77xi32>
    %get3A_1883 = arith.constant 0 : index
    %get3A_1884 = arith.constant 0 : index
    %get3A_1885 = vector.load %arg54[%get3A_1883, %get3A_1884] : memref<8x77xi32, #tpu.memory_space<vmem>>, vector<8x77xi32>
    %jit3A_1886 = arith.constant 0 : i32
    %broadcast_in_dim3A_1887 = vector.broadcast %jit3A_1886 : i32 to vector<8x77xi32>
    %select_n3A_1888 = arith.select %eq3A_1882, %get3A_1885, %broadcast_in_dim3A_1887 : vector<8x77xi1>, vector<8x77xi32>
    %reduce_sum3A_1889 = arith.constant dense<0> : vector<77xi32>
    %reduce_sum3A_1890 = vector.multi_reduction <add>, %select_n3A_1888, %reduce_sum3A_1889 [0] : vector<8x77xi32> to vector<77xi32>
    %broadcast_in_dim3A_1891 = vector.shape_cast %reduce_sum3A_1890 : vector<77xi32> to vector<1x77xi32>
    %swap3A_1892 = arith.constant 52 : index
    %swap3A_1893 = arith.constant 0 : index
    %swap3A_1894 = vector.load %arg66[%swap3A_1892, %swap3A_1893] : memref<64x77xi32, #tpu.memory_space<vmem>>, vector<1x77xi32>
    tpu.vector_store %arg66[%swap3A_1892, %swap3A_1893], %broadcast_in_dim3A_1891 {strides = array<i32>} : memref<64x77xi32, #tpu.memory_space<vmem>>, vector<1x77xi32>,
    %mul3A_1895 = arith.constant 64 : i32
    %mul3A_1896 = arith.muli %arg0, %mul3A_1895 : i32
    %add3A_1897 = arith.constant 53 : i32
    %add3A_1898 = arith.addi %mul3A_1896, %add3A_1897 : i32
    %get3A_1899 = arith.index_cast %add3A_1898 : i32 to index
    %get3A_1900 = memref.load %arg1[%get3A_1899] : memref<1024xi32, #tpu.memory_space<smem>>
    %jit3A_1901 = arith.constant 8 : i32
    %eq3A_1902 = arith.constant 0 : i32
    %eq3A_1903 = arith.cmpi eq, %jit3A_1901, %eq3A_1902 : i32
    %jit3A_1904 = arith.constant 1 : i32
    %select_n3A_1905 = arith.select %eq3A_1903, %jit3A_1904, %jit3A_1901 : i32
    %rem3A_1906 = arith.remsi %get3A_1900, %select_n3A_1905 : i32
    %ne3A_1907 = arith.constant 0 : i32
    %ne3A_1908 = arith.cmpi ne, %rem3A_1906, %ne3A_1907 : i32
    %lt3A_1909 = arith.constant 0 : i32
    %lt3A_1910 = arith.cmpi slt, %rem3A_1906, %lt3A_1909 : i32
    %lt3A_1911 = arith.constant 0 : i32
    %lt3A_1912 = arith.cmpi slt, %select_n3A_1905, %lt3A_1911 : i32
    %ne3A_1913 = arith.xori %lt3A_1910, %lt3A_1912 : i1
    %and3A_1914 = arith.andi %ne3A_1913, %ne3A_1908 : i1
    %add3A_1915 = arith.addi %rem3A_1906, %select_n3A_1905 : i32
    %select_n3A_1916 = arith.select %and3A_1914, %add3A_1915, %rem3A_1906 : i32
    %eq3A_1917 = vector.broadcast %select_n3A_1916 : i32 to vector<8x77xi32>
    %eq3A_1918 = arith.cmpi eq, %iota3A, %eq3A_1917 : vector<8x77xi32>
    %get3A_1919 = arith.constant 0 : index
    %get3A_1920 = arith.constant 0 : index
    %get3A_1921 = vector.load %arg55[%get3A_1919, %get3A_1920] : memref<8x77xi32, #tpu.memory_space<vmem>>, vector<8x77xi32>
    %jit3A_1922 = arith.constant 0 : i32
    %broadcast_in_dim3A_1923 = vector.broadcast %jit3A_1922 : i32 to vector<8x77xi32>
    %select_n3A_1924 = arith.select %eq3A_1918, %get3A_1921, %broadcast_in_dim3A_1923 : vector<8x77xi1>, vector<8x77xi32>
    %reduce_sum3A_1925 = arith.constant dense<0> : vector<77xi32>
    %reduce_sum3A_1926 = vector.multi_reduction <add>, %select_n3A_1924, %reduce_sum3A_1925 [0] : vector<8x77xi32> to vector<77xi32>
    %broadcast_in_dim3A_1927 = vector.shape_cast %reduce_sum3A_1926 : vector<77xi32> to vector<1x77xi32>
    %swap3A_1928 = arith.constant 53 : index
    %swap3A_1929 = arith.constant 0 : index
    %swap3A_1930 = vector.load %arg66[%swap3A_1928, %swap3A_1929] : memref<64x77xi32, #tpu.memory_space<vmem>>, vector<1x77xi32>
    tpu.vector_store %arg66[%swap3A_1928, %swap3A_1929], %broadcast_in_dim3A_1927 {strides = array<i32>} : memref<64x77xi32, #tpu.memory_space<vmem>>, vector<1x77xi32>,
    %mul3A_1931 = arith.constant 64 : i32
    %mul3A_1932 = arith.muli %arg0, %mul3A_1931 : i32
    %add3A_1933 = arith.constant 54 : i32
    %add3A_1934 = arith.addi %mul3A_1932, %add3A_1933 : i32
    %get3A_1935 = arith.index_cast %add3A_1934 : i32 to index
    %get3A_1936 = memref.load %arg1[%get3A_1935] : memref<1024xi32, #tpu.memory_space<smem>>
    %jit3A_1937 = arith.constant 8 : i32
    %eq3A_1938 = arith.constant 0 : i32
    %eq3A_1939 = arith.cmpi eq, %jit3A_1937, %eq3A_1938 : i32
    %jit3A_1940 = arith.constant 1 : i32
    %select_n3A_1941 = arith.select %eq3A_1939, %jit3A_1940, %jit3A_1937 : i32
    %rem3A_1942 = arith.remsi %get3A_1936, %select_n3A_1941 : i32
    %ne3A_1943 = arith.constant 0 : i32
    %ne3A_1944 = arith.cmpi ne, %rem3A_1942, %ne3A_1943 : i32
    %lt3A_1945 = arith.constant 0 : i32
    %lt3A_1946 = arith.cmpi slt, %rem3A_1942, %lt3A_1945 : i32
    %lt3A_1947 = arith.constant 0 : i32
    %lt3A_1948 = arith.cmpi slt, %select_n3A_1941, %lt3A_1947 : i32
    %ne3A_1949 = arith.xori %lt3A_1946, %lt3A_1948 : i1
    %and3A_1950 = arith.andi %ne3A_1949, %ne3A_1944 : i1
    %add3A_1951 = arith.addi %rem3A_1942, %select_n3A_1941 : i32
    %select_n3A_1952 = arith.select %and3A_1950, %add3A_1951, %rem3A_1942 : i32
    %eq3A_1953 = vector.broadcast %select_n3A_1952 : i32 to vector<8x77xi32>
    %eq3A_1954 = arith.cmpi eq, %iota3A, %eq3A_1953 : vector<8x77xi32>
    %get3A_1955 = arith.constant 0 : index
    %get3A_1956 = arith.constant 0 : index
    %get3A_1957 = vector.load %arg56[%get3A_1955, %get3A_1956] : memref<8x77xi32, #tpu.memory_space<vmem>>, vector<8x77xi32>
    %jit3A_1958 = arith.constant 0 : i32
    %broadcast_in_dim3A_1959 = vector.broadcast %jit3A_1958 : i32 to vector<8x77xi32>
    %select_n3A_1960 = arith.select %eq3A_1954, %get3A_1957, %broadcast_in_dim3A_1959 : vector<8x77xi1>, vector<8x77xi32>
    %reduce_sum3A_1961 = arith.constant dense<0> : vector<77xi32>
    %reduce_sum3A_1962 = vector.multi_reduction <add>, %select_n3A_1960, %reduce_sum3A_1961 [0] : vector<8x77xi32> to vector<77xi32>
    %broadcast_in_dim3A_1963 = vector.shape_cast %reduce_sum3A_1962 : vector<77xi32> to vector<1x77xi32>
    %swap3A_1964 = arith.constant 54 : index
    %swap3A_1965 = arith.constant 0 : index
    %swap3A_1966 = vector.load %arg66[%swap3A_1964, %swap3A_1965] : memref<64x77xi32, #tpu.memory_space<vmem>>, vector<1x77xi32>
    tpu.vector_store %arg66[%swap3A_1964, %swap3A_1965], %broadcast_in_dim3A_1963 {strides = array<i32>} : memref<64x77xi32, #tpu.memory_space<vmem>>, vector<1x77xi32>,
    %mul3A_1967 = arith.constant 64 : i32
    %mul3A_1968 = arith.muli %arg0, %mul3A_1967 : i32
    %add3A_1969 = arith.constant 55 : i32
    %add3A_1970 = arith.addi %mul3A_1968, %add3A_1969 : i32
    %get3A_1971 = arith.index_cast %add3A_1970 : i32 to index
    %get3A_1972 = memref.load %arg1[%get3A_1971] : memref<1024xi32, #tpu.memory_space<smem>>
    %jit3A_1973 = arith.constant 8 : i32
    %eq3A_1974 = arith.constant 0 : i32
    %eq3A_1975 = arith.cmpi eq, %jit3A_1973, %eq3A_1974 : i32
    %jit3A_1976 = arith.constant 1 : i32
    %select_n3A_1977 = arith.select %eq3A_1975, %jit3A_1976, %jit3A_1973 : i32
    %rem3A_1978 = arith.remsi %get3A_1972, %select_n3A_1977 : i32
    %ne3A_1979 = arith.constant 0 : i32
    %ne3A_1980 = arith.cmpi ne, %rem3A_1978, %ne3A_1979 : i32
    %lt3A_1981 = arith.constant 0 : i32
    %lt3A_1982 = arith.cmpi slt, %rem3A_1978, %lt3A_1981 : i32
    %lt3A_1983 = arith.constant 0 : i32
    %lt3A_1984 = arith.cmpi slt, %select_n3A_1977, %lt3A_1983 : i32
    %ne3A_1985 = arith.xori %lt3A_1982, %lt3A_1984 : i1
    %and3A_1986 = arith.andi %ne3A_1985, %ne3A_1980 : i1
    %add3A_1987 = arith.addi %rem3A_1978, %select_n3A_1977 : i32
    %select_n3A_1988 = arith.select %and3A_1986, %add3A_1987, %rem3A_1978 : i32
    %eq3A_1989 = vector.broadcast %select_n3A_1988 : i32 to vector<8x77xi32>
    %eq3A_1990 = arith.cmpi eq, %iota3A, %eq3A_1989 : vector<8x77xi32>
    %get3A_1991 = arith.constant 0 : index
    %get3A_1992 = arith.constant 0 : index
    %get3A_1993 = vector.load %arg57[%get3A_1991, %get3A_1992] : memref<8x77xi32, #tpu.memory_space<vmem>>, vector<8x77xi32>
    %jit3A_1994 = arith.constant 0 : i32
    %broadcast_in_dim3A_1995 = vector.broadcast %jit3A_1994 : i32 to vector<8x77xi32>
    %select_n3A_1996 = arith.select %eq3A_1990, %get3A_1993, %broadcast_in_dim3A_1995 : vector<8x77xi1>, vector<8x77xi32>
    %reduce_sum3A_1997 = arith.constant dense<0> : vector<77xi32>
    %reduce_sum3A_1998 = vector.multi_reduction <add>, %select_n3A_1996, %reduce_sum3A_1997 [0] : vector<8x77xi32> to vector<77xi32>
    %broadcast_in_dim3A_1999 = vector.shape_cast %reduce_sum3A_1998 : vector<77xi32> to vector<1x77xi32>
    %swap3A_2000 = arith.constant 55 : index
    %swap3A_2001 = arith.constant 0 : index
    %swap3A_2002 = vector.load %arg66[%swap3A_2000, %swap3A_2001] : memref<64x77xi32, #tpu.memory_space<vmem>>, vector<1x77xi32>
    tpu.vector_store %arg66[%swap3A_2000, %swap3A_2001], %broadcast_in_dim3A_1999 {strides = array<i32>} : memref<64x77xi32, #tpu.memory_space<vmem>>, vector<1x77xi32>,
    %mul3A_2003 = arith.constant 64 : i32
    %mul3A_2004 = arith.muli %arg0, %mul3A_2003 : i32
    %add3A_2005 = arith.constant 56 : i32
    %add3A_2006 = arith.addi %mul3A_2004, %add3A_2005 : i32
    %get3A_2007 = arith.index_cast %add3A_2006 : i32 to index
    %get3A_2008 = memref.load %arg1[%get3A_2007] : memref<1024xi32, #tpu.memory_space<smem>>
    %jit3A_2009 = arith.constant 8 : i32
    %eq3A_2010 = arith.constant 0 : i32
    %eq3A_2011 = arith.cmpi eq, %jit3A_2009, %eq3A_2010 : i32
    %jit3A_2012 = arith.constant 1 : i32
    %select_n3A_2013 = arith.select %eq3A_2011, %jit3A_2012, %jit3A_2009 : i32
    %rem3A_2014 = arith.remsi %get3A_2008, %select_n3A_2013 : i32
    %ne3A_2015 = arith.constant 0 : i32
    %ne3A_2016 = arith.cmpi ne, %rem3A_2014, %ne3A_2015 : i32
    %lt3A_2017 = arith.constant 0 : i32
    %lt3A_2018 = arith.cmpi slt, %rem3A_2014, %lt3A_2017 : i32
    %lt3A_2019 = arith.constant 0 : i32
    %lt3A_2020 = arith.cmpi slt, %select_n3A_2013, %lt3A_2019 : i32
    %ne3A_2021 = arith.xori %lt3A_2018, %lt3A_2020 : i1
    %and3A_2022 = arith.andi %ne3A_2021, %ne3A_2016 : i1
    %add3A_2023 = arith.addi %rem3A_2014, %select_n3A_2013 : i32
    %select_n3A_2024 = arith.select %and3A_2022, %add3A_2023, %rem3A_2014 : i32
    %eq3A_2025 = vector.broadcast %select_n3A_2024 : i32 to vector<8x77xi32>
    %eq3A_2026 = arith.cmpi eq, %iota3A, %eq3A_2025 : vector<8x77xi32>
    %get3A_2027 = arith.constant 0 : index
    %get3A_2028 = arith.constant 0 : index
    %get3A_2029 = vector.load %arg58[%get3A_2027, %get3A_2028] : memref<8x77xi32, #tpu.memory_space<vmem>>, vector<8x77xi32>
    %jit3A_2030 = arith.constant 0 : i32
    %broadcast_in_dim3A_2031 = vector.broadcast %jit3A_2030 : i32 to vector<8x77xi32>
    %select_n3A_2032 = arith.select %eq3A_2026, %get3A_2029, %broadcast_in_dim3A_2031 : vector<8x77xi1>, vector<8x77xi32>
    %reduce_sum3A_2033 = arith.constant dense<0> : vector<77xi32>
    %reduce_sum3A_2034 = vector.multi_reduction <add>, %select_n3A_2032, %reduce_sum3A_2033 [0] : vector<8x77xi32> to vector<77xi32>
    %broadcast_in_dim3A_2035 = vector.shape_cast %reduce_sum3A_2034 : vector<77xi32> to vector<1x77xi32>
    %swap3A_2036 = arith.constant 56 : index
    %swap3A_2037 = arith.constant 0 : index
    %swap3A_2038 = vector.load %arg66[%swap3A_2036, %swap3A_2037] : memref<64x77xi32, #tpu.memory_space<vmem>>, vector<1x77xi32>
    tpu.vector_store %arg66[%swap3A_2036, %swap3A_2037], %broadcast_in_dim3A_2035 {strides = array<i32>} : memref<64x77xi32, #tpu.memory_space<vmem>>, vector<1x77xi32>,
    %mul3A_2039 = arith.constant 64 : i32
    %mul3A_2040 = arith.muli %arg0, %mul3A_2039 : i32
    %add3A_2041 = arith.constant 57 : i32
    %add3A_2042 = arith.addi %mul3A_2040, %add3A_2041 : i32
    %get3A_2043 = arith.index_cast %add3A_2042 : i32 to index
    %get3A_2044 = memref.load %arg1[%get3A_2043] : memref<1024xi32, #tpu.memory_space<smem>>
    %jit3A_2045 = arith.constant 8 : i32
    %eq3A_2046 = arith.constant 0 : i32
    %eq3A_2047 = arith.cmpi eq, %jit3A_2045, %eq3A_2046 : i32
    %jit3A_2048 = arith.constant 1 : i32
    %select_n3A_2049 = arith.select %eq3A_2047, %jit3A_2048, %jit3A_2045 : i32
    %rem3A_2050 = arith.remsi %get3A_2044, %select_n3A_2049 : i32
    %ne3A_2051 = arith.constant 0 : i32
    %ne3A_2052 = arith.cmpi ne, %rem3A_2050, %ne3A_2051 : i32
    %lt3A_2053 = arith.constant 0 : i32
    %lt3A_2054 = arith.cmpi slt, %rem3A_2050, %lt3A_2053 : i32
    %lt3A_2055 = arith.constant 0 : i32
    %lt3A_2056 = arith.cmpi slt, %select_n3A_2049, %lt3A_2055 : i32
    %ne3A_2057 = arith.xori %lt3A_2054, %lt3A_2056 : i1
    %and3A_2058 = arith.andi %ne3A_2057, %ne3A_2052 : i1
    %add3A_2059 = arith.addi %rem3A_2050, %select_n3A_2049 : i32
    %select_n3A_2060 = arith.select %and3A_2058, %add3A_2059, %rem3A_2050 : i32
    %eq3A_2061 = vector.broadcast %select_n3A_2060 : i32 to vector<8x77xi32>
    %eq3A_2062 = arith.cmpi eq, %iota3A, %eq3A_2061 : vector<8x77xi32>
    %get3A_2063 = arith.constant 0 : index
    %get3A_2064 = arith.constant 0 : index
    %get3A_2065 = vector.load %arg59[%get3A_2063, %get3A_2064] : memref<8x77xi32, #tpu.memory_space<vmem>>, vector<8x77xi32>
    %jit3A_2066 = arith.constant 0 : i32
    %broadcast_in_dim3A_2067 = vector.broadcast %jit3A_2066 : i32 to vector<8x77xi32>
    %select_n3A_2068 = arith.select %eq3A_2062, %get3A_2065, %broadcast_in_dim3A_2067 : vector<8x77xi1>, vector<8x77xi32>
    %reduce_sum3A_2069 = arith.constant dense<0> : vector<77xi32>
    %reduce_sum3A_2070 = vector.multi_reduction <add>, %select_n3A_2068, %reduce_sum3A_2069 [0] : vector<8x77xi32> to vector<77xi32>
    %broadcast_in_dim3A_2071 = vector.shape_cast %reduce_sum3A_2070 : vector<77xi32> to vector<1x77xi32>
    %swap3A_2072 = arith.constant 57 : index
    %swap3A_2073 = arith.constant 0 : index
    %swap3A_2074 = vector.load %arg66[%swap3A_2072, %swap3A_2073] : memref<64x77xi32, #tpu.memory_space<vmem>>, vector<1x77xi32>
    tpu.vector_store %arg66[%swap3A_2072, %swap3A_2073], %broadcast_in_dim3A_2071 {strides = array<i32>} : memref<64x77xi32, #tpu.memory_space<vmem>>, vector<1x77xi32>,
    %mul3A_2075 = arith.constant 64 : i32
    %mul3A_2076 = arith.muli %arg0, %mul3A_2075 : i32
    %add3A_2077 = arith.constant 58 : i32
    %add3A_2078 = arith.addi %mul3A_2076, %add3A_2077 : i32
    %get3A_2079 = arith.index_cast %add3A_2078 : i32 to index
    %get3A_2080 = memref.load %arg1[%get3A_2079] : memref<1024xi32, #tpu.memory_space<smem>>
    %jit3A_2081 = arith.constant 8 : i32
    %eq3A_2082 = arith.constant 0 : i32
    %eq3A_2083 = arith.cmpi eq, %jit3A_2081, %eq3A_2082 : i32
    %jit3A_2084 = arith.constant 1 : i32
    %select_n3A_2085 = arith.select %eq3A_2083, %jit3A_2084, %jit3A_2081 : i32
    %rem3A_2086 = arith.remsi %get3A_2080, %select_n3A_2085 : i32
    %ne3A_2087 = arith.constant 0 : i32
    %ne3A_2088 = arith.cmpi ne, %rem3A_2086, %ne3A_2087 : i32
    %lt3A_2089 = arith.constant 0 : i32
    %lt3A_2090 = arith.cmpi slt, %rem3A_2086, %lt3A_2089 : i32
    %lt3A_2091 = arith.constant 0 : i32
    %lt3A_2092 = arith.cmpi slt, %select_n3A_2085, %lt3A_2091 : i32
    %ne3A_2093 = arith.xori %lt3A_2090, %lt3A_2092 : i1
    %and3A_2094 = arith.andi %ne3A_2093, %ne3A_2088 : i1
    %add3A_2095 = arith.addi %rem3A_2086, %select_n3A_2085 : i32
    %select_n3A_2096 = arith.select %and3A_2094, %add3A_2095, %rem3A_2086 : i32
    %eq3A_2097 = vector.broadcast %select_n3A_2096 : i32 to vector<8x77xi32>
    %eq3A_2098 = arith.cmpi eq, %iota3A, %eq3A_2097 : vector<8x77xi32>
    %get3A_2099 = arith.constant 0 : index
    %get3A_2100 = arith.constant 0 : index
    %get3A_2101 = vector.load %arg60[%get3A_2099, %get3A_2100] : memref<8x77xi32, #tpu.memory_space<vmem>>, vector<8x77xi32>
    %jit3A_2102 = arith.constant 0 : i32
    %broadcast_in_dim3A_2103 = vector.broadcast %jit3A_2102 : i32 to vector<8x77xi32>
    %select_n3A_2104 = arith.select %eq3A_2098, %get3A_2101, %broadcast_in_dim3A_2103 : vector<8x77xi1>, vector<8x77xi32>
    %reduce_sum3A_2105 = arith.constant dense<0> : vector<77xi32>
    %reduce_sum3A_2106 = vector.multi_reduction <add>, %select_n3A_2104, %reduce_sum3A_2105 [0] : vector<8x77xi32> to vector<77xi32>
    %broadcast_in_dim3A_2107 = vector.shape_cast %reduce_sum3A_2106 : vector<77xi32> to vector<1x77xi32>
    %swap3A_2108 = arith.constant 58 : index
    %swap3A_2109 = arith.constant 0 : index
    %swap3A_2110 = vector.load %arg66[%swap3A_2108, %swap3A_2109] : memref<64x77xi32, #tpu.memory_space<vmem>>, vector<1x77xi32>
    tpu.vector_store %arg66[%swap3A_2108, %swap3A_2109], %broadcast_in_dim3A_2107 {strides = array<i32>} : memref<64x77xi32, #tpu.memory_space<vmem>>, vector<1x77xi32>,
    %mul3A_2111 = arith.constant 64 : i32
    %mul3A_2112 = arith.muli %arg0, %mul3A_2111 : i32
    %add3A_2113 = arith.constant 59 : i32
    %add3A_2114 = arith.addi %mul3A_2112, %add3A_2113 : i32
    %get3A_2115 = arith.index_cast %add3A_2114 : i32 to index
    %get3A_2116 = memref.load %arg1[%get3A_2115] : memref<1024xi32, #tpu.memory_space<smem>>
    %jit3A_2117 = arith.constant 8 : i32
    %eq3A_2118 = arith.constant 0 : i32
    %eq3A_2119 = arith.cmpi eq, %jit3A_2117, %eq3A_2118 : i32
    %jit3A_2120 = arith.constant 1 : i32
    %select_n3A_2121 = arith.select %eq3A_2119, %jit3A_2120, %jit3A_2117 : i32
    %rem3A_2122 = arith.remsi %get3A_2116, %select_n3A_2121 : i32
    %ne3A_2123 = arith.constant 0 : i32
    %ne3A_2124 = arith.cmpi ne, %rem3A_2122, %ne3A_2123 : i32
    %lt3A_2125 = arith.constant 0 : i32
    %lt3A_2126 = arith.cmpi slt, %rem3A_2122, %lt3A_2125 : i32
    %lt3A_2127 = arith.constant 0 : i32
    %lt3A_2128 = arith.cmpi slt, %select_n3A_2121, %lt3A_2127 : i32
    %ne3A_2129 = arith.xori %lt3A_2126, %lt3A_2128 : i1
    %and3A_2130 = arith.andi %ne3A_2129, %ne3A_2124 : i1
    %add3A_2131 = arith.addi %rem3A_2122, %select_n3A_2121 : i32
    %select_n3A_2132 = arith.select %and3A_2130, %add3A_2131, %rem3A_2122 : i32
    %eq3A_2133 = vector.broadcast %select_n3A_2132 : i32 to vector<8x77xi32>
    %eq3A_2134 = arith.cmpi eq, %iota3A, %eq3A_2133 : vector<8x77xi32>
    %get3A_2135 = arith.constant 0 : index
    %get3A_2136 = arith.constant 0 : index
    %get3A_2137 = vector.load %arg61[%get3A_2135, %get3A_2136] : memref<8x77xi32, #tpu.memory_space<vmem>>, vector<8x77xi32>
    %jit3A_2138 = arith.constant 0 : i32
    %broadcast_in_dim3A_2139 = vector.broadcast %jit3A_2138 : i32 to vector<8x77xi32>
    %select_n3A_2140 = arith.select %eq3A_2134, %get3A_2137, %broadcast_in_dim3A_2139 : vector<8x77xi1>, vector<8x77xi32>
    %reduce_sum3A_2141 = arith.constant dense<0> : vector<77xi32>
    %reduce_sum3A_2142 = vector.multi_reduction <add>, %select_n3A_2140, %reduce_sum3A_2141 [0] : vector<8x77xi32> to vector<77xi32>
    %broadcast_in_dim3A_2143 = vector.shape_cast %reduce_sum3A_2142 : vector<77xi32> to vector<1x77xi32>
    %swap3A_2144 = arith.constant 59 : index
    %swap3A_2145 = arith.constant 0 : index
    %swap3A_2146 = vector.load %arg66[%swap3A_2144, %swap3A_2145] : memref<64x77xi32, #tpu.memory_space<vmem>>, vector<1x77xi32>
    tpu.vector_store %arg66[%swap3A_2144, %swap3A_2145], %broadcast_in_dim3A_2143 {strides = array<i32>} : memref<64x77xi32, #tpu.memory_space<vmem>>, vector<1x77xi32>,
    %mul3A_2147 = arith.constant 64 : i32
    %mul3A_2148 = arith.muli %arg0, %mul3A_2147 : i32
    %add3A_2149 = arith.constant 60 : i32
    %add3A_2150 = arith.addi %mul3A_2148, %add3A_2149 : i32
    %get3A_2151 = arith.index_cast %add3A_2150 : i32 to index
    %get3A_2152 = memref.load %arg1[%get3A_2151] : memref<1024xi32, #tpu.memory_space<smem>>
    %jit3A_2153 = arith.constant 8 : i32
    %eq3A_2154 = arith.constant 0 : i32
    %eq3A_2155 = arith.cmpi eq, %jit3A_2153, %eq3A_2154 : i32
    %jit3A_2156 = arith.constant 1 : i32
    %select_n3A_2157 = arith.select %eq3A_2155, %jit3A_2156, %jit3A_2153 : i32
    %rem3A_2158 = arith.remsi %get3A_2152, %select_n3A_2157 : i32
    %ne3A_2159 = arith.constant 0 : i32
    %ne3A_2160 = arith.cmpi ne, %rem3A_2158, %ne3A_2159 : i32
    %lt3A_2161 = arith.constant 0 : i32
    %lt3A_2162 = arith.cmpi slt, %rem3A_2158, %lt3A_2161 : i32
    %lt3A_2163 = arith.constant 0 : i32
    %lt3A_2164 = arith.cmpi slt, %select_n3A_2157, %lt3A_2163 : i32
    %ne3A_2165 = arith.xori %lt3A_2162, %lt3A_2164 : i1
    %and3A_2166 = arith.andi %ne3A_2165, %ne3A_2160 : i1
    %add3A_2167 = arith.addi %rem3A_2158, %select_n3A_2157 : i32
    %select_n3A_2168 = arith.select %and3A_2166, %add3A_2167, %rem3A_2158 : i32
    %eq3A_2169 = vector.broadcast %select_n3A_2168 : i32 to vector<8x77xi32>
    %eq3A_2170 = arith.cmpi eq, %iota3A, %eq3A_2169 : vector<8x77xi32>
    %get3A_2171 = arith.constant 0 : index
    %get3A_2172 = arith.constant 0 : index
    %get3A_2173 = vector.load %arg62[%get3A_2171, %get3A_2172] : memref<8x77xi32, #tpu.memory_space<vmem>>, vector<8x77xi32>
    %jit3A_2174 = arith.constant 0 : i32
    %broadcast_in_dim3A_2175 = vector.broadcast %jit3A_2174 : i32 to vector<8x77xi32>
    %select_n3A_2176 = arith.select %eq3A_2170, %get3A_2173, %broadcast_in_dim3A_2175 : vector<8x77xi1>, vector<8x77xi32>
    %reduce_sum3A_2177 = arith.constant dense<0> : vector<77xi32>
    %reduce_sum3A_2178 = vector.multi_reduction <add>, %select_n3A_2176, %reduce_sum3A_2177 [0] : vector<8x77xi32> to vector<77xi32>
    %broadcast_in_dim3A_2179 = vector.shape_cast %reduce_sum3A_2178 : vector<77xi32> to vector<1x77xi32>
    %swap3A_2180 = arith.constant 60 : index
    %swap3A_2181 = arith.constant 0 : index
    %swap3A_2182 = vector.load %arg66[%swap3A_2180, %swap3A_2181] : memref<64x77xi32, #tpu.memory_space<vmem>>, vector<1x77xi32>
    tpu.vector_store %arg66[%swap3A_2180, %swap3A_2181], %broadcast_in_dim3A_2179 {strides = array<i32>} : memref<64x77xi32, #tpu.memory_space<vmem>>, vector<1x77xi32>,
    %mul3A_2183 = arith.constant 64 : i32
    %mul3A_2184 = arith.muli %arg0, %mul3A_2183 : i32
    %add3A_2185 = arith.constant 61 : i32
    %add3A_2186 = arith.addi %mul3A_2184, %add3A_2185 : i32
    %get3A_2187 = arith.index_cast %add3A_2186 : i32 to index
    %get3A_2188 = memref.load %arg1[%get3A_2187] : memref<1024xi32, #tpu.memory_space<smem>>
    %jit3A_2189 = arith.constant 8 : i32
    %eq3A_2190 = arith.constant 0 : i32
    %eq3A_2191 = arith.cmpi eq, %jit3A_2189, %eq3A_2190 : i32
    %jit3A_2192 = arith.constant 1 : i32
    %select_n3A_2193 = arith.select %eq3A_2191, %jit3A_2192, %jit3A_2189 : i32
    %rem3A_2194 = arith.remsi %get3A_2188, %select_n3A_2193 : i32
    %ne3A_2195 = arith.constant 0 : i32
    %ne3A_2196 = arith.cmpi ne, %rem3A_2194, %ne3A_2195 : i32
    %lt3A_2197 = arith.constant 0 : i32
    %lt3A_2198 = arith.cmpi slt, %rem3A_2194, %lt3A_2197 : i32
    %lt3A_2199 = arith.constant 0 : i32
    %lt3A_2200 = arith.cmpi slt, %select_n3A_2193, %lt3A_2199 : i32
    %ne3A_2201 = arith.xori %lt3A_2198, %lt3A_2200 : i1
    %and3A_2202 = arith.andi %ne3A_2201, %ne3A_2196 : i1
    %add3A_2203 = arith.addi %rem3A_2194, %select_n3A_2193 : i32
    %select_n3A_2204 = arith.select %and3A_2202, %add3A_2203, %rem3A_2194 : i32
    %eq3A_2205 = vector.broadcast %select_n3A_2204 : i32 to vector<8x77xi32>
    %eq3A_2206 = arith.cmpi eq, %iota3A, %eq3A_2205 : vector<8x77xi32>
    %get3A_2207 = arith.constant 0 : index
    %get3A_2208 = arith.constant 0 : index
    %get3A_2209 = vector.load %arg63[%get3A_2207, %get3A_2208] : memref<8x77xi32, #tpu.memory_space<vmem>>, vector<8x77xi32>
    %jit3A_2210 = arith.constant 0 : i32
    %broadcast_in_dim3A_2211 = vector.broadcast %jit3A_2210 : i32 to vector<8x77xi32>
    %select_n3A_2212 = arith.select %eq3A_2206, %get3A_2209, %broadcast_in_dim3A_2211 : vector<8x77xi1>, vector<8x77xi32>
    %reduce_sum3A_2213 = arith.constant dense<0> : vector<77xi32>
    %reduce_sum3A_2214 = vector.multi_reduction <add>, %select_n3A_2212, %reduce_sum3A_2213 [0] : vector<8x77xi32> to vector<77xi32>
    %broadcast_in_dim3A_2215 = vector.shape_cast %reduce_sum3A_2214 : vector<77xi32> to vector<1x77xi32>
    %swap3A_2216 = arith.constant 61 : index
    %swap3A_2217 = arith.constant 0 : index
    %swap3A_2218 = vector.load %arg66[%swap3A_2216, %swap3A_2217] : memref<64x77xi32, #tpu.memory_space<vmem>>, vector<1x77xi32>
    tpu.vector_store %arg66[%swap3A_2216, %swap3A_2217], %broadcast_in_dim3A_2215 {strides = array<i32>} : memref<64x77xi32, #tpu.memory_space<vmem>>, vector<1x77xi32>,
    %mul3A_2219 = arith.constant 64 : i32
    %mul3A_2220 = arith.muli %arg0, %mul3A_2219 : i32
    %add3A_2221 = arith.constant 62 : i32
    %add3A_2222 = arith.addi %mul3A_2220, %add3A_2221 : i32
    %get3A_2223 = arith.index_cast %add3A_2222 : i32 to index
    %get3A_2224 = memref.load %arg1[%get3A_2223] : memref<1024xi32, #tpu.memory_space<smem>>
    %jit3A_2225 = arith.constant 8 : i32
    %eq3A_2226 = arith.constant 0 : i32
    %eq3A_2227 = arith.cmpi eq, %jit3A_2225, %eq3A_2226 : i32
    %jit3A_2228 = arith.constant 1 : i32
    %select_n3A_2229 = arith.select %eq3A_2227, %jit3A_2228, %jit3A_2225 : i32
    %rem3A_2230 = arith.remsi %get3A_2224, %select_n3A_2229 : i32
    %ne3A_2231 = arith.constant 0 : i32
    %ne3A_2232 = arith.cmpi ne, %rem3A_2230, %ne3A_2231 : i32
    %lt3A_2233 = arith.constant 0 : i32
    %lt3A_2234 = arith.cmpi slt, %rem3A_2230, %lt3A_2233 : i32
    %lt3A_2235 = arith.constant 0 : i32
    %lt3A_2236 = arith.cmpi slt, %select_n3A_2229, %lt3A_2235 : i32
    %ne3A_2237 = arith.xori %lt3A_2234, %lt3A_2236 : i1
    %and3A_2238 = arith.andi %ne3A_2237, %ne3A_2232 : i1
    %add3A_2239 = arith.addi %rem3A_2230, %select_n3A_2229 : i32
    %select_n3A_2240 = arith.select %and3A_2238, %add3A_2239, %rem3A_2230 : i32
    %eq3A_2241 = vector.broadcast %select_n3A_2240 : i32 to vector<8x77xi32>
    %eq3A_2242 = arith.cmpi eq, %iota3A, %eq3A_2241 : vector<8x77xi32>
    %get3A_2243 = arith.constant 0 : index
    %get3A_2244 = arith.constant 0 : index
    %get3A_2245 = vector.load %arg64[%get3A_2243, %get3A_2244] : memref<8x77xi32, #tpu.memory_space<vmem>>, vector<8x77xi32>
    %jit3A_2246 = arith.constant 0 : i32
    %broadcast_in_dim3A_2247 = vector.broadcast %jit3A_2246 : i32 to vector<8x77xi32>
    %select_n3A_2248 = arith.select %eq3A_2242, %get3A_2245, %broadcast_in_dim3A_2247 : vector<8x77xi1>, vector<8x77xi32>
    %reduce_sum3A_2249 = arith.constant dense<0> : vector<77xi32>
    %reduce_sum3A_2250 = vector.multi_reduction <add>, %select_n3A_2248, %reduce_sum3A_2249 [0] : vector<8x77xi32> to vector<77xi32>
    %broadcast_in_dim3A_2251 = vector.shape_cast %reduce_sum3A_2250 : vector<77xi32> to vector<1x77xi32>
    %swap3A_2252 = arith.constant 62 : index
    %swap3A_2253 = arith.constant 0 : index
    %swap3A_2254 = vector.load %arg66[%swap3A_2252, %swap3A_2253] : memref<64x77xi32, #tpu.memory_space<vmem>>, vector<1x77xi32>
    tpu.vector_store %arg66[%swap3A_2252, %swap3A_2253], %broadcast_in_dim3A_2251 {strides = array<i32>} : memref<64x77xi32, #tpu.memory_space<vmem>>, vector<1x77xi32>,
    %mul3A_2255 = arith.constant 64 : i32
    %mul3A_2256 = arith.muli %arg0, %mul3A_2255 : i32
    %add3A_2257 = arith.constant 63 : i32
    %add3A_2258 = arith.addi %mul3A_2256, %add3A_2257 : i32
    %get3A_2259 = arith.index_cast %add3A_2258 : i32 to index
    %get3A_2260 = memref.load %arg1[%get3A_2259] : memref<1024xi32, #tpu.memory_space<smem>>
    %jit3A_2261 = arith.constant 8 : i32
    %eq3A_2262 = arith.constant 0 : i32
    %eq3A_2263 = arith.cmpi eq, %jit3A_2261, %eq3A_2262 : i32
    %jit3A_2264 = arith.constant 1 : i32
    %select_n3A_2265 = arith.select %eq3A_2263, %jit3A_2264, %jit3A_2261 : i32
    %rem3A_2266 = arith.remsi %get3A_2260, %select_n3A_2265 : i32
    %ne3A_2267 = arith.constant 0 : i32
    %ne3A_2268 = arith.cmpi ne, %rem3A_2266, %ne3A_2267 : i32
    %lt3A_2269 = arith.constant 0 : i32
    %lt3A_2270 = arith.cmpi slt, %rem3A_2266, %lt3A_2269 : i32
    %lt3A_2271 = arith.constant 0 : i32
    %lt3A_2272 = arith.cmpi slt, %select_n3A_2265, %lt3A_2271 : i32
    %ne3A_2273 = arith.xori %lt3A_2270, %lt3A_2272 : i1
    %and3A_2274 = arith.andi %ne3A_2273, %ne3A_2268 : i1
    %add3A_2275 = arith.addi %rem3A_2266, %select_n3A_2265 : i32
    %select_n3A_2276 = arith.select %and3A_2274, %add3A_2275, %rem3A_2266 : i32
    %eq3A_2277 = vector.broadcast %select_n3A_2276 : i32 to vector<8x77xi32>
    %eq3A_2278 = arith.cmpi eq, %iota3A, %eq3A_2277 : vector<8x77xi32>
    %get3A_2279 = arith.constant 0 : index
    %get3A_2280 = arith.constant 0 : index
    %get3A_2281 = vector.load %arg65[%get3A_2279, %get3A_2280] : memref<8x77xi32, #tpu.memory_space<vmem>>, vector<8x77xi32>
    %jit3A_2282 = arith.constant 0 : i32
    %broadcast_in_dim3A_2283 = vector.broadcast %jit3A_2282 : i32 to vector<8x77xi32>
    %select_n3A_2284 = arith.select %eq3A_2278, %get3A_2281, %broadcast_in_dim3A_2283 : vector<8x77xi1>, vector<8x77xi32>
    %reduce_sum3A_2285 = arith.constant dense<0> : vector<77xi32>
    %reduce_sum3A_2286 = vector.multi_reduction <add>, %select_n3A_2284, %reduce_sum3A_2285 [0] : vector<8x77xi32> to vector<77xi32>
    %broadcast_in_dim3A_2287 = vector.shape_cast %reduce_sum3A_2286 : vector<77xi32> to vector<1x77xi32>
    %swap3A_2288 = arith.constant 63 : index
    %swap3A_2289 = arith.constant 0 : index
    %swap3A_2290 = vector.load %arg66[%swap3A_2288, %swap3A_2289] : memref<64x77xi32, #tpu.memory_space<vmem>>, vector<1x77xi32>
    tpu.vector_store %arg66[%swap3A_2288, %swap3A_2289], %broadcast_in_dim3A_2287 {strides = array<i32>} : memref<64x77xi32, #tpu.memory_space<vmem>>, vector<1x77xi32>,
    return
  }
  func.func @transform_0(%arg0: i32, %arg1: memref<1024xi32, #tpu.memory_space<smem>>) -> (i32, i32) {
    %mul3A = arith.constant 64 : i32
    %mul3A_0 = arith.muli %mul3A, %arg0 : i32
    %add3A = arith.constant 0 : i32
    %add3A_1 = arith.addi %mul3A_0, %add3A : i32
    %get3A = arith.index_cast %add3A_1 : i32 to index
    %get3A_2 = memref.load %arg1[%get3A] : memref<1024xi32, #tpu.memory_space<smem>>
    %jit3A = arith.constant 8 : i32
    %div3A = arith.divsi %get3A_2, %jit3A : i32
    %sign3A = arith.constant 0 : i32
    %sign3A_3 = arith.cmpi sgt, %get3A_2, %sign3A : i32
    %sign3A_4 = arith.extui %sign3A_3 : i1 to i32
    %sign3A_5 = arith.constant 0 : i32
    %sign3A_6 = arith.cmpi slt, %get3A_2, %sign3A_5 : i32
    %sign3A_7 = arith.extui %sign3A_6 : i1 to i32
    %sign3A_8 = arith.subi %sign3A_4, %sign3A_7 : i32
    %sign3A_9 = arith.constant 0 : i32
    %sign3A_10 = arith.cmpi sgt, %jit3A, %sign3A_9 : i32
    %sign3A_11 = arith.extui %sign3A_10 : i1 to i32
    %sign3A_12 = arith.constant 0 : i32
    %sign3A_13 = arith.cmpi slt, %jit3A, %sign3A_12 : i32
    %sign3A_14 = arith.extui %sign3A_13 : i1 to i32
    %sign3A_15 = arith.subi %sign3A_11, %sign3A_14 : i32
    %ne3A = arith.cmpi ne, %sign3A_8, %sign3A_15 : i32
    %rem3A = arith.remsi %get3A_2, %jit3A : i32
    %ne3A_16 = arith.constant 0 : i32
    %ne3A_17 = arith.cmpi ne, %rem3A, %ne3A_16 : i32
    %and3A = arith.andi %ne3A, %ne3A_17 : i1
    %sub3A = arith.constant 1 : i32
    %sub3A_18 = arith.subi %div3A, %sub3A : i32
    %select_n3A = arith.select %and3A, %sub3A_18, %div3A : i32
    %c0_i32 = arith.constant 0 : i32
    %c0_i32_19 = arith.constant 0 : i32
    return %select_n3A, %c0_i32 : i32, i32
  }
  func.func @transform_1(%arg0: i32, %arg1: memref<1024xi32, #tpu.memory_space<smem>>) -> (i32, i32) {
    %mul3A = arith.constant 64 : i32
    %mul3A_0 = arith.muli %mul3A, %arg0 : i32
    %add3A = arith.constant 1 : i32
    %add3A_1 = arith.addi %mul3A_0, %add3A : i32
    %get3A = arith.index_cast %add3A_1 : i32 to index
    %get3A_2 = memref.load %arg1[%get3A] : memref<1024xi32, #tpu.memory_space<smem>>
    %jit3A = arith.constant 8 : i32
    %div3A = arith.divsi %get3A_2, %jit3A : i32
    %sign3A = arith.constant 0 : i32
    %sign3A_3 = arith.cmpi sgt, %get3A_2, %sign3A : i32
    %sign3A_4 = arith.extui %sign3A_3 : i1 to i32
    %sign3A_5 = arith.constant 0 : i32
    %sign3A_6 = arith.cmpi slt, %get3A_2, %sign3A_5 : i32
    %sign3A_7 = arith.extui %sign3A_6 : i1 to i32
    %sign3A_8 = arith.subi %sign3A_4, %sign3A_7 : i32
    %sign3A_9 = arith.constant 0 : i32
    %sign3A_10 = arith.cmpi sgt, %jit3A, %sign3A_9 : i32
    %sign3A_11 = arith.extui %sign3A_10 : i1 to i32
    %sign3A_12 = arith.constant 0 : i32
    %sign3A_13 = arith.cmpi slt, %jit3A, %sign3A_12 : i32
    %sign3A_14 = arith.extui %sign3A_13 : i1 to i32
    %sign3A_15 = arith.subi %sign3A_11, %sign3A_14 : i32
    %ne3A = arith.cmpi ne, %sign3A_8, %sign3A_15 : i32
    %rem3A = arith.remsi %get3A_2, %jit3A : i32
    %ne3A_16 = arith.constant 0 : i32
    %ne3A_17 = arith.cmpi ne, %rem3A, %ne3A_16 : i32
    %and3A = arith.andi %ne3A, %ne3A_17 : i1
    %sub3A = arith.constant 1 : i32
    %sub3A_18 = arith.subi %div3A, %sub3A : i32
    %select_n3A = arith.select %and3A, %sub3A_18, %div3A : i32
    %c0_i32 = arith.constant 0 : i32
    %c0_i32_19 = arith.constant 0 : i32
    return %select_n3A, %c0_i32 : i32, i32
  }
  func.func @transform_2(%arg0: i32, %arg1: memref<1024xi32, #tpu.memory_space<smem>>) -> (i32, i32) {
    %mul3A = arith.constant 64 : i32
    %mul3A_0 = arith.muli %mul3A, %arg0 : i32
    %add3A = arith.constant 2 : i32
    %add3A_1 = arith.addi %mul3A_0, %add3A : i32
    %get3A = arith.index_cast %add3A_1 : i32 to index
    %get3A_2 = memref.load %arg1[%get3A] : memref<1024xi32, #tpu.memory_space<smem>>
    %jit3A = arith.constant 8 : i32
    %div3A = arith.divsi %get3A_2, %jit3A : i32
    %sign3A = arith.constant 0 : i32
    %sign3A_3 = arith.cmpi sgt, %get3A_2, %sign3A : i32
    %sign3A_4 = arith.extui %sign3A_3 : i1 to i32
    %sign3A_5 = arith.constant 0 : i32
    %sign3A_6 = arith.cmpi slt, %get3A_2, %sign3A_5 : i32
    %sign3A_7 = arith.extui %sign3A_6 : i1 to i32
    %sign3A_8 = arith.subi %sign3A_4, %sign3A_7 : i32
    %sign3A_9 = arith.constant 0 : i32
    %sign3A_10 = arith.cmpi sgt, %jit3A, %sign3A_9 : i32
    %sign3A_11 = arith.extui %sign3A_10 : i1 to i32
    %sign3A_12 = arith.constant 0 : i32
    %sign3A_13 = arith.cmpi slt, %jit3A, %sign3A_12 : i32
    %sign3A_14 = arith.extui %sign3A_13 : i1 to i32
    %sign3A_15 = arith.subi %sign3A_11, %sign3A_14 : i32
    %ne3A = arith.cmpi ne, %sign3A_8, %sign3A_15 : i32
    %rem3A = arith.remsi %get3A_2, %jit3A : i32
    %ne3A_16 = arith.constant 0 : i32
    %ne3A_17 = arith.cmpi ne, %rem3A, %ne3A_16 : i32
    %and3A = arith.andi %ne3A, %ne3A_17 : i1
    %sub3A = arith.constant 1 : i32
    %sub3A_18 = arith.subi %div3A, %sub3A : i32
    %select_n3A = arith.select %and3A, %sub3A_18, %div3A : i32
    %c0_i32 = arith.constant 0 : i32
    %c0_i32_19 = arith.constant 0 : i32
    return %select_n3A, %c0_i32 : i32, i32
  }
  func.func @transform_3(%arg0: i32, %arg1: memref<1024xi32, #tpu.memory_space<smem>>) -> (i32, i32) {
    %mul3A = arith.constant 64 : i32
    %mul3A_0 = arith.muli %mul3A, %arg0 : i32
    %add3A = arith.constant 3 : i32
    %add3A_1 = arith.addi %mul3A_0, %add3A : i32
    %get3A = arith.index_cast %add3A_1 : i32 to index
    %get3A_2 = memref.load %arg1[%get3A] : memref<1024xi32, #tpu.memory_space<smem>>
    %jit3A = arith.constant 8 : i32
    %div3A = arith.divsi %get3A_2, %jit3A : i32
    %sign3A = arith.constant 0 : i32
    %sign3A_3 = arith.cmpi sgt, %get3A_2, %sign3A : i32
    %sign3A_4 = arith.extui %sign3A_3 : i1 to i32
    %sign3A_5 = arith.constant 0 : i32
    %sign3A_6 = arith.cmpi slt, %get3A_2, %sign3A_5 : i32
    %sign3A_7 = arith.extui %sign3A_6 : i1 to i32
    %sign3A_8 = arith.subi %sign3A_4, %sign3A_7 : i32
    %sign3A_9 = arith.constant 0 : i32
    %sign3A_10 = arith.cmpi sgt, %jit3A, %sign3A_9 : i32
    %sign3A_11 = arith.extui %sign3A_10 : i1 to i32
    %sign3A_12 = arith.constant 0 : i32
    %sign3A_13 = arith.cmpi slt, %jit3A, %sign3A_12 : i32
    %sign3A_14 = arith.extui %sign3A_13 : i1 to i32
    %sign3A_15 = arith.subi %sign3A_11, %sign3A_14 : i32
    %ne3A = arith.cmpi ne, %sign3A_8, %sign3A_15 : i32
    %rem3A = arith.remsi %get3A_2, %jit3A : i32
    %ne3A_16 = arith.constant 0 : i32
    %ne3A_17 = arith.cmpi ne, %rem3A, %ne3A_16 : i32
    %and3A = arith.andi %ne3A, %ne3A_17 : i1
    %sub3A = arith.constant 1 : i32
    %sub3A_18 = arith.subi %div3A, %sub3A : i32
    %select_n3A = arith.select %and3A, %sub3A_18, %div3A : i32
    %c0_i32 = arith.constant 0 : i32
    %c0_i32_19 = arith.constant 0 : i32
    return %select_n3A, %c0_i32 : i32, i32
  }
  func.func @transform_4(%arg0: i32, %arg1: memref<1024xi32, #tpu.memory_space<smem>>) -> (i32, i32) {
    %mul3A = arith.constant 64 : i32
    %mul3A_0 = arith.muli %mul3A, %arg0 : i32
    %add3A = arith.constant 4 : i32
    %add3A_1 = arith.addi %mul3A_0, %add3A : i32
    %get3A = arith.index_cast %add3A_1 : i32 to index
    %get3A_2 = memref.load %arg1[%get3A] : memref<1024xi32, #tpu.memory_space<smem>>
    %jit3A = arith.constant 8 : i32
    %div3A = arith.divsi %get3A_2, %jit3A : i32
    %sign3A = arith.constant 0 : i32
    %sign3A_3 = arith.cmpi sgt, %get3A_2, %sign3A : i32
    %sign3A_4 = arith.extui %sign3A_3 : i1 to i32
    %sign3A_5 = arith.constant 0 : i32
    %sign3A_6 = arith.cmpi slt, %get3A_2, %sign3A_5 : i32
    %sign3A_7 = arith.extui %sign3A_6 : i1 to i32
    %sign3A_8 = arith.subi %sign3A_4, %sign3A_7 : i32
    %sign3A_9 = arith.constant 0 : i32
    %sign3A_10 = arith.cmpi sgt, %jit3A, %sign3A_9 : i32
    %sign3A_11 = arith.extui %sign3A_10 : i1 to i32
    %sign3A_12 = arith.constant 0 : i32
    %sign3A_13 = arith.cmpi slt, %jit3A, %sign3A_12 : i32
    %sign3A_14 = arith.extui %sign3A_13 : i1 to i32
    %sign3A_15 = arith.subi %sign3A_11, %sign3A_14 : i32
    %ne3A = arith.cmpi ne, %sign3A_8, %sign3A_15 : i32
    %rem3A = arith.remsi %get3A_2, %jit3A : i32
    %ne3A_16 = arith.constant 0 : i32
    %ne3A_17 = arith.cmpi ne, %rem3A, %ne3A_16 : i32
    %and3A = arith.andi %ne3A, %ne3A_17 : i1
    %sub3A = arith.constant 1 : i32
    %sub3A_18 = arith.subi %div3A, %sub3A : i32
    %select_n3A = arith.select %and3A, %sub3A_18, %div3A : i32
    %c0_i32 = arith.constant 0 : i32
    %c0_i32_19 = arith.constant 0 : i32
    return %select_n3A, %c0_i32 : i32, i32
  }
  func.func @transform_5(%arg0: i32, %arg1: memref<1024xi32, #tpu.memory_space<smem>>) -> (i32, i32) {
    %mul3A = arith.constant 64 : i32
    %mul3A_0 = arith.muli %mul3A, %arg0 : i32
    %add3A = arith.constant 5 : i32
    %add3A_1 = arith.addi %mul3A_0, %add3A : i32
    %get3A = arith.index_cast %add3A_1 : i32 to index
    %get3A_2 = memref.load %arg1[%get3A] : memref<1024xi32, #tpu.memory_space<smem>>
    %jit3A = arith.constant 8 : i32
    %div3A = arith.divsi %get3A_2, %jit3A : i32
    %sign3A = arith.constant 0 : i32
    %sign3A_3 = arith.cmpi sgt, %get3A_2, %sign3A : i32
    %sign3A_4 = arith.extui %sign3A_3 : i1 to i32
    %sign3A_5 = arith.constant 0 : i32
    %sign3A_6 = arith.cmpi slt, %get3A_2, %sign3A_5 : i32
    %sign3A_7 = arith.extui %sign3A_6 : i1 to i32
    %sign3A_8 = arith.subi %sign3A_4, %sign3A_7 : i32
    %sign3A_9 = arith.constant 0 : i32
    %sign3A_10 = arith.cmpi sgt, %jit3A, %sign3A_9 : i32
    %sign3A_11 = arith.extui %sign3A_10 : i1 to i32
    %sign3A_12 = arith.constant 0 : i32
    %sign3A_13 = arith.cmpi slt, %jit3A, %sign3A_12 : i32
    %sign3A_14 = arith.extui %sign3A_13 : i1 to i32
    %sign3A_15 = arith.subi %sign3A_11, %sign3A_14 : i32
    %ne3A = arith.cmpi ne, %sign3A_8, %sign3A_15 : i32
    %rem3A = arith.remsi %get3A_2, %jit3A : i32
    %ne3A_16 = arith.constant 0 : i32
    %ne3A_17 = arith.cmpi ne, %rem3A, %ne3A_16 : i32
    %and3A = arith.andi %ne3A, %ne3A_17 : i1
    %sub3A = arith.constant 1 : i32
    %sub3A_18 = arith.subi %div3A, %sub3A : i32
    %select_n3A = arith.select %and3A, %sub3A_18, %div3A : i32
    %c0_i32 = arith.constant 0 : i32
    %c0_i32_19 = arith.constant 0 : i32
    return %select_n3A, %c0_i32 : i32, i32
  }
  func.func @transform_6(%arg0: i32, %arg1: memref<1024xi32, #tpu.memory_space<smem>>) -> (i32, i32) {
    %mul3A = arith.constant 64 : i32
    %mul3A_0 = arith.muli %mul3A, %arg0 : i32
    %add3A = arith.constant 6 : i32
    %add3A_1 = arith.addi %mul3A_0, %add3A : i32
    %get3A = arith.index_cast %add3A_1 : i32 to index
    %get3A_2 = memref.load %arg1[%get3A] : memref<1024xi32, #tpu.memory_space<smem>>
    %jit3A = arith.constant 8 : i32
    %div3A = arith.divsi %get3A_2, %jit3A : i32
    %sign3A = arith.constant 0 : i32
    %sign3A_3 = arith.cmpi sgt, %get3A_2, %sign3A : i32
    %sign3A_4 = arith.extui %sign3A_3 : i1 to i32
    %sign3A_5 = arith.constant 0 : i32
    %sign3A_6 = arith.cmpi slt, %get3A_2, %sign3A_5 : i32
    %sign3A_7 = arith.extui %sign3A_6 : i1 to i32
    %sign3A_8 = arith.subi %sign3A_4, %sign3A_7 : i32
    %sign3A_9 = arith.constant 0 : i32
    %sign3A_10 = arith.cmpi sgt, %jit3A, %sign3A_9 : i32
    %sign3A_11 = arith.extui %sign3A_10 : i1 to i32
    %sign3A_12 = arith.constant 0 : i32
    %sign3A_13 = arith.cmpi slt, %jit3A, %sign3A_12 : i32
    %sign3A_14 = arith.extui %sign3A_13 : i1 to i32
    %sign3A_15 = arith.subi %sign3A_11, %sign3A_14 : i32
    %ne3A = arith.cmpi ne, %sign3A_8, %sign3A_15 : i32
    %rem3A = arith.remsi %get3A_2, %jit3A : i32
    %ne3A_16 = arith.constant 0 : i32
    %ne3A_17 = arith.cmpi ne, %rem3A, %ne3A_16 : i32
    %and3A = arith.andi %ne3A, %ne3A_17 : i1
    %sub3A = arith.constant 1 : i32
    %sub3A_18 = arith.subi %div3A, %sub3A : i32
    %select_n3A = arith.select %and3A, %sub3A_18, %div3A : i32
    %c0_i32 = arith.constant 0 : i32
    %c0_i32_19 = arith.constant 0 : i32
    return %select_n3A, %c0_i32 : i32, i32
  }
  func.func @transform_7(%arg0: i32, %arg1: memref<1024xi32, #tpu.memory_space<smem>>) -> (i32, i32) {
    %mul3A = arith.constant 64 : i32
    %mul3A_0 = arith.muli %mul3A, %arg0 : i32
    %add3A = arith.constant 7 : i32
    %add3A_1 = arith.addi %mul3A_0, %add3A : i32
    %get3A = arith.index_cast %add3A_1 : i32 to index
    %get3A_2 = memref.load %arg1[%get3A] : memref<1024xi32, #tpu.memory_space<smem>>
    %jit3A = arith.constant 8 : i32
    %div3A = arith.divsi %get3A_2, %jit3A : i32
    %sign3A = arith.constant 0 : i32
    %sign3A_3 = arith.cmpi sgt, %get3A_2, %sign3A : i32
    %sign3A_4 = arith.extui %sign3A_3 : i1 to i32
    %sign3A_5 = arith.constant 0 : i32
    %sign3A_6 = arith.cmpi slt, %get3A_2, %sign3A_5 : i32
    %sign3A_7 = arith.extui %sign3A_6 : i1 to i32
    %sign3A_8 = arith.subi %sign3A_4, %sign3A_7 : i32
    %sign3A_9 = arith.constant 0 : i32
    %sign3A_10 = arith.cmpi sgt, %jit3A, %sign3A_9 : i32
    %sign3A_11 = arith.extui %sign3A_10 : i1 to i32
    %sign3A_12 = arith.constant 0 : i32
    %sign3A_13 = arith.cmpi slt, %jit3A, %sign3A_12 : i32
    %sign3A_14 = arith.extui %sign3A_13 : i1 to i32
    %sign3A_15 = arith.subi %sign3A_11, %sign3A_14 : i32
    %ne3A = arith.cmpi ne, %sign3A_8, %sign3A_15 : i32
    %rem3A = arith.remsi %get3A_2, %jit3A : i32
    %ne3A_16 = arith.constant 0 : i32
    %ne3A_17 = arith.cmpi ne, %rem3A, %ne3A_16 : i32
    %and3A = arith.andi %ne3A, %ne3A_17 : i1
    %sub3A = arith.constant 1 : i32
    %sub3A_18 = arith.subi %div3A, %sub3A : i32
    %select_n3A = arith.select %and3A, %sub3A_18, %div3A : i32
    %c0_i32 = arith.constant 0 : i32
    %c0_i32_19 = arith.constant 0 : i32
    return %select_n3A, %c0_i32 : i32, i32
  }
  func.func @transform_8(%arg0: i32, %arg1: memref<1024xi32, #tpu.memory_space<smem>>) -> (i32, i32) {
    %mul3A = arith.constant 64 : i32
    %mul3A_0 = arith.muli %mul3A, %arg0 : i32
    %add3A = arith.constant 8 : i32
    %add3A_1 = arith.addi %mul3A_0, %add3A : i32
    %get3A = arith.index_cast %add3A_1 : i32 to index
    %get3A_2 = memref.load %arg1[%get3A] : memref<1024xi32, #tpu.memory_space<smem>>
    %jit3A = arith.constant 8 : i32
    %div3A = arith.divsi %get3A_2, %jit3A : i32
    %sign3A = arith.constant 0 : i32
    %sign3A_3 = arith.cmpi sgt, %get3A_2, %sign3A : i32
    %sign3A_4 = arith.extui %sign3A_3 : i1 to i32
    %sign3A_5 = arith.constant 0 : i32
    %sign3A_6 = arith.cmpi slt, %get3A_2, %sign3A_5 : i32
    %sign3A_7 = arith.extui %sign3A_6 : i1 to i32
    %sign3A_8 = arith.subi %sign3A_4, %sign3A_7 : i32
    %sign3A_9 = arith.constant 0 : i32
    %sign3A_10 = arith.cmpi sgt, %jit3A, %sign3A_9 : i32
    %sign3A_11 = arith.extui %sign3A_10 : i1 to i32
    %sign3A_12 = arith.constant 0 : i32
    %sign3A_13 = arith.cmpi slt, %jit3A, %sign3A_12 : i32
    %sign3A_14 = arith.extui %sign3A_13 : i1 to i32
    %sign3A_15 = arith.subi %sign3A_11, %sign3A_14 : i32
    %ne3A = arith.cmpi ne, %sign3A_8, %sign3A_15 : i32
    %rem3A = arith.remsi %get3A_2, %jit3A : i32
    %ne3A_16 = arith.constant 0 : i32
    %ne3A_17 = arith.cmpi ne, %rem3A, %ne3A_16 : i32
    %and3A = arith.andi %ne3A, %ne3A_17 : i1
    %sub3A = arith.constant 1 : i32
    %sub3A_18 = arith.subi %div3A, %sub3A : i32
    %select_n3A = arith.select %and3A, %sub3A_18, %div3A : i32
    %c0_i32 = arith.constant 0 : i32
    %c0_i32_19 = arith.constant 0 : i32
    return %select_n3A, %c0_i32 : i32, i32
  }
  func.func @transform_9(%arg0: i32, %arg1: memref<1024xi32, #tpu.memory_space<smem>>) -> (i32, i32) {
    %mul3A = arith.constant 64 : i32
    %mul3A_0 = arith.muli %mul3A, %arg0 : i32
    %add3A = arith.constant 9 : i32
    %add3A_1 = arith.addi %mul3A_0, %add3A : i32
    %get3A = arith.index_cast %add3A_1 : i32 to index
    %get3A_2 = memref.load %arg1[%get3A] : memref<1024xi32, #tpu.memory_space<smem>>
    %jit3A = arith.constant 8 : i32
    %div3A = arith.divsi %get3A_2, %jit3A : i32
    %sign3A = arith.constant 0 : i32
    %sign3A_3 = arith.cmpi sgt, %get3A_2, %sign3A : i32
    %sign3A_4 = arith.extui %sign3A_3 : i1 to i32
    %sign3A_5 = arith.constant 0 : i32
    %sign3A_6 = arith.cmpi slt, %get3A_2, %sign3A_5 : i32
    %sign3A_7 = arith.extui %sign3A_6 : i1 to i32
    %sign3A_8 = arith.subi %sign3A_4, %sign3A_7 : i32
    %sign3A_9 = arith.constant 0 : i32
    %sign3A_10 = arith.cmpi sgt, %jit3A, %sign3A_9 : i32
    %sign3A_11 = arith.extui %sign3A_10 : i1 to i32
    %sign3A_12 = arith.constant 0 : i32
    %sign3A_13 = arith.cmpi slt, %jit3A, %sign3A_12 : i32
    %sign3A_14 = arith.extui %sign3A_13 : i1 to i32
    %sign3A_15 = arith.subi %sign3A_11, %sign3A_14 : i32
    %ne3A = arith.cmpi ne, %sign3A_8, %sign3A_15 : i32
    %rem3A = arith.remsi %get3A_2, %jit3A : i32
    %ne3A_16 = arith.constant 0 : i32
    %ne3A_17 = arith.cmpi ne, %rem3A, %ne3A_16 : i32
    %and3A = arith.andi %ne3A, %ne3A_17 : i1
    %sub3A = arith.constant 1 : i32
    %sub3A_18 = arith.subi %div3A, %sub3A : i32
    %select_n3A = arith.select %and3A, %sub3A_18, %div3A : i32
    %c0_i32 = arith.constant 0 : i32
    %c0_i32_19 = arith.constant 0 : i32
    return %select_n3A, %c0_i32 : i32, i32
  }
  func.func @transform_10(%arg0: i32, %arg1: memref<1024xi32, #tpu.memory_space<smem>>) -> (i32, i32) {
    %mul3A = arith.constant 64 : i32
    %mul3A_0 = arith.muli %mul3A, %arg0 : i32
    %add3A = arith.constant 10 : i32
    %add3A_1 = arith.addi %mul3A_0, %add3A : i32
    %get3A = arith.index_cast %add3A_1 : i32 to index
    %get3A_2 = memref.load %arg1[%get3A] : memref<1024xi32, #tpu.memory_space<smem>>
    %jit3A = arith.constant 8 : i32
    %div3A = arith.divsi %get3A_2, %jit3A : i32
    %sign3A = arith.constant 0 : i32
    %sign3A_3 = arith.cmpi sgt, %get3A_2, %sign3A : i32
    %sign3A_4 = arith.extui %sign3A_3 : i1 to i32
    %sign3A_5 = arith.constant 0 : i32
    %sign3A_6 = arith.cmpi slt, %get3A_2, %sign3A_5 : i32
    %sign3A_7 = arith.extui %sign3A_6 : i1 to i32
    %sign3A_8 = arith.subi %sign3A_4, %sign3A_7 : i32
    %sign3A_9 = arith.constant 0 : i32
    %sign3A_10 = arith.cmpi sgt, %jit3A, %sign3A_9 : i32
    %sign3A_11 = arith.extui %sign3A_10 : i1 to i32
    %sign3A_12 = arith.constant 0 : i32
    %sign3A_13 = arith.cmpi slt, %jit3A, %sign3A_12 : i32
    %sign3A_14 = arith.extui %sign3A_13 : i1 to i32
    %sign3A_15 = arith.subi %sign3A_11, %sign3A_14 : i32
    %ne3A = arith.cmpi ne, %sign3A_8, %sign3A_15 : i32
    %rem3A = arith.remsi %get3A_2, %jit3A : i32
    %ne3A_16 = arith.constant 0 : i32
    %ne3A_17 = arith.cmpi ne, %rem3A, %ne3A_16 : i32
    %and3A = arith.andi %ne3A, %ne3A_17 : i1
    %sub3A = arith.constant 1 : i32
    %sub3A_18 = arith.subi %div3A, %sub3A : i32
    %select_n3A = arith.select %and3A, %sub3A_18, %div3A : i32
    %c0_i32 = arith.constant 0 : i32
    %c0_i32_19 = arith.constant 0 : i32
    return %select_n3A, %c0_i32 : i32, i32
  }
  func.func @transform_11(%arg0: i32, %arg1: memref<1024xi32, #tpu.memory_space<smem>>) -> (i32, i32) {
    %mul3A = arith.constant 64 : i32
    %mul3A_0 = arith.muli %mul3A, %arg0 : i32
    %add3A = arith.constant 11 : i32
    %add3A_1 = arith.addi %mul3A_0, %add3A : i32
    %get3A = arith.index_cast %add3A_1 : i32 to index
    %get3A_2 = memref.load %arg1[%get3A] : memref<1024xi32, #tpu.memory_space<smem>>
    %jit3A = arith.constant 8 : i32
    %div3A = arith.divsi %get3A_2, %jit3A : i32
    %sign3A = arith.constant 0 : i32
    %sign3A_3 = arith.cmpi sgt, %get3A_2, %sign3A : i32
    %sign3A_4 = arith.extui %sign3A_3 : i1 to i32
    %sign3A_5 = arith.constant 0 : i32
    %sign3A_6 = arith.cmpi slt, %get3A_2, %sign3A_5 : i32
    %sign3A_7 = arith.extui %sign3A_6 : i1 to i32
    %sign3A_8 = arith.subi %sign3A_4, %sign3A_7 : i32
    %sign3A_9 = arith.constant 0 : i32
    %sign3A_10 = arith.cmpi sgt, %jit3A, %sign3A_9 : i32
    %sign3A_11 = arith.extui %sign3A_10 : i1 to i32
    %sign3A_12 = arith.constant 0 : i32
    %sign3A_13 = arith.cmpi slt, %jit3A, %sign3A_12 : i32
    %sign3A_14 = arith.extui %sign3A_13 : i1 to i32
    %sign3A_15 = arith.subi %sign3A_11, %sign3A_14 : i32
    %ne3A = arith.cmpi ne, %sign3A_8, %sign3A_15 : i32
    %rem3A = arith.remsi %get3A_2, %jit3A : i32
    %ne3A_16 = arith.constant 0 : i32
    %ne3A_17 = arith.cmpi ne, %rem3A, %ne3A_16 : i32
    %and3A = arith.andi %ne3A, %ne3A_17 : i1
    %sub3A = arith.constant 1 : i32
    %sub3A_18 = arith.subi %div3A, %sub3A : i32
    %select_n3A = arith.select %and3A, %sub3A_18, %div3A : i32
    %c0_i32 = arith.constant 0 : i32
    %c0_i32_19 = arith.constant 0 : i32
    return %select_n3A, %c0_i32 : i32, i32
  }
  func.func @transform_12(%arg0: i32, %arg1: memref<1024xi32, #tpu.memory_space<smem>>) -> (i32, i32) {
    %mul3A = arith.constant 64 : i32
    %mul3A_0 = arith.muli %mul3A, %arg0 : i32
    %add3A = arith.constant 12 : i32
    %add3A_1 = arith.addi %mul3A_0, %add3A : i32
    %get3A = arith.index_cast %add3A_1 : i32 to index
    %get3A_2 = memref.load %arg1[%get3A] : memref<1024xi32, #tpu.memory_space<smem>>
    %jit3A = arith.constant 8 : i32
    %div3A = arith.divsi %get3A_2, %jit3A : i32
    %sign3A = arith.constant 0 : i32
    %sign3A_3 = arith.cmpi sgt, %get3A_2, %sign3A : i32
    %sign3A_4 = arith.extui %sign3A_3 : i1 to i32
    %sign3A_5 = arith.constant 0 : i32
    %sign3A_6 = arith.cmpi slt, %get3A_2, %sign3A_5 : i32
    %sign3A_7 = arith.extui %sign3A_6 : i1 to i32
    %sign3A_8 = arith.subi %sign3A_4, %sign3A_7 : i32
    %sign3A_9 = arith.constant 0 : i32
    %sign3A_10 = arith.cmpi sgt, %jit3A, %sign3A_9 : i32
    %sign3A_11 = arith.extui %sign3A_10 : i1 to i32
    %sign3A_12 = arith.constant 0 : i32
    %sign3A_13 = arith.cmpi slt, %jit3A, %sign3A_12 : i32
    %sign3A_14 = arith.extui %sign3A_13 : i1 to i32
    %sign3A_15 = arith.subi %sign3A_11, %sign3A_14 : i32
    %ne3A = arith.cmpi ne, %sign3A_8, %sign3A_15 : i32
    %rem3A = arith.remsi %get3A_2, %jit3A : i32
    %ne3A_16 = arith.constant 0 : i32
    %ne3A_17 = arith.cmpi ne, %rem3A, %ne3A_16 : i32
    %and3A = arith.andi %ne3A, %ne3A_17 : i1
    %sub3A = arith.constant 1 : i32
    %sub3A_18 = arith.subi %div3A, %sub3A : i32
    %select_n3A = arith.select %and3A, %sub3A_18, %div3A : i32
    %c0_i32 = arith.constant 0 : i32
    %c0_i32_19 = arith.constant 0 : i32
    return %select_n3A, %c0_i32 : i32, i32
  }
  func.func @transform_13(%arg0: i32, %arg1: memref<1024xi32, #tpu.memory_space<smem>>) -> (i32, i32) {
    %mul3A = arith.constant 64 : i32
    %mul3A_0 = arith.muli %mul3A, %arg0 : i32
    %add3A = arith.constant 13 : i32
    %add3A_1 = arith.addi %mul3A_0, %add3A : i32
    %get3A = arith.index_cast %add3A_1 : i32 to index
    %get3A_2 = memref.load %arg1[%get3A] : memref<1024xi32, #tpu.memory_space<smem>>
    %jit3A = arith.constant 8 : i32
    %div3A = arith.divsi %get3A_2, %jit3A : i32
    %sign3A = arith.constant 0 : i32
    %sign3A_3 = arith.cmpi sgt, %get3A_2, %sign3A : i32
    %sign3A_4 = arith.extui %sign3A_3 : i1 to i32
    %sign3A_5 = arith.constant 0 : i32
    %sign3A_6 = arith.cmpi slt, %get3A_2, %sign3A_5 : i32
    %sign3A_7 = arith.extui %sign3A_6 : i1 to i32
    %sign3A_8 = arith.subi %sign3A_4, %sign3A_7 : i32
    %sign3A_9 = arith.constant 0 : i32
    %sign3A_10 = arith.cmpi sgt, %jit3A, %sign3A_9 : i32
    %sign3A_11 = arith.extui %sign3A_10 : i1 to i32
    %sign3A_12 = arith.constant 0 : i32
    %sign3A_13 = arith.cmpi slt, %jit3A, %sign3A_12 : i32
    %sign3A_14 = arith.extui %sign3A_13 : i1 to i32
    %sign3A_15 = arith.subi %sign3A_11, %sign3A_14 : i32
    %ne3A = arith.cmpi ne, %sign3A_8, %sign3A_15 : i32
    %rem3A = arith.remsi %get3A_2, %jit3A : i32
    %ne3A_16 = arith.constant 0 : i32
    %ne3A_17 = arith.cmpi ne, %rem3A, %ne3A_16 : i32
    %and3A = arith.andi %ne3A, %ne3A_17 : i1
    %sub3A = arith.constant 1 : i32
    %sub3A_18 = arith.subi %div3A, %sub3A : i32
    %select_n3A = arith.select %and3A, %sub3A_18, %div3A : i32
    %c0_i32 = arith.constant 0 : i32
    %c0_i32_19 = arith.constant 0 : i32
    return %select_n3A, %c0_i32 : i32, i32
  }
  func.func @transform_14(%arg0: i32, %arg1: memref<1024xi32, #tpu.memory_space<smem>>) -> (i32, i32) {
    %mul3A = arith.constant 64 : i32
    %mul3A_0 = arith.muli %mul3A, %arg0 : i32
    %add3A = arith.constant 14 : i32
    %add3A_1 = arith.addi %mul3A_0, %add3A : i32
    %get3A = arith.index_cast %add3A_1 : i32 to index
    %get3A_2 = memref.load %arg1[%get3A] : memref<1024xi32, #tpu.memory_space<smem>>
    %jit3A = arith.constant 8 : i32
    %div3A = arith.divsi %get3A_2, %jit3A : i32
    %sign3A = arith.constant 0 : i32
    %sign3A_3 = arith.cmpi sgt, %get3A_2, %sign3A : i32
    %sign3A_4 = arith.extui %sign3A_3 : i1 to i32
    %sign3A_5 = arith.constant 0 : i32
    %sign3A_6 = arith.cmpi slt, %get3A_2, %sign3A_5 : i32
    %sign3A_7 = arith.extui %sign3A_6 : i1 to i32
    %sign3A_8 = arith.subi %sign3A_4, %sign3A_7 : i32
    %sign3A_9 = arith.constant 0 : i32
    %sign3A_10 = arith.cmpi sgt, %jit3A, %sign3A_9 : i32
    %sign3A_11 = arith.extui %sign3A_10 : i1 to i32
    %sign3A_12 = arith.constant 0 : i32
    %sign3A_13 = arith.cmpi slt, %jit3A, %sign3A_12 : i32
    %sign3A_14 = arith.extui %sign3A_13 : i1 to i32
    %sign3A_15 = arith.subi %sign3A_11, %sign3A_14 : i32
    %ne3A = arith.cmpi ne, %sign3A_8, %sign3A_15 : i32
    %rem3A = arith.remsi %get3A_2, %jit3A : i32
    %ne3A_16 = arith.constant 0 : i32
    %ne3A_17 = arith.cmpi ne, %rem3A, %ne3A_16 : i32
    %and3A = arith.andi %ne3A, %ne3A_17 : i1
    %sub3A = arith.constant 1 : i32
    %sub3A_18 = arith.subi %div3A, %sub3A : i32
    %select_n3A = arith.select %and3A, %sub3A_18, %div3A : i32
    %c0_i32 = arith.constant 0 : i32
    %c0_i32_19 = arith.constant 0 : i32
    return %select_n3A, %c0_i32 : i32, i32
  }
  func.func @transform_15(%arg0: i32, %arg1: memref<1024xi32, #tpu.memory_space<smem>>) -> (i32, i32) {
    %mul3A = arith.constant 64 : i32
    %mul3A_0 = arith.muli %mul3A, %arg0 : i32
    %add3A = arith.constant 15 : i32
    %add3A_1 = arith.addi %mul3A_0, %add3A : i32
    %get3A = arith.index_cast %add3A_1 : i32 to index
    %get3A_2 = memref.load %arg1[%get3A] : memref<1024xi32, #tpu.memory_space<smem>>
    %jit3A = arith.constant 8 : i32
    %div3A = arith.divsi %get3A_2, %jit3A : i32
    %sign3A = arith.constant 0 : i32
    %sign3A_3 = arith.cmpi sgt, %get3A_2, %sign3A : i32
    %sign3A_4 = arith.extui %sign3A_3 : i1 to i32
    %sign3A_5 = arith.constant 0 : i32
    %sign3A_6 = arith.cmpi slt, %get3A_2, %sign3A_5 : i32
    %sign3A_7 = arith.extui %sign3A_6 : i1 to i32
    %sign3A_8 = arith.subi %sign3A_4, %sign3A_7 : i32
    %sign3A_9 = arith.constant 0 : i32
    %sign3A_10 = arith.cmpi sgt, %jit3A, %sign3A_9 : i32
    %sign3A_11 = arith.extui %sign3A_10 : i1 to i32
    %sign3A_12 = arith.constant 0 : i32
    %sign3A_13 = arith.cmpi slt, %jit3A, %sign3A_12 : i32
    %sign3A_14 = arith.extui %sign3A_13 : i1 to i32
    %sign3A_15 = arith.subi %sign3A_11, %sign3A_14 : i32
    %ne3A = arith.cmpi ne, %sign3A_8, %sign3A_15 : i32
    %rem3A = arith.remsi %get3A_2, %jit3A : i32
    %ne3A_16 = arith.constant 0 : i32
    %ne3A_17 = arith.cmpi ne, %rem3A, %ne3A_16 : i32
    %and3A = arith.andi %ne3A, %ne3A_17 : i1
    %sub3A = arith.constant 1 : i32
    %sub3A_18 = arith.subi %div3A, %sub3A : i32
    %select_n3A = arith.select %and3A, %sub3A_18, %div3A : i32
    %c0_i32 = arith.constant 0 : i32
    %c0_i32_19 = arith.constant 0 : i32
    return %select_n3A, %c0_i32 : i32, i32
  }
  func.func @transform_16(%arg0: i32, %arg1: memref<1024xi32, #tpu.memory_space<smem>>) -> (i32, i32) {
    %mul3A = arith.constant 64 : i32
    %mul3A_0 = arith.muli %mul3A, %arg0 : i32
    %add3A = arith.constant 16 : i32
    %add3A_1 = arith.addi %mul3A_0, %add3A : i32
    %get3A = arith.index_cast %add3A_1 : i32 to index
    %get3A_2 = memref.load %arg1[%get3A] : memref<1024xi32, #tpu.memory_space<smem>>
    %jit3A = arith.constant 8 : i32
    %div3A = arith.divsi %get3A_2, %jit3A : i32
    %sign3A = arith.constant 0 : i32
    %sign3A_3 = arith.cmpi sgt, %get3A_2, %sign3A : i32
    %sign3A_4 = arith.extui %sign3A_3 : i1 to i32
    %sign3A_5 = arith.constant 0 : i32
    %sign3A_6 = arith.cmpi slt, %get3A_2, %sign3A_5 : i32
    %sign3A_7 = arith.extui %sign3A_6 : i1 to i32
    %sign3A_8 = arith.subi %sign3A_4, %sign3A_7 : i32
    %sign3A_9 = arith.constant 0 : i32
    %sign3A_10 = arith.cmpi sgt, %jit3A, %sign3A_9 : i32
    %sign3A_11 = arith.extui %sign3A_10 : i1 to i32
    %sign3A_12 = arith.constant 0 : i32
    %sign3A_13 = arith.cmpi slt, %jit3A, %sign3A_12 : i32
    %sign3A_14 = arith.extui %sign3A_13 : i1 to i32
    %sign3A_15 = arith.subi %sign3A_11, %sign3A_14 : i32
    %ne3A = arith.cmpi ne, %sign3A_8, %sign3A_15 : i32
    %rem3A = arith.remsi %get3A_2, %jit3A : i32
    %ne3A_16 = arith.constant 0 : i32
    %ne3A_17 = arith.cmpi ne, %rem3A, %ne3A_16 : i32
    %and3A = arith.andi %ne3A, %ne3A_17 : i1
    %sub3A = arith.constant 1 : i32
    %sub3A_18 = arith.subi %div3A, %sub3A : i32
    %select_n3A = arith.select %and3A, %sub3A_18, %div3A : i32
    %c0_i32 = arith.constant 0 : i32
    %c0_i32_19 = arith.constant 0 : i32
    return %select_n3A, %c0_i32 : i32, i32
  }
  func.func @transform_17(%arg0: i32, %arg1: memref<1024xi32, #tpu.memory_space<smem>>) -> (i32, i32) {
    %mul3A = arith.constant 64 : i32
    %mul3A_0 = arith.muli %mul3A, %arg0 : i32
    %add3A = arith.constant 17 : i32
    %add3A_1 = arith.addi %mul3A_0, %add3A : i32
    %get3A = arith.index_cast %add3A_1 : i32 to index
    %get3A_2 = memref.load %arg1[%get3A] : memref<1024xi32, #tpu.memory_space<smem>>
    %jit3A = arith.constant 8 : i32
    %div3A = arith.divsi %get3A_2, %jit3A : i32
    %sign3A = arith.constant 0 : i32
    %sign3A_3 = arith.cmpi sgt, %get3A_2, %sign3A : i32
    %sign3A_4 = arith.extui %sign3A_3 : i1 to i32
    %sign3A_5 = arith.constant 0 : i32
    %sign3A_6 = arith.cmpi slt, %get3A_2, %sign3A_5 : i32
    %sign3A_7 = arith.extui %sign3A_6 : i1 to i32
    %sign3A_8 = arith.subi %sign3A_4, %sign3A_7 : i32
    %sign3A_9 = arith.constant 0 : i32
    %sign3A_10 = arith.cmpi sgt, %jit3A, %sign3A_9 : i32
    %sign3A_11 = arith.extui %sign3A_10 : i1 to i32
    %sign3A_12 = arith.constant 0 : i32
    %sign3A_13 = arith.cmpi slt, %jit3A, %sign3A_12 : i32
    %sign3A_14 = arith.extui %sign3A_13 : i1 to i32
    %sign3A_15 = arith.subi %sign3A_11, %sign3A_14 : i32
    %ne3A = arith.cmpi ne, %sign3A_8, %sign3A_15 : i32
    %rem3A = arith.remsi %get3A_2, %jit3A : i32
    %ne3A_16 = arith.constant 0 : i32
    %ne3A_17 = arith.cmpi ne, %rem3A, %ne3A_16 : i32
    %and3A = arith.andi %ne3A, %ne3A_17 : i1
    %sub3A = arith.constant 1 : i32
    %sub3A_18 = arith.subi %div3A, %sub3A : i32
    %select_n3A = arith.select %and3A, %sub3A_18, %div3A : i32
    %c0_i32 = arith.constant 0 : i32
    %c0_i32_19 = arith.constant 0 : i32
    return %select_n3A, %c0_i32 : i32, i32
  }
  func.func @transform_18(%arg0: i32, %arg1: memref<1024xi32, #tpu.memory_space<smem>>) -> (i32, i32) {
    %mul3A = arith.constant 64 : i32
    %mul3A_0 = arith.muli %mul3A, %arg0 : i32
    %add3A = arith.constant 18 : i32
    %add3A_1 = arith.addi %mul3A_0, %add3A : i32
    %get3A = arith.index_cast %add3A_1 : i32 to index
    %get3A_2 = memref.load %arg1[%get3A] : memref<1024xi32, #tpu.memory_space<smem>>
    %jit3A = arith.constant 8 : i32
    %div3A = arith.divsi %get3A_2, %jit3A : i32
    %sign3A = arith.constant 0 : i32
    %sign3A_3 = arith.cmpi sgt, %get3A_2, %sign3A : i32
    %sign3A_4 = arith.extui %sign3A_3 : i1 to i32
    %sign3A_5 = arith.constant 0 : i32
    %sign3A_6 = arith.cmpi slt, %get3A_2, %sign3A_5 : i32
    %sign3A_7 = arith.extui %sign3A_6 : i1 to i32
    %sign3A_8 = arith.subi %sign3A_4, %sign3A_7 : i32
    %sign3A_9 = arith.constant 0 : i32
    %sign3A_10 = arith.cmpi sgt, %jit3A, %sign3A_9 : i32
    %sign3A_11 = arith.extui %sign3A_10 : i1 to i32
    %sign3A_12 = arith.constant 0 : i32
    %sign3A_13 = arith.cmpi slt, %jit3A, %sign3A_12 : i32
    %sign3A_14 = arith.extui %sign3A_13 : i1 to i32
    %sign3A_15 = arith.subi %sign3A_11, %sign3A_14 : i32
    %ne3A = arith.cmpi ne, %sign3A_8, %sign3A_15 : i32
    %rem3A = arith.remsi %get3A_2, %jit3A : i32
    %ne3A_16 = arith.constant 0 : i32
    %ne3A_17 = arith.cmpi ne, %rem3A, %ne3A_16 : i32
    %and3A = arith.andi %ne3A, %ne3A_17 : i1
    %sub3A = arith.constant 1 : i32
    %sub3A_18 = arith.subi %div3A, %sub3A : i32
    %select_n3A = arith.select %and3A, %sub3A_18, %div3A : i32
    %c0_i32 = arith.constant 0 : i32
    %c0_i32_19 = arith.constant 0 : i32
    return %select_n3A, %c0_i32 : i32, i32
  }
  func.func @transform_19(%arg0: i32, %arg1: memref<1024xi32, #tpu.memory_space<smem>>) -> (i32, i32) {
    %mul3A = arith.constant 64 : i32
    %mul3A_0 = arith.muli %mul3A, %arg0 : i32
    %add3A = arith.constant 19 : i32
    %add3A_1 = arith.addi %mul3A_0, %add3A : i32
    %get3A = arith.index_cast %add3A_1 : i32 to index
    %get3A_2 = memref.load %arg1[%get3A] : memref<1024xi32, #tpu.memory_space<smem>>
    %jit3A = arith.constant 8 : i32
    %div3A = arith.divsi %get3A_2, %jit3A : i32
    %sign3A = arith.constant 0 : i32
    %sign3A_3 = arith.cmpi sgt, %get3A_2, %sign3A : i32
    %sign3A_4 = arith.extui %sign3A_3 : i1 to i32
    %sign3A_5 = arith.constant 0 : i32
    %sign3A_6 = arith.cmpi slt, %get3A_2, %sign3A_5 : i32
    %sign3A_7 = arith.extui %sign3A_6 : i1 to i32
    %sign3A_8 = arith.subi %sign3A_4, %sign3A_7 : i32
    %sign3A_9 = arith.constant 0 : i32
    %sign3A_10 = arith.cmpi sgt, %jit3A, %sign3A_9 : i32
    %sign3A_11 = arith.extui %sign3A_10 : i1 to i32
    %sign3A_12 = arith.constant 0 : i32
    %sign3A_13 = arith.cmpi slt, %jit3A, %sign3A_12 : i32
    %sign3A_14 = arith.extui %sign3A_13 : i1 to i32
    %sign3A_15 = arith.subi %sign3A_11, %sign3A_14 : i32
    %ne3A = arith.cmpi ne, %sign3A_8, %sign3A_15 : i32
    %rem3A = arith.remsi %get3A_2, %jit3A : i32
    %ne3A_16 = arith.constant 0 : i32
    %ne3A_17 = arith.cmpi ne, %rem3A, %ne3A_16 : i32
    %and3A = arith.andi %ne3A, %ne3A_17 : i1
    %sub3A = arith.constant 1 : i32
    %sub3A_18 = arith.subi %div3A, %sub3A : i32
    %select_n3A = arith.select %and3A, %sub3A_18, %div3A : i32
    %c0_i32 = arith.constant 0 : i32
    %c0_i32_19 = arith.constant 0 : i32
    return %select_n3A, %c0_i32 : i32, i32
  }
  func.func @transform_20(%arg0: i32, %arg1: memref<1024xi32, #tpu.memory_space<smem>>) -> (i32, i32) {
    %mul3A = arith.constant 64 : i32
    %mul3A_0 = arith.muli %mul3A, %arg0 : i32
    %add3A = arith.constant 20 : i32
    %add3A_1 = arith.addi %mul3A_0, %add3A : i32
    %get3A = arith.index_cast %add3A_1 : i32 to index
    %get3A_2 = memref.load %arg1[%get3A] : memref<1024xi32, #tpu.memory_space<smem>>
    %jit3A = arith.constant 8 : i32
    %div3A = arith.divsi %get3A_2, %jit3A : i32
    %sign3A = arith.constant 0 : i32
    %sign3A_3 = arith.cmpi sgt, %get3A_2, %sign3A : i32
    %sign3A_4 = arith.extui %sign3A_3 : i1 to i32
    %sign3A_5 = arith.constant 0 : i32
    %sign3A_6 = arith.cmpi slt, %get3A_2, %sign3A_5 : i32
    %sign3A_7 = arith.extui %sign3A_6 : i1 to i32
    %sign3A_8 = arith.subi %sign3A_4, %sign3A_7 : i32
    %sign3A_9 = arith.constant 0 : i32
    %sign3A_10 = arith.cmpi sgt, %jit3A, %sign3A_9 : i32
    %sign3A_11 = arith.extui %sign3A_10 : i1 to i32
    %sign3A_12 = arith.constant 0 : i32
    %sign3A_13 = arith.cmpi slt, %jit3A, %sign3A_12 : i32
    %sign3A_14 = arith.extui %sign3A_13 : i1 to i32
    %sign3A_15 = arith.subi %sign3A_11, %sign3A_14 : i32
    %ne3A = arith.cmpi ne, %sign3A_8, %sign3A_15 : i32
    %rem3A = arith.remsi %get3A_2, %jit3A : i32
    %ne3A_16 = arith.constant 0 : i32
    %ne3A_17 = arith.cmpi ne, %rem3A, %ne3A_16 : i32
    %and3A = arith.andi %ne3A, %ne3A_17 : i1
    %sub3A = arith.constant 1 : i32
    %sub3A_18 = arith.subi %div3A, %sub3A : i32
    %select_n3A = arith.select %and3A, %sub3A_18, %div3A : i32
    %c0_i32 = arith.constant 0 : i32
    %c0_i32_19 = arith.constant 0 : i32
    return %select_n3A, %c0_i32 : i32, i32
  }
  func.func @transform_21(%arg0: i32, %arg1: memref<1024xi32, #tpu.memory_space<smem>>) -> (i32, i32) {
    %mul3A = arith.constant 64 : i32
    %mul3A_0 = arith.muli %mul3A, %arg0 : i32
    %add3A = arith.constant 21 : i32
    %add3A_1 = arith.addi %mul3A_0, %add3A : i32
    %get3A = arith.index_cast %add3A_1 : i32 to index
    %get3A_2 = memref.load %arg1[%get3A] : memref<1024xi32, #tpu.memory_space<smem>>
    %jit3A = arith.constant 8 : i32
    %div3A = arith.divsi %get3A_2, %jit3A : i32
    %sign3A = arith.constant 0 : i32
    %sign3A_3 = arith.cmpi sgt, %get3A_2, %sign3A : i32
    %sign3A_4 = arith.extui %sign3A_3 : i1 to i32
    %sign3A_5 = arith.constant 0 : i32
    %sign3A_6 = arith.cmpi slt, %get3A_2, %sign3A_5 : i32
    %sign3A_7 = arith.extui %sign3A_6 : i1 to i32
    %sign3A_8 = arith.subi %sign3A_4, %sign3A_7 : i32
    %sign3A_9 = arith.constant 0 : i32
    %sign3A_10 = arith.cmpi sgt, %jit3A, %sign3A_9 : i32
    %sign3A_11 = arith.extui %sign3A_10 : i1 to i32
    %sign3A_12 = arith.constant 0 : i32
    %sign3A_13 = arith.cmpi slt, %jit3A, %sign3A_12 : i32
    %sign3A_14 = arith.extui %sign3A_13 : i1 to i32
    %sign3A_15 = arith.subi %sign3A_11, %sign3A_14 : i32
    %ne3A = arith.cmpi ne, %sign3A_8, %sign3A_15 : i32
    %rem3A = arith.remsi %get3A_2, %jit3A : i32
    %ne3A_16 = arith.constant 0 : i32
    %ne3A_17 = arith.cmpi ne, %rem3A, %ne3A_16 : i32
    %and3A = arith.andi %ne3A, %ne3A_17 : i1
    %sub3A = arith.constant 1 : i32
    %sub3A_18 = arith.subi %div3A, %sub3A : i32
    %select_n3A = arith.select %and3A, %sub3A_18, %div3A : i32
    %c0_i32 = arith.constant 0 : i32
    %c0_i32_19 = arith.constant 0 : i32
    return %select_n3A, %c0_i32 : i32, i32
  }
  func.func @transform_22(%arg0: i32, %arg1: memref<1024xi32, #tpu.memory_space<smem>>) -> (i32, i32) {
    %mul3A = arith.constant 64 : i32
    %mul3A_0 = arith.muli %mul3A, %arg0 : i32
    %add3A = arith.constant 22 : i32
    %add3A_1 = arith.addi %mul3A_0, %add3A : i32
    %get3A = arith.index_cast %add3A_1 : i32 to index
    %get3A_2 = memref.load %arg1[%get3A] : memref<1024xi32, #tpu.memory_space<smem>>
    %jit3A = arith.constant 8 : i32
    %div3A = arith.divsi %get3A_2, %jit3A : i32
    %sign3A = arith.constant 0 : i32
    %sign3A_3 = arith.cmpi sgt, %get3A_2, %sign3A : i32
    %sign3A_4 = arith.extui %sign3A_3 : i1 to i32
    %sign3A_5 = arith.constant 0 : i32
    %sign3A_6 = arith.cmpi slt, %get3A_2, %sign3A_5 : i32
    %sign3A_7 = arith.extui %sign3A_6 : i1 to i32
    %sign3A_8 = arith.subi %sign3A_4, %sign3A_7 : i32
    %sign3A_9 = arith.constant 0 : i32
    %sign3A_10 = arith.cmpi sgt, %jit3A, %sign3A_9 : i32
    %sign3A_11 = arith.extui %sign3A_10 : i1 to i32
    %sign3A_12 = arith.constant 0 : i32
    %sign3A_13 = arith.cmpi slt, %jit3A, %sign3A_12 : i32
    %sign3A_14 = arith.extui %sign3A_13 : i1 to i32
    %sign3A_15 = arith.subi %sign3A_11, %sign3A_14 : i32
    %ne3A = arith.cmpi ne, %sign3A_8, %sign3A_15 : i32
    %rem3A = arith.remsi %get3A_2, %jit3A : i32
    %ne3A_16 = arith.constant 0 : i32
    %ne3A_17 = arith.cmpi ne, %rem3A, %ne3A_16 : i32
    %and3A = arith.andi %ne3A, %ne3A_17 : i1
    %sub3A = arith.constant 1 : i32
    %sub3A_18 = arith.subi %div3A, %sub3A : i32
    %select_n3A = arith.select %and3A, %sub3A_18, %div3A : i32
    %c0_i32 = arith.constant 0 : i32
    %c0_i32_19 = arith.constant 0 : i32
    return %select_n3A, %c0_i32 : i32, i32
  }
  func.func @transform_23(%arg0: i32, %arg1: memref<1024xi32, #tpu.memory_space<smem>>) -> (i32, i32) {
    %mul3A = arith.constant 64 : i32
    %mul3A_0 = arith.muli %mul3A, %arg0 : i32
    %add3A = arith.constant 23 : i32
    %add3A_1 = arith.addi %mul3A_0, %add3A : i32
    %get3A = arith.index_cast %add3A_1 : i32 to index
    %get3A_2 = memref.load %arg1[%get3A] : memref<1024xi32, #tpu.memory_space<smem>>
    %jit3A = arith.constant 8 : i32
    %div3A = arith.divsi %get3A_2, %jit3A : i32
    %sign3A = arith.constant 0 : i32
    %sign3A_3 = arith.cmpi sgt, %get3A_2, %sign3A : i32
    %sign3A_4 = arith.extui %sign3A_3 : i1 to i32
    %sign3A_5 = arith.constant 0 : i32
    %sign3A_6 = arith.cmpi slt, %get3A_2, %sign3A_5 : i32
    %sign3A_7 = arith.extui %sign3A_6 : i1 to i32
    %sign3A_8 = arith.subi %sign3A_4, %sign3A_7 : i32
    %sign3A_9 = arith.constant 0 : i32
    %sign3A_10 = arith.cmpi sgt, %jit3A, %sign3A_9 : i32
    %sign3A_11 = arith.extui %sign3A_10 : i1 to i32
    %sign3A_12 = arith.constant 0 : i32
    %sign3A_13 = arith.cmpi slt, %jit3A, %sign3A_12 : i32
    %sign3A_14 = arith.extui %sign3A_13 : i1 to i32
    %sign3A_15 = arith.subi %sign3A_11, %sign3A_14 : i32
    %ne3A = arith.cmpi ne, %sign3A_8, %sign3A_15 : i32
    %rem3A = arith.remsi %get3A_2, %jit3A : i32
    %ne3A_16 = arith.constant 0 : i32
    %ne3A_17 = arith.cmpi ne, %rem3A, %ne3A_16 : i32
    %and3A = arith.andi %ne3A, %ne3A_17 : i1
    %sub3A = arith.constant 1 : i32
    %sub3A_18 = arith.subi %div3A, %sub3A : i32
    %select_n3A = arith.select %and3A, %sub3A_18, %div3A : i32
    %c0_i32 = arith.constant 0 : i32
    %c0_i32_19 = arith.constant 0 : i32
    return %select_n3A, %c0_i32 : i32, i32
  }
  func.func @transform_24(%arg0: i32, %arg1: memref<1024xi32, #tpu.memory_space<smem>>) -> (i32, i32) {
    %mul3A = arith.constant 64 : i32
    %mul3A_0 = arith.muli %mul3A, %arg0 : i32
    %add3A = arith.constant 24 : i32
    %add3A_1 = arith.addi %mul3A_0, %add3A : i32
    %get3A = arith.index_cast %add3A_1 : i32 to index
    %get3A_2 = memref.load %arg1[%get3A] : memref<1024xi32, #tpu.memory_space<smem>>
    %jit3A = arith.constant 8 : i32
    %div3A = arith.divsi %get3A_2, %jit3A : i32
    %sign3A = arith.constant 0 : i32
    %sign3A_3 = arith.cmpi sgt, %get3A_2, %sign3A : i32
    %sign3A_4 = arith.extui %sign3A_3 : i1 to i32
    %sign3A_5 = arith.constant 0 : i32
    %sign3A_6 = arith.cmpi slt, %get3A_2, %sign3A_5 : i32
    %sign3A_7 = arith.extui %sign3A_6 : i1 to i32
    %sign3A_8 = arith.subi %sign3A_4, %sign3A_7 : i32
    %sign3A_9 = arith.constant 0 : i32
    %sign3A_10 = arith.cmpi sgt, %jit3A, %sign3A_9 : i32
    %sign3A_11 = arith.extui %sign3A_10 : i1 to i32
    %sign3A_12 = arith.constant 0 : i32
    %sign3A_13 = arith.cmpi slt, %jit3A, %sign3A_12 : i32
    %sign3A_14 = arith.extui %sign3A_13 : i1 to i32
    %sign3A_15 = arith.subi %sign3A_11, %sign3A_14 : i32
    %ne3A = arith.cmpi ne, %sign3A_8, %sign3A_15 : i32
    %rem3A = arith.remsi %get3A_2, %jit3A : i32
    %ne3A_16 = arith.constant 0 : i32
    %ne3A_17 = arith.cmpi ne, %rem3A, %ne3A_16 : i32
    %and3A = arith.andi %ne3A, %ne3A_17 : i1
    %sub3A = arith.constant 1 : i32
    %sub3A_18 = arith.subi %div3A, %sub3A : i32
    %select_n3A = arith.select %and3A, %sub3A_18, %div3A : i32
    %c0_i32 = arith.constant 0 : i32
    %c0_i32_19 = arith.constant 0 : i32
    return %select_n3A, %c0_i32 : i32, i32
  }
  func.func @transform_25(%arg0: i32, %arg1: memref<1024xi32, #tpu.memory_space<smem>>) -> (i32, i32) {
    %mul3A = arith.constant 64 : i32
    %mul3A_0 = arith.muli %mul3A, %arg0 : i32
    %add3A = arith.constant 25 : i32
    %add3A_1 = arith.addi %mul3A_0, %add3A : i32
    %get3A = arith.index_cast %add3A_1 : i32 to index
    %get3A_2 = memref.load %arg1[%get3A] : memref<1024xi32, #tpu.memory_space<smem>>
    %jit3A = arith.constant 8 : i32
    %div3A = arith.divsi %get3A_2, %jit3A : i32
    %sign3A = arith.constant 0 : i32
    %sign3A_3 = arith.cmpi sgt, %get3A_2, %sign3A : i32
    %sign3A_4 = arith.extui %sign3A_3 : i1 to i32
    %sign3A_5 = arith.constant 0 : i32
    %sign3A_6 = arith.cmpi slt, %get3A_2, %sign3A_5 : i32
    %sign3A_7 = arith.extui %sign3A_6 : i1 to i32
    %sign3A_8 = arith.subi %sign3A_4, %sign3A_7 : i32
    %sign3A_9 = arith.constant 0 : i32
    %sign3A_10 = arith.cmpi sgt, %jit3A, %sign3A_9 : i32
    %sign3A_11 = arith.extui %sign3A_10 : i1 to i32
    %sign3A_12 = arith.constant 0 : i32
    %sign3A_13 = arith.cmpi slt, %jit3A, %sign3A_12 : i32
    %sign3A_14 = arith.extui %sign3A_13 : i1 to i32
    %sign3A_15 = arith.subi %sign3A_11, %sign3A_14 : i32
    %ne3A = arith.cmpi ne, %sign3A_8, %sign3A_15 : i32
    %rem3A = arith.remsi %get3A_2, %jit3A : i32
    %ne3A_16 = arith.constant 0 : i32
    %ne3A_17 = arith.cmpi ne, %rem3A, %ne3A_16 : i32
    %and3A = arith.andi %ne3A, %ne3A_17 : i1
    %sub3A = arith.constant 1 : i32
    %sub3A_18 = arith.subi %div3A, %sub3A : i32
    %select_n3A = arith.select %and3A, %sub3A_18, %div3A : i32
    %c0_i32 = arith.constant 0 : i32
    %c0_i32_19 = arith.constant 0 : i32
    return %select_n3A, %c0_i32 : i32, i32
  }
  func.func @transform_26(%arg0: i32, %arg1: memref<1024xi32, #tpu.memory_space<smem>>) -> (i32, i32) {
    %mul3A = arith.constant 64 : i32
    %mul3A_0 = arith.muli %mul3A, %arg0 : i32
    %add3A = arith.constant 26 : i32
    %add3A_1 = arith.addi %mul3A_0, %add3A : i32
    %get3A = arith.index_cast %add3A_1 : i32 to index
    %get3A_2 = memref.load %arg1[%get3A] : memref<1024xi32, #tpu.memory_space<smem>>
    %jit3A = arith.constant 8 : i32
    %div3A = arith.divsi %get3A_2, %jit3A : i32
    %sign3A = arith.constant 0 : i32
    %sign3A_3 = arith.cmpi sgt, %get3A_2, %sign3A : i32
    %sign3A_4 = arith.extui %sign3A_3 : i1 to i32
    %sign3A_5 = arith.constant 0 : i32
    %sign3A_6 = arith.cmpi slt, %get3A_2, %sign3A_5 : i32
    %sign3A_7 = arith.extui %sign3A_6 : i1 to i32
    %sign3A_8 = arith.subi %sign3A_4, %sign3A_7 : i32
    %sign3A_9 = arith.constant 0 : i32
    %sign3A_10 = arith.cmpi sgt, %jit3A, %sign3A_9 : i32
    %sign3A_11 = arith.extui %sign3A_10 : i1 to i32
    %sign3A_12 = arith.constant 0 : i32
    %sign3A_13 = arith.cmpi slt, %jit3A, %sign3A_12 : i32
    %sign3A_14 = arith.extui %sign3A_13 : i1 to i32
    %sign3A_15 = arith.subi %sign3A_11, %sign3A_14 : i32
    %ne3A = arith.cmpi ne, %sign3A_8, %sign3A_15 : i32
    %rem3A = arith.remsi %get3A_2, %jit3A : i32
    %ne3A_16 = arith.constant 0 : i32
    %ne3A_17 = arith.cmpi ne, %rem3A, %ne3A_16 : i32
    %and3A = arith.andi %ne3A, %ne3A_17 : i1
    %sub3A = arith.constant 1 : i32
    %sub3A_18 = arith.subi %div3A, %sub3A : i32
    %select_n3A = arith.select %and3A, %sub3A_18, %div3A : i32
    %c0_i32 = arith.constant 0 : i32
    %c0_i32_19 = arith.constant 0 : i32
    return %select_n3A, %c0_i32 : i32, i32
  }
  func.func @transform_27(%arg0: i32, %arg1: memref<1024xi32, #tpu.memory_space<smem>>) -> (i32, i32) {
    %mul3A = arith.constant 64 : i32
    %mul3A_0 = arith.muli %mul3A, %arg0 : i32
    %add3A = arith.constant 27 : i32
    %add3A_1 = arith.addi %mul3A_0, %add3A : i32
    %get3A = arith.index_cast %add3A_1 : i32 to index
    %get3A_2 = memref.load %arg1[%get3A] : memref<1024xi32, #tpu.memory_space<smem>>
    %jit3A = arith.constant 8 : i32
    %div3A = arith.divsi %get3A_2, %jit3A : i32
    %sign3A = arith.constant 0 : i32
    %sign3A_3 = arith.cmpi sgt, %get3A_2, %sign3A : i32
    %sign3A_4 = arith.extui %sign3A_3 : i1 to i32
    %sign3A_5 = arith.constant 0 : i32
    %sign3A_6 = arith.cmpi slt, %get3A_2, %sign3A_5 : i32
    %sign3A_7 = arith.extui %sign3A_6 : i1 to i32
    %sign3A_8 = arith.subi %sign3A_4, %sign3A_7 : i32
    %sign3A_9 = arith.constant 0 : i32
    %sign3A_10 = arith.cmpi sgt, %jit3A, %sign3A_9 : i32
    %sign3A_11 = arith.extui %sign3A_10 : i1 to i32
    %sign3A_12 = arith.constant 0 : i32
    %sign3A_13 = arith.cmpi slt, %jit3A, %sign3A_12 : i32
    %sign3A_14 = arith.extui %sign3A_13 : i1 to i32
    %sign3A_15 = arith.subi %sign3A_11, %sign3A_14 : i32
    %ne3A = arith.cmpi ne, %sign3A_8, %sign3A_15 : i32
    %rem3A = arith.remsi %get3A_2, %jit3A : i32
    %ne3A_16 = arith.constant 0 : i32
    %ne3A_17 = arith.cmpi ne, %rem3A, %ne3A_16 : i32
    %and3A = arith.andi %ne3A, %ne3A_17 : i1
    %sub3A = arith.constant 1 : i32
    %sub3A_18 = arith.subi %div3A, %sub3A : i32
    %select_n3A = arith.select %and3A, %sub3A_18, %div3A : i32
    %c0_i32 = arith.constant 0 : i32
    %c0_i32_19 = arith.constant 0 : i32
    return %select_n3A, %c0_i32 : i32, i32
  }
  func.func @transform_28(%arg0: i32, %arg1: memref<1024xi32, #tpu.memory_space<smem>>) -> (i32, i32) {
    %mul3A = arith.constant 64 : i32
    %mul3A_0 = arith.muli %mul3A, %arg0 : i32
    %add3A = arith.constant 28 : i32
    %add3A_1 = arith.addi %mul3A_0, %add3A : i32
    %get3A = arith.index_cast %add3A_1 : i32 to index
    %get3A_2 = memref.load %arg1[%get3A] : memref<1024xi32, #tpu.memory_space<smem>>
    %jit3A = arith.constant 8 : i32
    %div3A = arith.divsi %get3A_2, %jit3A : i32
    %sign3A = arith.constant 0 : i32
    %sign3A_3 = arith.cmpi sgt, %get3A_2, %sign3A : i32
    %sign3A_4 = arith.extui %sign3A_3 : i1 to i32
    %sign3A_5 = arith.constant 0 : i32
    %sign3A_6 = arith.cmpi slt, %get3A_2, %sign3A_5 : i32
    %sign3A_7 = arith.extui %sign3A_6 : i1 to i32
    %sign3A_8 = arith.subi %sign3A_4, %sign3A_7 : i32
    %sign3A_9 = arith.constant 0 : i32
    %sign3A_10 = arith.cmpi sgt, %jit3A, %sign3A_9 : i32
    %sign3A_11 = arith.extui %sign3A_10 : i1 to i32
    %sign3A_12 = arith.constant 0 : i32
    %sign3A_13 = arith.cmpi slt, %jit3A, %sign3A_12 : i32
    %sign3A_14 = arith.extui %sign3A_13 : i1 to i32
    %sign3A_15 = arith.subi %sign3A_11, %sign3A_14 : i32
    %ne3A = arith.cmpi ne, %sign3A_8, %sign3A_15 : i32
    %rem3A = arith.remsi %get3A_2, %jit3A : i32
    %ne3A_16 = arith.constant 0 : i32
    %ne3A_17 = arith.cmpi ne, %rem3A, %ne3A_16 : i32
    %and3A = arith.andi %ne3A, %ne3A_17 : i1
    %sub3A = arith.constant 1 : i32
    %sub3A_18 = arith.subi %div3A, %sub3A : i32
    %select_n3A = arith.select %and3A, %sub3A_18, %div3A : i32
    %c0_i32 = arith.constant 0 : i32
    %c0_i32_19 = arith.constant 0 : i32
    return %select_n3A, %c0_i32 : i32, i32
  }
  func.func @transform_29(%arg0: i32, %arg1: memref<1024xi32, #tpu.memory_space<smem>>) -> (i32, i32) {
    %mul3A = arith.constant 64 : i32
    %mul3A_0 = arith.muli %mul3A, %arg0 : i32
    %add3A = arith.constant 29 : i32
    %add3A_1 = arith.addi %mul3A_0, %add3A : i32
    %get3A = arith.index_cast %add3A_1 : i32 to index
    %get3A_2 = memref.load %arg1[%get3A] : memref<1024xi32, #tpu.memory_space<smem>>
    %jit3A = arith.constant 8 : i32
    %div3A = arith.divsi %get3A_2, %jit3A : i32
    %sign3A = arith.constant 0 : i32
    %sign3A_3 = arith.cmpi sgt, %get3A_2, %sign3A : i32
    %sign3A_4 = arith.extui %sign3A_3 : i1 to i32
    %sign3A_5 = arith.constant 0 : i32
    %sign3A_6 = arith.cmpi slt, %get3A_2, %sign3A_5 : i32
    %sign3A_7 = arith.extui %sign3A_6 : i1 to i32
    %sign3A_8 = arith.subi %sign3A_4, %sign3A_7 : i32
    %sign3A_9 = arith.constant 0 : i32
    %sign3A_10 = arith.cmpi sgt, %jit3A, %sign3A_9 : i32
    %sign3A_11 = arith.extui %sign3A_10 : i1 to i32
    %sign3A_12 = arith.constant 0 : i32
    %sign3A_13 = arith.cmpi slt, %jit3A, %sign3A_12 : i32
    %sign3A_14 = arith.extui %sign3A_13 : i1 to i32
    %sign3A_15 = arith.subi %sign3A_11, %sign3A_14 : i32
    %ne3A = arith.cmpi ne, %sign3A_8, %sign3A_15 : i32
    %rem3A = arith.remsi %get3A_2, %jit3A : i32
    %ne3A_16 = arith.constant 0 : i32
    %ne3A_17 = arith.cmpi ne, %rem3A, %ne3A_16 : i32
    %and3A = arith.andi %ne3A, %ne3A_17 : i1
    %sub3A = arith.constant 1 : i32
    %sub3A_18 = arith.subi %div3A, %sub3A : i32
    %select_n3A = arith.select %and3A, %sub3A_18, %div3A : i32
    %c0_i32 = arith.constant 0 : i32
    %c0_i32_19 = arith.constant 0 : i32
    return %select_n3A, %c0_i32 : i32, i32
  }
  func.func @transform_30(%arg0: i32, %arg1: memref<1024xi32, #tpu.memory_space<smem>>) -> (i32, i32) {
    %mul3A = arith.constant 64 : i32
    %mul3A_0 = arith.muli %mul3A, %arg0 : i32
    %add3A = arith.constant 30 : i32
    %add3A_1 = arith.addi %mul3A_0, %add3A : i32
    %get3A = arith.index_cast %add3A_1 : i32 to index
    %get3A_2 = memref.load %arg1[%get3A] : memref<1024xi32, #tpu.memory_space<smem>>
    %jit3A = arith.constant 8 : i32
    %div3A = arith.divsi %get3A_2, %jit3A : i32
    %sign3A = arith.constant 0 : i32
    %sign3A_3 = arith.cmpi sgt, %get3A_2, %sign3A : i32
    %sign3A_4 = arith.extui %sign3A_3 : i1 to i32
    %sign3A_5 = arith.constant 0 : i32
    %sign3A_6 = arith.cmpi slt, %get3A_2, %sign3A_5 : i32
    %sign3A_7 = arith.extui %sign3A_6 : i1 to i32
    %sign3A_8 = arith.subi %sign3A_4, %sign3A_7 : i32
    %sign3A_9 = arith.constant 0 : i32
    %sign3A_10 = arith.cmpi sgt, %jit3A, %sign3A_9 : i32
    %sign3A_11 = arith.extui %sign3A_10 : i1 to i32
    %sign3A_12 = arith.constant 0 : i32
    %sign3A_13 = arith.cmpi slt, %jit3A, %sign3A_12 : i32
    %sign3A_14 = arith.extui %sign3A_13 : i1 to i32
    %sign3A_15 = arith.subi %sign3A_11, %sign3A_14 : i32
    %ne3A = arith.cmpi ne, %sign3A_8, %sign3A_15 : i32
    %rem3A = arith.remsi %get3A_2, %jit3A : i32
    %ne3A_16 = arith.constant 0 : i32
    %ne3A_17 = arith.cmpi ne, %rem3A, %ne3A_16 : i32
    %and3A = arith.andi %ne3A, %ne3A_17 : i1
    %sub3A = arith.constant 1 : i32
    %sub3A_18 = arith.subi %div3A, %sub3A : i32
    %select_n3A = arith.select %and3A, %sub3A_18, %div3A : i32
    %c0_i32 = arith.constant 0 : i32
    %c0_i32_19 = arith.constant 0 : i32
    return %select_n3A, %c0_i32 : i32, i32
  }
  func.func @transform_31(%arg0: i32, %arg1: memref<1024xi32, #tpu.memory_space<smem>>) -> (i32, i32) {
    %mul3A = arith.constant 64 : i32
    %mul3A_0 = arith.muli %mul3A, %arg0 : i32
    %add3A = arith.constant 31 : i32
    %add3A_1 = arith.addi %mul3A_0, %add3A : i32
    %get3A = arith.index_cast %add3A_1 : i32 to index
    %get3A_2 = memref.load %arg1[%get3A] : memref<1024xi32, #tpu.memory_space<smem>>
    %jit3A = arith.constant 8 : i32
    %div3A = arith.divsi %get3A_2, %jit3A : i32
    %sign3A = arith.constant 0 : i32
    %sign3A_3 = arith.cmpi sgt, %get3A_2, %sign3A : i32
    %sign3A_4 = arith.extui %sign3A_3 : i1 to i32
    %sign3A_5 = arith.constant 0 : i32
    %sign3A_6 = arith.cmpi slt, %get3A_2, %sign3A_5 : i32
    %sign3A_7 = arith.extui %sign3A_6 : i1 to i32
    %sign3A_8 = arith.subi %sign3A_4, %sign3A_7 : i32
    %sign3A_9 = arith.constant 0 : i32
    %sign3A_10 = arith.cmpi sgt, %jit3A, %sign3A_9 : i32
    %sign3A_11 = arith.extui %sign3A_10 : i1 to i32
    %sign3A_12 = arith.constant 0 : i32
    %sign3A_13 = arith.cmpi slt, %jit3A, %sign3A_12 : i32
    %sign3A_14 = arith.extui %sign3A_13 : i1 to i32
    %sign3A_15 = arith.subi %sign3A_11, %sign3A_14 : i32
    %ne3A = arith.cmpi ne, %sign3A_8, %sign3A_15 : i32
    %rem3A = arith.remsi %get3A_2, %jit3A : i32
    %ne3A_16 = arith.constant 0 : i32
    %ne3A_17 = arith.cmpi ne, %rem3A, %ne3A_16 : i32
    %and3A = arith.andi %ne3A, %ne3A_17 : i1
    %sub3A = arith.constant 1 : i32
    %sub3A_18 = arith.subi %div3A, %sub3A : i32
    %select_n3A = arith.select %and3A, %sub3A_18, %div3A : i32
    %c0_i32 = arith.constant 0 : i32
    %c0_i32_19 = arith.constant 0 : i32
    return %select_n3A, %c0_i32 : i32, i32
  }
  func.func @transform_32(%arg0: i32, %arg1: memref<1024xi32, #tpu.memory_space<smem>>) -> (i32, i32) {
    %mul3A = arith.constant 64 : i32
    %mul3A_0 = arith.muli %mul3A, %arg0 : i32
    %add3A = arith.constant 32 : i32
    %add3A_1 = arith.addi %mul3A_0, %add3A : i32
    %get3A = arith.index_cast %add3A_1 : i32 to index
    %get3A_2 = memref.load %arg1[%get3A] : memref<1024xi32, #tpu.memory_space<smem>>
    %jit3A = arith.constant 8 : i32
    %div3A = arith.divsi %get3A_2, %jit3A : i32
    %sign3A = arith.constant 0 : i32
    %sign3A_3 = arith.cmpi sgt, %get3A_2, %sign3A : i32
    %sign3A_4 = arith.extui %sign3A_3 : i1 to i32
    %sign3A_5 = arith.constant 0 : i32
    %sign3A_6 = arith.cmpi slt, %get3A_2, %sign3A_5 : i32
    %sign3A_7 = arith.extui %sign3A_6 : i1 to i32
    %sign3A_8 = arith.subi %sign3A_4, %sign3A_7 : i32
    %sign3A_9 = arith.constant 0 : i32
    %sign3A_10 = arith.cmpi sgt, %jit3A, %sign3A_9 : i32
    %sign3A_11 = arith.extui %sign3A_10 : i1 to i32
    %sign3A_12 = arith.constant 0 : i32
    %sign3A_13 = arith.cmpi slt, %jit3A, %sign3A_12 : i32
    %sign3A_14 = arith.extui %sign3A_13 : i1 to i32
    %sign3A_15 = arith.subi %sign3A_11, %sign3A_14 : i32
    %ne3A = arith.cmpi ne, %sign3A_8, %sign3A_15 : i32
    %rem3A = arith.remsi %get3A_2, %jit3A : i32
    %ne3A_16 = arith.constant 0 : i32
    %ne3A_17 = arith.cmpi ne, %rem3A, %ne3A_16 : i32
    %and3A = arith.andi %ne3A, %ne3A_17 : i1
    %sub3A = arith.constant 1 : i32
    %sub3A_18 = arith.subi %div3A, %sub3A : i32
    %select_n3A = arith.select %and3A, %sub3A_18, %div3A : i32
    %c0_i32 = arith.constant 0 : i32
    %c0_i32_19 = arith.constant 0 : i32
    return %select_n3A, %c0_i32 : i32, i32
  }
  func.func @transform_33(%arg0: i32, %arg1: memref<1024xi32, #tpu.memory_space<smem>>) -> (i32, i32) {
    %mul3A = arith.constant 64 : i32
    %mul3A_0 = arith.muli %mul3A, %arg0 : i32
    %add3A = arith.constant 33 : i32
    %add3A_1 = arith.addi %mul3A_0, %add3A : i32
    %get3A = arith.index_cast %add3A_1 : i32 to index
    %get3A_2 = memref.load %arg1[%get3A] : memref<1024xi32, #tpu.memory_space<smem>>
    %jit3A = arith.constant 8 : i32
    %div3A = arith.divsi %get3A_2, %jit3A : i32
    %sign3A = arith.constant 0 : i32
    %sign3A_3 = arith.cmpi sgt, %get3A_2, %sign3A : i32
    %sign3A_4 = arith.extui %sign3A_3 : i1 to i32
    %sign3A_5 = arith.constant 0 : i32
    %sign3A_6 = arith.cmpi slt, %get3A_2, %sign3A_5 : i32
    %sign3A_7 = arith.extui %sign3A_6 : i1 to i32
    %sign3A_8 = arith.subi %sign3A_4, %sign3A_7 : i32
    %sign3A_9 = arith.constant 0 : i32
    %sign3A_10 = arith.cmpi sgt, %jit3A, %sign3A_9 : i32
    %sign3A_11 = arith.extui %sign3A_10 : i1 to i32
    %sign3A_12 = arith.constant 0 : i32
    %sign3A_13 = arith.cmpi slt, %jit3A, %sign3A_12 : i32
    %sign3A_14 = arith.extui %sign3A_13 : i1 to i32
    %sign3A_15 = arith.subi %sign3A_11, %sign3A_14 : i32
    %ne3A = arith.cmpi ne, %sign3A_8, %sign3A_15 : i32
    %rem3A = arith.remsi %get3A_2, %jit3A : i32
    %ne3A_16 = arith.constant 0 : i32
    %ne3A_17 = arith.cmpi ne, %rem3A, %ne3A_16 : i32
    %and3A = arith.andi %ne3A, %ne3A_17 : i1
    %sub3A = arith.constant 1 : i32
    %sub3A_18 = arith.subi %div3A, %sub3A : i32
    %select_n3A = arith.select %and3A, %sub3A_18, %div3A : i32
    %c0_i32 = arith.constant 0 : i32
    %c0_i32_19 = arith.constant 0 : i32
    return %select_n3A, %c0_i32 : i32, i32
  }
  func.func @transform_34(%arg0: i32, %arg1: memref<1024xi32, #tpu.memory_space<smem>>) -> (i32, i32) {
    %mul3A = arith.constant 64 : i32
    %mul3A_0 = arith.muli %mul3A, %arg0 : i32
    %add3A = arith.constant 34 : i32
    %add3A_1 = arith.addi %mul3A_0, %add3A : i32
    %get3A = arith.index_cast %add3A_1 : i32 to index
    %get3A_2 = memref.load %arg1[%get3A] : memref<1024xi32, #tpu.memory_space<smem>>
    %jit3A = arith.constant 8 : i32
    %div3A = arith.divsi %get3A_2, %jit3A : i32
    %sign3A = arith.constant 0 : i32
    %sign3A_3 = arith.cmpi sgt, %get3A_2, %sign3A : i32
    %sign3A_4 = arith.extui %sign3A_3 : i1 to i32
    %sign3A_5 = arith.constant 0 : i32
    %sign3A_6 = arith.cmpi slt, %get3A_2, %sign3A_5 : i32
    %sign3A_7 = arith.extui %sign3A_6 : i1 to i32
    %sign3A_8 = arith.subi %sign3A_4, %sign3A_7 : i32
    %sign3A_9 = arith.constant 0 : i32
    %sign3A_10 = arith.cmpi sgt, %jit3A, %sign3A_9 : i32
    %sign3A_11 = arith.extui %sign3A_10 : i1 to i32
    %sign3A_12 = arith.constant 0 : i32
    %sign3A_13 = arith.cmpi slt, %jit3A, %sign3A_12 : i32
    %sign3A_14 = arith.extui %sign3A_13 : i1 to i32
    %sign3A_15 = arith.subi %sign3A_11, %sign3A_14 : i32
    %ne3A = arith.cmpi ne, %sign3A_8, %sign3A_15 : i32
    %rem3A = arith.remsi %get3A_2, %jit3A : i32
    %ne3A_16 = arith.constant 0 : i32
    %ne3A_17 = arith.cmpi ne, %rem3A, %ne3A_16 : i32
    %and3A = arith.andi %ne3A, %ne3A_17 : i1
    %sub3A = arith.constant 1 : i32
    %sub3A_18 = arith.subi %div3A, %sub3A : i32
    %select_n3A = arith.select %and3A, %sub3A_18, %div3A : i32
    %c0_i32 = arith.constant 0 : i32
    %c0_i32_19 = arith.constant 0 : i32
    return %select_n3A, %c0_i32 : i32, i32
  }
  func.func @transform_35(%arg0: i32, %arg1: memref<1024xi32, #tpu.memory_space<smem>>) -> (i32, i32) {
    %mul3A = arith.constant 64 : i32
    %mul3A_0 = arith.muli %mul3A, %arg0 : i32
    %add3A = arith.constant 35 : i32
    %add3A_1 = arith.addi %mul3A_0, %add3A : i32
    %get3A = arith.index_cast %add3A_1 : i32 to index
    %get3A_2 = memref.load %arg1[%get3A] : memref<1024xi32, #tpu.memory_space<smem>>
    %jit3A = arith.constant 8 : i32
    %div3A = arith.divsi %get3A_2, %jit3A : i32
    %sign3A = arith.constant 0 : i32
    %sign3A_3 = arith.cmpi sgt, %get3A_2, %sign3A : i32
    %sign3A_4 = arith.extui %sign3A_3 : i1 to i32
    %sign3A_5 = arith.constant 0 : i32
    %sign3A_6 = arith.cmpi slt, %get3A_2, %sign3A_5 : i32
    %sign3A_7 = arith.extui %sign3A_6 : i1 to i32
    %sign3A_8 = arith.subi %sign3A_4, %sign3A_7 : i32
    %sign3A_9 = arith.constant 0 : i32
    %sign3A_10 = arith.cmpi sgt, %jit3A, %sign3A_9 : i32
    %sign3A_11 = arith.extui %sign3A_10 : i1 to i32
    %sign3A_12 = arith.constant 0 : i32
    %sign3A_13 = arith.cmpi slt, %jit3A, %sign3A_12 : i32
    %sign3A_14 = arith.extui %sign3A_13 : i1 to i32
    %sign3A_15 = arith.subi %sign3A_11, %sign3A_14 : i32
    %ne3A = arith.cmpi ne, %sign3A_8, %sign3A_15 : i32
    %rem3A = arith.remsi %get3A_2, %jit3A : i32
    %ne3A_16 = arith.constant 0 : i32
    %ne3A_17 = arith.cmpi ne, %rem3A, %ne3A_16 : i32
    %and3A = arith.andi %ne3A, %ne3A_17 : i1
    %sub3A = arith.constant 1 : i32
    %sub3A_18 = arith.subi %div3A, %sub3A : i32
    %select_n3A = arith.select %and3A, %sub3A_18, %div3A : i32
    %c0_i32 = arith.constant 0 : i32
    %c0_i32_19 = arith.constant 0 : i32
    return %select_n3A, %c0_i32 : i32, i32
  }
  func.func @transform_36(%arg0: i32, %arg1: memref<1024xi32, #tpu.memory_space<smem>>) -> (i32, i32) {
    %mul3A = arith.constant 64 : i32
    %mul3A_0 = arith.muli %mul3A, %arg0 : i32
    %add3A = arith.constant 36 : i32
    %add3A_1 = arith.addi %mul3A_0, %add3A : i32
    %get3A = arith.index_cast %add3A_1 : i32 to index
    %get3A_2 = memref.load %arg1[%get3A] : memref<1024xi32, #tpu.memory_space<smem>>
    %jit3A = arith.constant 8 : i32
    %div3A = arith.divsi %get3A_2, %jit3A : i32
    %sign3A = arith.constant 0 : i32
    %sign3A_3 = arith.cmpi sgt, %get3A_2, %sign3A : i32
    %sign3A_4 = arith.extui %sign3A_3 : i1 to i32
    %sign3A_5 = arith.constant 0 : i32
    %sign3A_6 = arith.cmpi slt, %get3A_2, %sign3A_5 : i32
    %sign3A_7 = arith.extui %sign3A_6 : i1 to i32
    %sign3A_8 = arith.subi %sign3A_4, %sign3A_7 : i32
    %sign3A_9 = arith.constant 0 : i32
    %sign3A_10 = arith.cmpi sgt, %jit3A, %sign3A_9 : i32
    %sign3A_11 = arith.extui %sign3A_10 : i1 to i32
    %sign3A_12 = arith.constant 0 : i32
    %sign3A_13 = arith.cmpi slt, %jit3A, %sign3A_12 : i32
    %sign3A_14 = arith.extui %sign3A_13 : i1 to i32
    %sign3A_15 = arith.subi %sign3A_11, %sign3A_14 : i32
    %ne3A = arith.cmpi ne, %sign3A_8, %sign3A_15 : i32
    %rem3A = arith.remsi %get3A_2, %jit3A : i32
    %ne3A_16 = arith.constant 0 : i32
    %ne3A_17 = arith.cmpi ne, %rem3A, %ne3A_16 : i32
    %and3A = arith.andi %ne3A, %ne3A_17 : i1
    %sub3A = arith.constant 1 : i32
    %sub3A_18 = arith.subi %div3A, %sub3A : i32
    %select_n3A = arith.select %and3A, %sub3A_18, %div3A : i32
    %c0_i32 = arith.constant 0 : i32
    %c0_i32_19 = arith.constant 0 : i32
    return %select_n3A, %c0_i32 : i32, i32
  }
  func.func @transform_37(%arg0: i32, %arg1: memref<1024xi32, #tpu.memory_space<smem>>) -> (i32, i32) {
    %mul3A = arith.constant 64 : i32
    %mul3A_0 = arith.muli %mul3A, %arg0 : i32
    %add3A = arith.constant 37 : i32
    %add3A_1 = arith.addi %mul3A_0, %add3A : i32
    %get3A = arith.index_cast %add3A_1 : i32 to index
    %get3A_2 = memref.load %arg1[%get3A] : memref<1024xi32, #tpu.memory_space<smem>>
    %jit3A = arith.constant 8 : i32
    %div3A = arith.divsi %get3A_2, %jit3A : i32
    %sign3A = arith.constant 0 : i32
    %sign3A_3 = arith.cmpi sgt, %get3A_2, %sign3A : i32
    %sign3A_4 = arith.extui %sign3A_3 : i1 to i32
    %sign3A_5 = arith.constant 0 : i32
    %sign3A_6 = arith.cmpi slt, %get3A_2, %sign3A_5 : i32
    %sign3A_7 = arith.extui %sign3A_6 : i1 to i32
    %sign3A_8 = arith.subi %sign3A_4, %sign3A_7 : i32
    %sign3A_9 = arith.constant 0 : i32
    %sign3A_10 = arith.cmpi sgt, %jit3A, %sign3A_9 : i32
    %sign3A_11 = arith.extui %sign3A_10 : i1 to i32
    %sign3A_12 = arith.constant 0 : i32
    %sign3A_13 = arith.cmpi slt, %jit3A, %sign3A_12 : i32
    %sign3A_14 = arith.extui %sign3A_13 : i1 to i32
    %sign3A_15 = arith.subi %sign3A_11, %sign3A_14 : i32
    %ne3A = arith.cmpi ne, %sign3A_8, %sign3A_15 : i32
    %rem3A = arith.remsi %get3A_2, %jit3A : i32
    %ne3A_16 = arith.constant 0 : i32
    %ne3A_17 = arith.cmpi ne, %rem3A, %ne3A_16 : i32
    %and3A = arith.andi %ne3A, %ne3A_17 : i1
    %sub3A = arith.constant 1 : i32
    %sub3A_18 = arith.subi %div3A, %sub3A : i32
    %select_n3A = arith.select %and3A, %sub3A_18, %div3A : i32
    %c0_i32 = arith.constant 0 : i32
    %c0_i32_19 = arith.constant 0 : i32
    return %select_n3A, %c0_i32 : i32, i32
  }
  func.func @transform_38(%arg0: i32, %arg1: memref<1024xi32, #tpu.memory_space<smem>>) -> (i32, i32) {
    %mul3A = arith.constant 64 : i32
    %mul3A_0 = arith.muli %mul3A, %arg0 : i32
    %add3A = arith.constant 38 : i32
    %add3A_1 = arith.addi %mul3A_0, %add3A : i32
    %get3A = arith.index_cast %add3A_1 : i32 to index
    %get3A_2 = memref.load %arg1[%get3A] : memref<1024xi32, #tpu.memory_space<smem>>
    %jit3A = arith.constant 8 : i32
    %div3A = arith.divsi %get3A_2, %jit3A : i32
    %sign3A = arith.constant 0 : i32
    %sign3A_3 = arith.cmpi sgt, %get3A_2, %sign3A : i32
    %sign3A_4 = arith.extui %sign3A_3 : i1 to i32
    %sign3A_5 = arith.constant 0 : i32
    %sign3A_6 = arith.cmpi slt, %get3A_2, %sign3A_5 : i32
    %sign3A_7 = arith.extui %sign3A_6 : i1 to i32
    %sign3A_8 = arith.subi %sign3A_4, %sign3A_7 : i32
    %sign3A_9 = arith.constant 0 : i32
    %sign3A_10 = arith.cmpi sgt, %jit3A, %sign3A_9 : i32
    %sign3A_11 = arith.extui %sign3A_10 : i1 to i32
    %sign3A_12 = arith.constant 0 : i32
    %sign3A_13 = arith.cmpi slt, %jit3A, %sign3A_12 : i32
    %sign3A_14 = arith.extui %sign3A_13 : i1 to i32
    %sign3A_15 = arith.subi %sign3A_11, %sign3A_14 : i32
    %ne3A = arith.cmpi ne, %sign3A_8, %sign3A_15 : i32
    %rem3A = arith.remsi %get3A_2, %jit3A : i32
    %ne3A_16 = arith.constant 0 : i32
    %ne3A_17 = arith.cmpi ne, %rem3A, %ne3A_16 : i32
    %and3A = arith.andi %ne3A, %ne3A_17 : i1
    %sub3A = arith.constant 1 : i32
    %sub3A_18 = arith.subi %div3A, %sub3A : i32
    %select_n3A = arith.select %and3A, %sub3A_18, %div3A : i32
    %c0_i32 = arith.constant 0 : i32
    %c0_i32_19 = arith.constant 0 : i32
    return %select_n3A, %c0_i32 : i32, i32
  }
  func.func @transform_39(%arg0: i32, %arg1: memref<1024xi32, #tpu.memory_space<smem>>) -> (i32, i32) {
    %mul3A = arith.constant 64 : i32
    %mul3A_0 = arith.muli %mul3A, %arg0 : i32
    %add3A = arith.constant 39 : i32
    %add3A_1 = arith.addi %mul3A_0, %add3A : i32
    %get3A = arith.index_cast %add3A_1 : i32 to index
    %get3A_2 = memref.load %arg1[%get3A] : memref<1024xi32, #tpu.memory_space<smem>>
    %jit3A = arith.constant 8 : i32
    %div3A = arith.divsi %get3A_2, %jit3A : i32
    %sign3A = arith.constant 0 : i32
    %sign3A_3 = arith.cmpi sgt, %get3A_2, %sign3A : i32
    %sign3A_4 = arith.extui %sign3A_3 : i1 to i32
    %sign3A_5 = arith.constant 0 : i32
    %sign3A_6 = arith.cmpi slt, %get3A_2, %sign3A_5 : i32
    %sign3A_7 = arith.extui %sign3A_6 : i1 to i32
    %sign3A_8 = arith.subi %sign3A_4, %sign3A_7 : i32
    %sign3A_9 = arith.constant 0 : i32
    %sign3A_10 = arith.cmpi sgt, %jit3A, %sign3A_9 : i32
    %sign3A_11 = arith.extui %sign3A_10 : i1 to i32
    %sign3A_12 = arith.constant 0 : i32
    %sign3A_13 = arith.cmpi slt, %jit3A, %sign3A_12 : i32
    %sign3A_14 = arith.extui %sign3A_13 : i1 to i32
    %sign3A_15 = arith.subi %sign3A_11, %sign3A_14 : i32
    %ne3A = arith.cmpi ne, %sign3A_8, %sign3A_15 : i32
    %rem3A = arith.remsi %get3A_2, %jit3A : i32
    %ne3A_16 = arith.constant 0 : i32
    %ne3A_17 = arith.cmpi ne, %rem3A, %ne3A_16 : i32
    %and3A = arith.andi %ne3A, %ne3A_17 : i1
    %sub3A = arith.constant 1 : i32
    %sub3A_18 = arith.subi %div3A, %sub3A : i32
    %select_n3A = arith.select %and3A, %sub3A_18, %div3A : i32
    %c0_i32 = arith.constant 0 : i32
    %c0_i32_19 = arith.constant 0 : i32
    return %select_n3A, %c0_i32 : i32, i32
  }
  func.func @transform_40(%arg0: i32, %arg1: memref<1024xi32, #tpu.memory_space<smem>>) -> (i32, i32) {
    %mul3A = arith.constant 64 : i32
    %mul3A_0 = arith.muli %mul3A, %arg0 : i32
    %add3A = arith.constant 40 : i32
    %add3A_1 = arith.addi %mul3A_0, %add3A : i32
    %get3A = arith.index_cast %add3A_1 : i32 to index
    %get3A_2 = memref.load %arg1[%get3A] : memref<1024xi32, #tpu.memory_space<smem>>
    %jit3A = arith.constant 8 : i32
    %div3A = arith.divsi %get3A_2, %jit3A : i32
    %sign3A = arith.constant 0 : i32
    %sign3A_3 = arith.cmpi sgt, %get3A_2, %sign3A : i32
    %sign3A_4 = arith.extui %sign3A_3 : i1 to i32
    %sign3A_5 = arith.constant 0 : i32
    %sign3A_6 = arith.cmpi slt, %get3A_2, %sign3A_5 : i32
    %sign3A_7 = arith.extui %sign3A_6 : i1 to i32
    %sign3A_8 = arith.subi %sign3A_4, %sign3A_7 : i32
    %sign3A_9 = arith.constant 0 : i32
    %sign3A_10 = arith.cmpi sgt, %jit3A, %sign3A_9 : i32
    %sign3A_11 = arith.extui %sign3A_10 : i1 to i32
    %sign3A_12 = arith.constant 0 : i32
    %sign3A_13 = arith.cmpi slt, %jit3A, %sign3A_12 : i32
    %sign3A_14 = arith.extui %sign3A_13 : i1 to i32
    %sign3A_15 = arith.subi %sign3A_11, %sign3A_14 : i32
    %ne3A = arith.cmpi ne, %sign3A_8, %sign3A_15 : i32
    %rem3A = arith.remsi %get3A_2, %jit3A : i32
    %ne3A_16 = arith.constant 0 : i32
    %ne3A_17 = arith.cmpi ne, %rem3A, %ne3A_16 : i32
    %and3A = arith.andi %ne3A, %ne3A_17 : i1
    %sub3A = arith.constant 1 : i32
    %sub3A_18 = arith.subi %div3A, %sub3A : i32
    %select_n3A = arith.select %and3A, %sub3A_18, %div3A : i32
    %c0_i32 = arith.constant 0 : i32
    %c0_i32_19 = arith.constant 0 : i32
    return %select_n3A, %c0_i32 : i32, i32
  }
  func.func @transform_41(%arg0: i32, %arg1: memref<1024xi32, #tpu.memory_space<smem>>) -> (i32, i32) {
    %mul3A = arith.constant 64 : i32
    %mul3A_0 = arith.muli %mul3A, %arg0 : i32
    %add3A = arith.constant 41 : i32
    %add3A_1 = arith.addi %mul3A_0, %add3A : i32
    %get3A = arith.index_cast %add3A_1 : i32 to index
    %get3A_2 = memref.load %arg1[%get3A] : memref<1024xi32, #tpu.memory_space<smem>>
    %jit3A = arith.constant 8 : i32
    %div3A = arith.divsi %get3A_2, %jit3A : i32
    %sign3A = arith.constant 0 : i32
    %sign3A_3 = arith.cmpi sgt, %get3A_2, %sign3A : i32
    %sign3A_4 = arith.extui %sign3A_3 : i1 to i32
    %sign3A_5 = arith.constant 0 : i32
    %sign3A_6 = arith.cmpi slt, %get3A_2, %sign3A_5 : i32
    %sign3A_7 = arith.extui %sign3A_6 : i1 to i32
    %sign3A_8 = arith.subi %sign3A_4, %sign3A_7 : i32
    %sign3A_9 = arith.constant 0 : i32
    %sign3A_10 = arith.cmpi sgt, %jit3A, %sign3A_9 : i32
    %sign3A_11 = arith.extui %sign3A_10 : i1 to i32
    %sign3A_12 = arith.constant 0 : i32
    %sign3A_13 = arith.cmpi slt, %jit3A, %sign3A_12 : i32
    %sign3A_14 = arith.extui %sign3A_13 : i1 to i32
    %sign3A_15 = arith.subi %sign3A_11, %sign3A_14 : i32
    %ne3A = arith.cmpi ne, %sign3A_8, %sign3A_15 : i32
    %rem3A = arith.remsi %get3A_2, %jit3A : i32
    %ne3A_16 = arith.constant 0 : i32
    %ne3A_17 = arith.cmpi ne, %rem3A, %ne3A_16 : i32
    %and3A = arith.andi %ne3A, %ne3A_17 : i1
    %sub3A = arith.constant 1 : i32
    %sub3A_18 = arith.subi %div3A, %sub3A : i32
    %select_n3A = arith.select %and3A, %sub3A_18, %div3A : i32
    %c0_i32 = arith.constant 0 : i32
    %c0_i32_19 = arith.constant 0 : i32
    return %select_n3A, %c0_i32 : i32, i32
  }
  func.func @transform_42(%arg0: i32, %arg1: memref<1024xi32, #tpu.memory_space<smem>>) -> (i32, i32) {
    %mul3A = arith.constant 64 : i32
    %mul3A_0 = arith.muli %mul3A, %arg0 : i32
    %add3A = arith.constant 42 : i32
    %add3A_1 = arith.addi %mul3A_0, %add3A : i32
    %get3A = arith.index_cast %add3A_1 : i32 to index
    %get3A_2 = memref.load %arg1[%get3A] : memref<1024xi32, #tpu.memory_space<smem>>
    %jit3A = arith.constant 8 : i32
    %div3A = arith.divsi %get3A_2, %jit3A : i32
    %sign3A = arith.constant 0 : i32
    %sign3A_3 = arith.cmpi sgt, %get3A_2, %sign3A : i32
    %sign3A_4 = arith.extui %sign3A_3 : i1 to i32
    %sign3A_5 = arith.constant 0 : i32
    %sign3A_6 = arith.cmpi slt, %get3A_2, %sign3A_5 : i32
    %sign3A_7 = arith.extui %sign3A_6 : i1 to i32
    %sign3A_8 = arith.subi %sign3A_4, %sign3A_7 : i32
    %sign3A_9 = arith.constant 0 : i32
    %sign3A_10 = arith.cmpi sgt, %jit3A, %sign3A_9 : i32
    %sign3A_11 = arith.extui %sign3A_10 : i1 to i32
    %sign3A_12 = arith.constant 0 : i32
    %sign3A_13 = arith.cmpi slt, %jit3A, %sign3A_12 : i32
    %sign3A_14 = arith.extui %sign3A_13 : i1 to i32
    %sign3A_15 = arith.subi %sign3A_11, %sign3A_14 : i32
    %ne3A = arith.cmpi ne, %sign3A_8, %sign3A_15 : i32
    %rem3A = arith.remsi %get3A_2, %jit3A : i32
    %ne3A_16 = arith.constant 0 : i32
    %ne3A_17 = arith.cmpi ne, %rem3A, %ne3A_16 : i32
    %and3A = arith.andi %ne3A, %ne3A_17 : i1
    %sub3A = arith.constant 1 : i32
    %sub3A_18 = arith.subi %div3A, %sub3A : i32
    %select_n3A = arith.select %and3A, %sub3A_18, %div3A : i32
    %c0_i32 = arith.constant 0 : i32
    %c0_i32_19 = arith.constant 0 : i32
    return %select_n3A, %c0_i32 : i32, i32
  }
  func.func @transform_43(%arg0: i32, %arg1: memref<1024xi32, #tpu.memory_space<smem>>) -> (i32, i32) {
    %mul3A = arith.constant 64 : i32
    %mul3A_0 = arith.muli %mul3A, %arg0 : i32
    %add3A = arith.constant 43 : i32
    %add3A_1 = arith.addi %mul3A_0, %add3A : i32
    %get3A = arith.index_cast %add3A_1 : i32 to index
    %get3A_2 = memref.load %arg1[%get3A] : memref<1024xi32, #tpu.memory_space<smem>>
    %jit3A = arith.constant 8 : i32
    %div3A = arith.divsi %get3A_2, %jit3A : i32
    %sign3A = arith.constant 0 : i32
    %sign3A_3 = arith.cmpi sgt, %get3A_2, %sign3A : i32
    %sign3A_4 = arith.extui %sign3A_3 : i1 to i32
    %sign3A_5 = arith.constant 0 : i32
    %sign3A_6 = arith.cmpi slt, %get3A_2, %sign3A_5 : i32
    %sign3A_7 = arith.extui %sign3A_6 : i1 to i32
    %sign3A_8 = arith.subi %sign3A_4, %sign3A_7 : i32
    %sign3A_9 = arith.constant 0 : i32
    %sign3A_10 = arith.cmpi sgt, %jit3A, %sign3A_9 : i32
    %sign3A_11 = arith.extui %sign3A_10 : i1 to i32
    %sign3A_12 = arith.constant 0 : i32
    %sign3A_13 = arith.cmpi slt, %jit3A, %sign3A_12 : i32
    %sign3A_14 = arith.extui %sign3A_13 : i1 to i32
    %sign3A_15 = arith.subi %sign3A_11, %sign3A_14 : i32
    %ne3A = arith.cmpi ne, %sign3A_8, %sign3A_15 : i32
    %rem3A = arith.remsi %get3A_2, %jit3A : i32
    %ne3A_16 = arith.constant 0 : i32
    %ne3A_17 = arith.cmpi ne, %rem3A, %ne3A_16 : i32
    %and3A = arith.andi %ne3A, %ne3A_17 : i1
    %sub3A = arith.constant 1 : i32
    %sub3A_18 = arith.subi %div3A, %sub3A : i32
    %select_n3A = arith.select %and3A, %sub3A_18, %div3A : i32
    %c0_i32 = arith.constant 0 : i32
    %c0_i32_19 = arith.constant 0 : i32
    return %select_n3A, %c0_i32 : i32, i32
  }
  func.func @transform_44(%arg0: i32, %arg1: memref<1024xi32, #tpu.memory_space<smem>>) -> (i32, i32) {
    %mul3A = arith.constant 64 : i32
    %mul3A_0 = arith.muli %mul3A, %arg0 : i32
    %add3A = arith.constant 44 : i32
    %add3A_1 = arith.addi %mul3A_0, %add3A : i32
    %get3A = arith.index_cast %add3A_1 : i32 to index
    %get3A_2 = memref.load %arg1[%get3A] : memref<1024xi32, #tpu.memory_space<smem>>
    %jit3A = arith.constant 8 : i32
    %div3A = arith.divsi %get3A_2, %jit3A : i32
    %sign3A = arith.constant 0 : i32
    %sign3A_3 = arith.cmpi sgt, %get3A_2, %sign3A : i32
    %sign3A_4 = arith.extui %sign3A_3 : i1 to i32
    %sign3A_5 = arith.constant 0 : i32
    %sign3A_6 = arith.cmpi slt, %get3A_2, %sign3A_5 : i32
    %sign3A_7 = arith.extui %sign3A_6 : i1 to i32
    %sign3A_8 = arith.subi %sign3A_4, %sign3A_7 : i32
    %sign3A_9 = arith.constant 0 : i32
    %sign3A_10 = arith.cmpi sgt, %jit3A, %sign3A_9 : i32
    %sign3A_11 = arith.extui %sign3A_10 : i1 to i32
    %sign3A_12 = arith.constant 0 : i32
    %sign3A_13 = arith.cmpi slt, %jit3A, %sign3A_12 : i32
    %sign3A_14 = arith.extui %sign3A_13 : i1 to i32
    %sign3A_15 = arith.subi %sign3A_11, %sign3A_14 : i32
    %ne3A = arith.cmpi ne, %sign3A_8, %sign3A_15 : i32
    %rem3A = arith.remsi %get3A_2, %jit3A : i32
    %ne3A_16 = arith.constant 0 : i32
    %ne3A_17 = arith.cmpi ne, %rem3A, %ne3A_16 : i32
    %and3A = arith.andi %ne3A, %ne3A_17 : i1
    %sub3A = arith.constant 1 : i32
    %sub3A_18 = arith.subi %div3A, %sub3A : i32
    %select_n3A = arith.select %and3A, %sub3A_18, %div3A : i32
    %c0_i32 = arith.constant 0 : i32
    %c0_i32_19 = arith.constant 0 : i32
    return %select_n3A, %c0_i32 : i32, i32
  }
  func.func @transform_45(%arg0: i32, %arg1: memref<1024xi32, #tpu.memory_space<smem>>) -> (i32, i32) {
    %mul3A = arith.constant 64 : i32
    %mul3A_0 = arith.muli %mul3A, %arg0 : i32
    %add3A = arith.constant 45 : i32
    %add3A_1 = arith.addi %mul3A_0, %add3A : i32
    %get3A = arith.index_cast %add3A_1 : i32 to index
    %get3A_2 = memref.load %arg1[%get3A] : memref<1024xi32, #tpu.memory_space<smem>>
    %jit3A = arith.constant 8 : i32
    %div3A = arith.divsi %get3A_2, %jit3A : i32
    %sign3A = arith.constant 0 : i32
    %sign3A_3 = arith.cmpi sgt, %get3A_2, %sign3A : i32
    %sign3A_4 = arith.extui %sign3A_3 : i1 to i32
    %sign3A_5 = arith.constant 0 : i32
    %sign3A_6 = arith.cmpi slt, %get3A_2, %sign3A_5 : i32
    %sign3A_7 = arith.extui %sign3A_6 : i1 to i32
    %sign3A_8 = arith.subi %sign3A_4, %sign3A_7 : i32
    %sign3A_9 = arith.constant 0 : i32
    %sign3A_10 = arith.cmpi sgt, %jit3A, %sign3A_9 : i32
    %sign3A_11 = arith.extui %sign3A_10 : i1 to i32
    %sign3A_12 = arith.constant 0 : i32
    %sign3A_13 = arith.cmpi slt, %jit3A, %sign3A_12 : i32
    %sign3A_14 = arith.extui %sign3A_13 : i1 to i32
    %sign3A_15 = arith.subi %sign3A_11, %sign3A_14 : i32
    %ne3A = arith.cmpi ne, %sign3A_8, %sign3A_15 : i32
    %rem3A = arith.remsi %get3A_2, %jit3A : i32
    %ne3A_16 = arith.constant 0 : i32
    %ne3A_17 = arith.cmpi ne, %rem3A, %ne3A_16 : i32
    %and3A = arith.andi %ne3A, %ne3A_17 : i1
    %sub3A = arith.constant 1 : i32
    %sub3A_18 = arith.subi %div3A, %sub3A : i32
    %select_n3A = arith.select %and3A, %sub3A_18, %div3A : i32
    %c0_i32 = arith.constant 0 : i32
    %c0_i32_19 = arith.constant 0 : i32
    return %select_n3A, %c0_i32 : i32, i32
  }
  func.func @transform_46(%arg0: i32, %arg1: memref<1024xi32, #tpu.memory_space<smem>>) -> (i32, i32) {
    %mul3A = arith.constant 64 : i32
    %mul3A_0 = arith.muli %mul3A, %arg0 : i32
    %add3A = arith.constant 46 : i32
    %add3A_1 = arith.addi %mul3A_0, %add3A : i32
    %get3A = arith.index_cast %add3A_1 : i32 to index
    %get3A_2 = memref.load %arg1[%get3A] : memref<1024xi32, #tpu.memory_space<smem>>
    %jit3A = arith.constant 8 : i32
    %div3A = arith.divsi %get3A_2, %jit3A : i32
    %sign3A = arith.constant 0 : i32
    %sign3A_3 = arith.cmpi sgt, %get3A_2, %sign3A : i32
    %sign3A_4 = arith.extui %sign3A_3 : i1 to i32
    %sign3A_5 = arith.constant 0 : i32
    %sign3A_6 = arith.cmpi slt, %get3A_2, %sign3A_5 : i32
    %sign3A_7 = arith.extui %sign3A_6 : i1 to i32
    %sign3A_8 = arith.subi %sign3A_4, %sign3A_7 : i32
    %sign3A_9 = arith.constant 0 : i32
    %sign3A_10 = arith.cmpi sgt, %jit3A, %sign3A_9 : i32
    %sign3A_11 = arith.extui %sign3A_10 : i1 to i32
    %sign3A_12 = arith.constant 0 : i32
    %sign3A_13 = arith.cmpi slt, %jit3A, %sign3A_12 : i32
    %sign3A_14 = arith.extui %sign3A_13 : i1 to i32
    %sign3A_15 = arith.subi %sign3A_11, %sign3A_14 : i32
    %ne3A = arith.cmpi ne, %sign3A_8, %sign3A_15 : i32
    %rem3A = arith.remsi %get3A_2, %jit3A : i32
    %ne3A_16 = arith.constant 0 : i32
    %ne3A_17 = arith.cmpi ne, %rem3A, %ne3A_16 : i32
    %and3A = arith.andi %ne3A, %ne3A_17 : i1
    %sub3A = arith.constant 1 : i32
    %sub3A_18 = arith.subi %div3A, %sub3A : i32
    %select_n3A = arith.select %and3A, %sub3A_18, %div3A : i32
    %c0_i32 = arith.constant 0 : i32
    %c0_i32_19 = arith.constant 0 : i32
    return %select_n3A, %c0_i32 : i32, i32
  }
  func.func @transform_47(%arg0: i32, %arg1: memref<1024xi32, #tpu.memory_space<smem>>) -> (i32, i32) {
    %mul3A = arith.constant 64 : i32
    %mul3A_0 = arith.muli %mul3A, %arg0 : i32
    %add3A = arith.constant 47 : i32
    %add3A_1 = arith.addi %mul3A_0, %add3A : i32
    %get3A = arith.index_cast %add3A_1 : i32 to index
    %get3A_2 = memref.load %arg1[%get3A] : memref<1024xi32, #tpu.memory_space<smem>>
    %jit3A = arith.constant 8 : i32
    %div3A = arith.divsi %get3A_2, %jit3A : i32
    %sign3A = arith.constant 0 : i32
    %sign3A_3 = arith.cmpi sgt, %get3A_2, %sign3A : i32
    %sign3A_4 = arith.extui %sign3A_3 : i1 to i32
    %sign3A_5 = arith.constant 0 : i32
    %sign3A_6 = arith.cmpi slt, %get3A_2, %sign3A_5 : i32
    %sign3A_7 = arith.extui %sign3A_6 : i1 to i32
    %sign3A_8 = arith.subi %sign3A_4, %sign3A_7 : i32
    %sign3A_9 = arith.constant 0 : i32
    %sign3A_10 = arith.cmpi sgt, %jit3A, %sign3A_9 : i32
    %sign3A_11 = arith.extui %sign3A_10 : i1 to i32
    %sign3A_12 = arith.constant 0 : i32
    %sign3A_13 = arith.cmpi slt, %jit3A, %sign3A_12 : i32
    %sign3A_14 = arith.extui %sign3A_13 : i1 to i32
    %sign3A_15 = arith.subi %sign3A_11, %sign3A_14 : i32
    %ne3A = arith.cmpi ne, %sign3A_8, %sign3A_15 : i32
    %rem3A = arith.remsi %get3A_2, %jit3A : i32
    %ne3A_16 = arith.constant 0 : i32
    %ne3A_17 = arith.cmpi ne, %rem3A, %ne3A_16 : i32
    %and3A = arith.andi %ne3A, %ne3A_17 : i1
    %sub3A = arith.constant 1 : i32
    %sub3A_18 = arith.subi %div3A, %sub3A : i32
    %select_n3A = arith.select %and3A, %sub3A_18, %div3A : i32
    %c0_i32 = arith.constant 0 : i32
    %c0_i32_19 = arith.constant 0 : i32
    return %select_n3A, %c0_i32 : i32, i32
  }
  func.func @transform_48(%arg0: i32, %arg1: memref<1024xi32, #tpu.memory_space<smem>>) -> (i32, i32) {
    %mul3A = arith.constant 64 : i32
    %mul3A_0 = arith.muli %mul3A, %arg0 : i32
    %add3A = arith.constant 48 : i32
    %add3A_1 = arith.addi %mul3A_0, %add3A : i32
    %get3A = arith.index_cast %add3A_1 : i32 to index
    %get3A_2 = memref.load %arg1[%get3A] : memref<1024xi32, #tpu.memory_space<smem>>
    %jit3A = arith.constant 8 : i32
    %div3A = arith.divsi %get3A_2, %jit3A : i32
    %sign3A = arith.constant 0 : i32
    %sign3A_3 = arith.cmpi sgt, %get3A_2, %sign3A : i32
    %sign3A_4 = arith.extui %sign3A_3 : i1 to i32
    %sign3A_5 = arith.constant 0 : i32
    %sign3A_6 = arith.cmpi slt, %get3A_2, %sign3A_5 : i32
    %sign3A_7 = arith.extui %sign3A_6 : i1 to i32
    %sign3A_8 = arith.subi %sign3A_4, %sign3A_7 : i32
    %sign3A_9 = arith.constant 0 : i32
    %sign3A_10 = arith.cmpi sgt, %jit3A, %sign3A_9 : i32
    %sign3A_11 = arith.extui %sign3A_10 : i1 to i32
    %sign3A_12 = arith.constant 0 : i32
    %sign3A_13 = arith.cmpi slt, %jit3A, %sign3A_12 : i32
    %sign3A_14 = arith.extui %sign3A_13 : i1 to i32
    %sign3A_15 = arith.subi %sign3A_11, %sign3A_14 : i32
    %ne3A = arith.cmpi ne, %sign3A_8, %sign3A_15 : i32
    %rem3A = arith.remsi %get3A_2, %jit3A : i32
    %ne3A_16 = arith.constant 0 : i32
    %ne3A_17 = arith.cmpi ne, %rem3A, %ne3A_16 : i32
    %and3A = arith.andi %ne3A, %ne3A_17 : i1
    %sub3A = arith.constant 1 : i32
    %sub3A_18 = arith.subi %div3A, %sub3A : i32
    %select_n3A = arith.select %and3A, %sub3A_18, %div3A : i32
    %c0_i32 = arith.constant 0 : i32
    %c0_i32_19 = arith.constant 0 : i32
    return %select_n3A, %c0_i32 : i32, i32
  }
  func.func @transform_49(%arg0: i32, %arg1: memref<1024xi32, #tpu.memory_space<smem>>) -> (i32, i32) {
    %mul3A = arith.constant 64 : i32
    %mul3A_0 = arith.muli %mul3A, %arg0 : i32
    %add3A = arith.constant 49 : i32
    %add3A_1 = arith.addi %mul3A_0, %add3A : i32
    %get3A = arith.index_cast %add3A_1 : i32 to index
    %get3A_2 = memref.load %arg1[%get3A] : memref<1024xi32, #tpu.memory_space<smem>>
    %jit3A = arith.constant 8 : i32
    %div3A = arith.divsi %get3A_2, %jit3A : i32
    %sign3A = arith.constant 0 : i32
    %sign3A_3 = arith.cmpi sgt, %get3A_2, %sign3A : i32
    %sign3A_4 = arith.extui %sign3A_3 : i1 to i32
    %sign3A_5 = arith.constant 0 : i32
    %sign3A_6 = arith.cmpi slt, %get3A_2, %sign3A_5 : i32
    %sign3A_7 = arith.extui %sign3A_6 : i1 to i32
    %sign3A_8 = arith.subi %sign3A_4, %sign3A_7 : i32
    %sign3A_9 = arith.constant 0 : i32
    %sign3A_10 = arith.cmpi sgt, %jit3A, %sign3A_9 : i32
    %sign3A_11 = arith.extui %sign3A_10 : i1 to i32
    %sign3A_12 = arith.constant 0 : i32
    %sign3A_13 = arith.cmpi slt, %jit3A, %sign3A_12 : i32
    %sign3A_14 = arith.extui %sign3A_13 : i1 to i32
    %sign3A_15 = arith.subi %sign3A_11, %sign3A_14 : i32
    %ne3A = arith.cmpi ne, %sign3A_8, %sign3A_15 : i32
    %rem3A = arith.remsi %get3A_2, %jit3A : i32
    %ne3A_16 = arith.constant 0 : i32
    %ne3A_17 = arith.cmpi ne, %rem3A, %ne3A_16 : i32
    %and3A = arith.andi %ne3A, %ne3A_17 : i1
    %sub3A = arith.constant 1 : i32
    %sub3A_18 = arith.subi %div3A, %sub3A : i32
    %select_n3A = arith.select %and3A, %sub3A_18, %div3A : i32
    %c0_i32 = arith.constant 0 : i32
    %c0_i32_19 = arith.constant 0 : i32
    return %select_n3A, %c0_i32 : i32, i32
  }
  func.func @transform_50(%arg0: i32, %arg1: memref<1024xi32, #tpu.memory_space<smem>>) -> (i32, i32) {
    %mul3A = arith.constant 64 : i32
    %mul3A_0 = arith.muli %mul3A, %arg0 : i32
    %add3A = arith.constant 50 : i32
    %add3A_1 = arith.addi %mul3A_0, %add3A : i32
    %get3A = arith.index_cast %add3A_1 : i32 to index
    %get3A_2 = memref.load %arg1[%get3A] : memref<1024xi32, #tpu.memory_space<smem>>
    %jit3A = arith.constant 8 : i32
    %div3A = arith.divsi %get3A_2, %jit3A : i32
    %sign3A = arith.constant 0 : i32
    %sign3A_3 = arith.cmpi sgt, %get3A_2, %sign3A : i32
    %sign3A_4 = arith.extui %sign3A_3 : i1 to i32
    %sign3A_5 = arith.constant 0 : i32
    %sign3A_6 = arith.cmpi slt, %get3A_2, %sign3A_5 : i32
    %sign3A_7 = arith.extui %sign3A_6 : i1 to i32
    %sign3A_8 = arith.subi %sign3A_4, %sign3A_7 : i32
    %sign3A_9 = arith.constant 0 : i32
    %sign3A_10 = arith.cmpi sgt, %jit3A, %sign3A_9 : i32
    %sign3A_11 = arith.extui %sign3A_10 : i1 to i32
    %sign3A_12 = arith.constant 0 : i32
    %sign3A_13 = arith.cmpi slt, %jit3A, %sign3A_12 : i32
    %sign3A_14 = arith.extui %sign3A_13 : i1 to i32
    %sign3A_15 = arith.subi %sign3A_11, %sign3A_14 : i32
    %ne3A = arith.cmpi ne, %sign3A_8, %sign3A_15 : i32
    %rem3A = arith.remsi %get3A_2, %jit3A : i32
    %ne3A_16 = arith.constant 0 : i32
    %ne3A_17 = arith.cmpi ne, %rem3A, %ne3A_16 : i32
    %and3A = arith.andi %ne3A, %ne3A_17 : i1
    %sub3A = arith.constant 1 : i32
    %sub3A_18 = arith.subi %div3A, %sub3A : i32
    %select_n3A = arith.select %and3A, %sub3A_18, %div3A : i32
    %c0_i32 = arith.constant 0 : i32
    %c0_i32_19 = arith.constant 0 : i32
    return %select_n3A, %c0_i32 : i32, i32
  }
  func.func @transform_51(%arg0: i32, %arg1: memref<1024xi32, #tpu.memory_space<smem>>) -> (i32, i32) {
    %mul3A = arith.constant 64 : i32
    %mul3A_0 = arith.muli %mul3A, %arg0 : i32
    %add3A = arith.constant 51 : i32
    %add3A_1 = arith.addi %mul3A_0, %add3A : i32
    %get3A = arith.index_cast %add3A_1 : i32 to index
    %get3A_2 = memref.load %arg1[%get3A] : memref<1024xi32, #tpu.memory_space<smem>>
    %jit3A = arith.constant 8 : i32
    %div3A = arith.divsi %get3A_2, %jit3A : i32
    %sign3A = arith.constant 0 : i32
    %sign3A_3 = arith.cmpi sgt, %get3A_2, %sign3A : i32
    %sign3A_4 = arith.extui %sign3A_3 : i1 to i32
    %sign3A_5 = arith.constant 0 : i32
    %sign3A_6 = arith.cmpi slt, %get3A_2, %sign3A_5 : i32
    %sign3A_7 = arith.extui %sign3A_6 : i1 to i32
    %sign3A_8 = arith.subi %sign3A_4, %sign3A_7 : i32
    %sign3A_9 = arith.constant 0 : i32
    %sign3A_10 = arith.cmpi sgt, %jit3A, %sign3A_9 : i32
    %sign3A_11 = arith.extui %sign3A_10 : i1 to i32
    %sign3A_12 = arith.constant 0 : i32
    %sign3A_13 = arith.cmpi slt, %jit3A, %sign3A_12 : i32
    %sign3A_14 = arith.extui %sign3A_13 : i1 to i32
    %sign3A_15 = arith.subi %sign3A_11, %sign3A_14 : i32
    %ne3A = arith.cmpi ne, %sign3A_8, %sign3A_15 : i32
    %rem3A = arith.remsi %get3A_2, %jit3A : i32
    %ne3A_16 = arith.constant 0 : i32
    %ne3A_17 = arith.cmpi ne, %rem3A, %ne3A_16 : i32
    %and3A = arith.andi %ne3A, %ne3A_17 : i1
    %sub3A = arith.constant 1 : i32
    %sub3A_18 = arith.subi %div3A, %sub3A : i32
    %select_n3A = arith.select %and3A, %sub3A_18, %div3A : i32
    %c0_i32 = arith.constant 0 : i32
    %c0_i32_19 = arith.constant 0 : i32
    return %select_n3A, %c0_i32 : i32, i32
  }
  func.func @transform_52(%arg0: i32, %arg1: memref<1024xi32, #tpu.memory_space<smem>>) -> (i32, i32) {
    %mul3A = arith.constant 64 : i32
    %mul3A_0 = arith.muli %mul3A, %arg0 : i32
    %add3A = arith.constant 52 : i32
    %add3A_1 = arith.addi %mul3A_0, %add3A : i32
    %get3A = arith.index_cast %add3A_1 : i32 to index
    %get3A_2 = memref.load %arg1[%get3A] : memref<1024xi32, #tpu.memory_space<smem>>
    %jit3A = arith.constant 8 : i32
    %div3A = arith.divsi %get3A_2, %jit3A : i32
    %sign3A = arith.constant 0 : i32
    %sign3A_3 = arith.cmpi sgt, %get3A_2, %sign3A : i32
    %sign3A_4 = arith.extui %sign3A_3 : i1 to i32
    %sign3A_5 = arith.constant 0 : i32
    %sign3A_6 = arith.cmpi slt, %get3A_2, %sign3A_5 : i32
    %sign3A_7 = arith.extui %sign3A_6 : i1 to i32
    %sign3A_8 = arith.subi %sign3A_4, %sign3A_7 : i32
    %sign3A_9 = arith.constant 0 : i32
    %sign3A_10 = arith.cmpi sgt, %jit3A, %sign3A_9 : i32
    %sign3A_11 = arith.extui %sign3A_10 : i1 to i32
    %sign3A_12 = arith.constant 0 : i32
    %sign3A_13 = arith.cmpi slt, %jit3A, %sign3A_12 : i32
    %sign3A_14 = arith.extui %sign3A_13 : i1 to i32
    %sign3A_15 = arith.subi %sign3A_11, %sign3A_14 : i32
    %ne3A = arith.cmpi ne, %sign3A_8, %sign3A_15 : i32
    %rem3A = arith.remsi %get3A_2, %jit3A : i32
    %ne3A_16 = arith.constant 0 : i32
    %ne3A_17 = arith.cmpi ne, %rem3A, %ne3A_16 : i32
    %and3A = arith.andi %ne3A, %ne3A_17 : i1
    %sub3A = arith.constant 1 : i32
    %sub3A_18 = arith.subi %div3A, %sub3A : i32
    %select_n3A = arith.select %and3A, %sub3A_18, %div3A : i32
    %c0_i32 = arith.constant 0 : i32
    %c0_i32_19 = arith.constant 0 : i32
    return %select_n3A, %c0_i32 : i32, i32
  }
  func.func @transform_53(%arg0: i32, %arg1: memref<1024xi32, #tpu.memory_space<smem>>) -> (i32, i32) {
    %mul3A = arith.constant 64 : i32
    %mul3A_0 = arith.muli %mul3A, %arg0 : i32
    %add3A = arith.constant 53 : i32
    %add3A_1 = arith.addi %mul3A_0, %add3A : i32
    %get3A = arith.index_cast %add3A_1 : i32 to index
    %get3A_2 = memref.load %arg1[%get3A] : memref<1024xi32, #tpu.memory_space<smem>>
    %jit3A = arith.constant 8 : i32
    %div3A = arith.divsi %get3A_2, %jit3A : i32
    %sign3A = arith.constant 0 : i32
    %sign3A_3 = arith.cmpi sgt, %get3A_2, %sign3A : i32
    %sign3A_4 = arith.extui %sign3A_3 : i1 to i32
    %sign3A_5 = arith.constant 0 : i32
    %sign3A_6 = arith.cmpi slt, %get3A_2, %sign3A_5 : i32
    %sign3A_7 = arith.extui %sign3A_6 : i1 to i32
    %sign3A_8 = arith.subi %sign3A_4, %sign3A_7 : i32
    %sign3A_9 = arith.constant 0 : i32
    %sign3A_10 = arith.cmpi sgt, %jit3A, %sign3A_9 : i32
    %sign3A_11 = arith.extui %sign3A_10 : i1 to i32
    %sign3A_12 = arith.constant 0 : i32
    %sign3A_13 = arith.cmpi slt, %jit3A, %sign3A_12 : i32
    %sign3A_14 = arith.extui %sign3A_13 : i1 to i32
    %sign3A_15 = arith.subi %sign3A_11, %sign3A_14 : i32
    %ne3A = arith.cmpi ne, %sign3A_8, %sign3A_15 : i32
    %rem3A = arith.remsi %get3A_2, %jit3A : i32
    %ne3A_16 = arith.constant 0 : i32
    %ne3A_17 = arith.cmpi ne, %rem3A, %ne3A_16 : i32
    %and3A = arith.andi %ne3A, %ne3A_17 : i1
    %sub3A = arith.constant 1 : i32
    %sub3A_18 = arith.subi %div3A, %sub3A : i32
    %select_n3A = arith.select %and3A, %sub3A_18, %div3A : i32
    %c0_i32 = arith.constant 0 : i32
    %c0_i32_19 = arith.constant 0 : i32
    return %select_n3A, %c0_i32 : i32, i32
  }
  func.func @transform_54(%arg0: i32, %arg1: memref<1024xi32, #tpu.memory_space<smem>>) -> (i32, i32) {
    %mul3A = arith.constant 64 : i32
    %mul3A_0 = arith.muli %mul3A, %arg0 : i32
    %add3A = arith.constant 54 : i32
    %add3A_1 = arith.addi %mul3A_0, %add3A : i32
    %get3A = arith.index_cast %add3A_1 : i32 to index
    %get3A_2 = memref.load %arg1[%get3A] : memref<1024xi32, #tpu.memory_space<smem>>
    %jit3A = arith.constant 8 : i32
    %div3A = arith.divsi %get3A_2, %jit3A : i32
    %sign3A = arith.constant 0 : i32
    %sign3A_3 = arith.cmpi sgt, %get3A_2, %sign3A : i32
    %sign3A_4 = arith.extui %sign3A_3 : i1 to i32
    %sign3A_5 = arith.constant 0 : i32
    %sign3A_6 = arith.cmpi slt, %get3A_2, %sign3A_5 : i32
    %sign3A_7 = arith.extui %sign3A_6 : i1 to i32
    %sign3A_8 = arith.subi %sign3A_4, %sign3A_7 : i32
    %sign3A_9 = arith.constant 0 : i32
    %sign3A_10 = arith.cmpi sgt, %jit3A, %sign3A_9 : i32
    %sign3A_11 = arith.extui %sign3A_10 : i1 to i32
    %sign3A_12 = arith.constant 0 : i32
    %sign3A_13 = arith.cmpi slt, %jit3A, %sign3A_12 : i32
    %sign3A_14 = arith.extui %sign3A_13 : i1 to i32
    %sign3A_15 = arith.subi %sign3A_11, %sign3A_14 : i32
    %ne3A = arith.cmpi ne, %sign3A_8, %sign3A_15 : i32
    %rem3A = arith.remsi %get3A_2, %jit3A : i32
    %ne3A_16 = arith.constant 0 : i32
    %ne3A_17 = arith.cmpi ne, %rem3A, %ne3A_16 : i32
    %and3A = arith.andi %ne3A, %ne3A_17 : i1
    %sub3A = arith.constant 1 : i32
    %sub3A_18 = arith.subi %div3A, %sub3A : i32
    %select_n3A = arith.select %and3A, %sub3A_18, %div3A : i32
    %c0_i32 = arith.constant 0 : i32
    %c0_i32_19 = arith.constant 0 : i32
    return %select_n3A, %c0_i32 : i32, i32
  }
  func.func @transform_55(%arg0: i32, %arg1: memref<1024xi32, #tpu.memory_space<smem>>) -> (i32, i32) {
    %mul3A = arith.constant 64 : i32
    %mul3A_0 = arith.muli %mul3A, %arg0 : i32
    %add3A = arith.constant 55 : i32
    %add3A_1 = arith.addi %mul3A_0, %add3A : i32
    %get3A = arith.index_cast %add3A_1 : i32 to index
    %get3A_2 = memref.load %arg1[%get3A] : memref<1024xi32, #tpu.memory_space<smem>>
    %jit3A = arith.constant 8 : i32
    %div3A = arith.divsi %get3A_2, %jit3A : i32
    %sign3A = arith.constant 0 : i32
    %sign3A_3 = arith.cmpi sgt, %get3A_2, %sign3A : i32
    %sign3A_4 = arith.extui %sign3A_3 : i1 to i32
    %sign3A_5 = arith.constant 0 : i32
    %sign3A_6 = arith.cmpi slt, %get3A_2, %sign3A_5 : i32
    %sign3A_7 = arith.extui %sign3A_6 : i1 to i32
    %sign3A_8 = arith.subi %sign3A_4, %sign3A_7 : i32
    %sign3A_9 = arith.constant 0 : i32
    %sign3A_10 = arith.cmpi sgt, %jit3A, %sign3A_9 : i32
    %sign3A_11 = arith.extui %sign3A_10 : i1 to i32
    %sign3A_12 = arith.constant 0 : i32
    %sign3A_13 = arith.cmpi slt, %jit3A, %sign3A_12 : i32
    %sign3A_14 = arith.extui %sign3A_13 : i1 to i32
    %sign3A_15 = arith.subi %sign3A_11, %sign3A_14 : i32
    %ne3A = arith.cmpi ne, %sign3A_8, %sign3A_15 : i32
    %rem3A = arith.remsi %get3A_2, %jit3A : i32
    %ne3A_16 = arith.constant 0 : i32
    %ne3A_17 = arith.cmpi ne, %rem3A, %ne3A_16 : i32
    %and3A = arith.andi %ne3A, %ne3A_17 : i1
    %sub3A = arith.constant 1 : i32
    %sub3A_18 = arith.subi %div3A, %sub3A : i32
    %select_n3A = arith.select %and3A, %sub3A_18, %div3A : i32
    %c0_i32 = arith.constant 0 : i32
    %c0_i32_19 = arith.constant 0 : i32
    return %select_n3A, %c0_i32 : i32, i32
  }
  func.func @transform_56(%arg0: i32, %arg1: memref<1024xi32, #tpu.memory_space<smem>>) -> (i32, i32) {
    %mul3A = arith.constant 64 : i32
    %mul3A_0 = arith.muli %mul3A, %arg0 : i32
    %add3A = arith.constant 56 : i32
    %add3A_1 = arith.addi %mul3A_0, %add3A : i32
    %get3A = arith.index_cast %add3A_1 : i32 to index
    %get3A_2 = memref.load %arg1[%get3A] : memref<1024xi32, #tpu.memory_space<smem>>
    %jit3A = arith.constant 8 : i32
    %div3A = arith.divsi %get3A_2, %jit3A : i32
    %sign3A = arith.constant 0 : i32
    %sign3A_3 = arith.cmpi sgt, %get3A_2, %sign3A : i32
    %sign3A_4 = arith.extui %sign3A_3 : i1 to i32
    %sign3A_5 = arith.constant 0 : i32
    %sign3A_6 = arith.cmpi slt, %get3A_2, %sign3A_5 : i32
    %sign3A_7 = arith.extui %sign3A_6 : i1 to i32
    %sign3A_8 = arith.subi %sign3A_4, %sign3A_7 : i32
    %sign3A_9 = arith.constant 0 : i32
    %sign3A_10 = arith.cmpi sgt, %jit3A, %sign3A_9 : i32
    %sign3A_11 = arith.extui %sign3A_10 : i1 to i32
    %sign3A_12 = arith.constant 0 : i32
    %sign3A_13 = arith.cmpi slt, %jit3A, %sign3A_12 : i32
    %sign3A_14 = arith.extui %sign3A_13 : i1 to i32
    %sign3A_15 = arith.subi %sign3A_11, %sign3A_14 : i32
    %ne3A = arith.cmpi ne, %sign3A_8, %sign3A_15 : i32
    %rem3A = arith.remsi %get3A_2, %jit3A : i32
    %ne3A_16 = arith.constant 0 : i32
    %ne3A_17 = arith.cmpi ne, %rem3A, %ne3A_16 : i32
    %and3A = arith.andi %ne3A, %ne3A_17 : i1
    %sub3A = arith.constant 1 : i32
    %sub3A_18 = arith.subi %div3A, %sub3A : i32
    %select_n3A = arith.select %and3A, %sub3A_18, %div3A : i32
    %c0_i32 = arith.constant 0 : i32
    %c0_i32_19 = arith.constant 0 : i32
    return %select_n3A, %c0_i32 : i32, i32
  }
  func.func @transform_57(%arg0: i32, %arg1: memref<1024xi32, #tpu.memory_space<smem>>) -> (i32, i32) {
    %mul3A = arith.constant 64 : i32
    %mul3A_0 = arith.muli %mul3A, %arg0 : i32
    %add3A = arith.constant 57 : i32
    %add3A_1 = arith.addi %mul3A_0, %add3A : i32
    %get3A = arith.index_cast %add3A_1 : i32 to index
    %get3A_2 = memref.load %arg1[%get3A] : memref<1024xi32, #tpu.memory_space<smem>>
    %jit3A = arith.constant 8 : i32
    %div3A = arith.divsi %get3A_2, %jit3A : i32
    %sign3A = arith.constant 0 : i32
    %sign3A_3 = arith.cmpi sgt, %get3A_2, %sign3A : i32
    %sign3A_4 = arith.extui %sign3A_3 : i1 to i32
    %sign3A_5 = arith.constant 0 : i32
    %sign3A_6 = arith.cmpi slt, %get3A_2, %sign3A_5 : i32
    %sign3A_7 = arith.extui %sign3A_6 : i1 to i32
    %sign3A_8 = arith.subi %sign3A_4, %sign3A_7 : i32
    %sign3A_9 = arith.constant 0 : i32
    %sign3A_10 = arith.cmpi sgt, %jit3A, %sign3A_9 : i32
    %sign3A_11 = arith.extui %sign3A_10 : i1 to i32
    %sign3A_12 = arith.constant 0 : i32
    %sign3A_13 = arith.cmpi slt, %jit3A, %sign3A_12 : i32
    %sign3A_14 = arith.extui %sign3A_13 : i1 to i32
    %sign3A_15 = arith.subi %sign3A_11, %sign3A_14 : i32
    %ne3A = arith.cmpi ne, %sign3A_8, %sign3A_15 : i32
    %rem3A = arith.remsi %get3A_2, %jit3A : i32
    %ne3A_16 = arith.constant 0 : i32
    %ne3A_17 = arith.cmpi ne, %rem3A, %ne3A_16 : i32
    %and3A = arith.andi %ne3A, %ne3A_17 : i1
    %sub3A = arith.constant 1 : i32
    %sub3A_18 = arith.subi %div3A, %sub3A : i32
    %select_n3A = arith.select %and3A, %sub3A_18, %div3A : i32
    %c0_i32 = arith.constant 0 : i32
    %c0_i32_19 = arith.constant 0 : i32
    return %select_n3A, %c0_i32 : i32, i32
  }
  func.func @transform_58(%arg0: i32, %arg1: memref<1024xi32, #tpu.memory_space<smem>>) -> (i32, i32) {
    %mul3A = arith.constant 64 : i32
    %mul3A_0 = arith.muli %mul3A, %arg0 : i32
    %add3A = arith.constant 58 : i32
    %add3A_1 = arith.addi %mul3A_0, %add3A : i32
    %get3A = arith.index_cast %add3A_1 : i32 to index
    %get3A_2 = memref.load %arg1[%get3A] : memref<1024xi32, #tpu.memory_space<smem>>
    %jit3A = arith.constant 8 : i32
    %div3A = arith.divsi %get3A_2, %jit3A : i32
    %sign3A = arith.constant 0 : i32
    %sign3A_3 = arith.cmpi sgt, %get3A_2, %sign3A : i32
    %sign3A_4 = arith.extui %sign3A_3 : i1 to i32
    %sign3A_5 = arith.constant 0 : i32
    %sign3A_6 = arith.cmpi slt, %get3A_2, %sign3A_5 : i32
    %sign3A_7 = arith.extui %sign3A_6 : i1 to i32
    %sign3A_8 = arith.subi %sign3A_4, %sign3A_7 : i32
    %sign3A_9 = arith.constant 0 : i32
    %sign3A_10 = arith.cmpi sgt, %jit3A, %sign3A_9 : i32
    %sign3A_11 = arith.extui %sign3A_10 : i1 to i32
    %sign3A_12 = arith.constant 0 : i32
    %sign3A_13 = arith.cmpi slt, %jit3A, %sign3A_12 : i32
    %sign3A_14 = arith.extui %sign3A_13 : i1 to i32
    %sign3A_15 = arith.subi %sign3A_11, %sign3A_14 : i32
    %ne3A = arith.cmpi ne, %sign3A_8, %sign3A_15 : i32
    %rem3A = arith.remsi %get3A_2, %jit3A : i32
    %ne3A_16 = arith.constant 0 : i32
    %ne3A_17 = arith.cmpi ne, %rem3A, %ne3A_16 : i32
    %and3A = arith.andi %ne3A, %ne3A_17 : i1
    %sub3A = arith.constant 1 : i32
    %sub3A_18 = arith.subi %div3A, %sub3A : i32
    %select_n3A = arith.select %and3A, %sub3A_18, %div3A : i32
    %c0_i32 = arith.constant 0 : i32
    %c0_i32_19 = arith.constant 0 : i32
    return %select_n3A, %c0_i32 : i32, i32
  }
  func.func @transform_59(%arg0: i32, %arg1: memref<1024xi32, #tpu.memory_space<smem>>) -> (i32, i32) {
    %mul3A = arith.constant 64 : i32
    %mul3A_0 = arith.muli %mul3A, %arg0 : i32
    %add3A = arith.constant 59 : i32
    %add3A_1 = arith.addi %mul3A_0, %add3A : i32
    %get3A = arith.index_cast %add3A_1 : i32 to index
    %get3A_2 = memref.load %arg1[%get3A] : memref<1024xi32, #tpu.memory_space<smem>>
    %jit3A = arith.constant 8 : i32
    %div3A = arith.divsi %get3A_2, %jit3A : i32
    %sign3A = arith.constant 0 : i32
    %sign3A_3 = arith.cmpi sgt, %get3A_2, %sign3A : i32
    %sign3A_4 = arith.extui %sign3A_3 : i1 to i32
    %sign3A_5 = arith.constant 0 : i32
    %sign3A_6 = arith.cmpi slt, %get3A_2, %sign3A_5 : i32
    %sign3A_7 = arith.extui %sign3A_6 : i1 to i32
    %sign3A_8 = arith.subi %sign3A_4, %sign3A_7 : i32
    %sign3A_9 = arith.constant 0 : i32
    %sign3A_10 = arith.cmpi sgt, %jit3A, %sign3A_9 : i32
    %sign3A_11 = arith.extui %sign3A_10 : i1 to i32
    %sign3A_12 = arith.constant 0 : i32
    %sign3A_13 = arith.cmpi slt, %jit3A, %sign3A_12 : i32
    %sign3A_14 = arith.extui %sign3A_13 : i1 to i32
    %sign3A_15 = arith.subi %sign3A_11, %sign3A_14 : i32
    %ne3A = arith.cmpi ne, %sign3A_8, %sign3A_15 : i32
    %rem3A = arith.remsi %get3A_2, %jit3A : i32
    %ne3A_16 = arith.constant 0 : i32
    %ne3A_17 = arith.cmpi ne, %rem3A, %ne3A_16 : i32
    %and3A = arith.andi %ne3A, %ne3A_17 : i1
    %sub3A = arith.constant 1 : i32
    %sub3A_18 = arith.subi %div3A, %sub3A : i32
    %select_n3A = arith.select %and3A, %sub3A_18, %div3A : i32
    %c0_i32 = arith.constant 0 : i32
    %c0_i32_19 = arith.constant 0 : i32
    return %select_n3A, %c0_i32 : i32, i32
  }
  func.func @transform_60(%arg0: i32, %arg1: memref<1024xi32, #tpu.memory_space<smem>>) -> (i32, i32) {
    %mul3A = arith.constant 64 : i32
    %mul3A_0 = arith.muli %mul3A, %arg0 : i32
    %add3A = arith.constant 60 : i32
    %add3A_1 = arith.addi %mul3A_0, %add3A : i32
    %get3A = arith.index_cast %add3A_1 : i32 to index
    %get3A_2 = memref.load %arg1[%get3A] : memref<1024xi32, #tpu.memory_space<smem>>
    %jit3A = arith.constant 8 : i32
    %div3A = arith.divsi %get3A_2, %jit3A : i32
    %sign3A = arith.constant 0 : i32
    %sign3A_3 = arith.cmpi sgt, %get3A_2, %sign3A : i32
    %sign3A_4 = arith.extui %sign3A_3 : i1 to i32
    %sign3A_5 = arith.constant 0 : i32
    %sign3A_6 = arith.cmpi slt, %get3A_2, %sign3A_5 : i32
    %sign3A_7 = arith.extui %sign3A_6 : i1 to i32
    %sign3A_8 = arith.subi %sign3A_4, %sign3A_7 : i32
    %sign3A_9 = arith.constant 0 : i32
    %sign3A_10 = arith.cmpi sgt, %jit3A, %sign3A_9 : i32
    %sign3A_11 = arith.extui %sign3A_10 : i1 to i32
    %sign3A_12 = arith.constant 0 : i32
    %sign3A_13 = arith.cmpi slt, %jit3A, %sign3A_12 : i32
    %sign3A_14 = arith.extui %sign3A_13 : i1 to i32
    %sign3A_15 = arith.subi %sign3A_11, %sign3A_14 : i32
    %ne3A = arith.cmpi ne, %sign3A_8, %sign3A_15 : i32
    %rem3A = arith.remsi %get3A_2, %jit3A : i32
    %ne3A_16 = arith.constant 0 : i32
    %ne3A_17 = arith.cmpi ne, %rem3A, %ne3A_16 : i32
    %and3A = arith.andi %ne3A, %ne3A_17 : i1
    %sub3A = arith.constant 1 : i32
    %sub3A_18 = arith.subi %div3A, %sub3A : i32
    %select_n3A = arith.select %and3A, %sub3A_18, %div3A : i32
    %c0_i32 = arith.constant 0 : i32
    %c0_i32_19 = arith.constant 0 : i32
    return %select_n3A, %c0_i32 : i32, i32
  }
  func.func @transform_61(%arg0: i32, %arg1: memref<1024xi32, #tpu.memory_space<smem>>) -> (i32, i32) {
    %mul3A = arith.constant 64 : i32
    %mul3A_0 = arith.muli %mul3A, %arg0 : i32
    %add3A = arith.constant 61 : i32
    %add3A_1 = arith.addi %mul3A_0, %add3A : i32
    %get3A = arith.index_cast %add3A_1 : i32 to index
    %get3A_2 = memref.load %arg1[%get3A] : memref<1024xi32, #tpu.memory_space<smem>>
    %jit3A = arith.constant 8 : i32
    %div3A = arith.divsi %get3A_2, %jit3A : i32
    %sign3A = arith.constant 0 : i32
    %sign3A_3 = arith.cmpi sgt, %get3A_2, %sign3A : i32
    %sign3A_4 = arith.extui %sign3A_3 : i1 to i32
    %sign3A_5 = arith.constant 0 : i32
    %sign3A_6 = arith.cmpi slt, %get3A_2, %sign3A_5 : i32
    %sign3A_7 = arith.extui %sign3A_6 : i1 to i32
    %sign3A_8 = arith.subi %sign3A_4, %sign3A_7 : i32
    %sign3A_9 = arith.constant 0 : i32
    %sign3A_10 = arith.cmpi sgt, %jit3A, %sign3A_9 : i32
    %sign3A_11 = arith.extui %sign3A_10 : i1 to i32
    %sign3A_12 = arith.constant 0 : i32
    %sign3A_13 = arith.cmpi slt, %jit3A, %sign3A_12 : i32
    %sign3A_14 = arith.extui %sign3A_13 : i1 to i32
    %sign3A_15 = arith.subi %sign3A_11, %sign3A_14 : i32
    %ne3A = arith.cmpi ne, %sign3A_8, %sign3A_15 : i32
    %rem3A = arith.remsi %get3A_2, %jit3A : i32
    %ne3A_16 = arith.constant 0 : i32
    %ne3A_17 = arith.cmpi ne, %rem3A, %ne3A_16 : i32
    %and3A = arith.andi %ne3A, %ne3A_17 : i1
    %sub3A = arith.constant 1 : i32
    %sub3A_18 = arith.subi %div3A, %sub3A : i32
    %select_n3A = arith.select %and3A, %sub3A_18, %div3A : i32
    %c0_i32 = arith.constant 0 : i32
    %c0_i32_19 = arith.constant 0 : i32
    return %select_n3A, %c0_i32 : i32, i32
  }
  func.func @transform_62(%arg0: i32, %arg1: memref<1024xi32, #tpu.memory_space<smem>>) -> (i32, i32) {
    %mul3A = arith.constant 64 : i32
    %mul3A_0 = arith.muli %mul3A, %arg0 : i32
    %add3A = arith.constant 62 : i32
    %add3A_1 = arith.addi %mul3A_0, %add3A : i32
    %get3A = arith.index_cast %add3A_1 : i32 to index
    %get3A_2 = memref.load %arg1[%get3A] : memref<1024xi32, #tpu.memory_space<smem>>
    %jit3A = arith.constant 8 : i32
    %div3A = arith.divsi %get3A_2, %jit3A : i32
    %sign3A = arith.constant 0 : i32
    %sign3A_3 = arith.cmpi sgt, %get3A_2, %sign3A : i32
    %sign3A_4 = arith.extui %sign3A_3 : i1 to i32
    %sign3A_5 = arith.constant 0 : i32
    %sign3A_6 = arith.cmpi slt, %get3A_2, %sign3A_5 : i32
    %sign3A_7 = arith.extui %sign3A_6 : i1 to i32
    %sign3A_8 = arith.subi %sign3A_4, %sign3A_7 : i32
    %sign3A_9 = arith.constant 0 : i32
    %sign3A_10 = arith.cmpi sgt, %jit3A, %sign3A_9 : i32
    %sign3A_11 = arith.extui %sign3A_10 : i1 to i32
    %sign3A_12 = arith.constant 0 : i32
    %sign3A_13 = arith.cmpi slt, %jit3A, %sign3A_12 : i32
    %sign3A_14 = arith.extui %sign3A_13 : i1 to i32
    %sign3A_15 = arith.subi %sign3A_11, %sign3A_14 : i32
    %ne3A = arith.cmpi ne, %sign3A_8, %sign3A_15 : i32
    %rem3A = arith.remsi %get3A_2, %jit3A : i32
    %ne3A_16 = arith.constant 0 : i32
    %ne3A_17 = arith.cmpi ne, %rem3A, %ne3A_16 : i32
    %and3A = arith.andi %ne3A, %ne3A_17 : i1
    %sub3A = arith.constant 1 : i32
    %sub3A_18 = arith.subi %div3A, %sub3A : i32
    %select_n3A = arith.select %and3A, %sub3A_18, %div3A : i32
    %c0_i32 = arith.constant 0 : i32
    %c0_i32_19 = arith.constant 0 : i32
    return %select_n3A, %c0_i32 : i32, i32
  }
  func.func @transform_63(%arg0: i32, %arg1: memref<1024xi32, #tpu.memory_space<smem>>) -> (i32, i32) {
    %mul3A = arith.constant 64 : i32
    %mul3A_0 = arith.muli %mul3A, %arg0 : i32
    %add3A = arith.constant 63 : i32
    %add3A_1 = arith.addi %mul3A_0, %add3A : i32
    %get3A = arith.index_cast %add3A_1 : i32 to index
    %get3A_2 = memref.load %arg1[%get3A] : memref<1024xi32, #tpu.memory_space<smem>>
    %jit3A = arith.constant 8 : i32
    %div3A = arith.divsi %get3A_2, %jit3A : i32
    %sign3A = arith.constant 0 : i32
    %sign3A_3 = arith.cmpi sgt, %get3A_2, %sign3A : i32
    %sign3A_4 = arith.extui %sign3A_3 : i1 to i32
    %sign3A_5 = arith.constant 0 : i32
    %sign3A_6 = arith.cmpi slt, %get3A_2, %sign3A_5 : i32
    %sign3A_7 = arith.extui %sign3A_6 : i1 to i32
    %sign3A_8 = arith.subi %sign3A_4, %sign3A_7 : i32
    %sign3A_9 = arith.constant 0 : i32
    %sign3A_10 = arith.cmpi sgt, %jit3A, %sign3A_9 : i32
    %sign3A_11 = arith.extui %sign3A_10 : i1 to i32
    %sign3A_12 = arith.constant 0 : i32
    %sign3A_13 = arith.cmpi slt, %jit3A, %sign3A_12 : i32
    %sign3A_14 = arith.extui %sign3A_13 : i1 to i32
    %sign3A_15 = arith.subi %sign3A_11, %sign3A_14 : i32
    %ne3A = arith.cmpi ne, %sign3A_8, %sign3A_15 : i32
    %rem3A = arith.remsi %get3A_2, %jit3A : i32
    %ne3A_16 = arith.constant 0 : i32
    %ne3A_17 = arith.cmpi ne, %rem3A, %ne3A_16 : i32
    %and3A = arith.andi %ne3A, %ne3A_17 : i1
    %sub3A = arith.constant 1 : i32
    %sub3A_18 = arith.subi %div3A, %sub3A : i32
    %select_n3A = arith.select %and3A, %sub3A_18, %div3A : i32
    %c0_i32 = arith.constant 0 : i32
    %c0_i32_19 = arith.constant 0 : i32
    return %select_n3A, %c0_i32 : i32, i32
  }
  func.func @transform_64(%arg0: i32, %arg1: memref<1024xi32, #tpu.memory_space<smem>>) -> (i32, i32) {
    %c0_i32 = arith.constant 0 : i32
    %c0_i32_0 = arith.constant 0 : i32
    return %arg0, %c0_i32 : i32, i32
  }
}

</mosaic_0001>

<sc_bundles>
// kernel: kernel.4.cloned.1.call-start
scs
__scs_entry_jumppad:
0x0: {  	(pc) =	sbr.rel $0x88, $3  }
0x1: {  	(tag) =	ssettag $0x0;
	lr =	simm.s32 $0x1  }
0x2: {  	[smem:$0x3F9D] =	sst lr;
	_ =	strace $0xD0000000  }
0x3: {  	_ = 	snop  }
0x4: {  	_ = 	snop  }
0x5: {  	_ = 	snop  }
0x6: {  	_ = 	snop  }
0x7: {  	_ = 	snop  }
__scs_overlays_trampoline_lowered:
0x8: {  	[smem:$0x3FAC] =	sst s0  }
0x9: {  	[smem:$0x3FAD] =	sst s1  }
0xa: {  	[smem:$0x3FAE] =	sst s2  }
0xb: {  	[smem:$0x3FAF] =	sst s3  }
0xc: {  	[smem:$0x3FB0] =	sst s4  }
0xd: {  	[smem:$0x3FB1] =	sst s5  }
0xe: {  	[smem:$0x3FB2] =	sst s6  }
0xf: {  	[smem:$0x3FB3] =	sst s7  }
0x10: {  	[smem:$0x3FB4] =	sst s8  }
0x11: {  	[smem:$0x3FB5] =	sst s9;
	s0 =	simm.s32 @!p0 $0x0  }
0x12: {  	s1 =	sld [smem:$0x3F9B];
	s0 =	simm.s32 @p0 $0x1  }
0x13: {  	[smem:$0x3FB6] =	sst s0;
	s0 =	simm.s32 @!p1 $0x0  }
0x14: {  	s2 =	sld [smem:$0x3F9A];
	s0 =	simm.s32 @p1 $0x1  }
0x15: {  	[smem:$0x3FB7] =	sst s0;
	s0 =	simm.s32 @!p2 $0x0  }
0x16: {  	s3 =	sld [smem:$0x3FDB];
	s0 =	simm.s32 @p2 $0x1  }
0x17: {  	s4 =	simm.s32 $0x1BF5;
	[smem:$0x3FB9] =	sst s0  }
0x18: {  	s0 =	sld [smem:$0x3F9C];
	_ =	swait.ge [sflag:s4], $0x0  }
0x19: {  	s7 =	sld [smem:$0x3F9D]  }
0x1a: {  	s8 =	sadd.s32 $0xFFFFE003, lr  }
0x1b: {  	s9 =	sadd.s32 $0xFFFFFEF7, lr;
	s5 =	simm.s32 $0xFFFFFFFF;
	p2 =	slt.u32 s8, $0xFFFFF086  }
0x1c: {  	p1 =	slt.u32 s9, $0xF7A;
	s5 =	simm.s32 @!p2 $0x0  }
0x1d: {  	s5 =	simm.s32 @p1 $0x1;
	p0 =	seq.s32 s7, s2  }
0x1e: {  	s7 =	smul.u32 @!p0 $0xF7A, s2;
	p2 =	seq.s32 @!p0 s5, $0x0  }
0x1f: {  	s9 =	smul.u32 $0xF7A, s1;
	s8 =	simm.s32 @!p0 $0x1BF5;
	p2 =	por !p2, p0  }
0x20: {  	[sflag:s8] =	ssyncset.s32 @!p0 $0xFFFFF086;
	s6 =	sadd.s32 @!p0 s3, s7;
	s7 =	simm.s32 @!p0 $0x108  }
0x21: {  	s3 =	sadd.s32 s3, s9;
	s6 =	sadd.s32 @!p0 $0x88, s6;
	s7 =	simm.s32 @p2 $0x1082  }
0x22: {  	[simem:s7], [sflag:s8] =	dma.local @!p0 [hbm:s6], $0xF7A  }
0x23: {  	s9 =	sor.u32 $0xD0000000, s2;
	s6 =	simm.s32 $0x108;
	_ =	swait.ge @!p0 [sflag:s8], $0x0  }
0x24: {  	s3 =	sadd.s32 $0x88, s3;
	s6 =	simm.s32 @!p1 $0x1082;
	[sflag:s4] =	ssyncset.s32 $0xFFFFF086  }
0x25: {  	[simem:s6], [sflag:s4] =	dma.local [hbm:s3], $0xF7A  }
0x26: {  	[smem:$0x3F9D] =	sst s1;
	(tag) =	ssettag s2;
	_ =	strace s9  }
0x27: {  	s1 =	sld [smem:$0x3FAD]  }
0x28: {  	s2 =	sld [smem:$0x3FAE]  }
0x29: {  	s4 =	sld [smem:$0x3FB0]  }
0x2a: {  	p0 =	seq.s32 s5, $0x0;
	s5 =	sld [smem:$0x3FB1]  }
0x2b: {  	s6 =	sld [smem:$0x3FB2]  }
0x2c: {  	s7 =	sld [smem:$0x3FB3]  }
0x2d: {  	s3 =	simm.s32 $0x108;
	s8 =	sld [smem:$0x3FB4]  }
0x2e: {  	s3 =	simm.s32 @!p0 $0x1082;
	s9 =	sld [smem:$0x3FB5]  }
0x2f: {  	lr =	sadd.s32 s0, s3;
	s0 =	sld [smem:$0x3FAC]  }
0x30: {  	s3 =	sld [smem:$0x3FAF]  }
0x31: {  	[smem:$0x3FB8] =	sst s10  }
0x32: {  	s10 =	sld [smem:$0x3FB6];
	_ =	sdelay $0x3  }
0x33: {  	p0 =	seq.s32 s10, $0x1;
	s10 =	sld [smem:$0x3FB8];
	_ =	sdelay $0x3  }
0x34: {  	[smem:$0x3FB8] =	sst s10  }
0x35: {  	s10 =	sld [smem:$0x3FB7];
	_ =	sdelay $0x3  }
0x36: {  	p1 =	seq.s32 s10, $0x1;
	s10 =	sld [smem:$0x3FB8];
	_ =	sdelay $0x3  }
0x37: {  	[smem:$0x3FB8] =	sst s10  }
0x38: {  	s10 =	sld [smem:$0x3FB9]  }
0x39: {  	_ = 	snop;
	(pc) =	sbr.ind lr, $3  }
0x3a: {  	_ = 	snop  }
0x3b: {  	_ = 	snop  }
0x3c: {  	p2 =	seq.s32 s10, $0x1;
	s10 =	sld [smem:$0x3FB8]  }
0x3d: {  	_ =	shalt  }
0x3e: {  	_ =	shalt  }
0x3f: {  	_ =	shalt  }
0x40: {  	_ =	shalt  }
0x41: {  	_ =	shalt  }
0x42: {  	_ =	shalt  }
0x43: {  	_ =	shalt  }
0x44: {  	_ =	shalt  }
0x45: {  	_ =	shalt  }
0x46: {  	_ =	shalt  }
0x47: {  	_ =	shalt  }
0x48: {  	_ =	shalt  }
0x49: {  	_ =	shalt  }
0x4a: {  	_ =	shalt  }
0x4b: {  	_ =	shalt  }
0x4c: {  	_ =	shalt  }
0x4d: {  	_ =	shalt  }
0x4e: {  	_ =	shalt  }
0x4f: {  	_ =	shalt  }
0x50: {  	_ =	shalt  }
0x51: {  	_ =	shalt  }
0x52: {  	_ =	shalt  }
0x53: {  	_ =	shalt  }
0x54: {  	_ =	shalt  }
0x55: {  	_ =	shalt  }
0x56: {  	_ =	shalt  }
0x57: {  	_ =	shalt  }
0x58: {  	_ =	shalt  }
0x59: {  	_ =	shalt  }
0x5a: {  	_ =	shalt  }
0x5b: {  	_ =	shalt  }
0x5c: {  	_ =	shalt  }
0x5d: {  	_ =	shalt  }
0x5e: {  	_ =	shalt  }
0x5f: {  	_ =	shalt  }
0x60: {  	_ =	shalt  }
0x61: {  	_ =	shalt  }
0x62: {  	_ =	shalt  }
0x63: {  	_ =	shalt  }
0x64: {  	_ =	shalt  }
0x65: {  	_ =	shalt  }
0x66: {  	_ =	shalt  }
0x67: {  	_ =	shalt  }
0x68: {  	_ =	shalt  }
0x69: {  	_ =	shalt  }
0x6a: {  	_ =	shalt  }
0x6b: {  	_ =	shalt  }
0x6c: {  	_ =	shalt  }
0x6d: {  	_ =	shalt  }
0x6e: {  	_ =	shalt  }
0x6f: {  	_ =	shalt  }
0x70: {  	_ =	shalt  }
0x71: {  	_ =	shalt  }
0x72: {  	_ =	shalt  }
0x73: {  	_ =	shalt  }
0x74: {  	_ =	shalt  }
0x75: {  	_ =	shalt  }
0x76: {  	_ =	shalt  }
0x77: {  	_ =	shalt  }
0x78: {  	_ =	shalt  }
0x79: {  	_ =	shalt  }
0x7a: {  	_ =	shalt  }
0x7b: {  	_ =	shalt  }
0x7c: {  	_ =	shalt  }
0x7d: {  	_ =	shalt  }
0x7e: {  	_ =	shalt  }
0x7f: {  	_ =	shalt  }
0x80: {  	_ =	shalt  }
0x81: {  	_ =	shalt  }
0x82: {  	_ =	shalt  }
0x83: {  	_ =	shalt  }
0x84: {  	_ =	shalt  }
0x85: {  	_ =	shalt  }
0x86: {  	_ =	shalt  }
0x87: {  	_ =	shalt  }
.Lfunc_end0:
.L_simem_size_0:
called_computation.2_lowered:
.L_overlay_start_0:
0x88: {  	s2 =	sld [smem:$0x3FD9]  }
0x89: {  	s3 =	sld [smem:$0x3FFE];
	_ =	sdelay $0x1  }
0x8a: {  	s1 =	srdreg.scid  }
0x8b: {  	s0 =	sand.u32 $0x1, s1  }
0x8c: {  	s17 =	sshll.u32 s0, $0xA;
	s2 =	sadd.s32 s3, s2  }
0x8d: {  	s2 =	sadd.s32 s2, s17  }
0x8e: {  	[smem:$0x3FC4] =	sst s2  }
0x8f: {  	_ = 	snop  }
0x90: {  	s2 =	sld [smem:$0x3FD0];
	(tm) =	ssettm $0x1  }
0x91: {  	s18 =	sld [smem:$0x3FFB];
	_ =	sdelay $0x3  }
0x92: {  	_ =	strace s18  }
0x93: {  	s3 =	sld [smem:$0x3FFC];
	_ =	sdelay $0x3  }
0x94: {  	_ =	strace s3  }
0x95: {  	s3 =	sld [smem:$0x3FFD];
	_ =	sdelay $0x3  }
0x96: {  	_ =	strace s3  }
0x97: {  	_ =	strace $0x8FFFFFFF  }
0x98: {  	s19 =	sld [smem:$0x3FDB];
	_ =	sdelay $0x1  }
0x99: {  	s4 =	simm.s32 $_scs_section_size  }
0x9a: {  	s5 =	simm.s32 $_size__tile_overlayer_lowered;
	s6 =	simm.s32 $_tile_overlayer_lowered  }
0x9b: {  	s22 =	simm.s32 $0x1BFF;
	s21 =	sshll.u32 s6, $0x1;
	s3 =	sadd.s32 s4, s19  }
0x9c: {  	s7 =	simm.s32 $0x0;
	s20 =	sshll.u32 s5, $0x1;
	s5 =	sadd.s32 s21, s3  }
0x9d: {  	[timem:s7], [sflag:s22] =	dma.local [hbm:s5], s20  }
0x9e: {  	_ =	swait.ge [sflag:s22], s20  }
0x9f: {  	s4 =	ssub.s32 $0x0, s20;
	[sflag:s22] =	ssyncset.done $0x0  }
0xa0: {  	[sflag:s22] =	ssyncadd.s32 s4;
	_ =	sdelay $0x1  }
0xa1: {  	s23 =	simm.s32 $0x1B8B  }
0xa2: {  	_ =	swait.ge [sflag:s23], $0x1  }
0xa3: {  	[sflag:s23] =	ssyncset.done $0x0  }
0xa4: {  	s25 =	simm.s32 $0x1B8E;
	s24 =	sld [smem:$0x3FFE];
	[sflag:s23] =	ssyncadd.s32 $0xFFFFFFFF  }
0xa5: {  	s26 =	simm.s32 $execute0_lowered;
	[smem:$0x3FD2] =	sst s25  }
0xa6: {  	s5 =	sshll.u32 s26, $0x1;
	_ =	strace $0x80000049;
	[dreg:$0x1] =	wrdreg $0xFFFFFFFF  }
0xa7: {  	s28 =	simm.s32 $_size_execute0_lowered;
	s3 =	sadd.s32 s3, s5;
	[dreg:$0x0] =	wrdreg $0x0  }
0xa8: {  	s5 =	sshll.u32 s28, $0x1;
	[dreg:$0x2] =	wrdreg s3  }
0xa9: {  	[dreg:$0x3] =	wrdreg s5  }
0xaa: {  	[dreg:$0x4] =	wrdreg $0xC0  }
0xab: {  	_ =	task [dreg:s7], $0x5FFFF  }
0xac: {  	[dreg:$0x1] =	wrdreg $0xFFFFFFFF  }
0xad: {  	[dreg:$0x0] =	wrdreg $0x60  }
0xae: {  	[dreg:$0x2] =	wrdreg s24  }
0xaf: {  	[dreg:$0x3] =	wrdreg s2  }
0xb0: {  	[dreg:$0x4] =	wrdreg $0x9  }
0xb1: {  	_ =	task.clear_ibuf [dreg:s7], $0x5FFFF;
	_ =	strace $0x90000049  }
0xb2: {  	s29 =	simm.s32 $0x9;
	_ =	strace $0x8000004B  }
0xb3: {  	_ =	swait.ge [sflag:s29], $0x1  }
0xb4: {  	[sflag:s29] =	ssyncadd.s32 $0xFFFFFFFF  }
0xb5: {  	_ =	strace $0x9000004B  }
0xb6: {  	_ =	sfence  }
0xb7: {  	s30 =	sld [smem:$0x0];
	_ =	sdelay $0x2  }
0xb8: {  	s31 =	sshll.u32 s1, $0xD;
	s1 =	sshrl.u32 s1, $0x2  }
0xb9: {  	s3 =	sand.u32 $0x4000, s31;
	s1 =	sadd.s32 s1, s30  }
0xba: {  	s0 =	sor.u32 s3, s0;
	s1 =	sshll.u32 s1, $0x11  }
0xbb: {  	s0 =	sor.u32 s1, s0  }
0xbc: {  	s0 =	sadd.s32 $0x8F2B, s0  }
0xbd: {  	[sflag:s0] =	ssyncadd.remote.s32 $0x1  }
0xbe: {  	_ =	sfence.sel $0xFFFF  }
0xbf: {  	[dreg:$0x0] =	wrdreg $0xFFFFFFFF;
	(pc) =	sbr.abs _section_cstart, $3  }
0xc0: {  	[dreg:$0x1] =	wrdreg $0xFFFFFFFF  }
0xc1: {  	_ =	task.clear_ibuf [dreg:s7], $0x2FFFF;
	_ =	strace $0x9FFFFFFF  }
0xc2: {  	(tm) =	ssettm $0x7FFFFFFF  }
0xc3: {  	_ =	shalt  }
tec
execute0_lowered:
.L_overlay_start_1:
0x0: {  	(tag) =	ssettag $0x1  }
0x1: {  	s1 =	srdreg.scid  }
0x2: {  	s0 =	stileid.u32;
	s4 =	rddreg [dreg:$0x0]  }
0x3: {  	s9 =	rddreg [dreg:$0x1];
	s2 =	simm.s32 $0x0;
	s13 =	simm.s32 $0x50  }
0x4: {  	s14 =	simm.s32 $0x9A0;
	s15 =	simm.s32 $0xA9A0;
	s16 =	simm.s32 $0x1  }
0x5: {  	s17 =	simm.s32 $0x2;
	s18 =	simm.s32 $0x3;
	s19 =	simm.s32 $0x0  }
0x6: {  	s7 =	sand.u32 $0x1, s1;
	s1 =	rddreg [dreg:$0x2];
	s5 =	smul.u32 $0x268000, s0  }
0x7: {  	s28 =	sshll.u32 s0, $0x1;
	[smem:$0x7FF] =	sst s2;
	s30 =	smul.u32 $0x4D000, s0  }
0x8: {  	s3 =	sor.u32 s7, s28;
	s6 =	ssub.s32 $0x2, s7;
	s8 =	smul.u32 $0x134000, s7  }
0x9: {  	_ =	strace $0x8000004A;
	s3 =	smul.u32 $0x134, s3;
	s11 =	sshrl.u32 s6, $0x1  }
0xa: {  	s12 =	smul.u32 $0x26800, s7;
	s6 =	ssub.s32 s6, s11;
	s8 =	sadd.s32 s8, s5  }
0xb: {  	s11 =	sadd.s32 s30, s9;
	s10 =	sadd.s32 s3, s4;
	s3 =	sadd.s32 $0x1200, s4  }
0xc: {  	s4 =	sadd.s32 $0x305200, s4;
	s29 =	sor.u32 $0x800, s8;
	s6 =	smax.u32 s6, $0x1  }
0xd: {  	s31 =	sadd.s32 $0xA200, s8;
	s8 =	sshrl.u32 s8, $0x3;
	s11 =	sadd.s32 s12, s11  }
0xe: {  	s12 =	simm.s32 $0x149A0;
	s5 =	sadd.s32 $0x305400, s10;
	s10 =	sshrl.u32 s29, $0x3  }
0xf: {  	s8 =	sadd.s32 s8, s9;
	s7 =	sadd.s32 s10, s9;
	s10 =	sshrl.u32 s31, $0x3  }
0x10: {  	s9 =	sadd.s32 s10, s9;
	s10 =	sadd.s32 $0x1340, s11;
	s11 =	simm.s32 $0x4  }
.LBB2_1:
0x11: {  	[tilespmem:s2], [sflag:$0x4] =	stream.linear.gather [hbm4b:s5+s2], $0x9A0, $0x38;
	[tilespmem:$0x151A0] =	vst v63  }
0x12: {  	_ =	swait.ge [sflag:s11], $0x9A0  }
0x13: {  	[sflag:s11] =	ssyncset.done $0x0  }
0x14: {  	[sflag:s11] =	ssyncadd.s32 $0xFFFFF660  }
0x15: {  	[tilespmem:s12], [sflag:$0x4] =	stream.linear.gather [hbm4b:s4+s2], $0x800, $0x38;
	[tilespmem:$0x151A0] =	vst v63  }
0x16: {  	_ =	swait.ge [sflag:s11], $0x800  }
0x17: {  	[sflag:s11] =	ssyncset.done $0x0  }
0x18: {  	s20 =	sand.u32 $0xFF8, s2;
	s21 =	simm.s32 $0x4D;
	[sflag:s11] =	ssyncadd.s32 $0xFFFFF800  }
0x19: {  	[tilespmem:s14], [sflag:$0x1] =	stream.indirect.gather [hbm4b:s3+s13], $0x200, s20, s13, $0xb8;
	[tilespmem:$0x151A0] =	vst v63  }
0x1a: {  	s24 =	sand.u32 $0xFF8, s21  }
0x1b: {  	[tilespmem:s15], [sflag:$0x2] =	stream.indirect.gather [hbm4b:s3+s13], $0x200, s24, s13, $0xb8;
	[tilespmem:$0x151A0] =	vst v63  }
0x1c: {  	_ =	swait.ge [sflag:s16], $0xA000  }
0x1d: {  	[sflag:s16] =	ssyncset.done $0x0  }
0x1e: {  	s25 =	sadd.s32 $0x0, s8;
	[sflag:s16] =	ssyncadd.s32 $0xFFFF6000  }
0x1f: {  	[hbm4b:s25+s2] =	stream.linear.scatter [tilespmem:s12], [sflag:$0x4], $0x800, $0x38;
	[tilespmem:$0x151A0] =	vst v63  }
0x20: {  	_ =	swait.ge [sflag:s11], $0x800  }
0x21: {  	s26 =	sand.u32 $0xC00, s2;
	[sflag:s11] =	ssyncset.done $0x0  }
0x22: {  	s28 =	sadd.s32 $0x0, s7;
	s20 =	sadd.s32 $0x9A0, s26;
	[sflag:s11] =	ssyncadd.s32 $0xFFFFF800  }
0x23: {  	[hbm4b:s28+s2] =	stream.linear.scatter [tilespmem:s20], [sflag:$0x3], $0x9200, $0x38;
	[tilespmem:$0x151A0] =	vst v63  }
0x24: {  	_ =	swait.ge [sflag:s17], $0xA000  }
0x25: {  	[sflag:s17] =	ssyncset.done $0x0  }
0x26: {  	s29 =	sadd.s32 $0x0, s10;
	[sflag:s17] =	ssyncadd.s32 $0xFFFF6000  }
0x27: {  	[hbm4b:s29+s2] =	stream.linear.scatter [tilespmem:s12], [sflag:$0x4], $0x800, $0x38;
	[tilespmem:$0x151A0] =	vst v63  }
0x28: {  	s30 =	simm.s32 $0xA00;
	_ =	swait.ge [sflag:s11], $0x800  }
0x29: {  	s20 =	sand.u32 $0xE00, s30;
	[sflag:s11] =	ssyncset.done $0x0  }
0x2a: {  	s31 =	sadd.s32 $0x0, s9;
	s20 =	sadd.s32 $0xA9A0, s20;
	[sflag:s11] =	ssyncadd.s32 $0xFFFFF800  }
0x2b: {  	[hbm4b:s31+s2] =	stream.linear.scatter [tilespmem:s20], [sflag:$0x3], $0x9200, $0x38;
	[tilespmem:$0x151A0] =	vst v63  }
0x2c: {  	_ =	swait.ge [sflag:s18], $0x9200  }
0x2d: {  	[sflag:s18] =	ssyncset.done $0x0  }
0x2e: {  	s23 =	simm.s32 $0x4D00;
	[sflag:s18] =	ssyncadd.s32 $0xFFFF6E00  }
0x2f: {  	s22 =	simm.s32 $0x400;
	s21 =	simm.s32 $0x1E00;
	_ =	swait.ge [sflag:s18], $0x9200  }
0x30: {  	s24 =	simm.s32 $0x9A;
	s20 =	simm.s32 $0x2680;
	[sflag:s18] =	ssyncset.done $0x0  }
.LBB2_2:
0x31: {  	s25 =	sand.u32 $0xFF8, s24  }
0x32: {  	s26 =	sadd.s32 $0x4D, s24;
	[sflag:s18] =	ssyncadd.s32 $0xFFFF6E00;
	s28 =	smov.u32 s23  }
0x33: {  	[tilespmem:s14], [sflag:$0x1] =	stream.indirect.gather [hbm4b:s3+s13], $0x200, s25, s13, $0xb8;
	[tilespmem:$0x151A0] =	vst v63  }
0x34: {  	p0 =	sne.s32 s23, $0x24180;
	s23 =	sadd.s32 $0x2680, s23;
	s25 =	sand.u32 $0xFF8, s26  }
0x35: {  	[tilespmem:s15], [sflag:$0x2] =	stream.indirect.gather [hbm4b:s3+s13], $0x200, s25, s13, $0xb8;
	[tilespmem:$0x151A0] =	vst v63  }
0x36: {  	_ =	swait.ge [sflag:s16], $0xA000  }
0x37: {  	[sflag:s16] =	ssyncset.done $0x0  }
0x38: {  	s25 =	sadd.s32 s20, s8;
	[sflag:s16] =	ssyncadd.s32 $0xFFFF6000  }
0x39: {  	[hbm4b:s25+s2] =	stream.linear.scatter [tilespmem:s12], [sflag:$0x4], $0x800, $0x38;
	[tilespmem:$0x151A0] =	vst v63  }
0x3a: {  	_ =	swait.ge [sflag:s11], $0x800  }
0x3b: {  	s25 =	sand.u32 $0xC00, s22;
	[sflag:s11] =	ssyncset.done $0x0  }
0x3c: {  	s26 =	sadd.s32 s20, s7;
	s25 =	sadd.s32 $0x9A0, s25;
	[sflag:s11] =	ssyncadd.s32 $0xFFFFF800  }
0x3d: {  	[hbm4b:s26+s2] =	stream.linear.scatter [tilespmem:s25], [sflag:$0x3], $0x9200, $0x38;
	[tilespmem:$0x151A0] =	vst v63  }
0x3e: {  	_ =	swait.ge [sflag:s17], $0xA000  }
0x3f: {  	[sflag:s17] =	ssyncset.done $0x0  }
0x40: {  	s25 =	sadd.s32 s20, s10;
	[sflag:s17] =	ssyncadd.s32 $0xFFFF6000  }
0x41: {  	[hbm4b:s25+s2] =	stream.linear.scatter [tilespmem:s12], [sflag:$0x4], $0x800, $0x38;
	[tilespmem:$0x151A0] =	vst v63  }
0x42: {  	_ =	swait.ge [sflag:s11], $0x800  }
0x43: {  	s25 =	sand.u32 $0xE00, s21;
	[sflag:s11] =	ssyncset.done $0x0  }
0x44: {  	s20 =	sadd.s32 s20, s9;
	s25 =	sadd.s32 $0xA9A0, s25;
	[sflag:s11] =	ssyncadd.s32 $0xFFFFF800  }
0x45: {  	[hbm4b:s20+s2] =	stream.linear.scatter [tilespmem:s25], [sflag:$0x3], $0x9200, $0x38;
	[tilespmem:$0x151A0] =	vst v63  }
.Ltmp0:
0x46: {  	s20 =	smov.u32 s28;
	_ =	swait.ge [sflag:s18], $0x9200;
	(pc) =	sbr.rel @p0 .LBB2_2-.Ltmp0, $4  }
0x47: {  	[sflag:s18] =	ssyncset.done $0x0  }
0x48: {  	[sflag:s18] =	ssyncadd.s32 $0xFFFF6E00  }
0x49: {  	s21 =	sadd.s32 $0x1400, s21;
	_ =	swait.ge [sflag:s18], $0x9200  }
0x4a: {  	s24 =	sadd.s32 $0x9A, s24;
	s22 =	sadd.s32 $0x400, s22;
	[sflag:s18] =	ssyncset.done $0x0  }
0x4b: {  	s23 =	sand.u32 $0xFF8, s24;
	s25 =	sadd.s32 $0x4D, s24;
	[sflag:s18] =	ssyncadd.s32 $0xFFFF6E00  }
0x4c: {  	[tilespmem:s14], [sflag:$0x1] =	stream.indirect.gather [hbm4b:s3+s13], $0x200, s23, s13, $0xb8;
	[tilespmem:$0x151A0] =	vst v63  }
0x4d: {  	s26 =	sand.u32 $0xFF8, s25  }
0x4e: {  	[tilespmem:s15], [sflag:$0x2] =	stream.indirect.gather [hbm4b:s3+s13], $0x200, s26, s13, $0xb8;
	[tilespmem:$0x151A0] =	vst v63  }
0x4f: {  	_ =	swait.ge [sflag:s16], $0xA000  }
0x50: {  	[sflag:s16] =	ssyncset.done $0x0  }
0x51: {  	s28 =	sadd.s32 s20, s8;
	[sflag:s16] =	ssyncadd.s32 $0xFFFF6000  }
0x52: {  	[hbm4b:s28+s2] =	stream.linear.scatter [tilespmem:s12], [sflag:$0x4], $0x800, $0x38;
	[tilespmem:$0x151A0] =	vst v63  }
0x53: {  	_ =	swait.ge [sflag:s11], $0x800  }
0x54: {  	s22 =	sand.u32 $0xC00, s22;
	[sflag:s11] =	ssyncset.done $0x0  }
0x55: {  	s29 =	sadd.s32 s20, s7;
	s22 =	sadd.s32 $0x9A0, s22;
	[sflag:s11] =	ssyncadd.s32 $0xFFFFF800  }
0x56: {  	[hbm4b:s29+s2] =	stream.linear.scatter [tilespmem:s22], [sflag:$0x3], $0x9200, $0x38;
	[tilespmem:$0x151A0] =	vst v63  }
0x57: {  	_ =	swait.ge [sflag:s17], $0xA000  }
0x58: {  	[sflag:s17] =	ssyncset.done $0x0  }
0x59: {  	s30 =	sadd.s32 s20, s10;
	[sflag:s17] =	ssyncadd.s32 $0xFFFF6000  }
0x5a: {  	[hbm4b:s30+s2] =	stream.linear.scatter [tilespmem:s12], [sflag:$0x4], $0x800, $0x38;
	[tilespmem:$0x151A0] =	vst v63  }
0x5b: {  	_ =	swait.ge [sflag:s11], $0x800  }
0x5c: {  	s21 =	sand.u32 $0xE00, s21;
	s31 =	sadd.s32 s20, s9;
	[sflag:s11] =	ssyncset.done $0x0  }
0x5d: {  	s19 =	sadd.s32 $0x1, s19;
	s21 =	sadd.s32 $0xA9A0, s21;
	[sflag:s11] =	ssyncadd.s32 $0xFFFFF800  }
0x5e: {  	[hbm4b:s31+s2] =	stream.linear.scatter [tilespmem:s21], [sflag:$0x3], $0x9200, $0x38;
	[tilespmem:$0x151A0] =	vst v63  }
0x5f: {  	p0 =	sne.s32 s19, s6;
	_ =	swait.ge [sflag:s18], $0x9200  }
.Ltmp1:
0x60: {  	[sflag:s18] =	ssyncset.done $0x0;
	(pc) =	sbr.rel @p0 .LBB2_1-.Ltmp1, $4  }
0x61: {  	[sflag:s18] =	ssyncadd.s32 $0xFFFF6E00  }
0x62: {  	_ =	swait.ge [sflag:s18], $0x9200  }
0x63: {  	[sflag:s18] =	ssyncset.done $0x0  }
0x64: {  	[sflag:s18] =	ssyncadd.s32 $0xFFFF6E00  }
0x65: {  	_ =	sfence.sel $0x180000  }
0x66: {  	[bflag:$0x0] =	sbarrier.arrive $0xFFFF  }
0x67: {  	p0 =	sne.s32 s0, $0x0;
	_ =	strace $0x9000004A  }
0x68: {  	s0 =	sadd.s32 @!p0 $0x100000, s1;
	[bflag:$0x2] =	sbarrier.arrive $0xFFFF  }
0x69: {  	[sflag:s0] =	ssyncadd.tile.s32 @!p0 $0x1;
	_ =	shalt  }
.Lfunc_end2:
_tile_overlayer_lowered:
.L_overlay_start_2:
0x6a: {  	(tag) =	ssettag $0x2  }
0x6b: {  	s0 =	rddreg [dreg:$0x0];
	s2 =	stileid.u32  }
0x6c: {  	s1 =	rddreg [dreg:$0x1];
	p0 =	sne.s32 s2, $0x0  }
0x6d: {  	s3 =	rddreg [dreg:$0x2];
	[bflag:$0x3] =	sbarrier.arrive $0xFFFF;
	s2 =	simm.s32 @!p0 $0x1C04  }
0x6e: {  	[timem:s3], [sflag:s2] =	dma.local @!p0 [hbm:s0], s1  }
0x6f: {  	s0 =	simm.s32 @!p0 $0x4  }
0x70: {  	_ =	swait.ge @!p0 [sflag:s0], s1  }
0x71: {  	s1 =	ssub.s32 @!p0 $0x0, s1;
	[sflag:s0] =	ssyncset.done @!p0 $0x0  }
0x72: {  	[sflag:s0] =	ssyncadd.s32 @!p0 s1  }
0x73: {  	[bflag:$0x3] =	sbarrier.arrive $0xFFFF  }
0x74: {  	_ =	shalt  }

// kernel: sparse-core-data-format-call.1.cloned.1.call-start
scs
called_computation.1_lowered:
.L_overlay_start_0:
0x0: {  	s2 =	sld [smem:$0x3FD9]  }
0x1: {  	s3 =	sld [smem:$0x3FFE];
	_ =	sdelay $0x1  }
0x2: {  	s1 =	srdreg.scid  }
0x3: {  	s0 =	sand.u32 $0x1, s1  }
0x4: {  	s18 =	sshll.u32 s0, $0xA;
	s2 =	sadd.s32 s3, s2  }
0x5: {  	s2 =	sadd.s32 s2, s18  }
0x6: {  	[smem:$0x3FC4] =	sst s2  }
0x7: {  	_ = 	snop  }
0x8: {  	s2 =	sld [smem:$0x3FC8];
	(tm) =	ssettm $0x1  }
0x9: {  	s19 =	sld [smem:$0x3FFB];
	_ =	sdelay $0x3  }
0xa: {  	_ =	strace s19  }
0xb: {  	s3 =	sld [smem:$0x3FFC];
	_ =	sdelay $0x3  }
0xc: {  	_ =	strace s3  }
0xd: {  	s3 =	sld [smem:$0x3FFD];
	_ =	sdelay $0x3  }
0xe: {  	_ =	strace s3  }
0xf: {  	_ =	strace $0x8FFFFFFF  }
0x10: {  	s20 =	sld [smem:$0x3FDB];
	_ =	sdelay $0x1  }
0x11: {  	s4 =	simm.s32 $_scs_section_size  }
0x12: {  	s5 =	simm.s32 $_size__tile_overlayer_lowered;
	s6 =	simm.s32 $_tile_overlayer_lowered  }
0x13: {  	s23 =	simm.s32 $0x1BFF;
	s22 =	sshll.u32 s6, $0x1;
	s3 =	sadd.s32 s4, s20  }
0x14: {  	s7 =	simm.s32 $0x0;
	s21 =	sshll.u32 s5, $0x1;
	s5 =	sadd.s32 s22, s3  }
0x15: {  	[timem:s7], [sflag:s23] =	dma.local [hbm:s5], s21  }
0x16: {  	_ =	swait.ge [sflag:s23], s21  }
0x17: {  	s4 =	ssub.s32 $0x0, s21;
	[sflag:s23] =	ssyncset.done $0x0  }
0x18: {  	[sflag:s23] =	ssyncadd.s32 s4;
	_ =	sdelay $0x1  }
0x19: {  	s24 =	simm.s32 $0x1B8B  }
0x1a: {  	_ =	swait.ge [sflag:s24], $0x1  }
0x1b: {  	[sflag:s24] =	ssyncset.done $0x0  }
0x1c: {  	s26 =	simm.s32 $0x1B8E;
	s25 =	sld [smem:$0x3FFE];
	[sflag:s24] =	ssyncadd.s32 $0xFFFFFFFF  }
0x1d: {  	s27 =	simm.s32 $execute0_lowered;
	[smem:$0x3FD2] =	sst s26  }
0x1e: {  	s5 =	sshll.u32 s27, $0x1;
	_ =	strace $0x80000046;
	[dreg:$0x1] =	wrdreg $0xFFFFFFFF  }
0x1f: {  	s28 =	simm.s32 $_size_execute0_lowered;
	s3 =	sadd.s32 s3, s5;
	[dreg:$0x0] =	wrdreg $0x0  }
0x20: {  	s5 =	sshll.u32 s28, $0x1;
	[dreg:$0x2] =	wrdreg s3  }
0x21: {  	[dreg:$0x3] =	wrdreg s5  }
0x22: {  	[dreg:$0x4] =	wrdreg $0xC0  }
0x23: {  	_ =	task [dreg:s7], $0x5FFFF  }
0x24: {  	[dreg:$0x1] =	wrdreg $0xFFFFFFFF  }
0x25: {  	[dreg:$0x0] =	wrdreg $0x60  }
0x26: {  	[dreg:$0x2] =	wrdreg s2  }
0x27: {  	[dreg:$0x3] =	wrdreg s25  }
0x28: {  	[dreg:$0x4] =	wrdreg $0x9  }
0x29: {  	_ =	task.clear_ibuf [dreg:s7], $0x5FFFF;
	_ =	strace $0x90000046  }
0x2a: {  	s29 =	simm.s32 $0x9;
	_ =	strace $0x80000048  }
0x2b: {  	_ =	swait.ge [sflag:s29], $0x1  }
0x2c: {  	[sflag:s29] =	ssyncadd.s32 $0xFFFFFFFF  }
0x2d: {  	_ =	strace $0x90000048  }
0x2e: {  	_ =	sfence  }
0x2f: {  	s30 =	sld [smem:$0x0];
	_ =	sdelay $0x2  }
0x30: {  	s31 =	sshll.u32 s1, $0xD;
	s1 =	sshrl.u32 s1, $0x2  }
0x31: {  	s3 =	sand.u32 $0x4000, s31;
	s1 =	sadd.s32 s1, s30  }
0x32: {  	s0 =	sor.u32 s3, s0;
	s1 =	sshll.u32 s1, $0x11  }
0x33: {  	s0 =	sor.u32 s1, s0  }
0x34: {  	s0 =	sadd.s32 $0x8F2B, s0  }
0x35: {  	[sflag:s0] =	ssyncadd.remote.s32 $0x1  }
0x36: {  	_ =	sfence.sel $0xFFFF  }
0x37: {  	[dreg:$0x0] =	wrdreg $0xFFFFFFFF;
	(pc) =	sbr.abs _section_cstart, $3  }
0x38: {  	[dreg:$0x1] =	wrdreg $0xFFFFFFFF  }
0x39: {  	_ =	task.clear_ibuf [dreg:s7], $0x2FFFF;
	_ =	strace $0x9FFFFFFF  }
0x3a: {  	(tm) =	ssettm $0x7FFFFFFF  }
0x3b: {  	_ =	shalt  }
tec
execute0_lowered:
.L_overlay_start_1:
0x0: {  	(tag) =	ssettag $0x1  }
0x1: {  	s0 =	srdreg.scid  }
0x2: {  	s1 =	sshll.u32 s0, $0x4  }
0x3: {  	s2 =	rddreg [dreg:$0x0];
	s0 =	stileid.u32;
	s1 =	sand.u32 $0x10, s1  }
0x4: {  	s4 =	rddreg [dreg:$0x1];
	s7 =	simm.s32 $0x1;
	s1 =	sor.u32 s0, s1  }
0x5: {  	s8 =	simm.s32 $0x2;
	s9 =	simm.s32 $0x0;
	s3 =	sshll.u32 s1, $0x2  }
0x6: {  	s12 =	simm.s32 $0x0;
	s11 =	simm.s32 $0x0;
	s6 =	ssub.s32 $0x1820, s3  }
.Ltmp0:
0x7: {  	s4 =	sadd.s32 $0x1200, s4;
	s5 =	sand.u32 $0x7C, s6;
	(pc) =	sbr.rel .LBB1_1-.Ltmp0, $4  }
0x8: {  	s1 =	rddreg [dreg:$0x2];
	_ =	strace $0x80000047;
	p0 =	sne.s32 s5, $0x0  }
0x9: {  	s6 =	sshrl.u32 s6, $0x7;
	s5 =	simm.s32 $0x1;
	s7 =	simm.s32 @!p0 $0x0  }
0xa: {  	s10 =	smov.u32 s3;
	[sflag:s5] =	ssyncpa.u1 $0x0;
	s6 =	sadd.s32 s7, s6  }
0xb: {  	[sflag:s8] =	ssyncpa.u1 $0x0;
	s8 =	simm.s32 $0x0;
	s7 =	sadd.s32 $0x1, s6  }
.LBB1_9:
0xc: {  	s14 =	sadd.s32 $0x80, s10  }
0xd: {  	p1 =	sgt.s32 s14, $0x181F  }
0xe: {  	s14 =	smov.u32 @p1 s3;
	p1 =	sne.s32 s11, s7  }
.Ltmp1:
0xf: {  	p0 =	slt.u32 s11, $0x2;
	(pc) =	sbr.rel @!p1 .LBB1_10-.Ltmp1, $4  }
0x10: {  	s13 =	simm.s32 @!p0 $0x2  }
0x11: {  	s15 =	sadd.s32 $0x1, s11;
	_ =	swait.ge @!p0 [sflag:s13], $0x4000  }
0x12: {  	s12 =	smov.u32 s10;
	s9 =	sadd.s32 $0x4000, s9;
	[sflag:s13] =	ssyncset.done @!p0 $0x0  }
0x13: {  	s11 =	smov.u32 s15;
	s10 =	smov.u32 s14;
	[sflag:s13] =	ssyncadd.s32 @!p0 $0xFFFFC000  }
.LBB1_1:
0x14: {  	p0 =	sge.u32 s11, s6  }
0x15: {  	s13 =	sxor.u32 @!p0 $0xFFFFFFFF, s11  }
0x16: {  	s31 =	sadd.s32 $0xFFFFFFFF, s11;
	s14 =	sshll.u32 @!p0 s10, $0x9;
	s13 =	sshll.u32 @!p0 s13, $0xE  }
0x17: {  	s15 =	simm.s32 @!p0 $0x0;
	s14 =	sadd.s32 @!p0 s2, s14;
	s13 =	sand.u32 @!p0 $0x4000, s13  }
0x18: {  	[tilespmem:s13], [sflag:$0x1] =	stream.linear.gather @!p0 [hbm4b:s14+s15], $0x4000, $0x38;
	[tilespmem:$0x10000] =	vst v63  }
0x19: {  	p0 =	sge.u32 s31, s6  }
.Ltmp2:
0x1a: {  	_ = 	snop;
	(pc) =	sbr.rel @p0 .LBB1_9-.Ltmp2, $1  }
0x1b: {  	_ =	sdelay $0x3  }
0x1c: {  	s14 =	sand.u32 $0x4000, s9  }
0x1d: {  	_ =	swait.ge [sflag:s5], $0x4000;
	s15 =	sshll.u32 s11, $0xE;
	s16 =	simm.s32 $0x0  }
0x1e: {  	s13 =	sor.u32 $0x40, s14;
	[sflag:s5] =	ssyncset.done $0x0;
	s15 =	sand.u32 $0x4000, s15  }
0x1f: {  	s14 =	sor.u32 $0x8040, s14;
	[sflag:s5] =	ssyncadd.s32 $0xFFFFC000;
	s15 =	sor.u32 $0x8000, s15  }
.LBB1_3:
0x20: {  	s17 =	smov.u32 s14;
	s18 =	smov.u32 s13;
	s19 =	simm.s32 $0x0  }
.LBB1_4:
0x21: {  	v0 =	vmov s17;
	v2 =	vld [tilespmem:s18+$0x30]  }
0x22: {  	v4 =	vld [tilespmem:s18+$0xFFFFFFD0]  }
0x23: {  	v6 =	vld [tilespmem:s18+$0xFFFFFFE0]  }
0x24: {  	v7 =	vld [tilespmem:s18+$0xFFFFFFF0]  }
0x25: {  	s20 =	simm.s32 $0x0;
	v1 =	vld [tilespmem:s18+$0x0]  }
0x26: {  	v3 =	vld [tilespmem:s18+$0x10];
	[tilespmem:v0+s20+$0x30 ss:$0x1] =	vst.idx.msk $0xffff, v2  }
0x27: {  	v5 =	vld [tilespmem:s18+$0x20];
	[tilespmem:v0+s20+$0xFFFFFFD0 ss:$0x1] =	vst.idx.msk $0xffff, v4  }
0x28: {  	s21 =	sadd.s32 $0x80, s18;
	v2 =	vld [tilespmem:s18+$0xFFFFFFC0];
	[tilespmem:v0+s20+$0xFFFFFFE0 ss:$0x1] =	vst.idx.msk $0xffff, v6  }
0x29: {  	s22 =	simm.s32 $0x800;
	s23 =	simm.s32 $0x1000;
	v4 =	vld [tilespmem:s21+$0x30];
	[tilespmem:v0+s20+$0xFFFFFFF0 ss:$0x1] =	vst.idx.msk $0xffff, v7  }
.LBB1_5:
0x2a: {  	p0 =	sne.s32 s23, $0x3800;
	v6 =	vld [tilespmem:s21+$0xFFFFFFD0];
	[tilespmem:v0+s20+$0x0 ss:$0x1] =	vst.idx.msk $0xffff, v1  }
0x2b: {  	v7 =	vld [tilespmem:s21+$0xFFFFFFE0];
	[tilespmem:v0+s20+$0x10 ss:$0x1] =	vst.idx.msk $0xffff, v3  }
0x2c: {  	v8 =	vld [tilespmem:s21+$0xFFFFFFF0];
	[tilespmem:v0+s20+$0x20 ss:$0x1] =	vst.idx.msk $0xffff, v5  }
.Ltmp3:
0x2d: {  	v1 =	vld [tilespmem:s21+$0x0];
	[tilespmem:v0+s20+$0xFFFFFFC0 ss:$0x1] =	vst.idx.msk $0xffff, v2;
	s20 =	sshra.s32 s22, $0x2;
	s22 =	smov.u32 s23;
	(pc) =	sbr.rel @p0 .LBB1_5-.Ltmp3, $4  }
0x2e: {  	v3 =	vld [tilespmem:s21+$0x10];
	[tilespmem:v0+s20+$0x30 ss:$0x1] =	vst.idx.msk $0xffff, v4  }
0x2f: {  	[tilespmem:v0+s20+$0xFFFFFFD0 ss:$0x1] =	vst.idx.msk $0xffff, v6;
	v5 =	vld [tilespmem:s21+$0x20]  }
0x30: {  	v2 =	vld [tilespmem:s21+$0xFFFFFFC0];
	[tilespmem:v0+s20+$0xFFFFFFE0 ss:$0x1] =	vst.idx.msk $0xffff, v7;
	s21 =	sadd.s32 $0x80, s21  }
0x31: {  	s23 =	sadd.s32 $0x800, s23;
	v4 =	vld [tilespmem:s21+$0x30];
	[tilespmem:v0+s20+$0xFFFFFFF0 ss:$0x1] =	vst.idx.msk $0xffff, v8  }
0x32: {  	_ =	sdelay $0x3  }
0x33: {  	v6 =	vld [tilespmem:s21+$0xFFFFFFD0];
	[tilespmem:v0+s20+$0x0 ss:$0x1] =	vst.idx.msk $0xffff, v1  }
0x34: {  	v58 =	vld [tilespmem:s21+$0xFFFFFFE0];
	[tilespmem:v0+s20+$0x10 ss:$0x1] =	vst.idx.msk $0xffff, v3  }
0x35: {  	v59 =	vld [tilespmem:s21+$0xFFFFFFF0];
	[tilespmem:v0+s20+$0x20 ss:$0x1] =	vst.idx.msk $0xffff, v5  }
0x36: {  	s22 =	sshra.s32 s22, $0x2;
	v60 =	vld [tilespmem:s21+$0x0];
	[tilespmem:v0+s20+$0xFFFFFFC0 ss:$0x1] =	vst.idx.msk $0xffff, v2  }
0x37: {  	v61 =	vld [tilespmem:s21+$0x10];
	[tilespmem:v0+s22+$0x30 ss:$0x1] =	vst.idx.msk $0xffff, v4  }
0x38: {  	v62 =	vld [tilespmem:s21+$0x20];
	s19 =	sadd.s32 $0x1, s19;
	[tilespmem:v0+s22+$0xFFFFFFD0 ss:$0x1] =	vst.idx.msk $0xffff, v6  }
0x39: {  	v63 =	vld [tilespmem:s21+$0xFFFFFFC0];
	p0 =	sne.s32 s19, $0x4;
	[tilespmem:v0+s22+$0xFFFFFFE0 ss:$0x1] =	vst.idx.msk $0xffff, v58  }
.Ltmp4:
0x3a: {  	[tilespmem:v0+s22+$0xFFFFFFF0 ss:$0x1] =	vst.idx.msk $0xffff, v59;
	(pc) =	sbr.rel @p0 .LBB1_4-.Ltmp4, $4  }
0x3b: {  	[tilespmem:v0+s22+$0x0 ss:$0x1] =	vst.idx.msk $0xffff, v60  }
0x3c: {  	[tilespmem:v0+s22+$0x10 ss:$0x1] =	vst.idx.msk $0xffff, v61  }
0x3d: {  	[tilespmem:v0+s22+$0x20 ss:$0x1] =	vst.idx.msk $0xffff, v62  }
0x3e: {  	s18 =	sadd.s32 $0x400, s18;
	s17 =	sadd.s32 $0x80, s17;
	[tilespmem:v0+s22+$0xFFFFFFC0 ss:$0x1] =	vst.idx.msk $0xffff, v63  }
0x3f: {  	s16 =	sadd.s32 $0x1, s16  }
0x40: {  	p0 =	sne.s32 s16, $0x4  }
.Ltmp5:
0x41: {  	_ = 	snop;
	(pc) =	sbr.rel @p0 .LBB1_3-.Ltmp5, $2  }
0x42: {  	_ =	sdelay $0x2  }
0x43: {  	s13 =	sadd.s32 $0x1000, s13;
	s14 =	sadd.s32 $0x1000, s14  }
.Ltmp6:
0x44: {  	(pc) =	sbr.rel .LBB1_9-.Ltmp6, $4  }
0x45: {  	_ = 	snop  }
0x46: {  	s12 =	sshll.u32 s12, $0x9  }
0x47: {  	s12 =	sadd.s32 s4, s12  }
0x48: {  	[hbm4b:s12+s8] =	stream.linear.scatter [tilespmem:s15], [sflag:$0x2], $0x4000, $0x38;
	[tilespmem:$0x10000] =	vst v63  }
.LBB1_10:
0x49: {  	_ =	sfence.sel $0x180000  }
0x4a: {  	s2 =	simm.s32 $0x1;
	[bflag:$0x0] =	sbarrier.arrive $0xFFFF  }
0x4b: {  	s31 =	simm.s32 $0x2;
	[sflag:s2] =	ssyncpa.u1 $0x1  }
0x4c: {  	[sflag:s31] =	ssyncpa.u1 $0x1  }
0x4d: {  	p0 =	sne.s32 s0, $0x0;
	_ =	strace $0x90000047  }
0x4e: {  	s0 =	sadd.s32 @!p0 $0x100000, s1;
	[bflag:$0x2] =	sbarrier.arrive $0xFFFF  }
0x4f: {  	[sflag:s0] =	ssyncadd.tile.s32 @!p0 $0x1;
	_ =	shalt  }
.Lfunc_end1:
_tile_overlayer_lowered:
.L_overlay_start_2:
0x50: {  	(tag) =	ssettag $0x2  }
0x51: {  	s0 =	rddreg [dreg:$0x0];
	s2 =	stileid.u32  }
0x52: {  	s1 =	rddreg [dreg:$0x1];
	p0 =	sne.s32 s2, $0x0  }
0x53: {  	s3 =	rddreg [dreg:$0x2];
	[bflag:$0x3] =	sbarrier.arrive $0xFFFF;
	s2 =	simm.s32 @!p0 $0x1C01  }
0x54: {  	[timem:s3], [sflag:s2] =	dma.local @!p0 [hbm:s0], s1  }
0x55: {  	s0 =	simm.s32 @!p0 $0x1  }
0x56: {  	_ =	swait.ge @!p0 [sflag:s0], s1  }
0x57: {  	s1 =	ssub.s32 @!p0 $0x0, s1;
	[sflag:s0] =	ssyncset.done @!p0 $0x0  }
0x58: {  	[sflag:s0] =	ssyncadd.s32 @!p0 s1  }
0x59: {  	[bflag:$0x3] =	sbarrier.arrive $0xFFFF  }
0x5a: {  	_ =	shalt  }

// kernel: sparse-core-data-format-call.cloned.1.call-start
scs
called_computation_lowered:
.L_overlay_start_0:
0x0: {  	s2 =	sld [smem:$0x3FD9]  }
0x1: {  	s3 =	sld [smem:$0x3FFE];
	_ =	sdelay $0x1  }
0x2: {  	s1 =	srdreg.scid  }
0x3: {  	s0 =	sand.u32 $0x1, s1  }
0x4: {  	s18 =	sshll.u32 s0, $0xA;
	s2 =	sadd.s32 s3, s2  }
0x5: {  	s2 =	sadd.s32 s2, s18  }
0x6: {  	[smem:$0x3FC4] =	sst s2  }
0x7: {  	_ = 	snop  }
0x8: {  	s2 =	sld [smem:$0x3FD0];
	(tm) =	ssettm $0x1  }
0x9: {  	s19 =	sld [smem:$0x3FFB];
	_ =	sdelay $0x3  }
0xa: {  	_ =	strace s19  }
0xb: {  	s3 =	sld [smem:$0x3FFC];
	_ =	sdelay $0x3  }
0xc: {  	_ =	strace s3  }
0xd: {  	s3 =	sld [smem:$0x3FFD];
	_ =	sdelay $0x3  }
0xe: {  	_ =	strace s3  }
0xf: {  	_ =	strace $0x8FFFFFFF  }
0x10: {  	s20 =	sld [smem:$0x3FDB];
	_ =	sdelay $0x1  }
0x11: {  	s4 =	simm.s32 $_scs_section_size  }
0x12: {  	s5 =	simm.s32 $_size__tile_overlayer_lowered;
	s6 =	simm.s32 $_tile_overlayer_lowered  }
0x13: {  	s23 =	simm.s32 $0x1BFF;
	s22 =	sshll.u32 s6, $0x1;
	s3 =	sadd.s32 s4, s20  }
0x14: {  	s7 =	simm.s32 $0x0;
	s21 =	sshll.u32 s5, $0x1;
	s5 =	sadd.s32 s22, s3  }
0x15: {  	[timem:s7], [sflag:s23] =	dma.local [hbm:s5], s21  }
0x16: {  	_ =	swait.ge [sflag:s23], s21  }
0x17: {  	s4 =	ssub.s32 $0x0, s21;
	[sflag:s23] =	ssyncset.done $0x0  }
0x18: {  	[sflag:s23] =	ssyncadd.s32 s4;
	_ =	sdelay $0x1  }
0x19: {  	s24 =	simm.s32 $0x1B8B  }
0x1a: {  	_ =	swait.ge [sflag:s24], $0x1  }
0x1b: {  	[sflag:s24] =	ssyncset.done $0x0  }
0x1c: {  	s26 =	simm.s32 $0x1B8E;
	s25 =	sld [smem:$0x3FFE];
	[sflag:s24] =	ssyncadd.s32 $0xFFFFFFFF  }
0x1d: {  	s27 =	simm.s32 $execute0_lowered;
	[smem:$0x3FD2] =	sst s26  }
0x1e: {  	s5 =	sshll.u32 s27, $0x1;
	_ =	strace $0x8000004C;
	[dreg:$0x1] =	wrdreg $0xFFFFFFFF  }
0x1f: {  	s28 =	simm.s32 $_size_execute0_lowered;
	s3 =	sadd.s32 s3, s5;
	[dreg:$0x0] =	wrdreg $0x0  }
0x20: {  	s5 =	sshll.u32 s28, $0x1;
	[dreg:$0x2] =	wrdreg s3  }
0x21: {  	[dreg:$0x3] =	wrdreg s5  }
0x22: {  	[dreg:$0x4] =	wrdreg $0xC0  }
0x23: {  	_ =	task [dreg:s7], $0x5FFFF  }
0x24: {  	[dreg:$0x1] =	wrdreg $0xFFFFFFFF  }
0x25: {  	[dreg:$0x0] =	wrdreg $0x60  }
0x26: {  	[dreg:$0x2] =	wrdreg s25  }
0x27: {  	[dreg:$0x3] =	wrdreg s2  }
0x28: {  	[dreg:$0x4] =	wrdreg $0x9  }
0x29: {  	_ =	task.clear_ibuf [dreg:s7], $0x5FFFF;
	_ =	strace $0x9000004C  }
0x2a: {  	s29 =	simm.s32 $0x9;
	_ =	strace $0x8000004E  }
0x2b: {  	_ =	swait.ge [sflag:s29], $0x1  }
0x2c: {  	[sflag:s29] =	ssyncadd.s32 $0xFFFFFFFF  }
0x2d: {  	_ =	strace $0x9000004E  }
0x2e: {  	_ =	sfence  }
0x2f: {  	s30 =	sld [smem:$0x0];
	_ =	sdelay $0x2  }
0x30: {  	s31 =	sshll.u32 s1, $0xD;
	s1 =	sshrl.u32 s1, $0x2  }
0x31: {  	s3 =	sand.u32 $0x4000, s31;
	s1 =	sadd.s32 s1, s30  }
0x32: {  	s0 =	sor.u32 s3, s0;
	s1 =	sshll.u32 s1, $0x11  }
0x33: {  	s0 =	sor.u32 s1, s0  }
0x34: {  	s0 =	sadd.s32 $0x8F2B, s0  }
0x35: {  	[sflag:s0] =	ssyncadd.remote.s32 $0x1  }
0x36: {  	_ =	sfence.sel $0xFFFF  }
0x37: {  	[dreg:$0x0] =	wrdreg $0xFFFFFFFF;
	(pc) =	sbr.abs _section_cstart, $3  }
0x38: {  	[dreg:$0x1] =	wrdreg $0xFFFFFFFF  }
0x39: {  	_ =	task.clear_ibuf [dreg:s7], $0x2FFFF;
	_ =	strace $0x9FFFFFFF  }
0x3a: {  	(tm) =	ssettm $0x7FFFFFFF  }
0x3b: {  	_ =	shalt  }
tec
execute0_lowered:
.L_overlay_start_1:
0x0: {  	(tag) =	ssettag $0x1  }
0x1: {  	s0 =	srdreg.scid  }
0x2: {  	s1 =	sshll.u32 s0, $0x4  }
0x3: {  	s8 =	rddreg [dreg:$0x0];
	s0 =	stileid.u32;
	s1 =	sand.u32 $0x10, s1  }
0x4: {  	s3 =	rddreg [dreg:$0x1];
	s29 =	sshll.u32 s0, $0x7;
	s7 =	sor.u32 s0, s1  }
0x5: {  	s30 =	simm.s32 $0x2;
	s1 =	sand.u32 $0x380, s29;
	s2 =	sshll.u32 s7, $0x4  }
0x6: {  	s18 =	simm.s32 $0x0;
	s4 =	ssub.s32 $0x400, s1;
	s2 =	sand.u32 $0x180, s2  }
0x7: {  	s11 =	simm.s32 $0x1000;
	s5 =	sand.u32 $0x380, s4;
	s6 =	ssub.s32 $0x200, s2  }
0x8: {  	p0 =	sne.s32 s5, $0x0;
	s5 =	simm.s32 $0x1;
	s9 =	sand.u32 $0x180, s6  }
0x9: {  	s5 =	simm.s32 @!p0 $0x0;
	p0 =	sne.s32 s9, $0x0;
	s9 =	simm.s32 $0x1  }
0xa: {  	s10 =	sshrl.u32 s4, $0xA;
	s6 =	sshrl.u32 s6, $0x9;
	s9 =	simm.s32 @!p0 $0x0  }
0xb: {  	s12 =	simm.s32 $0x0;
	s10 =	sadd.s32 s5, s10;
	s6 =	sadd.s32 s9, s6  }
0xc: {  	s16 =	simm.s32 $0x0;
	s17 =	simm.s32 $0x0;
	s6 =	smul.u32 s6, s10  }
.Ltmp0:
0xd: {  	s13 =	simm.s32 $0x0;
	s15 =	simm.s32 $0x0;
	(pc) =	sbr.rel .LBB1_1-.Ltmp0, $4  }
0xe: {  	s31 =	sshll.u32 s7, $0x7;
	s7 =	sadd.s32 $0x1200, s8;
	s4 =	rddreg [dreg:$0x2]  }
0xf: {  	_ =	strace $0x8000004D;
	s5 =	simm.s32 $0x1;
	s6 =	smul.u32 $0x4D, s6  }
0x10: {  	s14 =	smov.u32 s1;
	s8 =	sand.u32 $0xC00, s31;
	[sflag:s5] =	ssyncpa.u1 $0x0  }
0x11: {  	[sflag:s30] =	ssyncpa.u1 $0x0;
	s10 =	simm.s32 $0x400;
	s9 =	sadd.s32 $0x1, s6  }
.LBB1_4:
0x12: {  	_ =	sdelay $0x3  }
0x13: {  	[tilespmem:v0+s21+$0xFFFFFFD0 ss:$0x1] =	vst.idx.msk $0xffff, v6  }
0x14: {  	v56 =	vld.idx.msk [tilespmem:v1+s20+$0x0 ss:$0x1], $0xffff;
	[tilespmem:v0+s21+$0xFFFFFFE0 ss:$0x1] =	vst.idx.msk $0xffff, v4  }
0x15: {  	v57 =	vld.idx.msk [tilespmem:v1+s20+$0xFFFFFF90 ss:$0x1], $0xffff;
	[tilespmem:v0+s21+$0xFFFFFFF0 ss:$0x1] =	vst.idx.msk $0xffff, v2  }
0x16: {  	v58 =	vld.idx.msk [tilespmem:v1+s20+$0xFFFFFFA0 ss:$0x1], $0xffff;
	[tilespmem:v0+s21+$0x0 ss:$0x1] =	vst.idx.msk $0xffff, v3  }
0x17: {  	v59 =	vld.idx.msk [tilespmem:v1+s20+$0xFFFFFFB0 ss:$0x1], $0xffff;
	[tilespmem:v0+s21+$0x10 ss:$0x1] =	vst.idx.msk $0xffff, v5  }
0x18: {  	v60 =	vld.idx.msk [tilespmem:v1+s20+$0xFFFFFFC0 ss:$0x1], $0xffff;
	[tilespmem:v0+s21+$0x20 ss:$0x1] =	vst.idx.msk $0xffff, v7  }
0x19: {  	v61 =	vld.idx.msk [tilespmem:v1+s20+$0xFFFFFFD0 ss:$0x1], $0xffff;
	[tilespmem:v0+s20+$0x30 ss:$0x1] =	vst.idx.msk $0xffff, v56  }
0x1a: {  	v62 =	vld.idx.msk [tilespmem:v1+s20+$0xFFFFFFE0 ss:$0x1], $0xffff;
	s29 =	sshll.u32 s17, $0x9;
	[tilespmem:v0+s20+$0xFFFFFFC0 ss:$0x1] =	vst.idx.msk $0xffff, v57  }
0x1b: {  	v63 =	vld.idx.msk [tilespmem:v1+s20+$0xFFFFFFF0 ss:$0x1], $0xffff;
	s18 =	sshll.u32 s18, $0x3;
	s22 =	sshll.u32 s17, $0x7;
	s21 =	sand.u32 $0x7F000, s29;
	[tilespmem:v0+s20+$0xFFFFFFD0 ss:$0x1] =	vst.idx.msk $0xffff, v58  }
0x1c: {  	s30 =	sand.u32 $0x200, s22;
	s18 =	sor.u32 s21, s18;
	[tilespmem:v0+s20+$0xFFFFFFE0 ss:$0x1] =	vst.idx.msk $0xffff, v59  }
0x1d: {  	s16 =	sshll.u32 s16, $0x10;
	s31 =	sshll.u32 s17, $0x4;
	s18 =	sor.u32 s30, s18;
	[tilespmem:v0+s20+$0xFFFFFFF0 ss:$0x1] =	vst.idx.msk $0xffff, v60  }
0x1e: {  	s17 =	sand.u32 $0x30, s31;
	s16 =	sadd.s32 s3, s16;
	s18 =	sshrl.u32 s18, $0x3;
	[tilespmem:v0+s20+$0x0 ss:$0x1] =	vst.idx.msk $0xffff, v61  }
0x1f: {  	s16 =	sadd.s32 s17, s16;
	[tilespmem:v0+s20+$0x10 ss:$0x1] =	vst.idx.msk $0xffff, v62;
	s18 =	sand.u32 $0xFFC0, s18  }
0x20: {  	[tilespmem:v0+s20+$0x20 ss:$0x1] =	vst.idx.msk $0xffff, v63;
	s16 =	sadd.s32 s18, s16  }
0x21: {  	[hbm4b:s16+s10] =	stream.strided.scatter [tilespmem:s19], [sflag:$0x2], $0x4000, s11, s10, $0x38;
	[tilespmem:$0x10000] =	vst v63  }
.LBB1_5:
0x22: {  	s19 =	sadd.s32 $0x1, s13  }
0x23: {  	s16 =	sadd.s32 $0x400, s14;
	s20 =	smov.u32 s14;
	p1 =	sgt.s32 s19, $0x4C  }
0x24: {  	s20 =	smov.u32 @p1 s16  }
0x25: {  	s19 =	simm.s32 @p1 $0x0;
	p1 =	sgt.s32 s20, $0x3FF  }
0x26: {  	s20 =	smov.u32 @p1 s1;
	p1 =	sne.s32 s15, s9  }
.Ltmp1:
0x27: {  	p0 =	slt.u32 s15, $0x2;
	(pc) =	sbr.rel @!p1 .LBB1_6-.Ltmp1, $4  }
0x28: {  	s17 =	smov.u32 s14;
	s18 =	simm.s32 @!p0 $0x2  }
0x29: {  	s12 =	sadd.s32 $0x4000, s12;
	_ =	swait.ge @!p0 [sflag:s18], $0x4000;
	s16 =	smov.u32 s13  }
0x2a: {  	[sflag:s18] =	ssyncset.done @!p0 $0x0;
	s13 =	smov.u32 s19;
	s15 =	sadd.s32 $0x1, s15  }
0x2b: {  	[sflag:s18] =	ssyncadd.s32 @!p0 $0xFFFFC000;
	s18 =	smov.u32 s2;
	s14 =	smov.u32 s20  }
.LBB1_1:
0x2c: {  	p0 =	sge.u32 s15, s6  }
0x2d: {  	s19 =	sshll.u32 @!p0 s13, $0x9  }
0x2e: {  	s20 =	sshll.u32 @!p0 s13, $0x7;
	s19 =	sand.u32 @!p0 $0xFFFFF000, s19  }
0x2f: {  	s20 =	sand.u32 @!p0 $0x200, s20;
	s19 =	sor.u32 @!p0 s8, s19  }
0x30: {  	s19 =	sor.u32 @!p0 s20, s19  }
0x31: {  	s19 =	sshrl.u32 @!p0 s19, $0x9  }
0x32: {  	s20 =	smulhi.u32 @!p0 $0x3333334, s19;
	_ =	sdelay $0x1  }
0x33: {  	s20 =	smul.u32 @!p0 $0x50, s20  }
0x34: {  	s31 =	sadd.s32 $0xFFFFFFFF, s15;
	s21 =	smul.u32 @!p0 $0x1400, s14  }
0x35: {  	s22 =	sxor.u32 @!p0 $0xFFFFFFFF, s15;
	s19 =	ssub.s32 @!p0 s19, s20;
	s20 =	sshll.u32 @!p0 s13, $0x4  }
0x36: {  	s22 =	sshll.u32 @!p0 s22, $0xE;
	s21 =	sadd.s32 @!p0 s7, s21;
	s20 =	sand.u32 @!p0 $0x30, s20  }
0x37: {  	s22 =	sand.u32 @!p0 $0x4000, s22;
	s19 =	sshll.u32 @!p0 s19, $0x6;
	s20 =	sadd.s32 @!p0 s20, s21  }
0x38: {  	s21 =	simm.s32 @!p0 $0xA000;
	s19 =	sadd.s32 @!p0 s19, s20;
	s20 =	simm.s32 @!p0 $0x80  }
0x39: {  	[tilespmem:s22], [sflag:$0x1] =	stream.strided.gather @!p0 [hbm4b:s19+s20], $0x4000, s21, s20, $0x38;
	[tilespmem:$0x10000] =	vst v63  }
0x3a: {  	p0 =	sge.u32 s31, s6  }
.Ltmp2:
0x3b: {  	_ = 	snop;
	(pc) =	sbr.rel @p0 .LBB1_5-.Ltmp2, $1  }
0x3c: {  	_ =	sdelay $0x3  }
0x3d: {  	s19 =	sand.u32 $0x4000, s12  }
0x3e: {  	s20 =	sor.u32 $0x70, s19  }
0x3f: {  	v1 =	vmov s20;
	_ =	sdelay $0x1  }
0x40: {  	_ =	swait.ge [sflag:s5], $0x4000  }
0x41: {  	[sflag:s5] =	ssyncset.done $0x0  }
0x42: {  	s21 =	simm.s32 $0x0;
	[sflag:s5] =	ssyncadd.s32 $0xFFFFC000  }
0x43: {  	s19 =	sor.u32 $0x8040, s19;
	v7 =	vld.idx.msk [tilespmem:v1+s21+$0x0 ss:$0x1], $0xffff  }
0x44: {  	v0 =	vmov s19;
	v8 =	vld.idx.msk [tilespmem:v1+s21+$0xFFFFFF90 ss:$0x1], $0xffff  }
0x45: {  	v6 =	vld.idx.msk [tilespmem:v1+s21+$0xFFFFFFA0 ss:$0x1], $0xffff  }
0x46: {  	v4 =	vld.idx.msk [tilespmem:v1+s21+$0xFFFFFFB0 ss:$0x1], $0xffff  }
0x47: {  	v2 =	vld.idx.msk [tilespmem:v1+s21+$0xFFFFFFC0 ss:$0x1], $0xffff  }
0x48: {  	s31 =	sshll.u32 s15, $0xE;
	v3 =	vld.idx.msk [tilespmem:v1+s21+$0xFFFFFFD0 ss:$0x1], $0xffff  }
0x49: {  	s19 =	sand.u32 $0x4000, s31;
	v5 =	vld.idx.msk [tilespmem:v1+s21+$0xFFFFFFE0 ss:$0x1], $0xffff;
	[tilespmem:v0+s21+$0x30 ss:$0x1] =	vst.idx.msk $0xffff, v7  }
0x4a: {  	s22 =	simm.s32 $0x400;
	s20 =	simm.s32 $0x80;
	s19 =	sor.u32 $0x8000, s19;
	[tilespmem:v0+s21+$0xFFFFFFC0 ss:$0x1] =	vst.idx.msk $0xffff, v8;
	v7 =	vld.idx.msk [tilespmem:v1+s21+$0xFFFFFFF0 ss:$0x1], $0xffff  }
.LBB1_3:
0x4b: {  	p0 =	sne.s32 s22, $0xFE00;
	v8 =	vld.idx.msk [tilespmem:v1+s20+$0x0 ss:$0x1], $0xffff;
	[tilespmem:v0+s21+$0xFFFFFFD0 ss:$0x1] =	vst.idx.msk $0xffff, v6  }
0x4c: {  	v9 =	vld.idx.msk [tilespmem:v1+s20+$0xFFFFFF90 ss:$0x1], $0xffff;
	[tilespmem:v0+s21+$0xFFFFFFE0 ss:$0x1] =	vst.idx.msk $0xffff, v4  }
0x4d: {  	v6 =	vld.idx.msk [tilespmem:v1+s20+$0xFFFFFFA0 ss:$0x1], $0xffff;
	[tilespmem:v0+s21+$0xFFFFFFF0 ss:$0x1] =	vst.idx.msk $0xffff, v2  }
.Ltmp3:
0x4e: {  	v4 =	vld.idx.msk [tilespmem:v1+s20+$0xFFFFFFB0 ss:$0x1], $0xffff;
	[tilespmem:v0+s21+$0x0 ss:$0x1] =	vst.idx.msk $0xffff, v3;
	(pc) =	sbr.rel @p0 .LBB1_3-.Ltmp3, $4  }
0x4f: {  	v2 =	vld.idx.msk [tilespmem:v1+s20+$0xFFFFFFC0 ss:$0x1], $0xffff;
	[tilespmem:v0+s21+$0x10 ss:$0x1] =	vst.idx.msk $0xffff, v5  }
0x50: {  	v3 =	vld.idx.msk [tilespmem:v1+s20+$0xFFFFFFD0 ss:$0x1], $0xffff;
	[tilespmem:v0+s21+$0x20 ss:$0x1] =	vst.idx.msk $0xffff, v7;
	s21 =	smov.u32 s20  }
0x51: {  	v5 =	vld.idx.msk [tilespmem:v1+s21+$0xFFFFFFE0 ss:$0x1], $0xffff;
	[tilespmem:v0+s21+$0x30 ss:$0x1] =	vst.idx.msk $0xffff, v8  }
0x52: {  	s20 =	sshra.s32 s22, $0x2;
	s22 =	sadd.s32 $0x200, s22;
	[tilespmem:v0+s21+$0xFFFFFFC0 ss:$0x1] =	vst.idx.msk $0xffff, v9;
	v7 =	vld.idx.msk [tilespmem:v1+s21+$0xFFFFFFF0 ss:$0x1], $0xffff  }
.Ltmp4:
0x53: {  	_ = 	snop;
	(pc) =	sbr.rel .LBB1_4-.Ltmp4, $1  }
0x54: {  	_ =	sdelay $0x3  }
.LBB1_6:
0x55: {  	_ =	sfence.sel $0x180000  }
0x56: {  	s1 =	simm.s32 $0x1;
	[bflag:$0x0] =	sbarrier.arrive $0xFFFF  }
0x57: {  	s31 =	simm.s32 $0x2;
	[sflag:s1] =	ssyncpa.u1 $0x1  }
0x58: {  	[sflag:s31] =	ssyncpa.u1 $0x1  }
0x59: {  	p0 =	sne.s32 s0, $0x0;
	_ =	strace $0x9000004D  }
0x5a: {  	s0 =	sadd.s32 @!p0 $0x100000, s4;
	[bflag:$0x2] =	sbarrier.arrive $0xFFFF  }
0x5b: {  	[sflag:s0] =	ssyncadd.tile.s32 @!p0 $0x1;
	_ =	shalt  }
.Lfunc_end1:
_tile_overlayer_lowered:
.L_overlay_start_2:
0x5c: {  	(tag) =	ssettag $0x2  }
0x5d: {  	s0 =	rddreg [dreg:$0x0];
	s2 =	stileid.u32  }
0x5e: {  	s1 =	rddreg [dreg:$0x1];
	p0 =	sne.s32 s2, $0x0  }
0x5f: {  	s3 =	rddreg [dreg:$0x2];
	[bflag:$0x3] =	sbarrier.arrive $0xFFFF;
	s2 =	simm.s32 @!p0 $0x1C01  }
0x60: {  	[timem:s3], [sflag:s2] =	dma.local @!p0 [hbm:s0], s1  }
0x61: {  	s0 =	simm.s32 @!p0 $0x1  }
0x62: {  	_ =	swait.ge @!p0 [sflag:s0], s1  }
0x63: {  	s1 =	ssub.s32 @!p0 $0x0, s1;
	[sflag:s0] =	ssyncset.done @!p0 $0x0  }
0x64: {  	[sflag:s0] =	ssyncadd.s32 @!p0 s1  }
0x65: {  	[bflag:$0x3] =	sbarrier.arrive $0xFFFF  }
0x66: {  	_ =	shalt  }

</sc_bundles>
